<compile_context>
chip_gen: v7x
topology: tpu7x:2x2x1
jax: 0.10.2.dev20260603
libtpu: 0.0.44.dev20260713+nightly
codegen_flags: <defaults>
</compile_context>

<pallas_src>
import functools
import math

import jax
import jax.numpy as jnp
from jax import lax
from jax.experimental import pallas as pl
from jax.experimental.pallas import tpu as pltpu
from jax.experimental.pallas import tpu_sc as plsc

B = 4096
F = 39
ND = 13
NS = 26
V = 1000
EMB = 128
H1 = 1024
H2 = 512
DIN = F * EMB
C_BN = float(1.0 / math.sqrt(1.0 + 1e-5))
_HI = lax.Precision.HIGHEST

SC_CORES = 2
SC_SUBCORES = 16
NW = SC_CORES * SC_SUBCORES
NROWS = B * NS
CH = 128
NHALF = 1
BH = B // NHALF
RPWH = BH * NS // NW
NCH_H = RPWH // CH
BBM = BH // NW


NBUF = 5
RFW = 16
LPC = CH // 16
RTAB_R = (NS * V + 127) // 128
EMBW = EMB // 2


def _sc_gather(soT, rfo1d, jdx3, nchunk):
    mesh = plsc.VectorSubcoreMesh(core_axis_name="c", subcore_axis_name="s")
    rpw = nchunk * CH
    nrows = NW * rpw

    @functools.partial(
        pl.kernel,
        mesh=mesh,
        out_type=(
            jax.ShapeDtypeStruct((nrows, EMB), jnp.float32),
            jax.ShapeDtypeStruct((nrows,), jnp.float32),
        ),
        scratch_types=(
            [pltpu.VMEM((nchunk, CH), jnp.int32)]
            + [pltpu.VMEM((CH, EMB), jnp.float32) for _ in range(NBUF)]
            + [pltpu.VMEM((CH,), jnp.float32) for _ in range(NBUF)]
            + [pltpu.SemaphoreType.DMA for _ in range(4 * NBUF)]
        ),
    )
    def k(so_hbm, rfo_hbm, jdx_hbm, oso, orfo, idx_v, *bufs):
        sbufs = bufs[:NBUF]
        rbufs = bufs[NBUF:2 * NBUF]
        gs = bufs[2 * NBUF:3 * NBUF]
        gr = bufs[3 * NBUF:4 * NBUF]
        ss = bufs[4 * NBUF:5 * NBUF]
        sr = bufs[5 * NBUF:6 * NBUF]
        wid = lax.axis_index("s") * SC_CORES + lax.axis_index("c")
        base = wid * rpw
        pltpu.sync_copy(jdx_hbm.at[wid], idx_v)

        gso_h = [None] * NBUF
        grf_h = [None] * NBUF
        sso_h = [None] * NBUF
        srf_h = [None] * NBUF

        def start_gather(i):
            b = i % NBUF
            gso_h[b] = pltpu.async_copy(so_hbm.at[idx_v.at[i]], sbufs[b], gs[b])
            grf_h[b] = pltpu.async_copy(rfo_hbm.at[idx_v.at[i]], rbufs[b], gr[b])

        def drain_and_scatter(j):
            b = j % NBUF
            gso_h[b].wait()
            grf_h[b].wait()
            off = base + j * CH
            sso_h[b] = pltpu.async_copy(sbufs[b], oso.at[pl.ds(off, CH)], ss[b])
            srf_h[b] = pltpu.async_copy(rbufs[b], orfo.at[pl.ds(off, CH)], sr[b])

        for i in range(min(NBUF - 1, nchunk)):
            start_gather(i)
        for i in range(NBUF - 1, nchunk):
            b = i % NBUF
            if sso_h[b] is not None:
                sso_h[b].wait()
                srf_h[b].wait()
                sso_h[b] = None
                srf_h[b] = None
            start_gather(i)
            drain_and_scatter(i - (NBUF - 1))
        for j in range(max(0, nchunk - (NBUF - 1)), nchunk):
            drain_and_scatter(j)
        for b in range(NBUF):
            if sso_h[b] is not None:
                sso_h[b].wait()
                srf_h[b].wait()

    return k(soT, rfo1d, jdx3)


def _rowsum_body(tab, out):
    out[...] = jnp.dot(tab[...], jnp.ones((EMB, RFW), jnp.float32))


def _collapse_body(l2w, g2, g1, b1, bb1, b2, bb2, u_out, k_out):
    c2 = g2[...] * C_BN
    w2v = lax.dot_general(c2, l2w[...], (((1,), (1,)), ((), ())),
                          precision=_HI)
    u = w2v * g1[...] * C_BN
    kconst = (jnp.sum(b1[...] * u, axis=1, keepdims=True)
              + jnp.sum(bb1[...] * w2v, axis=1, keepdims=True)
              + jnp.sum(b2[...] * c2, axis=1, keepdims=True)
              + jnp.sum(bb2[...], axis=1, keepdims=True))
    u_out[...] = u
    k_out[...] = kconst


def _w1v_body(u, w1, out):
    out[...] = lax.dot_general(u[...], w1[...], (((1,), (1,)), ((), ())))


def _main_body(gso, grf, xd, vd, vs, sw, sb, fw, fb, wv, kc, bias, out):
    xd_ = xd[...]
    vd_ = vd[...]
    vs_ = vs[...]
    vx = vd_ * xd_
    sw_ = sw[...]
    sb_ = sb[...]
    wv_ = wv[...]
    wv_d = wv_[:ND]

    S = (jnp.dot(vx, sw_, precision=_HI)
         + jnp.dot(vd_, sb_, precision=_HI))
    s1 = (jnp.dot(vx, fw[...], precision=_HI)
          + jnp.dot(vd_, fb[...], precision=_HI))

    sww = jnp.sum(sw_ * sw_, axis=1, keepdims=True)
    swb = jnp.sum(sw_ * sb_, axis=1, keepdims=True)
    sbb = jnp.sum(sb_ * sb_, axis=1, keepdims=True)
    v2 = vd_ * vd_
    sqd = (jnp.dot(v2 * xd_ * xd_, sww, precision=_HI)
           + 2.0 * jnp.dot(v2 * xd_, swb, precision=_HI)
           + jnp.dot(v2, sbb, precision=_HI))
    swv = jnp.sum(sw_ * wv_d, axis=1, keepdims=True)
    sbv = jnp.sum(sb_ * wv_d, axis=1, keepdims=True)
    dd = (jnp.dot(vx, swv, precision=_HI)
          + jnp.dot(vd_, sbv, precision=_HI))

    sq128 = jnp.zeros_like(S)
    d128 = jnp.zeros_like(S)
    s1_sc = jnp.sum(vs_ * grf[...], axis=1, keepdims=True)
    for j in range(NS):
        vj = vs_[:, j:j + 1]
        t = vj * gso[0, j * BBM:(j + 1) * BBM, :]
        S = S + t
        sq128 = sq128 + t * t
        d128 = d128 + t * wv_[ND + j:ND + j + 1, :]

    tot = (s1_sc + jnp.sum(s1, axis=1, keepdims=True)
           + 0.5 * (jnp.sum(S * S, axis=1, keepdims=True)
                    - jnp.sum(sq128, axis=1, keepdims=True))
           - 0.5 * sqd
           + jnp.sum(d128, axis=1, keepdims=True) + dd
           + kc[...]
           + bias[...])
    out[...] = tot


def kernel(Xi, Xv, fo_lin_w, fo_lin_b, fo_emb, so_lin_w, so_lin_b, so_emb,
           lin1_w, lin1_b, bn1_g, bn1_b, lin2_w, lin2_b, bn2_g, bn2_b, bias):
    idx = Xi[:, ND:, 0]
    jdxh = []
    for h in range(NHALF):
        ih = idx[h * BH:(h + 1) * BH]
        j3 = (ih.reshape(NW, BBM, NS).transpose(0, 2, 1)
              + (jnp.arange(NS, dtype=jnp.int32) * V)[None, :, None])
        jdxh.append(j3.reshape(NW, NCH_H, CH))
    xd = Xi[:, :ND, 0].astype(jnp.float32)
    vd = Xv[:, :ND]
    vs = Xv[:, ND:]
    soT = so_emb.reshape(NS * V, EMB)
    foT = fo_emb.reshape(NS * V, EMB)
    g1r = bn1_g.reshape(1, H1)
    g2r = bn2_g.reshape(1, H2)
    b1r = lin1_b.reshape(1, H1)
    bb1r = bn1_b.reshape(1, H1)
    b2r = lin2_b.reshape(1, H2)
    bb2r = bn2_b.reshape(1, H2)
    bias2 = bias.reshape(B, 1)

    rfoT = pl.pallas_call(
        _rowsum_body,
        grid=(NS,),
        in_specs=[pl.BlockSpec((V, EMB), lambda i: (i, 0))],
        out_specs=pl.BlockSpec((V, RFW), lambda i: (i, 0)),
        out_shape=jax.ShapeDtypeStruct((NS * V, RFW), jnp.float32),
    )(foT)
    rfo1d = rfoT[:, 0]

    gso3h = []
    grf2h = []
    for h in range(NHALF):
        gso_flat, grf_flat = _sc_gather(soT, rfo1d, jdxh[h], NCH_H)
        gso3h.append(gso_flat.reshape(NW, NS * BBM, EMB))
        grf2h.append(grf_flat.reshape(NW, NS, BBM)
                     .transpose(0, 2, 1).reshape(BH, NS))

    u_row, kc = pl.pallas_call(
        _collapse_body,
        out_shape=(jax.ShapeDtypeStruct((1, H1), jnp.float32),
                   jax.ShapeDtypeStruct((1, 1), jnp.float32)),
    )(lin2_w, g2r, g1r, b1r, bb1r, b2r, bb2r)

    w1v_row = pl.pallas_call(
        _w1v_body,
        grid=(F,),
        in_specs=[
            pl.BlockSpec((1, H1), lambda i: (0, 0)),
            pl.BlockSpec((EMB, H1), lambda i: (i, 0)),
        ],
        out_specs=pl.BlockSpec((1, EMB), lambda i: (0, i)),
        out_shape=jax.ShapeDtypeStruct((1, DIN), jnp.float32),
    )(u_row, lin1_w)
    wv = w1v_row.reshape(F, EMB)

    bb = BBM
    grid = BH // bb
    totals = []
    for h in range(NHALF):
        sl = slice(h * BH, (h + 1) * BH)
        total_h = pl.pallas_call(
            _main_body,
            grid=(grid,),
            in_specs=[
                pl.BlockSpec((1, NS * BBM, EMB), lambda i: (i, 0, 0)),
                pl.BlockSpec((bb, NS), lambda i: (i, 0)),
                pl.BlockSpec((bb, ND), lambda i: (i, 0)),
                pl.BlockSpec((bb, ND), lambda i: (i, 0)),
                pl.BlockSpec((bb, NS), lambda i: (i, 0)),
                pl.BlockSpec((ND, EMB), lambda i: (0, 0)),
                pl.BlockSpec((ND, EMB), lambda i: (0, 0)),
                pl.BlockSpec((ND, EMB), lambda i: (0, 0)),
                pl.BlockSpec((ND, EMB), lambda i: (0, 0)),
                pl.BlockSpec((F, EMB), lambda i: (0, 0)),
                pl.BlockSpec((1, 1), lambda i: (0, 0)),
                pl.BlockSpec((bb, 1), lambda i: (i, 0)),
            ],
            out_specs=pl.BlockSpec((bb, 1), lambda i: (i, 0)),
            out_shape=jax.ShapeDtypeStruct((BH, 1), jnp.float32),
        )(gso3h[h], grf2h[h], xd[sl], vd[sl], vs[sl], so_lin_w, so_lin_b,
          fo_lin_w, fo_lin_b, wv, kc, bias2[sl])
        totals.append(total_h)

    return jnp.concatenate(totals, axis=0).reshape(B)

# --- scband reference (transcript-rebuilt; emitter-appended) ---
"""Pipeline reference for scband-deep-fm-9887014716202 (READ-ONLY COPY).

The authoritative reference and input builder live on the scoring server;
editing this copy changes nothing except your own understanding.
"""

import jax, jax.numpy as jnp
import numpy as np

B = 4096
F = 39
ND = 13
NS = 26
V = 1000
EMB = 128
H1 = 1024
H2 = 512
DIN = F * EMB
EPS = 1e-5


def setup_inputs(seed: int = 0) -> dict:
    key = jax.random.key(seed)
    ks = jax.random.split(key, 20)
    inp = {}
    inp["Xi"] = jax.random.randint(ks[0], (B, F, 1), 0, V, dtype=jnp.int32)
    inp["Xv"] = jax.random.uniform(ks[1], (B, F), dtype=jnp.float32)
    inp["fo_lin_w"] = 0.1 * jax.random.normal(ks[2], (ND, EMB), dtype=jnp.float32)
    inp["fo_lin_b"] = 0.1 * jax.random.normal(ks[3], (ND, EMB), dtype=jnp.float32)
    inp["fo_emb"] = 0.1 * jax.random.normal(ks[4], (NS, V, EMB), dtype=jnp.float32)
    inp["so_lin_w"] = 0.1 * jax.random.normal(ks[5], (ND, EMB), dtype=jnp.float32)
    inp["so_lin_b"] = 0.1 * jax.random.normal(ks[6], (ND, EMB), dtype=jnp.float32)
    inp["so_emb"] = 0.1 * jax.random.normal(ks[7], (NS, V, EMB), dtype=jnp.float32)
    inp["lin1_w"] = 0.02 * jax.random.normal(ks[8], (DIN, H1), dtype=jnp.float32)
    inp["lin1_b"] = jnp.zeros((H1,), dtype=jnp.float32)
    inp["bn1_g"] = jnp.ones((H1,), dtype=jnp.float32)
    inp["bn1_b"] = jnp.zeros((H1,), dtype=jnp.float32)
    inp["lin2_w"] = 0.02 * jax.random.normal(ks[9], (H1, H2), dtype=jnp.float32)
    inp["lin2_b"] = jnp.zeros((H2,), dtype=jnp.float32)
    inp["bn2_g"] = jnp.ones((H2,), dtype=jnp.float32)
    inp["bn2_b"] = jnp.zeros((H2,), dtype=jnp.float32)
    inp["bias"] = jax.random.normal(ks[10], (B,), dtype=jnp.float32)
    return inp


def reference(Xi, Xv, fo_lin_w, fo_lin_b, fo_emb, so_lin_w, so_lin_b, so_emb,
              lin1_w, lin1_b, bn1_g, bn1_b, lin2_w, lin2_b, bn2_g, bn2_b, bias):
    dense_x = Xi[:, :ND, 0].astype(jnp.float32)  # (B, 13)
    idx = Xi[:, ND:, 0]  # (B, 26)
    field_ids = jnp.arange(NS)[None, :]  # (1, 26)

    def field_embed(lin_w, lin_b, emb_tab):
        # dense fields: Linear(1, EMB) per field -> x * w + b
        d = dense_x[:, :, None] * lin_w[None, :, :] + lin_b[None, :, :]  # (B, 13, EMB)
        # sparse fields: per-field embedding lookup
        s = emb_tab[field_ids, idx]  # (B, 26, EMB)
        arr = jnp.concatenate([d, s], axis=1) * Xv[:, :, None]  # (B, 39, EMB)
        return arr

    fo = field_embed(fo_lin_w, fo_lin_b, fo_emb)  # first-order (B,39,EMB)
    so = field_embed(so_lin_w, so_lin_b, so_emb)  # second-order (B,39,EMB)

    fm_first_order = fo.reshape(B, -1)  # (B, 39*EMB)

    s_sum = jnp.sum(so, axis=1)  # (B, EMB)
    fm_second_order = 0.5 * (s_sum * s_sum - jnp.sum(so * so, axis=1))  # (B, EMB)

    deep = so.reshape(B, -1)  # (B, 39*EMB)
    h = deep @ lin1_w + lin1_b
    # BatchNorm1d in eval mode with initial running stats (mean=0, var=1)
    h = h / jnp.sqrt(1.0 + EPS) * bn1_g + bn1_b
    h = h @ lin2_w + lin2_b
    h = h / jnp.sqrt(1.0 + EPS) * bn2_g + bn2_b

    total = (jnp.sum(fm_first_order, axis=1)
             + jnp.sum(fm_second_order, axis=1)
             + jnp.sum(h, axis=1)
             + bias)
    return total

if __name__ == "__main__":
    import jax
    _d = setup_inputs()
    print(jax.jit(kernel)(*tuple(_d.values())))

</pallas_src>

<mosaic_0001>
#map = affine_map<(d0, d1) -> (0, 0)>
#map1 = affine_map<(d0, d1) -> (0)>
#map2 = affine_map<(d0, d1) -> (0, 0, 0)>
module attributes {stable_mosaic.version = 14 : i64} {
  func.func @k(%arg0: i32, %arg1: i32, %arg2: memref<26000x128xf32, #tpu.memory_space<hbm>>, %arg3: memref<26000xf32, #tpu.memory_space<hbm>>, %arg4: memref<32x26x128xi32, #tpu.memory_space<hbm>>, %arg5: memref<106496x128xf32, #tpu.memory_space<hbm>>, %arg6: memref<106496xf32, #tpu.memory_space<hbm>>, %arg7: memref<26x128xi32, #tpu.memory_space<vmem>>, %arg8: memref<128x128xf32, #tpu.memory_space<vmem>>, %arg9: memref<128x128xf32, #tpu.memory_space<vmem>>, %arg10: memref<128x128xf32, #tpu.memory_space<vmem>>, %arg11: memref<128x128xf32, #tpu.memory_space<vmem>>, %arg12: memref<128x128xf32, #tpu.memory_space<vmem>>, %arg13: memref<128xf32, #tpu.memory_space<vmem>>, %arg14: memref<128xf32, #tpu.memory_space<vmem>>, %arg15: memref<128xf32, #tpu.memory_space<vmem>>, %arg16: memref<128xf32, #tpu.memory_space<vmem>>, %arg17: memref<128xf32, #tpu.memory_space<vmem>>, %arg18: memref<!tpu.dma_semaphore, #tpu.memory_space<semaphore_mem>>, %arg19: memref<!tpu.dma_semaphore, #tpu.memory_space<semaphore_mem>>, %arg20: memref<!tpu.dma_semaphore, #tpu.memory_space<semaphore_mem>>, %arg21: memref<!tpu.dma_semaphore, #tpu.memory_space<semaphore_mem>>, %arg22: memref<!tpu.dma_semaphore, #tpu.memory_space<semaphore_mem>>, %arg23: memref<!tpu.dma_semaphore, #tpu.memory_space<semaphore_mem>>, %arg24: memref<!tpu.dma_semaphore, #tpu.memory_space<semaphore_mem>>, %arg25: memref<!tpu.dma_semaphore, #tpu.memory_space<semaphore_mem>>, %arg26: memref<!tpu.dma_semaphore, #tpu.memory_space<semaphore_mem>>, %arg27: memref<!tpu.dma_semaphore, #tpu.memory_space<semaphore_mem>>, %arg28: memref<!tpu.dma_semaphore, #tpu.memory_space<semaphore_mem>>, %arg29: memref<!tpu.dma_semaphore, #tpu.memory_space<semaphore_mem>>, %arg30: memref<!tpu.dma_semaphore, #tpu.memory_space<semaphore_mem>>, %arg31: memref<!tpu.dma_semaphore, #tpu.memory_space<semaphore_mem>>, %arg32: memref<!tpu.dma_semaphore, #tpu.memory_space<semaphore_mem>>, %arg33: memref<!tpu.dma_semaphore, #tpu.memory_space<semaphore_mem>>, %arg34: memref<!tpu.dma_semaphore, #tpu.memory_space<semaphore_mem>>, %arg35: memref<!tpu.dma_semaphore, #tpu.memory_space<semaphore_mem>>, %arg36: memref<!tpu.dma_semaphore, #tpu.memory_space<semaphore_mem>>, %arg37: memref<!tpu.dma_semaphore, #tpu.memory_space<semaphore_mem>>) attributes {dimension_semantics = [#tpu.dimension_semantics<core_parallel>, #tpu.dimension_semantics<subcore_parallel>], iteration_bounds = array<i64: 2, 16>, scalar_prefetch = 0 : i64, scratch_operands = 31 : i64, tpu.core_type = #tpu.core_type<sc_vector_subcore>, window_params = [{transform_indices = #map}, {transform_indices = #map1}, {transform_indices = #map2}, {transform_indices = #map}, {transform_indices = #map1}]} {
    %mul3A = arith.constant 2 : i32
    %mul3A_0 = arith.muli %arg1, %mul3A : i32
    %add3A = arith.addi %mul3A_0, %arg0 : i32
    %mul3A_1 = arith.constant 3328 : i32
    %mul3A_2 = arith.muli %add3A, %mul3A_1 : i32
    "tpu.region"() ({
      %run_scoped3A = tpu.sem_alloc : memref<!tpu.dma_semaphore, #tpu.memory_space<semaphore_mem>>
      %dma_start3A_1041 = arith.constant 0 : i32
      %dma_start3A_1042 = arith.constant 0 : i32
      %dma_start3A_1043 = tpu.memref_slice %arg4[%add3A, %dma_start3A_1041, %dma_start3A_1042] : memref<32x26x128xi32, #tpu.memory_space<hbm>> -> memref<1x26x128xi32, #tpu.memory_space<hbm>>
      %dma_start3A_1044 = tpu.memref_squeeze %dma_start3A_1043 : memref<1x26x128xi32, #tpu.memory_space<hbm>> -> memref<26x128xi32, #tpu.memory_space<hbm>>
      %dma_start3A_1045 = arith.constant 0 : i32
      %dma_start3A_1046 = arith.constant 0 : i32
      %dma_start3A_1047 = tpu.memref_slice %arg4[%add3A, %dma_start3A_1045, %dma_start3A_1046] : memref<32x26x128xi32, #tpu.memory_space<hbm>> -> memref<1x26x128xi32, #tpu.memory_space<hbm>>
      %dma_start3A_1048 = tpu.memref_squeeze %dma_start3A_1047 : memref<1x26x128xi32, #tpu.memory_space<hbm>> -> memref<26x128xi32, #tpu.memory_space<hbm>>
      tpu.enqueue_dma source(%dma_start3A_1048 : memref<26x128xi32, #tpu.memory_space<hbm>>) target(%arg7 : memref<26x128xi32, #tpu.memory_space<vmem>>) target_semaphore(%run_scoped3A : memref<!tpu.dma_semaphore, #tpu.memory_space<semaphore_mem>>)
      %dma_wait3A_1049 = arith.constant 0 : i32
      %dma_wait3A_1050 = arith.constant 0 : i32
      %dma_wait3A_1051 = tpu.memref_slice %arg4[%add3A, %dma_wait3A_1049, %dma_wait3A_1050] : memref<32x26x128xi32, #tpu.memory_space<hbm>> -> memref<1x26x128xi32, #tpu.memory_space<hbm>>
      %dma_wait3A_1052 = tpu.memref_squeeze %dma_wait3A_1051 : memref<1x26x128xi32, #tpu.memory_space<hbm>> -> memref<26x128xi32, #tpu.memory_space<hbm>>
      %dma_wait3A_1053 = arith.constant 0 : i32
      %dma_wait3A_1054 = arith.constant 0 : i32
      %dma_wait3A_1055 = tpu.memref_slice %arg4[%add3A, %dma_wait3A_1053, %dma_wait3A_1054] : memref<32x26x128xi32, #tpu.memory_space<hbm>> -> memref<1x26x128xi32, #tpu.memory_space<hbm>>
      %dma_wait3A_1056 = tpu.memref_squeeze %dma_wait3A_1055 : memref<1x26x128xi32, #tpu.memory_space<hbm>> -> memref<26x128xi32, #tpu.memory_space<hbm>>
      tpu.wait_dma2 semaphore(%run_scoped3A : memref<!tpu.dma_semaphore, #tpu.memory_space<semaphore_mem>>) src(%dma_wait3A_1056 : memref<26x128xi32, #tpu.memory_space<hbm>>) dst(%arg7 : memref<26x128xi32, #tpu.memory_space<vmem>>)
      tpu.yield
    }) : () -> ()
    %dma_start3A = arith.constant 0 : i32
    %dma_start3A_3 = arith.constant 0 : i32
    %dma_start3A_4 = tpu.memref_slice %arg7[%dma_start3A, %dma_start3A_3] : memref<26x128xi32, #tpu.memory_space<vmem>> -> memref<1x128xi32, #tpu.memory_space<vmem>>
    %dma_start3A_5 = tpu.memref_squeeze %dma_start3A_4 : memref<1x128xi32, #tpu.memory_space<vmem>> -> memref<128xi32, #tpu.memory_space<vmem>>
    %dma_start3A_6 = arith.constant 0 : i32
    %dma_start3A_7 = arith.constant 0 : i32
    %dma_start3A_8 = tpu.memref_slice %arg2[%dma_start3A_6, %dma_start3A_7] : memref<26000x128xf32, #tpu.memory_space<hbm>> -> memref<26000x128xf32, #tpu.memory_space<hbm>>
    tpu.enqueue_indirect_dma source(%dma_start3A_8 : memref<26000x128xf32, #tpu.memory_space<hbm>>) target(%arg8 : memref<128x128xf32, #tpu.memory_space<vmem>>) offsets(%dma_start3A_5 : memref<128xi32, #tpu.memory_space<vmem>>) semaphore(%arg18 : memref<!tpu.dma_semaphore, #tpu.memory_space<semaphore_mem>>)
    %dma_start3A_9 = arith.constant 0 : i32
    %dma_start3A_10 = arith.constant 0 : i32
    %dma_start3A_11 = tpu.memref_slice %arg7[%dma_start3A_9, %dma_start3A_10] : memref<26x128xi32, #tpu.memory_space<vmem>> -> memref<1x128xi32, #tpu.memory_space<vmem>>
    %dma_start3A_12 = tpu.memref_squeeze %dma_start3A_11 : memref<1x128xi32, #tpu.memory_space<vmem>> -> memref<128xi32, #tpu.memory_space<vmem>>
    %dma_start3A_13 = arith.constant 0 : i32
    %dma_start3A_14 = tpu.memref_slice %arg3[%dma_start3A_13] : memref<26000xf32, #tpu.memory_space<hbm>> -> memref<26000xf32, #tpu.memory_space<hbm>>
    tpu.enqueue_indirect_dma source(%dma_start3A_14 : memref<26000xf32, #tpu.memory_space<hbm>>) target(%arg13 : memref<128xf32, #tpu.memory_space<vmem>>) offsets(%dma_start3A_12 : memref<128xi32, #tpu.memory_space<vmem>>) semaphore(%arg23 : memref<!tpu.dma_semaphore, #tpu.memory_space<semaphore_mem>>)
    %dma_start3A_15 = arith.constant 1 : i32
    %dma_start3A_16 = arith.constant 0 : i32
    %dma_start3A_17 = tpu.memref_slice %arg7[%dma_start3A_15, %dma_start3A_16] : memref<26x128xi32, #tpu.memory_space<vmem>> -> memref<1x128xi32, #tpu.memory_space<vmem>>
    %dma_start3A_18 = tpu.memref_squeeze %dma_start3A_17 : memref<1x128xi32, #tpu.memory_space<vmem>> -> memref<128xi32, #tpu.memory_space<vmem>>
    %dma_start3A_19 = arith.constant 0 : i32
    %dma_start3A_20 = arith.constant 0 : i32
    %dma_start3A_21 = tpu.memref_slice %arg2[%dma_start3A_19, %dma_start3A_20] : memref<26000x128xf32, #tpu.memory_space<hbm>> -> memref<26000x128xf32, #tpu.memory_space<hbm>>
    tpu.enqueue_indirect_dma source(%dma_start3A_21 : memref<26000x128xf32, #tpu.memory_space<hbm>>) target(%arg9 : memref<128x128xf32, #tpu.memory_space<vmem>>) offsets(%dma_start3A_18 : memref<128xi32, #tpu.memory_space<vmem>>) semaphore(%arg19 : memref<!tpu.dma_semaphore, #tpu.memory_space<semaphore_mem>>)
    %dma_start3A_22 = arith.constant 1 : i32
    %dma_start3A_23 = arith.constant 0 : i32
    %dma_start3A_24 = tpu.memref_slice %arg7[%dma_start3A_22, %dma_start3A_23] : memref<26x128xi32, #tpu.memory_space<vmem>> -> memref<1x128xi32, #tpu.memory_space<vmem>>
    %dma_start3A_25 = tpu.memref_squeeze %dma_start3A_24 : memref<1x128xi32, #tpu.memory_space<vmem>> -> memref<128xi32, #tpu.memory_space<vmem>>
    %dma_start3A_26 = arith.constant 0 : i32
    %dma_start3A_27 = tpu.memref_slice %arg3[%dma_start3A_26] : memref<26000xf32, #tpu.memory_space<hbm>> -> memref<26000xf32, #tpu.memory_space<hbm>>
    tpu.enqueue_indirect_dma source(%dma_start3A_27 : memref<26000xf32, #tpu.memory_space<hbm>>) target(%arg14 : memref<128xf32, #tpu.memory_space<vmem>>) offsets(%dma_start3A_25 : memref<128xi32, #tpu.memory_space<vmem>>) semaphore(%arg24 : memref<!tpu.dma_semaphore, #tpu.memory_space<semaphore_mem>>)
    %dma_start3A_28 = arith.constant 2 : i32
    %dma_start3A_29 = arith.constant 0 : i32
    %dma_start3A_30 = tpu.memref_slice %arg7[%dma_start3A_28, %dma_start3A_29] : memref<26x128xi32, #tpu.memory_space<vmem>> -> memref<1x128xi32, #tpu.memory_space<vmem>>
    %dma_start3A_31 = tpu.memref_squeeze %dma_start3A_30 : memref<1x128xi32, #tpu.memory_space<vmem>> -> memref<128xi32, #tpu.memory_space<vmem>>
    %dma_start3A_32 = arith.constant 0 : i32
    %dma_start3A_33 = arith.constant 0 : i32
    %dma_start3A_34 = tpu.memref_slice %arg2[%dma_start3A_32, %dma_start3A_33] : memref<26000x128xf32, #tpu.memory_space<hbm>> -> memref<26000x128xf32, #tpu.memory_space<hbm>>
    tpu.enqueue_indirect_dma source(%dma_start3A_34 : memref<26000x128xf32, #tpu.memory_space<hbm>>) target(%arg10 : memref<128x128xf32, #tpu.memory_space<vmem>>) offsets(%dma_start3A_31 : memref<128xi32, #tpu.memory_space<vmem>>) semaphore(%arg20 : memref<!tpu.dma_semaphore, #tpu.memory_space<semaphore_mem>>)
    %dma_start3A_35 = arith.constant 2 : i32
    %dma_start3A_36 = arith.constant 0 : i32
    %dma_start3A_37 = tpu.memref_slice %arg7[%dma_start3A_35, %dma_start3A_36] : memref<26x128xi32, #tpu.memory_space<vmem>> -> memref<1x128xi32, #tpu.memory_space<vmem>>
    %dma_start3A_38 = tpu.memref_squeeze %dma_start3A_37 : memref<1x128xi32, #tpu.memory_space<vmem>> -> memref<128xi32, #tpu.memory_space<vmem>>
    %dma_start3A_39 = arith.constant 0 : i32
    %dma_start3A_40 = tpu.memref_slice %arg3[%dma_start3A_39] : memref<26000xf32, #tpu.memory_space<hbm>> -> memref<26000xf32, #tpu.memory_space<hbm>>
    tpu.enqueue_indirect_dma source(%dma_start3A_40 : memref<26000xf32, #tpu.memory_space<hbm>>) target(%arg15 : memref<128xf32, #tpu.memory_space<vmem>>) offsets(%dma_start3A_38 : memref<128xi32, #tpu.memory_space<vmem>>) semaphore(%arg25 : memref<!tpu.dma_semaphore, #tpu.memory_space<semaphore_mem>>)
    %dma_start3A_41 = arith.constant 3 : i32
    %dma_start3A_42 = arith.constant 0 : i32
    %dma_start3A_43 = tpu.memref_slice %arg7[%dma_start3A_41, %dma_start3A_42] : memref<26x128xi32, #tpu.memory_space<vmem>> -> memref<1x128xi32, #tpu.memory_space<vmem>>
    %dma_start3A_44 = tpu.memref_squeeze %dma_start3A_43 : memref<1x128xi32, #tpu.memory_space<vmem>> -> memref<128xi32, #tpu.memory_space<vmem>>
    %dma_start3A_45 = arith.constant 0 : i32
    %dma_start3A_46 = arith.constant 0 : i32
    %dma_start3A_47 = tpu.memref_slice %arg2[%dma_start3A_45, %dma_start3A_46] : memref<26000x128xf32, #tpu.memory_space<hbm>> -> memref<26000x128xf32, #tpu.memory_space<hbm>>
    tpu.enqueue_indirect_dma source(%dma_start3A_47 : memref<26000x128xf32, #tpu.memory_space<hbm>>) target(%arg11 : memref<128x128xf32, #tpu.memory_space<vmem>>) offsets(%dma_start3A_44 : memref<128xi32, #tpu.memory_space<vmem>>) semaphore(%arg21 : memref<!tpu.dma_semaphore, #tpu.memory_space<semaphore_mem>>)
    %dma_start3A_48 = arith.constant 3 : i32
    %dma_start3A_49 = arith.constant 0 : i32
    %dma_start3A_50 = tpu.memref_slice %arg7[%dma_start3A_48, %dma_start3A_49] : memref<26x128xi32, #tpu.memory_space<vmem>> -> memref<1x128xi32, #tpu.memory_space<vmem>>
    %dma_start3A_51 = tpu.memref_squeeze %dma_start3A_50 : memref<1x128xi32, #tpu.memory_space<vmem>> -> memref<128xi32, #tpu.memory_space<vmem>>
    %dma_start3A_52 = arith.constant 0 : i32
    %dma_start3A_53 = tpu.memref_slice %arg3[%dma_start3A_52] : memref<26000xf32, #tpu.memory_space<hbm>> -> memref<26000xf32, #tpu.memory_space<hbm>>
    tpu.enqueue_indirect_dma source(%dma_start3A_53 : memref<26000xf32, #tpu.memory_space<hbm>>) target(%arg16 : memref<128xf32, #tpu.memory_space<vmem>>) offsets(%dma_start3A_51 : memref<128xi32, #tpu.memory_space<vmem>>) semaphore(%arg26 : memref<!tpu.dma_semaphore, #tpu.memory_space<semaphore_mem>>)
    %dma_start3A_54 = arith.constant 4 : i32
    %dma_start3A_55 = arith.constant 0 : i32
    %dma_start3A_56 = tpu.memref_slice %arg7[%dma_start3A_54, %dma_start3A_55] : memref<26x128xi32, #tpu.memory_space<vmem>> -> memref<1x128xi32, #tpu.memory_space<vmem>>
    %dma_start3A_57 = tpu.memref_squeeze %dma_start3A_56 : memref<1x128xi32, #tpu.memory_space<vmem>> -> memref<128xi32, #tpu.memory_space<vmem>>
    %dma_start3A_58 = arith.constant 0 : i32
    %dma_start3A_59 = arith.constant 0 : i32
    %dma_start3A_60 = tpu.memref_slice %arg2[%dma_start3A_58, %dma_start3A_59] : memref<26000x128xf32, #tpu.memory_space<hbm>> -> memref<26000x128xf32, #tpu.memory_space<hbm>>
    tpu.enqueue_indirect_dma source(%dma_start3A_60 : memref<26000x128xf32, #tpu.memory_space<hbm>>) target(%arg12 : memref<128x128xf32, #tpu.memory_space<vmem>>) offsets(%dma_start3A_57 : memref<128xi32, #tpu.memory_space<vmem>>) semaphore(%arg22 : memref<!tpu.dma_semaphore, #tpu.memory_space<semaphore_mem>>)
    %dma_start3A_61 = arith.constant 4 : i32
    %dma_start3A_62 = arith.constant 0 : i32
    %dma_start3A_63 = tpu.memref_slice %arg7[%dma_start3A_61, %dma_start3A_62] : memref<26x128xi32, #tpu.memory_space<vmem>> -> memref<1x128xi32, #tpu.memory_space<vmem>>
    %dma_start3A_64 = tpu.memref_squeeze %dma_start3A_63 : memref<1x128xi32, #tpu.memory_space<vmem>> -> memref<128xi32, #tpu.memory_space<vmem>>
    %dma_start3A_65 = arith.constant 0 : i32
    %dma_start3A_66 = tpu.memref_slice %arg3[%dma_start3A_65] : memref<26000xf32, #tpu.memory_space<hbm>> -> memref<26000xf32, #tpu.memory_space<hbm>>
    tpu.enqueue_indirect_dma source(%dma_start3A_66 : memref<26000xf32, #tpu.memory_space<hbm>>) target(%arg17 : memref<128xf32, #tpu.memory_space<vmem>>) offsets(%dma_start3A_64 : memref<128xi32, #tpu.memory_space<vmem>>) semaphore(%arg27 : memref<!tpu.dma_semaphore, #tpu.memory_space<semaphore_mem>>)
    %dma_wait3A = arith.constant 0 : i32
    %dma_wait3A_67 = arith.constant 0 : i32
    %dma_wait3A_68 = tpu.memref_slice %arg7[%dma_wait3A, %dma_wait3A_67] : memref<26x128xi32, #tpu.memory_space<vmem>> -> memref<1x128xi32, #tpu.memory_space<vmem>>
    %dma_wait3A_69 = tpu.memref_squeeze %dma_wait3A_68 : memref<1x128xi32, #tpu.memory_space<vmem>> -> memref<128xi32, #tpu.memory_space<vmem>>
    %dma_wait3A_70 = arith.constant 0 : i32
    %dma_wait3A_71 = arith.constant 0 : i32
    %dma_wait3A_72 = tpu.memref_slice %arg2[%dma_wait3A_70, %dma_wait3A_71] : memref<26000x128xf32, #tpu.memory_space<hbm>> -> memref<26000x128xf32, #tpu.memory_space<hbm>>
    tpu.wait_indirect_dma semaphore(%arg18 : memref<!tpu.dma_semaphore, #tpu.memory_space<semaphore_mem>>) src(%dma_wait3A_72 : memref<26000x128xf32, #tpu.memory_space<hbm>>) dst(%arg8 : memref<128x128xf32, #tpu.memory_space<vmem>>)
    %dma_wait3A_73 = arith.constant 0 : i32
    %dma_wait3A_74 = arith.constant 0 : i32
    %dma_wait3A_75 = tpu.memref_slice %arg7[%dma_wait3A_73, %dma_wait3A_74] : memref<26x128xi32, #tpu.memory_space<vmem>> -> memref<1x128xi32, #tpu.memory_space<vmem>>
    %dma_wait3A_76 = tpu.memref_squeeze %dma_wait3A_75 : memref<1x128xi32, #tpu.memory_space<vmem>> -> memref<128xi32, #tpu.memory_space<vmem>>
    %dma_wait3A_77 = arith.constant 0 : i32
    %dma_wait3A_78 = tpu.memref_slice %arg3[%dma_wait3A_77] : memref<26000xf32, #tpu.memory_space<hbm>> -> memref<26000xf32, #tpu.memory_space<hbm>>
    tpu.wait_indirect_dma semaphore(%arg23 : memref<!tpu.dma_semaphore, #tpu.memory_space<semaphore_mem>>) src(%dma_wait3A_78 : memref<26000xf32, #tpu.memory_space<hbm>>) dst(%arg13 : memref<128xf32, #tpu.memory_space<vmem>>)
    %add3A_79 = arith.constant 0 : i32
    %add3A_80 = arith.addi %mul3A_2, %add3A_79 : i32
    %dma_start3A_81 = arith.constant 0 : i32
    %dma_start3A_82 = tpu.memref_slice %arg5[%add3A_80, %dma_start3A_81] : memref<106496x128xf32, #tpu.memory_space<hbm>> -> memref<128x128xf32, #tpu.memory_space<hbm>>
    %dma_start3A_83 = arith.constant 0 : i32
    %dma_start3A_84 = tpu.memref_slice %arg5[%add3A_80, %dma_start3A_83] : memref<106496x128xf32, #tpu.memory_space<hbm>> -> memref<128x128xf32, #tpu.memory_space<hbm>>
    tpu.enqueue_dma source(%arg8 : memref<128x128xf32, #tpu.memory_space<vmem>>) target(%dma_start3A_84 : memref<128x128xf32, #tpu.memory_space<hbm>>) target_semaphore(%arg28 : memref<!tpu.dma_semaphore, #tpu.memory_space<semaphore_mem>>)
    %dma_start3A_85 = tpu.memref_slice %arg6[%add3A_80] : memref<106496xf32, #tpu.memory_space<hbm>> -> memref<128xf32, #tpu.memory_space<hbm>>
    %dma_start3A_86 = tpu.memref_slice %arg6[%add3A_80] : memref<106496xf32, #tpu.memory_space<hbm>> -> memref<128xf32, #tpu.memory_space<hbm>>
    tpu.enqueue_dma source(%arg13 : memref<128xf32, #tpu.memory_space<vmem>>) target(%dma_start3A_86 : memref<128xf32, #tpu.memory_space<hbm>>) target_semaphore(%arg33 : memref<!tpu.dma_semaphore, #tpu.memory_space<semaphore_mem>>)
    %dma_wait3A_87 = arith.constant 0 : i32
    %dma_wait3A_88 = tpu.memref_slice %arg5[%add3A_80, %dma_wait3A_87] : memref<106496x128xf32, #tpu.memory_space<hbm>> -> memref<128x128xf32, #tpu.memory_space<hbm>>
    %dma_wait3A_89 = arith.constant 0 : i32
    %dma_wait3A_90 = tpu.memref_slice %arg5[%add3A_80, %dma_wait3A_89] : memref<106496x128xf32, #tpu.memory_space<hbm>> -> memref<128x128xf32, #tpu.memory_space<hbm>>
    tpu.wait_dma2 semaphore(%arg28 : memref<!tpu.dma_semaphore, #tpu.memory_space<semaphore_mem>>) src(%arg8 : memref<128x128xf32, #tpu.memory_space<vmem>>) dst(%dma_wait3A_90 : memref<128x128xf32, #tpu.memory_space<hbm>>)
    %dma_wait3A_91 = tpu.memref_slice %arg6[%add3A_80] : memref<106496xf32, #tpu.memory_space<hbm>> -> memref<128xf32, #tpu.memory_space<hbm>>
    %dma_wait3A_92 = tpu.memref_slice %arg6[%add3A_80] : memref<106496xf32, #tpu.memory_space<hbm>> -> memref<128xf32, #tpu.memory_space<hbm>>
    tpu.wait_dma2 semaphore(%arg33 : memref<!tpu.dma_semaphore, #tpu.memory_space<semaphore_mem>>) src(%arg13 : memref<128xf32, #tpu.memory_space<vmem>>) dst(%dma_wait3A_92 : memref<128xf32, #tpu.memory_space<hbm>>)
    %dma_start3A_93 = arith.constant 5 : i32
    %dma_start3A_94 = arith.constant 0 : i32
    %dma_start3A_95 = tpu.memref_slice %arg7[%dma_start3A_93, %dma_start3A_94] : memref<26x128xi32, #tpu.memory_space<vmem>> -> memref<1x128xi32, #tpu.memory_space<vmem>>
    %dma_start3A_96 = tpu.memref_squeeze %dma_start3A_95 : memref<1x128xi32, #tpu.memory_space<vmem>> -> memref<128xi32, #tpu.memory_space<vmem>>
    %dma_start3A_97 = arith.constant 0 : i32
    %dma_start3A_98 = arith.constant 0 : i32
    %dma_start3A_99 = tpu.memref_slice %arg2[%dma_start3A_97, %dma_start3A_98] : memref<26000x128xf32, #tpu.memory_space<hbm>> -> memref<26000x128xf32, #tpu.memory_space<hbm>>
    tpu.enqueue_indirect_dma source(%dma_start3A_99 : memref<26000x128xf32, #tpu.memory_space<hbm>>) target(%arg8 : memref<128x128xf32, #tpu.memory_space<vmem>>) offsets(%dma_start3A_96 : memref<128xi32, #tpu.memory_space<vmem>>) semaphore(%arg18 : memref<!tpu.dma_semaphore, #tpu.memory_space<semaphore_mem>>)
    %dma_start3A_100 = arith.constant 5 : i32
    %dma_start3A_101 = arith.constant 0 : i32
    %dma_start3A_102 = tpu.memref_slice %arg7[%dma_start3A_100, %dma_start3A_101] : memref<26x128xi32, #tpu.memory_space<vmem>> -> memref<1x128xi32, #tpu.memory_space<vmem>>
    %dma_start3A_103 = tpu.memref_squeeze %dma_start3A_102 : memref<1x128xi32, #tpu.memory_space<vmem>> -> memref<128xi32, #tpu.memory_space<vmem>>
    %dma_start3A_104 = arith.constant 0 : i32
    %dma_start3A_105 = tpu.memref_slice %arg3[%dma_start3A_104] : memref<26000xf32, #tpu.memory_space<hbm>> -> memref<26000xf32, #tpu.memory_space<hbm>>
    tpu.enqueue_indirect_dma source(%dma_start3A_105 : memref<26000xf32, #tpu.memory_space<hbm>>) target(%arg13 : memref<128xf32, #tpu.memory_space<vmem>>) offsets(%dma_start3A_103 : memref<128xi32, #tpu.memory_space<vmem>>) semaphore(%arg23 : memref<!tpu.dma_semaphore, #tpu.memory_space<semaphore_mem>>)
    %dma_wait3A_106 = arith.constant 1 : i32
    %dma_wait3A_107 = arith.constant 0 : i32
    %dma_wait3A_108 = tpu.memref_slice %arg7[%dma_wait3A_106, %dma_wait3A_107] : memref<26x128xi32, #tpu.memory_space<vmem>> -> memref<1x128xi32, #tpu.memory_space<vmem>>
    %dma_wait3A_109 = tpu.memref_squeeze %dma_wait3A_108 : memref<1x128xi32, #tpu.memory_space<vmem>> -> memref<128xi32, #tpu.memory_space<vmem>>
    %dma_wait3A_110 = arith.constant 0 : i32
    %dma_wait3A_111 = arith.constant 0 : i32
    %dma_wait3A_112 = tpu.memref_slice %arg2[%dma_wait3A_110, %dma_wait3A_111] : memref<26000x128xf32, #tpu.memory_space<hbm>> -> memref<26000x128xf32, #tpu.memory_space<hbm>>
    tpu.wait_indirect_dma semaphore(%arg19 : memref<!tpu.dma_semaphore, #tpu.memory_space<semaphore_mem>>) src(%dma_wait3A_112 : memref<26000x128xf32, #tpu.memory_space<hbm>>) dst(%arg9 : memref<128x128xf32, #tpu.memory_space<vmem>>)
    %dma_wait3A_113 = arith.constant 1 : i32
    %dma_wait3A_114 = arith.constant 0 : i32
    %dma_wait3A_115 = tpu.memref_slice %arg7[%dma_wait3A_113, %dma_wait3A_114] : memref<26x128xi32, #tpu.memory_space<vmem>> -> memref<1x128xi32, #tpu.memory_space<vmem>>
    %dma_wait3A_116 = tpu.memref_squeeze %dma_wait3A_115 : memref<1x128xi32, #tpu.memory_space<vmem>> -> memref<128xi32, #tpu.memory_space<vmem>>
    %dma_wait3A_117 = arith.constant 0 : i32
    %dma_wait3A_118 = tpu.memref_slice %arg3[%dma_wait3A_117] : memref<26000xf32, #tpu.memory_space<hbm>> -> memref<26000xf32, #tpu.memory_space<hbm>>
    tpu.wait_indirect_dma semaphore(%arg24 : memref<!tpu.dma_semaphore, #tpu.memory_space<semaphore_mem>>) src(%dma_wait3A_118 : memref<26000xf32, #tpu.memory_space<hbm>>) dst(%arg14 : memref<128xf32, #tpu.memory_space<vmem>>)
    %add3A_119 = arith.constant 128 : i32
    %add3A_120 = arith.addi %mul3A_2, %add3A_119 : i32
    %dma_start3A_121 = arith.constant 0 : i32
    %dma_start3A_122 = tpu.memref_slice %arg5[%add3A_120, %dma_start3A_121] : memref<106496x128xf32, #tpu.memory_space<hbm>> -> memref<128x128xf32, #tpu.memory_space<hbm>>
    %dma_start3A_123 = arith.constant 0 : i32
    %dma_start3A_124 = tpu.memref_slice %arg5[%add3A_120, %dma_start3A_123] : memref<106496x128xf32, #tpu.memory_space<hbm>> -> memref<128x128xf32, #tpu.memory_space<hbm>>
    tpu.enqueue_dma source(%arg9 : memref<128x128xf32, #tpu.memory_space<vmem>>) target(%dma_start3A_124 : memref<128x128xf32, #tpu.memory_space<hbm>>) target_semaphore(%arg29 : memref<!tpu.dma_semaphore, #tpu.memory_space<semaphore_mem>>)
    %dma_start3A_125 = tpu.memref_slice %arg6[%add3A_120] : memref<106496xf32, #tpu.memory_space<hbm>> -> memref<128xf32, #tpu.memory_space<hbm>>
    %dma_start3A_126 = tpu.memref_slice %arg6[%add3A_120] : memref<106496xf32, #tpu.memory_space<hbm>> -> memref<128xf32, #tpu.memory_space<hbm>>
    tpu.enqueue_dma source(%arg14 : memref<128xf32, #tpu.memory_space<vmem>>) target(%dma_start3A_126 : memref<128xf32, #tpu.memory_space<hbm>>) target_semaphore(%arg34 : memref<!tpu.dma_semaphore, #tpu.memory_space<semaphore_mem>>)
    %dma_wait3A_127 = arith.constant 0 : i32
    %dma_wait3A_128 = tpu.memref_slice %arg5[%add3A_120, %dma_wait3A_127] : memref<106496x128xf32, #tpu.memory_space<hbm>> -> memref<128x128xf32, #tpu.memory_space<hbm>>
    %dma_wait3A_129 = arith.constant 0 : i32
    %dma_wait3A_130 = tpu.memref_slice %arg5[%add3A_120, %dma_wait3A_129] : memref<106496x128xf32, #tpu.memory_space<hbm>> -> memref<128x128xf32, #tpu.memory_space<hbm>>
    tpu.wait_dma2 semaphore(%arg29 : memref<!tpu.dma_semaphore, #tpu.memory_space<semaphore_mem>>) src(%arg9 : memref<128x128xf32, #tpu.memory_space<vmem>>) dst(%dma_wait3A_130 : memref<128x128xf32, #tpu.memory_space<hbm>>)
    %dma_wait3A_131 = tpu.memref_slice %arg6[%add3A_120] : memref<106496xf32, #tpu.memory_space<hbm>> -> memref<128xf32, #tpu.memory_space<hbm>>
    %dma_wait3A_132 = tpu.memref_slice %arg6[%add3A_120] : memref<106496xf32, #tpu.memory_space<hbm>> -> memref<128xf32, #tpu.memory_space<hbm>>
    tpu.wait_dma2 semaphore(%arg34 : memref<!tpu.dma_semaphore, #tpu.memory_space<semaphore_mem>>) src(%arg14 : memref<128xf32, #tpu.memory_space<vmem>>) dst(%dma_wait3A_132 : memref<128xf32, #tpu.memory_space<hbm>>)
    %dma_start3A_133 = arith.constant 6 : i32
    %dma_start3A_134 = arith.constant 0 : i32
    %dma_start3A_135 = tpu.memref_slice %arg7[%dma_start3A_133, %dma_start3A_134] : memref<26x128xi32, #tpu.memory_space<vmem>> -> memref<1x128xi32, #tpu.memory_space<vmem>>
    %dma_start3A_136 = tpu.memref_squeeze %dma_start3A_135 : memref<1x128xi32, #tpu.memory_space<vmem>> -> memref<128xi32, #tpu.memory_space<vmem>>
    %dma_start3A_137 = arith.constant 0 : i32
    %dma_start3A_138 = arith.constant 0 : i32
    %dma_start3A_139 = tpu.memref_slice %arg2[%dma_start3A_137, %dma_start3A_138] : memref<26000x128xf32, #tpu.memory_space<hbm>> -> memref<26000x128xf32, #tpu.memory_space<hbm>>
    tpu.enqueue_indirect_dma source(%dma_start3A_139 : memref<26000x128xf32, #tpu.memory_space<hbm>>) target(%arg9 : memref<128x128xf32, #tpu.memory_space<vmem>>) offsets(%dma_start3A_136 : memref<128xi32, #tpu.memory_space<vmem>>) semaphore(%arg19 : memref<!tpu.dma_semaphore, #tpu.memory_space<semaphore_mem>>)
    %dma_start3A_140 = arith.constant 6 : i32
    %dma_start3A_141 = arith.constant 0 : i32
    %dma_start3A_142 = tpu.memref_slice %arg7[%dma_start3A_140, %dma_start3A_141] : memref<26x128xi32, #tpu.memory_space<vmem>> -> memref<1x128xi32, #tpu.memory_space<vmem>>
    %dma_start3A_143 = tpu.memref_squeeze %dma_start3A_142 : memref<1x128xi32, #tpu.memory_space<vmem>> -> memref<128xi32, #tpu.memory_space<vmem>>
    %dma_start3A_144 = arith.constant 0 : i32
    %dma_start3A_145 = tpu.memref_slice %arg3[%dma_start3A_144] : memref<26000xf32, #tpu.memory_space<hbm>> -> memref<26000xf32, #tpu.memory_space<hbm>>
    tpu.enqueue_indirect_dma source(%dma_start3A_145 : memref<26000xf32, #tpu.memory_space<hbm>>) target(%arg14 : memref<128xf32, #tpu.memory_space<vmem>>) offsets(%dma_start3A_143 : memref<128xi32, #tpu.memory_space<vmem>>) semaphore(%arg24 : memref<!tpu.dma_semaphore, #tpu.memory_space<semaphore_mem>>)
    %dma_wait3A_146 = arith.constant 2 : i32
    %dma_wait3A_147 = arith.constant 0 : i32
    %dma_wait3A_148 = tpu.memref_slice %arg7[%dma_wait3A_146, %dma_wait3A_147] : memref<26x128xi32, #tpu.memory_space<vmem>> -> memref<1x128xi32, #tpu.memory_space<vmem>>
    %dma_wait3A_149 = tpu.memref_squeeze %dma_wait3A_148 : memref<1x128xi32, #tpu.memory_space<vmem>> -> memref<128xi32, #tpu.memory_space<vmem>>
    %dma_wait3A_150 = arith.constant 0 : i32
    %dma_wait3A_151 = arith.constant 0 : i32
    %dma_wait3A_152 = tpu.memref_slice %arg2[%dma_wait3A_150, %dma_wait3A_151] : memref<26000x128xf32, #tpu.memory_space<hbm>> -> memref<26000x128xf32, #tpu.memory_space<hbm>>
    tpu.wait_indirect_dma semaphore(%arg20 : memref<!tpu.dma_semaphore, #tpu.memory_space<semaphore_mem>>) src(%dma_wait3A_152 : memref<26000x128xf32, #tpu.memory_space<hbm>>) dst(%arg10 : memref<128x128xf32, #tpu.memory_space<vmem>>)
    %dma_wait3A_153 = arith.constant 2 : i32
    %dma_wait3A_154 = arith.constant 0 : i32
    %dma_wait3A_155 = tpu.memref_slice %arg7[%dma_wait3A_153, %dma_wait3A_154] : memref<26x128xi32, #tpu.memory_space<vmem>> -> memref<1x128xi32, #tpu.memory_space<vmem>>
    %dma_wait3A_156 = tpu.memref_squeeze %dma_wait3A_155 : memref<1x128xi32, #tpu.memory_space<vmem>> -> memref<128xi32, #tpu.memory_space<vmem>>
    %dma_wait3A_157 = arith.constant 0 : i32
    %dma_wait3A_158 = tpu.memref_slice %arg3[%dma_wait3A_157] : memref<26000xf32, #tpu.memory_space<hbm>> -> memref<26000xf32, #tpu.memory_space<hbm>>
    tpu.wait_indirect_dma semaphore(%arg25 : memref<!tpu.dma_semaphore, #tpu.memory_space<semaphore_mem>>) src(%dma_wait3A_158 : memref<26000xf32, #tpu.memory_space<hbm>>) dst(%arg15 : memref<128xf32, #tpu.memory_space<vmem>>)
    %add3A_159 = arith.constant 256 : i32
    %add3A_160 = arith.addi %mul3A_2, %add3A_159 : i32
    %dma_start3A_161 = arith.constant 0 : i32
    %dma_start3A_162 = tpu.memref_slice %arg5[%add3A_160, %dma_start3A_161] : memref<106496x128xf32, #tpu.memory_space<hbm>> -> memref<128x128xf32, #tpu.memory_space<hbm>>
    %dma_start3A_163 = arith.constant 0 : i32
    %dma_start3A_164 = tpu.memref_slice %arg5[%add3A_160, %dma_start3A_163] : memref<106496x128xf32, #tpu.memory_space<hbm>> -> memref<128x128xf32, #tpu.memory_space<hbm>>
    tpu.enqueue_dma source(%arg10 : memref<128x128xf32, #tpu.memory_space<vmem>>) target(%dma_start3A_164 : memref<128x128xf32, #tpu.memory_space<hbm>>) target_semaphore(%arg30 : memref<!tpu.dma_semaphore, #tpu.memory_space<semaphore_mem>>)
    %dma_start3A_165 = tpu.memref_slice %arg6[%add3A_160] : memref<106496xf32, #tpu.memory_space<hbm>> -> memref<128xf32, #tpu.memory_space<hbm>>
    %dma_start3A_166 = tpu.memref_slice %arg6[%add3A_160] : memref<106496xf32, #tpu.memory_space<hbm>> -> memref<128xf32, #tpu.memory_space<hbm>>
    tpu.enqueue_dma source(%arg15 : memref<128xf32, #tpu.memory_space<vmem>>) target(%dma_start3A_166 : memref<128xf32, #tpu.memory_space<hbm>>) target_semaphore(%arg35 : memref<!tpu.dma_semaphore, #tpu.memory_space<semaphore_mem>>)
    %dma_wait3A_167 = arith.constant 0 : i32
    %dma_wait3A_168 = tpu.memref_slice %arg5[%add3A_160, %dma_wait3A_167] : memref<106496x128xf32, #tpu.memory_space<hbm>> -> memref<128x128xf32, #tpu.memory_space<hbm>>
    %dma_wait3A_169 = arith.constant 0 : i32
    %dma_wait3A_170 = tpu.memref_slice %arg5[%add3A_160, %dma_wait3A_169] : memref<106496x128xf32, #tpu.memory_space<hbm>> -> memref<128x128xf32, #tpu.memory_space<hbm>>
    tpu.wait_dma2 semaphore(%arg30 : memref<!tpu.dma_semaphore, #tpu.memory_space<semaphore_mem>>) src(%arg10 : memref<128x128xf32, #tpu.memory_space<vmem>>) dst(%dma_wait3A_170 : memref<128x128xf32, #tpu.memory_space<hbm>>)
    %dma_wait3A_171 = tpu.memref_slice %arg6[%add3A_160] : memref<106496xf32, #tpu.memory_space<hbm>> -> memref<128xf32, #tpu.memory_space<hbm>>
    %dma_wait3A_172 = tpu.memref_slice %arg6[%add3A_160] : memref<106496xf32, #tpu.memory_space<hbm>> -> memref<128xf32, #tpu.memory_space<hbm>>
    tpu.wait_dma2 semaphore(%arg35 : memref<!tpu.dma_semaphore, #tpu.memory_space<semaphore_mem>>) src(%arg15 : memref<128xf32, #tpu.memory_space<vmem>>) dst(%dma_wait3A_172 : memref<128xf32, #tpu.memory_space<hbm>>)
    %dma_start3A_173 = arith.constant 7 : i32
    %dma_start3A_174 = arith.constant 0 : i32
    %dma_start3A_175 = tpu.memref_slice %arg7[%dma_start3A_173, %dma_start3A_174] : memref<26x128xi32, #tpu.memory_space<vmem>> -> memref<1x128xi32, #tpu.memory_space<vmem>>
    %dma_start3A_176 = tpu.memref_squeeze %dma_start3A_175 : memref<1x128xi32, #tpu.memory_space<vmem>> -> memref<128xi32, #tpu.memory_space<vmem>>
    %dma_start3A_177 = arith.constant 0 : i32
    %dma_start3A_178 = arith.constant 0 : i32
    %dma_start3A_179 = tpu.memref_slice %arg2[%dma_start3A_177, %dma_start3A_178] : memref<26000x128xf32, #tpu.memory_space<hbm>> -> memref<26000x128xf32, #tpu.memory_space<hbm>>
    tpu.enqueue_indirect_dma source(%dma_start3A_179 : memref<26000x128xf32, #tpu.memory_space<hbm>>) target(%arg10 : memref<128x128xf32, #tpu.memory_space<vmem>>) offsets(%dma_start3A_176 : memref<128xi32, #tpu.memory_space<vmem>>) semaphore(%arg20 : memref<!tpu.dma_semaphore, #tpu.memory_space<semaphore_mem>>)
    %dma_start3A_180 = arith.constant 7 : i32
    %dma_start3A_181 = arith.constant 0 : i32
    %dma_start3A_182 = tpu.memref_slice %arg7[%dma_start3A_180, %dma_start3A_181] : memref<26x128xi32, #tpu.memory_space<vmem>> -> memref<1x128xi32, #tpu.memory_space<vmem>>
    %dma_start3A_183 = tpu.memref_squeeze %dma_start3A_182 : memref<1x128xi32, #tpu.memory_space<vmem>> -> memref<128xi32, #tpu.memory_space<vmem>>
    %dma_start3A_184 = arith.constant 0 : i32
    %dma_start3A_185 = tpu.memref_slice %arg3[%dma_start3A_184] : memref<26000xf32, #tpu.memory_space<hbm>> -> memref<26000xf32, #tpu.memory_space<hbm>>
    tpu.enqueue_indirect_dma source(%dma_start3A_185 : memref<26000xf32, #tpu.memory_space<hbm>>) target(%arg15 : memref<128xf32, #tpu.memory_space<vmem>>) offsets(%dma_start3A_183 : memref<128xi32, #tpu.memory_space<vmem>>) semaphore(%arg25 : memref<!tpu.dma_semaphore, #tpu.memory_space<semaphore_mem>>)
    %dma_wait3A_186 = arith.constant 3 : i32
    %dma_wait3A_187 = arith.constant 0 : i32
    %dma_wait3A_188 = tpu.memref_slice %arg7[%dma_wait3A_186, %dma_wait3A_187] : memref<26x128xi32, #tpu.memory_space<vmem>> -> memref<1x128xi32, #tpu.memory_space<vmem>>
    %dma_wait3A_189 = tpu.memref_squeeze %dma_wait3A_188 : memref<1x128xi32, #tpu.memory_space<vmem>> -> memref<128xi32, #tpu.memory_space<vmem>>
    %dma_wait3A_190 = arith.constant 0 : i32
    %dma_wait3A_191 = arith.constant 0 : i32
    %dma_wait3A_192 = tpu.memref_slice %arg2[%dma_wait3A_190, %dma_wait3A_191] : memref<26000x128xf32, #tpu.memory_space<hbm>> -> memref<26000x128xf32, #tpu.memory_space<hbm>>
    tpu.wait_indirect_dma semaphore(%arg21 : memref<!tpu.dma_semaphore, #tpu.memory_space<semaphore_mem>>) src(%dma_wait3A_192 : memref<26000x128xf32, #tpu.memory_space<hbm>>) dst(%arg11 : memref<128x128xf32, #tpu.memory_space<vmem>>)
    %dma_wait3A_193 = arith.constant 3 : i32
    %dma_wait3A_194 = arith.constant 0 : i32
    %dma_wait3A_195 = tpu.memref_slice %arg7[%dma_wait3A_193, %dma_wait3A_194] : memref<26x128xi32, #tpu.memory_space<vmem>> -> memref<1x128xi32, #tpu.memory_space<vmem>>
    %dma_wait3A_196 = tpu.memref_squeeze %dma_wait3A_195 : memref<1x128xi32, #tpu.memory_space<vmem>> -> memref<128xi32, #tpu.memory_space<vmem>>
    %dma_wait3A_197 = arith.constant 0 : i32
    %dma_wait3A_198 = tpu.memref_slice %arg3[%dma_wait3A_197] : memref<26000xf32, #tpu.memory_space<hbm>> -> memref<26000xf32, #tpu.memory_space<hbm>>
    tpu.wait_indirect_dma semaphore(%arg26 : memref<!tpu.dma_semaphore, #tpu.memory_space<semaphore_mem>>) src(%dma_wait3A_198 : memref<26000xf32, #tpu.memory_space<hbm>>) dst(%arg16 : memref<128xf32, #tpu.memory_space<vmem>>)
    %add3A_199 = arith.constant 384 : i32
    %add3A_200 = arith.addi %mul3A_2, %add3A_199 : i32
    %dma_start3A_201 = arith.constant 0 : i32
    %dma_start3A_202 = tpu.memref_slice %arg5[%add3A_200, %dma_start3A_201] : memref<106496x128xf32, #tpu.memory_space<hbm>> -> memref<128x128xf32, #tpu.memory_space<hbm>>
    %dma_start3A_203 = arith.constant 0 : i32
    %dma_start3A_204 = tpu.memref_slice %arg5[%add3A_200, %dma_start3A_203] : memref<106496x128xf32, #tpu.memory_space<hbm>> -> memref<128x128xf32, #tpu.memory_space<hbm>>
    tpu.enqueue_dma source(%arg11 : memref<128x128xf32, #tpu.memory_space<vmem>>) target(%dma_start3A_204 : memref<128x128xf32, #tpu.memory_space<hbm>>) target_semaphore(%arg31 : memref<!tpu.dma_semaphore, #tpu.memory_space<semaphore_mem>>)
    %dma_start3A_205 = tpu.memref_slice %arg6[%add3A_200] : memref<106496xf32, #tpu.memory_space<hbm>> -> memref<128xf32, #tpu.memory_space<hbm>>
    %dma_start3A_206 = tpu.memref_slice %arg6[%add3A_200] : memref<106496xf32, #tpu.memory_space<hbm>> -> memref<128xf32, #tpu.memory_space<hbm>>
    tpu.enqueue_dma source(%arg16 : memref<128xf32, #tpu.memory_space<vmem>>) target(%dma_start3A_206 : memref<128xf32, #tpu.memory_space<hbm>>) target_semaphore(%arg36 : memref<!tpu.dma_semaphore, #tpu.memory_space<semaphore_mem>>)
    %dma_wait3A_207 = arith.constant 0 : i32
    %dma_wait3A_208 = tpu.memref_slice %arg5[%add3A_200, %dma_wait3A_207] : memref<106496x128xf32, #tpu.memory_space<hbm>> -> memref<128x128xf32, #tpu.memory_space<hbm>>
    %dma_wait3A_209 = arith.constant 0 : i32
    %dma_wait3A_210 = tpu.memref_slice %arg5[%add3A_200, %dma_wait3A_209] : memref<106496x128xf32, #tpu.memory_space<hbm>> -> memref<128x128xf32, #tpu.memory_space<hbm>>
    tpu.wait_dma2 semaphore(%arg31 : memref<!tpu.dma_semaphore, #tpu.memory_space<semaphore_mem>>) src(%arg11 : memref<128x128xf32, #tpu.memory_space<vmem>>) dst(%dma_wait3A_210 : memref<128x128xf32, #tpu.memory_space<hbm>>)
    %dma_wait3A_211 = tpu.memref_slice %arg6[%add3A_200] : memref<106496xf32, #tpu.memory_space<hbm>> -> memref<128xf32, #tpu.memory_space<hbm>>
    %dma_wait3A_212 = tpu.memref_slice %arg6[%add3A_200] : memref<106496xf32, #tpu.memory_space<hbm>> -> memref<128xf32, #tpu.memory_space<hbm>>
    tpu.wait_dma2 semaphore(%arg36 : memref<!tpu.dma_semaphore, #tpu.memory_space<semaphore_mem>>) src(%arg16 : memref<128xf32, #tpu.memory_space<vmem>>) dst(%dma_wait3A_212 : memref<128xf32, #tpu.memory_space<hbm>>)
    %dma_start3A_213 = arith.constant 8 : i32
    %dma_start3A_214 = arith.constant 0 : i32
    %dma_start3A_215 = tpu.memref_slice %arg7[%dma_start3A_213, %dma_start3A_214] : memref<26x128xi32, #tpu.memory_space<vmem>> -> memref<1x128xi32, #tpu.memory_space<vmem>>
    %dma_start3A_216 = tpu.memref_squeeze %dma_start3A_215 : memref<1x128xi32, #tpu.memory_space<vmem>> -> memref<128xi32, #tpu.memory_space<vmem>>
    %dma_start3A_217 = arith.constant 0 : i32
    %dma_start3A_218 = arith.constant 0 : i32
    %dma_start3A_219 = tpu.memref_slice %arg2[%dma_start3A_217, %dma_start3A_218] : memref<26000x128xf32, #tpu.memory_space<hbm>> -> memref<26000x128xf32, #tpu.memory_space<hbm>>
    tpu.enqueue_indirect_dma source(%dma_start3A_219 : memref<26000x128xf32, #tpu.memory_space<hbm>>) target(%arg11 : memref<128x128xf32, #tpu.memory_space<vmem>>) offsets(%dma_start3A_216 : memref<128xi32, #tpu.memory_space<vmem>>) semaphore(%arg21 : memref<!tpu.dma_semaphore, #tpu.memory_space<semaphore_mem>>)
    %dma_start3A_220 = arith.constant 8 : i32
    %dma_start3A_221 = arith.constant 0 : i32
    %dma_start3A_222 = tpu.memref_slice %arg7[%dma_start3A_220, %dma_start3A_221] : memref<26x128xi32, #tpu.memory_space<vmem>> -> memref<1x128xi32, #tpu.memory_space<vmem>>
    %dma_start3A_223 = tpu.memref_squeeze %dma_start3A_222 : memref<1x128xi32, #tpu.memory_space<vmem>> -> memref<128xi32, #tpu.memory_space<vmem>>
    %dma_start3A_224 = arith.constant 0 : i32
    %dma_start3A_225 = tpu.memref_slice %arg3[%dma_start3A_224] : memref<26000xf32, #tpu.memory_space<hbm>> -> memref<26000xf32, #tpu.memory_space<hbm>>
    tpu.enqueue_indirect_dma source(%dma_start3A_225 : memref<26000xf32, #tpu.memory_space<hbm>>) target(%arg16 : memref<128xf32, #tpu.memory_space<vmem>>) offsets(%dma_start3A_223 : memref<128xi32, #tpu.memory_space<vmem>>) semaphore(%arg26 : memref<!tpu.dma_semaphore, #tpu.memory_space<semaphore_mem>>)
    %dma_wait3A_226 = arith.constant 4 : i32
    %dma_wait3A_227 = arith.constant 0 : i32
    %dma_wait3A_228 = tpu.memref_slice %arg7[%dma_wait3A_226, %dma_wait3A_227] : memref<26x128xi32, #tpu.memory_space<vmem>> -> memref<1x128xi32, #tpu.memory_space<vmem>>
    %dma_wait3A_229 = tpu.memref_squeeze %dma_wait3A_228 : memref<1x128xi32, #tpu.memory_space<vmem>> -> memref<128xi32, #tpu.memory_space<vmem>>
    %dma_wait3A_230 = arith.constant 0 : i32
    %dma_wait3A_231 = arith.constant 0 : i32
    %dma_wait3A_232 = tpu.memref_slice %arg2[%dma_wait3A_230, %dma_wait3A_231] : memref<26000x128xf32, #tpu.memory_space<hbm>> -> memref<26000x128xf32, #tpu.memory_space<hbm>>
    tpu.wait_indirect_dma semaphore(%arg22 : memref<!tpu.dma_semaphore, #tpu.memory_space<semaphore_mem>>) src(%dma_wait3A_232 : memref<26000x128xf32, #tpu.memory_space<hbm>>) dst(%arg12 : memref<128x128xf32, #tpu.memory_space<vmem>>)
    %dma_wait3A_233 = arith.constant 4 : i32
    %dma_wait3A_234 = arith.constant 0 : i32
    %dma_wait3A_235 = tpu.memref_slice %arg7[%dma_wait3A_233, %dma_wait3A_234] : memref<26x128xi32, #tpu.memory_space<vmem>> -> memref<1x128xi32, #tpu.memory_space<vmem>>
    %dma_wait3A_236 = tpu.memref_squeeze %dma_wait3A_235 : memref<1x128xi32, #tpu.memory_space<vmem>> -> memref<128xi32, #tpu.memory_space<vmem>>
    %dma_wait3A_237 = arith.constant 0 : i32
    %dma_wait3A_238 = tpu.memref_slice %arg3[%dma_wait3A_237] : memref<26000xf32, #tpu.memory_space<hbm>> -> memref<26000xf32, #tpu.memory_space<hbm>>
    tpu.wait_indirect_dma semaphore(%arg27 : memref<!tpu.dma_semaphore, #tpu.memory_space<semaphore_mem>>) src(%dma_wait3A_238 : memref<26000xf32, #tpu.memory_space<hbm>>) dst(%arg17 : memref<128xf32, #tpu.memory_space<vmem>>)
    %add3A_239 = arith.constant 512 : i32
    %add3A_240 = arith.addi %mul3A_2, %add3A_239 : i32
    %dma_start3A_241 = arith.constant 0 : i32
    %dma_start3A_242 = tpu.memref_slice %arg5[%add3A_240, %dma_start3A_241] : memref<106496x128xf32, #tpu.memory_space<hbm>> -> memref<128x128xf32, #tpu.memory_space<hbm>>
    %dma_start3A_243 = arith.constant 0 : i32
    %dma_start3A_244 = tpu.memref_slice %arg5[%add3A_240, %dma_start3A_243] : memref<106496x128xf32, #tpu.memory_space<hbm>> -> memref<128x128xf32, #tpu.memory_space<hbm>>
    tpu.enqueue_dma source(%arg12 : memref<128x128xf32, #tpu.memory_space<vmem>>) target(%dma_start3A_244 : memref<128x128xf32, #tpu.memory_space<hbm>>) target_semaphore(%arg32 : memref<!tpu.dma_semaphore, #tpu.memory_space<semaphore_mem>>)
    %dma_start3A_245 = tpu.memref_slice %arg6[%add3A_240] : memref<106496xf32, #tpu.memory_space<hbm>> -> memref<128xf32, #tpu.memory_space<hbm>>
    %dma_start3A_246 = tpu.memref_slice %arg6[%add3A_240] : memref<106496xf32, #tpu.memory_space<hbm>> -> memref<128xf32, #tpu.memory_space<hbm>>
    tpu.enqueue_dma source(%arg17 : memref<128xf32, #tpu.memory_space<vmem>>) target(%dma_start3A_246 : memref<128xf32, #tpu.memory_space<hbm>>) target_semaphore(%arg37 : memref<!tpu.dma_semaphore, #tpu.memory_space<semaphore_mem>>)
    %dma_wait3A_247 = arith.constant 0 : i32
    %dma_wait3A_248 = tpu.memref_slice %arg5[%add3A_240, %dma_wait3A_247] : memref<106496x128xf32, #tpu.memory_space<hbm>> -> memref<128x128xf32, #tpu.memory_space<hbm>>
    %dma_wait3A_249 = arith.constant 0 : i32
    %dma_wait3A_250 = tpu.memref_slice %arg5[%add3A_240, %dma_wait3A_249] : memref<106496x128xf32, #tpu.memory_space<hbm>> -> memref<128x128xf32, #tpu.memory_space<hbm>>
    tpu.wait_dma2 semaphore(%arg32 : memref<!tpu.dma_semaphore, #tpu.memory_space<semaphore_mem>>) src(%arg12 : memref<128x128xf32, #tpu.memory_space<vmem>>) dst(%dma_wait3A_250 : memref<128x128xf32, #tpu.memory_space<hbm>>)
    %dma_wait3A_251 = tpu.memref_slice %arg6[%add3A_240] : memref<106496xf32, #tpu.memory_space<hbm>> -> memref<128xf32, #tpu.memory_space<hbm>>
    %dma_wait3A_252 = tpu.memref_slice %arg6[%add3A_240] : memref<106496xf32, #tpu.memory_space<hbm>> -> memref<128xf32, #tpu.memory_space<hbm>>
    tpu.wait_dma2 semaphore(%arg37 : memref<!tpu.dma_semaphore, #tpu.memory_space<semaphore_mem>>) src(%arg17 : memref<128xf32, #tpu.memory_space<vmem>>) dst(%dma_wait3A_252 : memref<128xf32, #tpu.memory_space<hbm>>)
    %dma_start3A_253 = arith.constant 9 : i32
    %dma_start3A_254 = arith.constant 0 : i32
    %dma_start3A_255 = tpu.memref_slice %arg7[%dma_start3A_253, %dma_start3A_254] : memref<26x128xi32, #tpu.memory_space<vmem>> -> memref<1x128xi32, #tpu.memory_space<vmem>>
    %dma_start3A_256 = tpu.memref_squeeze %dma_start3A_255 : memref<1x128xi32, #tpu.memory_space<vmem>> -> memref<128xi32, #tpu.memory_space<vmem>>
    %dma_start3A_257 = arith.constant 0 : i32
    %dma_start3A_258 = arith.constant 0 : i32
    %dma_start3A_259 = tpu.memref_slice %arg2[%dma_start3A_257, %dma_start3A_258] : memref<26000x128xf32, #tpu.memory_space<hbm>> -> memref<26000x128xf32, #tpu.memory_space<hbm>>
    tpu.enqueue_indirect_dma source(%dma_start3A_259 : memref<26000x128xf32, #tpu.memory_space<hbm>>) target(%arg12 : memref<128x128xf32, #tpu.memory_space<vmem>>) offsets(%dma_start3A_256 : memref<128xi32, #tpu.memory_space<vmem>>) semaphore(%arg22 : memref<!tpu.dma_semaphore, #tpu.memory_space<semaphore_mem>>)
    %dma_start3A_260 = arith.constant 9 : i32
    %dma_start3A_261 = arith.constant 0 : i32
    %dma_start3A_262 = tpu.memref_slice %arg7[%dma_start3A_260, %dma_start3A_261] : memref<26x128xi32, #tpu.memory_space<vmem>> -> memref<1x128xi32, #tpu.memory_space<vmem>>
    %dma_start3A_263 = tpu.memref_squeeze %dma_start3A_262 : memref<1x128xi32, #tpu.memory_space<vmem>> -> memref<128xi32, #tpu.memory_space<vmem>>
    %dma_start3A_264 = arith.constant 0 : i32
    %dma_start3A_265 = tpu.memref_slice %arg3[%dma_start3A_264] : memref<26000xf32, #tpu.memory_space<hbm>> -> memref<26000xf32, #tpu.memory_space<hbm>>
    tpu.enqueue_indirect_dma source(%dma_start3A_265 : memref<26000xf32, #tpu.memory_space<hbm>>) target(%arg17 : memref<128xf32, #tpu.memory_space<vmem>>) offsets(%dma_start3A_263 : memref<128xi32, #tpu.memory_space<vmem>>) semaphore(%arg27 : memref<!tpu.dma_semaphore, #tpu.memory_space<semaphore_mem>>)
    %dma_wait3A_266 = arith.constant 5 : i32
    %dma_wait3A_267 = arith.constant 0 : i32
    %dma_wait3A_268 = tpu.memref_slice %arg7[%dma_wait3A_266, %dma_wait3A_267] : memref<26x128xi32, #tpu.memory_space<vmem>> -> memref<1x128xi32, #tpu.memory_space<vmem>>
    %dma_wait3A_269 = tpu.memref_squeeze %dma_wait3A_268 : memref<1x128xi32, #tpu.memory_space<vmem>> -> memref<128xi32, #tpu.memory_space<vmem>>
    %dma_wait3A_270 = arith.constant 0 : i32
    %dma_wait3A_271 = arith.constant 0 : i32
    %dma_wait3A_272 = tpu.memref_slice %arg2[%dma_wait3A_270, %dma_wait3A_271] : memref<26000x128xf32, #tpu.memory_space<hbm>> -> memref<26000x128xf32, #tpu.memory_space<hbm>>
    tpu.wait_indirect_dma semaphore(%arg18 : memref<!tpu.dma_semaphore, #tpu.memory_space<semaphore_mem>>) src(%dma_wait3A_272 : memref<26000x128xf32, #tpu.memory_space<hbm>>) dst(%arg8 : memref<128x128xf32, #tpu.memory_space<vmem>>)
    %dma_wait3A_273 = arith.constant 5 : i32
    %dma_wait3A_274 = arith.constant 0 : i32
    %dma_wait3A_275 = tpu.memref_slice %arg7[%dma_wait3A_273, %dma_wait3A_274] : memref<26x128xi32, #tpu.memory_space<vmem>> -> memref<1x128xi32, #tpu.memory_space<vmem>>
    %dma_wait3A_276 = tpu.memref_squeeze %dma_wait3A_275 : memref<1x128xi32, #tpu.memory_space<vmem>> -> memref<128xi32, #tpu.memory_space<vmem>>
    %dma_wait3A_277 = arith.constant 0 : i32
    %dma_wait3A_278 = tpu.memref_slice %arg3[%dma_wait3A_277] : memref<26000xf32, #tpu.memory_space<hbm>> -> memref<26000xf32, #tpu.memory_space<hbm>>
    tpu.wait_indirect_dma semaphore(%arg23 : memref<!tpu.dma_semaphore, #tpu.memory_space<semaphore_mem>>) src(%dma_wait3A_278 : memref<26000xf32, #tpu.memory_space<hbm>>) dst(%arg13 : memref<128xf32, #tpu.memory_space<vmem>>)
    %add3A_279 = arith.constant 640 : i32
    %add3A_280 = arith.addi %mul3A_2, %add3A_279 : i32
    %dma_start3A_281 = arith.constant 0 : i32
    %dma_start3A_282 = tpu.memref_slice %arg5[%add3A_280, %dma_start3A_281] : memref<106496x128xf32, #tpu.memory_space<hbm>> -> memref<128x128xf32, #tpu.memory_space<hbm>>
    %dma_start3A_283 = arith.constant 0 : i32
    %dma_start3A_284 = tpu.memref_slice %arg5[%add3A_280, %dma_start3A_283] : memref<106496x128xf32, #tpu.memory_space<hbm>> -> memref<128x128xf32, #tpu.memory_space<hbm>>
    tpu.enqueue_dma source(%arg8 : memref<128x128xf32, #tpu.memory_space<vmem>>) target(%dma_start3A_284 : memref<128x128xf32, #tpu.memory_space<hbm>>) target_semaphore(%arg28 : memref<!tpu.dma_semaphore, #tpu.memory_space<semaphore_mem>>)
    %dma_start3A_285 = tpu.memref_slice %arg6[%add3A_280] : memref<106496xf32, #tpu.memory_space<hbm>> -> memref<128xf32, #tpu.memory_space<hbm>>
    %dma_start3A_286 = tpu.memref_slice %arg6[%add3A_280] : memref<106496xf32, #tpu.memory_space<hbm>> -> memref<128xf32, #tpu.memory_space<hbm>>
    tpu.enqueue_dma source(%arg13 : memref<128xf32, #tpu.memory_space<vmem>>) target(%dma_start3A_286 : memref<128xf32, #tpu.memory_space<hbm>>) target_semaphore(%arg33 : memref<!tpu.dma_semaphore, #tpu.memory_space<semaphore_mem>>)
    %dma_wait3A_287 = arith.constant 0 : i32
    %dma_wait3A_288 = tpu.memref_slice %arg5[%add3A_280, %dma_wait3A_287] : memref<106496x128xf32, #tpu.memory_space<hbm>> -> memref<128x128xf32, #tpu.memory_space<hbm>>
    %dma_wait3A_289 = arith.constant 0 : i32
    %dma_wait3A_290 = tpu.memref_slice %arg5[%add3A_280, %dma_wait3A_289] : memref<106496x128xf32, #tpu.memory_space<hbm>> -> memref<128x128xf32, #tpu.memory_space<hbm>>
    tpu.wait_dma2 semaphore(%arg28 : memref<!tpu.dma_semaphore, #tpu.memory_space<semaphore_mem>>) src(%arg8 : memref<128x128xf32, #tpu.memory_space<vmem>>) dst(%dma_wait3A_290 : memref<128x128xf32, #tpu.memory_space<hbm>>)
    %dma_wait3A_291 = tpu.memref_slice %arg6[%add3A_280] : memref<106496xf32, #tpu.memory_space<hbm>> -> memref<128xf32, #tpu.memory_space<hbm>>
    %dma_wait3A_292 = tpu.memref_slice %arg6[%add3A_280] : memref<106496xf32, #tpu.memory_space<hbm>> -> memref<128xf32, #tpu.memory_space<hbm>>
    tpu.wait_dma2 semaphore(%arg33 : memref<!tpu.dma_semaphore, #tpu.memory_space<semaphore_mem>>) src(%arg13 : memref<128xf32, #tpu.memory_space<vmem>>) dst(%dma_wait3A_292 : memref<128xf32, #tpu.memory_space<hbm>>)
    %dma_start3A_293 = arith.constant 10 : i32
    %dma_start3A_294 = arith.constant 0 : i32
    %dma_start3A_295 = tpu.memref_slice %arg7[%dma_start3A_293, %dma_start3A_294] : memref<26x128xi32, #tpu.memory_space<vmem>> -> memref<1x128xi32, #tpu.memory_space<vmem>>
    %dma_start3A_296 = tpu.memref_squeeze %dma_start3A_295 : memref<1x128xi32, #tpu.memory_space<vmem>> -> memref<128xi32, #tpu.memory_space<vmem>>
    %dma_start3A_297 = arith.constant 0 : i32
    %dma_start3A_298 = arith.constant 0 : i32
    %dma_start3A_299 = tpu.memref_slice %arg2[%dma_start3A_297, %dma_start3A_298] : memref<26000x128xf32, #tpu.memory_space<hbm>> -> memref<26000x128xf32, #tpu.memory_space<hbm>>
    tpu.enqueue_indirect_dma source(%dma_start3A_299 : memref<26000x128xf32, #tpu.memory_space<hbm>>) target(%arg8 : memref<128x128xf32, #tpu.memory_space<vmem>>) offsets(%dma_start3A_296 : memref<128xi32, #tpu.memory_space<vmem>>) semaphore(%arg18 : memref<!tpu.dma_semaphore, #tpu.memory_space<semaphore_mem>>)
    %dma_start3A_300 = arith.constant 10 : i32
    %dma_start3A_301 = arith.constant 0 : i32
    %dma_start3A_302 = tpu.memref_slice %arg7[%dma_start3A_300, %dma_start3A_301] : memref<26x128xi32, #tpu.memory_space<vmem>> -> memref<1x128xi32, #tpu.memory_space<vmem>>
    %dma_start3A_303 = tpu.memref_squeeze %dma_start3A_302 : memref<1x128xi32, #tpu.memory_space<vmem>> -> memref<128xi32, #tpu.memory_space<vmem>>
    %dma_start3A_304 = arith.constant 0 : i32
    %dma_start3A_305 = tpu.memref_slice %arg3[%dma_start3A_304] : memref<26000xf32, #tpu.memory_space<hbm>> -> memref<26000xf32, #tpu.memory_space<hbm>>
    tpu.enqueue_indirect_dma source(%dma_start3A_305 : memref<26000xf32, #tpu.memory_space<hbm>>) target(%arg13 : memref<128xf32, #tpu.memory_space<vmem>>) offsets(%dma_start3A_303 : memref<128xi32, #tpu.memory_space<vmem>>) semaphore(%arg23 : memref<!tpu.dma_semaphore, #tpu.memory_space<semaphore_mem>>)
    %dma_wait3A_306 = arith.constant 6 : i32
    %dma_wait3A_307 = arith.constant 0 : i32
    %dma_wait3A_308 = tpu.memref_slice %arg7[%dma_wait3A_306, %dma_wait3A_307] : memref<26x128xi32, #tpu.memory_space<vmem>> -> memref<1x128xi32, #tpu.memory_space<vmem>>
    %dma_wait3A_309 = tpu.memref_squeeze %dma_wait3A_308 : memref<1x128xi32, #tpu.memory_space<vmem>> -> memref<128xi32, #tpu.memory_space<vmem>>
    %dma_wait3A_310 = arith.constant 0 : i32
    %dma_wait3A_311 = arith.constant 0 : i32
    %dma_wait3A_312 = tpu.memref_slice %arg2[%dma_wait3A_310, %dma_wait3A_311] : memref<26000x128xf32, #tpu.memory_space<hbm>> -> memref<26000x128xf32, #tpu.memory_space<hbm>>
    tpu.wait_indirect_dma semaphore(%arg19 : memref<!tpu.dma_semaphore, #tpu.memory_space<semaphore_mem>>) src(%dma_wait3A_312 : memref<26000x128xf32, #tpu.memory_space<hbm>>) dst(%arg9 : memref<128x128xf32, #tpu.memory_space<vmem>>)
    %dma_wait3A_313 = arith.constant 6 : i32
    %dma_wait3A_314 = arith.constant 0 : i32
    %dma_wait3A_315 = tpu.memref_slice %arg7[%dma_wait3A_313, %dma_wait3A_314] : memref<26x128xi32, #tpu.memory_space<vmem>> -> memref<1x128xi32, #tpu.memory_space<vmem>>
    %dma_wait3A_316 = tpu.memref_squeeze %dma_wait3A_315 : memref<1x128xi32, #tpu.memory_space<vmem>> -> memref<128xi32, #tpu.memory_space<vmem>>
    %dma_wait3A_317 = arith.constant 0 : i32
    %dma_wait3A_318 = tpu.memref_slice %arg3[%dma_wait3A_317] : memref<26000xf32, #tpu.memory_space<hbm>> -> memref<26000xf32, #tpu.memory_space<hbm>>
    tpu.wait_indirect_dma semaphore(%arg24 : memref<!tpu.dma_semaphore, #tpu.memory_space<semaphore_mem>>) src(%dma_wait3A_318 : memref<26000xf32, #tpu.memory_space<hbm>>) dst(%arg14 : memref<128xf32, #tpu.memory_space<vmem>>)
    %add3A_319 = arith.constant 768 : i32
    %add3A_320 = arith.addi %mul3A_2, %add3A_319 : i32
    %dma_start3A_321 = arith.constant 0 : i32
    %dma_start3A_322 = tpu.memref_slice %arg5[%add3A_320, %dma_start3A_321] : memref<106496x128xf32, #tpu.memory_space<hbm>> -> memref<128x128xf32, #tpu.memory_space<hbm>>
    %dma_start3A_323 = arith.constant 0 : i32
    %dma_start3A_324 = tpu.memref_slice %arg5[%add3A_320, %dma_start3A_323] : memref<106496x128xf32, #tpu.memory_space<hbm>> -> memref<128x128xf32, #tpu.memory_space<hbm>>
    tpu.enqueue_dma source(%arg9 : memref<128x128xf32, #tpu.memory_space<vmem>>) target(%dma_start3A_324 : memref<128x128xf32, #tpu.memory_space<hbm>>) target_semaphore(%arg29 : memref<!tpu.dma_semaphore, #tpu.memory_space<semaphore_mem>>)
    %dma_start3A_325 = tpu.memref_slice %arg6[%add3A_320] : memref<106496xf32, #tpu.memory_space<hbm>> -> memref<128xf32, #tpu.memory_space<hbm>>
    %dma_start3A_326 = tpu.memref_slice %arg6[%add3A_320] : memref<106496xf32, #tpu.memory_space<hbm>> -> memref<128xf32, #tpu.memory_space<hbm>>
    tpu.enqueue_dma source(%arg14 : memref<128xf32, #tpu.memory_space<vmem>>) target(%dma_start3A_326 : memref<128xf32, #tpu.memory_space<hbm>>) target_semaphore(%arg34 : memref<!tpu.dma_semaphore, #tpu.memory_space<semaphore_mem>>)
    %dma_wait3A_327 = arith.constant 0 : i32
    %dma_wait3A_328 = tpu.memref_slice %arg5[%add3A_320, %dma_wait3A_327] : memref<106496x128xf32, #tpu.memory_space<hbm>> -> memref<128x128xf32, #tpu.memory_space<hbm>>
    %dma_wait3A_329 = arith.constant 0 : i32
    %dma_wait3A_330 = tpu.memref_slice %arg5[%add3A_320, %dma_wait3A_329] : memref<106496x128xf32, #tpu.memory_space<hbm>> -> memref<128x128xf32, #tpu.memory_space<hbm>>
    tpu.wait_dma2 semaphore(%arg29 : memref<!tpu.dma_semaphore, #tpu.memory_space<semaphore_mem>>) src(%arg9 : memref<128x128xf32, #tpu.memory_space<vmem>>) dst(%dma_wait3A_330 : memref<128x128xf32, #tpu.memory_space<hbm>>)
    %dma_wait3A_331 = tpu.memref_slice %arg6[%add3A_320] : memref<106496xf32, #tpu.memory_space<hbm>> -> memref<128xf32, #tpu.memory_space<hbm>>
    %dma_wait3A_332 = tpu.memref_slice %arg6[%add3A_320] : memref<106496xf32, #tpu.memory_space<hbm>> -> memref<128xf32, #tpu.memory_space<hbm>>
    tpu.wait_dma2 semaphore(%arg34 : memref<!tpu.dma_semaphore, #tpu.memory_space<semaphore_mem>>) src(%arg14 : memref<128xf32, #tpu.memory_space<vmem>>) dst(%dma_wait3A_332 : memref<128xf32, #tpu.memory_space<hbm>>)
    %dma_start3A_333 = arith.constant 11 : i32
    %dma_start3A_334 = arith.constant 0 : i32
    %dma_start3A_335 = tpu.memref_slice %arg7[%dma_start3A_333, %dma_start3A_334] : memref<26x128xi32, #tpu.memory_space<vmem>> -> memref<1x128xi32, #tpu.memory_space<vmem>>
    %dma_start3A_336 = tpu.memref_squeeze %dma_start3A_335 : memref<1x128xi32, #tpu.memory_space<vmem>> -> memref<128xi32, #tpu.memory_space<vmem>>
    %dma_start3A_337 = arith.constant 0 : i32
    %dma_start3A_338 = arith.constant 0 : i32
    %dma_start3A_339 = tpu.memref_slice %arg2[%dma_start3A_337, %dma_start3A_338] : memref<26000x128xf32, #tpu.memory_space<hbm>> -> memref<26000x128xf32, #tpu.memory_space<hbm>>
    tpu.enqueue_indirect_dma source(%dma_start3A_339 : memref<26000x128xf32, #tpu.memory_space<hbm>>) target(%arg9 : memref<128x128xf32, #tpu.memory_space<vmem>>) offsets(%dma_start3A_336 : memref<128xi32, #tpu.memory_space<vmem>>) semaphore(%arg19 : memref<!tpu.dma_semaphore, #tpu.memory_space<semaphore_mem>>)
    %dma_start3A_340 = arith.constant 11 : i32
    %dma_start3A_341 = arith.constant 0 : i32
    %dma_start3A_342 = tpu.memref_slice %arg7[%dma_start3A_340, %dma_start3A_341] : memref<26x128xi32, #tpu.memory_space<vmem>> -> memref<1x128xi32, #tpu.memory_space<vmem>>
    %dma_start3A_343 = tpu.memref_squeeze %dma_start3A_342 : memref<1x128xi32, #tpu.memory_space<vmem>> -> memref<128xi32, #tpu.memory_space<vmem>>
    %dma_start3A_344 = arith.constant 0 : i32
    %dma_start3A_345 = tpu.memref_slice %arg3[%dma_start3A_344] : memref<26000xf32, #tpu.memory_space<hbm>> -> memref<26000xf32, #tpu.memory_space<hbm>>
    tpu.enqueue_indirect_dma source(%dma_start3A_345 : memref<26000xf32, #tpu.memory_space<hbm>>) target(%arg14 : memref<128xf32, #tpu.memory_space<vmem>>) offsets(%dma_start3A_343 : memref<128xi32, #tpu.memory_space<vmem>>) semaphore(%arg24 : memref<!tpu.dma_semaphore, #tpu.memory_space<semaphore_mem>>)
    %dma_wait3A_346 = arith.constant 7 : i32
    %dma_wait3A_347 = arith.constant 0 : i32
    %dma_wait3A_348 = tpu.memref_slice %arg7[%dma_wait3A_346, %dma_wait3A_347] : memref<26x128xi32, #tpu.memory_space<vmem>> -> memref<1x128xi32, #tpu.memory_space<vmem>>
    %dma_wait3A_349 = tpu.memref_squeeze %dma_wait3A_348 : memref<1x128xi32, #tpu.memory_space<vmem>> -> memref<128xi32, #tpu.memory_space<vmem>>
    %dma_wait3A_350 = arith.constant 0 : i32
    %dma_wait3A_351 = arith.constant 0 : i32
    %dma_wait3A_352 = tpu.memref_slice %arg2[%dma_wait3A_350, %dma_wait3A_351] : memref<26000x128xf32, #tpu.memory_space<hbm>> -> memref<26000x128xf32, #tpu.memory_space<hbm>>
    tpu.wait_indirect_dma semaphore(%arg20 : memref<!tpu.dma_semaphore, #tpu.memory_space<semaphore_mem>>) src(%dma_wait3A_352 : memref<26000x128xf32, #tpu.memory_space<hbm>>) dst(%arg10 : memref<128x128xf32, #tpu.memory_space<vmem>>)
    %dma_wait3A_353 = arith.constant 7 : i32
    %dma_wait3A_354 = arith.constant 0 : i32
    %dma_wait3A_355 = tpu.memref_slice %arg7[%dma_wait3A_353, %dma_wait3A_354] : memref<26x128xi32, #tpu.memory_space<vmem>> -> memref<1x128xi32, #tpu.memory_space<vmem>>
    %dma_wait3A_356 = tpu.memref_squeeze %dma_wait3A_355 : memref<1x128xi32, #tpu.memory_space<vmem>> -> memref<128xi32, #tpu.memory_space<vmem>>
    %dma_wait3A_357 = arith.constant 0 : i32
    %dma_wait3A_358 = tpu.memref_slice %arg3[%dma_wait3A_357] : memref<26000xf32, #tpu.memory_space<hbm>> -> memref<26000xf32, #tpu.memory_space<hbm>>
    tpu.wait_indirect_dma semaphore(%arg25 : memref<!tpu.dma_semaphore, #tpu.memory_space<semaphore_mem>>) src(%dma_wait3A_358 : memref<26000xf32, #tpu.memory_space<hbm>>) dst(%arg15 : memref<128xf32, #tpu.memory_space<vmem>>)
    %add3A_359 = arith.constant 896 : i32
    %add3A_360 = arith.addi %mul3A_2, %add3A_359 : i32
    %dma_start3A_361 = arith.constant 0 : i32
    %dma_start3A_362 = tpu.memref_slice %arg5[%add3A_360, %dma_start3A_361] : memref<106496x128xf32, #tpu.memory_space<hbm>> -> memref<128x128xf32, #tpu.memory_space<hbm>>
    %dma_start3A_363 = arith.constant 0 : i32
    %dma_start3A_364 = tpu.memref_slice %arg5[%add3A_360, %dma_start3A_363] : memref<106496x128xf32, #tpu.memory_space<hbm>> -> memref<128x128xf32, #tpu.memory_space<hbm>>
    tpu.enqueue_dma source(%arg10 : memref<128x128xf32, #tpu.memory_space<vmem>>) target(%dma_start3A_364 : memref<128x128xf32, #tpu.memory_space<hbm>>) target_semaphore(%arg30 : memref<!tpu.dma_semaphore, #tpu.memory_space<semaphore_mem>>)
    %dma_start3A_365 = tpu.memref_slice %arg6[%add3A_360] : memref<106496xf32, #tpu.memory_space<hbm>> -> memref<128xf32, #tpu.memory_space<hbm>>
    %dma_start3A_366 = tpu.memref_slice %arg6[%add3A_360] : memref<106496xf32, #tpu.memory_space<hbm>> -> memref<128xf32, #tpu.memory_space<hbm>>
    tpu.enqueue_dma source(%arg15 : memref<128xf32, #tpu.memory_space<vmem>>) target(%dma_start3A_366 : memref<128xf32, #tpu.memory_space<hbm>>) target_semaphore(%arg35 : memref<!tpu.dma_semaphore, #tpu.memory_space<semaphore_mem>>)
    %dma_wait3A_367 = arith.constant 0 : i32
    %dma_wait3A_368 = tpu.memref_slice %arg5[%add3A_360, %dma_wait3A_367] : memref<106496x128xf32, #tpu.memory_space<hbm>> -> memref<128x128xf32, #tpu.memory_space<hbm>>
    %dma_wait3A_369 = arith.constant 0 : i32
    %dma_wait3A_370 = tpu.memref_slice %arg5[%add3A_360, %dma_wait3A_369] : memref<106496x128xf32, #tpu.memory_space<hbm>> -> memref<128x128xf32, #tpu.memory_space<hbm>>
    tpu.wait_dma2 semaphore(%arg30 : memref<!tpu.dma_semaphore, #tpu.memory_space<semaphore_mem>>) src(%arg10 : memref<128x128xf32, #tpu.memory_space<vmem>>) dst(%dma_wait3A_370 : memref<128x128xf32, #tpu.memory_space<hbm>>)
    %dma_wait3A_371 = tpu.memref_slice %arg6[%add3A_360] : memref<106496xf32, #tpu.memory_space<hbm>> -> memref<128xf32, #tpu.memory_space<hbm>>
    %dma_wait3A_372 = tpu.memref_slice %arg6[%add3A_360] : memref<106496xf32, #tpu.memory_space<hbm>> -> memref<128xf32, #tpu.memory_space<hbm>>
    tpu.wait_dma2 semaphore(%arg35 : memref<!tpu.dma_semaphore, #tpu.memory_space<semaphore_mem>>) src(%arg15 : memref<128xf32, #tpu.memory_space<vmem>>) dst(%dma_wait3A_372 : memref<128xf32, #tpu.memory_space<hbm>>)
    %dma_start3A_373 = arith.constant 12 : i32
    %dma_start3A_374 = arith.constant 0 : i32
    %dma_start3A_375 = tpu.memref_slice %arg7[%dma_start3A_373, %dma_start3A_374] : memref<26x128xi32, #tpu.memory_space<vmem>> -> memref<1x128xi32, #tpu.memory_space<vmem>>
    %dma_start3A_376 = tpu.memref_squeeze %dma_start3A_375 : memref<1x128xi32, #tpu.memory_space<vmem>> -> memref<128xi32, #tpu.memory_space<vmem>>
    %dma_start3A_377 = arith.constant 0 : i32
    %dma_start3A_378 = arith.constant 0 : i32
    %dma_start3A_379 = tpu.memref_slice %arg2[%dma_start3A_377, %dma_start3A_378] : memref<26000x128xf32, #tpu.memory_space<hbm>> -> memref<26000x128xf32, #tpu.memory_space<hbm>>
    tpu.enqueue_indirect_dma source(%dma_start3A_379 : memref<26000x128xf32, #tpu.memory_space<hbm>>) target(%arg10 : memref<128x128xf32, #tpu.memory_space<vmem>>) offsets(%dma_start3A_376 : memref<128xi32, #tpu.memory_space<vmem>>) semaphore(%arg20 : memref<!tpu.dma_semaphore, #tpu.memory_space<semaphore_mem>>)
    %dma_start3A_380 = arith.constant 12 : i32
    %dma_start3A_381 = arith.constant 0 : i32
    %dma_start3A_382 = tpu.memref_slice %arg7[%dma_start3A_380, %dma_start3A_381] : memref<26x128xi32, #tpu.memory_space<vmem>> -> memref<1x128xi32, #tpu.memory_space<vmem>>
    %dma_start3A_383 = tpu.memref_squeeze %dma_start3A_382 : memref<1x128xi32, #tpu.memory_space<vmem>> -> memref<128xi32, #tpu.memory_space<vmem>>
    %dma_start3A_384 = arith.constant 0 : i32
    %dma_start3A_385 = tpu.memref_slice %arg3[%dma_start3A_384] : memref<26000xf32, #tpu.memory_space<hbm>> -> memref<26000xf32, #tpu.memory_space<hbm>>
    tpu.enqueue_indirect_dma source(%dma_start3A_385 : memref<26000xf32, #tpu.memory_space<hbm>>) target(%arg15 : memref<128xf32, #tpu.memory_space<vmem>>) offsets(%dma_start3A_383 : memref<128xi32, #tpu.memory_space<vmem>>) semaphore(%arg25 : memref<!tpu.dma_semaphore, #tpu.memory_space<semaphore_mem>>)
    %dma_wait3A_386 = arith.constant 8 : i32
    %dma_wait3A_387 = arith.constant 0 : i32
    %dma_wait3A_388 = tpu.memref_slice %arg7[%dma_wait3A_386, %dma_wait3A_387] : memref<26x128xi32, #tpu.memory_space<vmem>> -> memref<1x128xi32, #tpu.memory_space<vmem>>
    %dma_wait3A_389 = tpu.memref_squeeze %dma_wait3A_388 : memref<1x128xi32, #tpu.memory_space<vmem>> -> memref<128xi32, #tpu.memory_space<vmem>>
    %dma_wait3A_390 = arith.constant 0 : i32
    %dma_wait3A_391 = arith.constant 0 : i32
    %dma_wait3A_392 = tpu.memref_slice %arg2[%dma_wait3A_390, %dma_wait3A_391] : memref<26000x128xf32, #tpu.memory_space<hbm>> -> memref<26000x128xf32, #tpu.memory_space<hbm>>
    tpu.wait_indirect_dma semaphore(%arg21 : memref<!tpu.dma_semaphore, #tpu.memory_space<semaphore_mem>>) src(%dma_wait3A_392 : memref<26000x128xf32, #tpu.memory_space<hbm>>) dst(%arg11 : memref<128x128xf32, #tpu.memory_space<vmem>>)
    %dma_wait3A_393 = arith.constant 8 : i32
    %dma_wait3A_394 = arith.constant 0 : i32
    %dma_wait3A_395 = tpu.memref_slice %arg7[%dma_wait3A_393, %dma_wait3A_394] : memref<26x128xi32, #tpu.memory_space<vmem>> -> memref<1x128xi32, #tpu.memory_space<vmem>>
    %dma_wait3A_396 = tpu.memref_squeeze %dma_wait3A_395 : memref<1x128xi32, #tpu.memory_space<vmem>> -> memref<128xi32, #tpu.memory_space<vmem>>
    %dma_wait3A_397 = arith.constant 0 : i32
    %dma_wait3A_398 = tpu.memref_slice %arg3[%dma_wait3A_397] : memref<26000xf32, #tpu.memory_space<hbm>> -> memref<26000xf32, #tpu.memory_space<hbm>>
    tpu.wait_indirect_dma semaphore(%arg26 : memref<!tpu.dma_semaphore, #tpu.memory_space<semaphore_mem>>) src(%dma_wait3A_398 : memref<26000xf32, #tpu.memory_space<hbm>>) dst(%arg16 : memref<128xf32, #tpu.memory_space<vmem>>)
    %add3A_399 = arith.constant 1024 : i32
    %add3A_400 = arith.addi %mul3A_2, %add3A_399 : i32
    %dma_start3A_401 = arith.constant 0 : i32
    %dma_start3A_402 = tpu.memref_slice %arg5[%add3A_400, %dma_start3A_401] : memref<106496x128xf32, #tpu.memory_space<hbm>> -> memref<128x128xf32, #tpu.memory_space<hbm>>
    %dma_start3A_403 = arith.constant 0 : i32
    %dma_start3A_404 = tpu.memref_slice %arg5[%add3A_400, %dma_start3A_403] : memref<106496x128xf32, #tpu.memory_space<hbm>> -> memref<128x128xf32, #tpu.memory_space<hbm>>
    tpu.enqueue_dma source(%arg11 : memref<128x128xf32, #tpu.memory_space<vmem>>) target(%dma_start3A_404 : memref<128x128xf32, #tpu.memory_space<hbm>>) target_semaphore(%arg31 : memref<!tpu.dma_semaphore, #tpu.memory_space<semaphore_mem>>)
    %dma_start3A_405 = tpu.memref_slice %arg6[%add3A_400] : memref<106496xf32, #tpu.memory_space<hbm>> -> memref<128xf32, #tpu.memory_space<hbm>>
    %dma_start3A_406 = tpu.memref_slice %arg6[%add3A_400] : memref<106496xf32, #tpu.memory_space<hbm>> -> memref<128xf32, #tpu.memory_space<hbm>>
    tpu.enqueue_dma source(%arg16 : memref<128xf32, #tpu.memory_space<vmem>>) target(%dma_start3A_406 : memref<128xf32, #tpu.memory_space<hbm>>) target_semaphore(%arg36 : memref<!tpu.dma_semaphore, #tpu.memory_space<semaphore_mem>>)
    %dma_wait3A_407 = arith.constant 0 : i32
    %dma_wait3A_408 = tpu.memref_slice %arg5[%add3A_400, %dma_wait3A_407] : memref<106496x128xf32, #tpu.memory_space<hbm>> -> memref<128x128xf32, #tpu.memory_space<hbm>>
    %dma_wait3A_409 = arith.constant 0 : i32
    %dma_wait3A_410 = tpu.memref_slice %arg5[%add3A_400, %dma_wait3A_409] : memref<106496x128xf32, #tpu.memory_space<hbm>> -> memref<128x128xf32, #tpu.memory_space<hbm>>
    tpu.wait_dma2 semaphore(%arg31 : memref<!tpu.dma_semaphore, #tpu.memory_space<semaphore_mem>>) src(%arg11 : memref<128x128xf32, #tpu.memory_space<vmem>>) dst(%dma_wait3A_410 : memref<128x128xf32, #tpu.memory_space<hbm>>)
    %dma_wait3A_411 = tpu.memref_slice %arg6[%add3A_400] : memref<106496xf32, #tpu.memory_space<hbm>> -> memref<128xf32, #tpu.memory_space<hbm>>
    %dma_wait3A_412 = tpu.memref_slice %arg6[%add3A_400] : memref<106496xf32, #tpu.memory_space<hbm>> -> memref<128xf32, #tpu.memory_space<hbm>>
    tpu.wait_dma2 semaphore(%arg36 : memref<!tpu.dma_semaphore, #tpu.memory_space<semaphore_mem>>) src(%arg16 : memref<128xf32, #tpu.memory_space<vmem>>) dst(%dma_wait3A_412 : memref<128xf32, #tpu.memory_space<hbm>>)
    %dma_start3A_413 = arith.constant 13 : i32
    %dma_start3A_414 = arith.constant 0 : i32
    %dma_start3A_415 = tpu.memref_slice %arg7[%dma_start3A_413, %dma_start3A_414] : memref<26x128xi32, #tpu.memory_space<vmem>> -> memref<1x128xi32, #tpu.memory_space<vmem>>
    %dma_start3A_416 = tpu.memref_squeeze %dma_start3A_415 : memref<1x128xi32, #tpu.memory_space<vmem>> -> memref<128xi32, #tpu.memory_space<vmem>>
    %dma_start3A_417 = arith.constant 0 : i32
    %dma_start3A_418 = arith.constant 0 : i32
    %dma_start3A_419 = tpu.memref_slice %arg2[%dma_start3A_417, %dma_start3A_418] : memref<26000x128xf32, #tpu.memory_space<hbm>> -> memref<26000x128xf32, #tpu.memory_space<hbm>>
    tpu.enqueue_indirect_dma source(%dma_start3A_419 : memref<26000x128xf32, #tpu.memory_space<hbm>>) target(%arg11 : memref<128x128xf32, #tpu.memory_space<vmem>>) offsets(%dma_start3A_416 : memref<128xi32, #tpu.memory_space<vmem>>) semaphore(%arg21 : memref<!tpu.dma_semaphore, #tpu.memory_space<semaphore_mem>>)
    %dma_start3A_420 = arith.constant 13 : i32
    %dma_start3A_421 = arith.constant 0 : i32
    %dma_start3A_422 = tpu.memref_slice %arg7[%dma_start3A_420, %dma_start3A_421] : memref<26x128xi32, #tpu.memory_space<vmem>> -> memref<1x128xi32, #tpu.memory_space<vmem>>
    %dma_start3A_423 = tpu.memref_squeeze %dma_start3A_422 : memref<1x128xi32, #tpu.memory_space<vmem>> -> memref<128xi32, #tpu.memory_space<vmem>>
    %dma_start3A_424 = arith.constant 0 : i32
    %dma_start3A_425 = tpu.memref_slice %arg3[%dma_start3A_424] : memref<26000xf32, #tpu.memory_space<hbm>> -> memref<26000xf32, #tpu.memory_space<hbm>>
    tpu.enqueue_indirect_dma source(%dma_start3A_425 : memref<26000xf32, #tpu.memory_space<hbm>>) target(%arg16 : memref<128xf32, #tpu.memory_space<vmem>>) offsets(%dma_start3A_423 : memref<128xi32, #tpu.memory_space<vmem>>) semaphore(%arg26 : memref<!tpu.dma_semaphore, #tpu.memory_space<semaphore_mem>>)
    %dma_wait3A_426 = arith.constant 9 : i32
    %dma_wait3A_427 = arith.constant 0 : i32
    %dma_wait3A_428 = tpu.memref_slice %arg7[%dma_wait3A_426, %dma_wait3A_427] : memref<26x128xi32, #tpu.memory_space<vmem>> -> memref<1x128xi32, #tpu.memory_space<vmem>>
    %dma_wait3A_429 = tpu.memref_squeeze %dma_wait3A_428 : memref<1x128xi32, #tpu.memory_space<vmem>> -> memref<128xi32, #tpu.memory_space<vmem>>
    %dma_wait3A_430 = arith.constant 0 : i32
    %dma_wait3A_431 = arith.constant 0 : i32
    %dma_wait3A_432 = tpu.memref_slice %arg2[%dma_wait3A_430, %dma_wait3A_431] : memref<26000x128xf32, #tpu.memory_space<hbm>> -> memref<26000x128xf32, #tpu.memory_space<hbm>>
    tpu.wait_indirect_dma semaphore(%arg22 : memref<!tpu.dma_semaphore, #tpu.memory_space<semaphore_mem>>) src(%dma_wait3A_432 : memref<26000x128xf32, #tpu.memory_space<hbm>>) dst(%arg12 : memref<128x128xf32, #tpu.memory_space<vmem>>)
    %dma_wait3A_433 = arith.constant 9 : i32
    %dma_wait3A_434 = arith.constant 0 : i32
    %dma_wait3A_435 = tpu.memref_slice %arg7[%dma_wait3A_433, %dma_wait3A_434] : memref<26x128xi32, #tpu.memory_space<vmem>> -> memref<1x128xi32, #tpu.memory_space<vmem>>
    %dma_wait3A_436 = tpu.memref_squeeze %dma_wait3A_435 : memref<1x128xi32, #tpu.memory_space<vmem>> -> memref<128xi32, #tpu.memory_space<vmem>>
    %dma_wait3A_437 = arith.constant 0 : i32
    %dma_wait3A_438 = tpu.memref_slice %arg3[%dma_wait3A_437] : memref<26000xf32, #tpu.memory_space<hbm>> -> memref<26000xf32, #tpu.memory_space<hbm>>
    tpu.wait_indirect_dma semaphore(%arg27 : memref<!tpu.dma_semaphore, #tpu.memory_space<semaphore_mem>>) src(%dma_wait3A_438 : memref<26000xf32, #tpu.memory_space<hbm>>) dst(%arg17 : memref<128xf32, #tpu.memory_space<vmem>>)
    %add3A_439 = arith.constant 1152 : i32
    %add3A_440 = arith.addi %mul3A_2, %add3A_439 : i32
    %dma_start3A_441 = arith.constant 0 : i32
    %dma_start3A_442 = tpu.memref_slice %arg5[%add3A_440, %dma_start3A_441] : memref<106496x128xf32, #tpu.memory_space<hbm>> -> memref<128x128xf32, #tpu.memory_space<hbm>>
    %dma_start3A_443 = arith.constant 0 : i32
    %dma_start3A_444 = tpu.memref_slice %arg5[%add3A_440, %dma_start3A_443] : memref<106496x128xf32, #tpu.memory_space<hbm>> -> memref<128x128xf32, #tpu.memory_space<hbm>>
    tpu.enqueue_dma source(%arg12 : memref<128x128xf32, #tpu.memory_space<vmem>>) target(%dma_start3A_444 : memref<128x128xf32, #tpu.memory_space<hbm>>) target_semaphore(%arg32 : memref<!tpu.dma_semaphore, #tpu.memory_space<semaphore_mem>>)
    %dma_start3A_445 = tpu.memref_slice %arg6[%add3A_440] : memref<106496xf32, #tpu.memory_space<hbm>> -> memref<128xf32, #tpu.memory_space<hbm>>
    %dma_start3A_446 = tpu.memref_slice %arg6[%add3A_440] : memref<106496xf32, #tpu.memory_space<hbm>> -> memref<128xf32, #tpu.memory_space<hbm>>
    tpu.enqueue_dma source(%arg17 : memref<128xf32, #tpu.memory_space<vmem>>) target(%dma_start3A_446 : memref<128xf32, #tpu.memory_space<hbm>>) target_semaphore(%arg37 : memref<!tpu.dma_semaphore, #tpu.memory_space<semaphore_mem>>)
    %dma_wait3A_447 = arith.constant 0 : i32
    %dma_wait3A_448 = tpu.memref_slice %arg5[%add3A_440, %dma_wait3A_447] : memref<106496x128xf32, #tpu.memory_space<hbm>> -> memref<128x128xf32, #tpu.memory_space<hbm>>
    %dma_wait3A_449 = arith.constant 0 : i32
    %dma_wait3A_450 = tpu.memref_slice %arg5[%add3A_440, %dma_wait3A_449] : memref<106496x128xf32, #tpu.memory_space<hbm>> -> memref<128x128xf32, #tpu.memory_space<hbm>>
    tpu.wait_dma2 semaphore(%arg32 : memref<!tpu.dma_semaphore, #tpu.memory_space<semaphore_mem>>) src(%arg12 : memref<128x128xf32, #tpu.memory_space<vmem>>) dst(%dma_wait3A_450 : memref<128x128xf32, #tpu.memory_space<hbm>>)
    %dma_wait3A_451 = tpu.memref_slice %arg6[%add3A_440] : memref<106496xf32, #tpu.memory_space<hbm>> -> memref<128xf32, #tpu.memory_space<hbm>>
    %dma_wait3A_452 = tpu.memref_slice %arg6[%add3A_440] : memref<106496xf32, #tpu.memory_space<hbm>> -> memref<128xf32, #tpu.memory_space<hbm>>
    tpu.wait_dma2 semaphore(%arg37 : memref<!tpu.dma_semaphore, #tpu.memory_space<semaphore_mem>>) src(%arg17 : memref<128xf32, #tpu.memory_space<vmem>>) dst(%dma_wait3A_452 : memref<128xf32, #tpu.memory_space<hbm>>)
    %dma_start3A_453 = arith.constant 14 : i32
    %dma_start3A_454 = arith.constant 0 : i32
    %dma_start3A_455 = tpu.memref_slice %arg7[%dma_start3A_453, %dma_start3A_454] : memref<26x128xi32, #tpu.memory_space<vmem>> -> memref<1x128xi32, #tpu.memory_space<vmem>>
    %dma_start3A_456 = tpu.memref_squeeze %dma_start3A_455 : memref<1x128xi32, #tpu.memory_space<vmem>> -> memref<128xi32, #tpu.memory_space<vmem>>
    %dma_start3A_457 = arith.constant 0 : i32
    %dma_start3A_458 = arith.constant 0 : i32
    %dma_start3A_459 = tpu.memref_slice %arg2[%dma_start3A_457, %dma_start3A_458] : memref<26000x128xf32, #tpu.memory_space<hbm>> -> memref<26000x128xf32, #tpu.memory_space<hbm>>
    tpu.enqueue_indirect_dma source(%dma_start3A_459 : memref<26000x128xf32, #tpu.memory_space<hbm>>) target(%arg12 : memref<128x128xf32, #tpu.memory_space<vmem>>) offsets(%dma_start3A_456 : memref<128xi32, #tpu.memory_space<vmem>>) semaphore(%arg22 : memref<!tpu.dma_semaphore, #tpu.memory_space<semaphore_mem>>)
    %dma_start3A_460 = arith.constant 14 : i32
    %dma_start3A_461 = arith.constant 0 : i32
    %dma_start3A_462 = tpu.memref_slice %arg7[%dma_start3A_460, %dma_start3A_461] : memref<26x128xi32, #tpu.memory_space<vmem>> -> memref<1x128xi32, #tpu.memory_space<vmem>>
    %dma_start3A_463 = tpu.memref_squeeze %dma_start3A_462 : memref<1x128xi32, #tpu.memory_space<vmem>> -> memref<128xi32, #tpu.memory_space<vmem>>
    %dma_start3A_464 = arith.constant 0 : i32
    %dma_start3A_465 = tpu.memref_slice %arg3[%dma_start3A_464] : memref<26000xf32, #tpu.memory_space<hbm>> -> memref<26000xf32, #tpu.memory_space<hbm>>
    tpu.enqueue_indirect_dma source(%dma_start3A_465 : memref<26000xf32, #tpu.memory_space<hbm>>) target(%arg17 : memref<128xf32, #tpu.memory_space<vmem>>) offsets(%dma_start3A_463 : memref<128xi32, #tpu.memory_space<vmem>>) semaphore(%arg27 : memref<!tpu.dma_semaphore, #tpu.memory_space<semaphore_mem>>)
    %dma_wait3A_466 = arith.constant 10 : i32
    %dma_wait3A_467 = arith.constant 0 : i32
    %dma_wait3A_468 = tpu.memref_slice %arg7[%dma_wait3A_466, %dma_wait3A_467] : memref<26x128xi32, #tpu.memory_space<vmem>> -> memref<1x128xi32, #tpu.memory_space<vmem>>
    %dma_wait3A_469 = tpu.memref_squeeze %dma_wait3A_468 : memref<1x128xi32, #tpu.memory_space<vmem>> -> memref<128xi32, #tpu.memory_space<vmem>>
    %dma_wait3A_470 = arith.constant 0 : i32
    %dma_wait3A_471 = arith.constant 0 : i32
    %dma_wait3A_472 = tpu.memref_slice %arg2[%dma_wait3A_470, %dma_wait3A_471] : memref<26000x128xf32, #tpu.memory_space<hbm>> -> memref<26000x128xf32, #tpu.memory_space<hbm>>
    tpu.wait_indirect_dma semaphore(%arg18 : memref<!tpu.dma_semaphore, #tpu.memory_space<semaphore_mem>>) src(%dma_wait3A_472 : memref<26000x128xf32, #tpu.memory_space<hbm>>) dst(%arg8 : memref<128x128xf32, #tpu.memory_space<vmem>>)
    %dma_wait3A_473 = arith.constant 10 : i32
    %dma_wait3A_474 = arith.constant 0 : i32
    %dma_wait3A_475 = tpu.memref_slice %arg7[%dma_wait3A_473, %dma_wait3A_474] : memref<26x128xi32, #tpu.memory_space<vmem>> -> memref<1x128xi32, #tpu.memory_space<vmem>>
    %dma_wait3A_476 = tpu.memref_squeeze %dma_wait3A_475 : memref<1x128xi32, #tpu.memory_space<vmem>> -> memref<128xi32, #tpu.memory_space<vmem>>
    %dma_wait3A_477 = arith.constant 0 : i32
    %dma_wait3A_478 = tpu.memref_slice %arg3[%dma_wait3A_477] : memref<26000xf32, #tpu.memory_space<hbm>> -> memref<26000xf32, #tpu.memory_space<hbm>>
    tpu.wait_indirect_dma semaphore(%arg23 : memref<!tpu.dma_semaphore, #tpu.memory_space<semaphore_mem>>) src(%dma_wait3A_478 : memref<26000xf32, #tpu.memory_space<hbm>>) dst(%arg13 : memref<128xf32, #tpu.memory_space<vmem>>)
    %add3A_479 = arith.constant 1280 : i32
    %add3A_480 = arith.addi %mul3A_2, %add3A_479 : i32
    %dma_start3A_481 = arith.constant 0 : i32
    %dma_start3A_482 = tpu.memref_slice %arg5[%add3A_480, %dma_start3A_481] : memref<106496x128xf32, #tpu.memory_space<hbm>> -> memref<128x128xf32, #tpu.memory_space<hbm>>
    %dma_start3A_483 = arith.constant 0 : i32
    %dma_start3A_484 = tpu.memref_slice %arg5[%add3A_480, %dma_start3A_483] : memref<106496x128xf32, #tpu.memory_space<hbm>> -> memref<128x128xf32, #tpu.memory_space<hbm>>
    tpu.enqueue_dma source(%arg8 : memref<128x128xf32, #tpu.memory_space<vmem>>) target(%dma_start3A_484 : memref<128x128xf32, #tpu.memory_space<hbm>>) target_semaphore(%arg28 : memref<!tpu.dma_semaphore, #tpu.memory_space<semaphore_mem>>)
    %dma_start3A_485 = tpu.memref_slice %arg6[%add3A_480] : memref<106496xf32, #tpu.memory_space<hbm>> -> memref<128xf32, #tpu.memory_space<hbm>>
    %dma_start3A_486 = tpu.memref_slice %arg6[%add3A_480] : memref<106496xf32, #tpu.memory_space<hbm>> -> memref<128xf32, #tpu.memory_space<hbm>>
    tpu.enqueue_dma source(%arg13 : memref<128xf32, #tpu.memory_space<vmem>>) target(%dma_start3A_486 : memref<128xf32, #tpu.memory_space<hbm>>) target_semaphore(%arg33 : memref<!tpu.dma_semaphore, #tpu.memory_space<semaphore_mem>>)
    %dma_wait3A_487 = arith.constant 0 : i32
    %dma_wait3A_488 = tpu.memref_slice %arg5[%add3A_480, %dma_wait3A_487] : memref<106496x128xf32, #tpu.memory_space<hbm>> -> memref<128x128xf32, #tpu.memory_space<hbm>>
    %dma_wait3A_489 = arith.constant 0 : i32
    %dma_wait3A_490 = tpu.memref_slice %arg5[%add3A_480, %dma_wait3A_489] : memref<106496x128xf32, #tpu.memory_space<hbm>> -> memref<128x128xf32, #tpu.memory_space<hbm>>
    tpu.wait_dma2 semaphore(%arg28 : memref<!tpu.dma_semaphore, #tpu.memory_space<semaphore_mem>>) src(%arg8 : memref<128x128xf32, #tpu.memory_space<vmem>>) dst(%dma_wait3A_490 : memref<128x128xf32, #tpu.memory_space<hbm>>)
    %dma_wait3A_491 = tpu.memref_slice %arg6[%add3A_480] : memref<106496xf32, #tpu.memory_space<hbm>> -> memref<128xf32, #tpu.memory_space<hbm>>
    %dma_wait3A_492 = tpu.memref_slice %arg6[%add3A_480] : memref<106496xf32, #tpu.memory_space<hbm>> -> memref<128xf32, #tpu.memory_space<hbm>>
    tpu.wait_dma2 semaphore(%arg33 : memref<!tpu.dma_semaphore, #tpu.memory_space<semaphore_mem>>) src(%arg13 : memref<128xf32, #tpu.memory_space<vmem>>) dst(%dma_wait3A_492 : memref<128xf32, #tpu.memory_space<hbm>>)
    %dma_start3A_493 = arith.constant 15 : i32
    %dma_start3A_494 = arith.constant 0 : i32
    %dma_start3A_495 = tpu.memref_slice %arg7[%dma_start3A_493, %dma_start3A_494] : memref<26x128xi32, #tpu.memory_space<vmem>> -> memref<1x128xi32, #tpu.memory_space<vmem>>
    %dma_start3A_496 = tpu.memref_squeeze %dma_start3A_495 : memref<1x128xi32, #tpu.memory_space<vmem>> -> memref<128xi32, #tpu.memory_space<vmem>>
    %dma_start3A_497 = arith.constant 0 : i32
    %dma_start3A_498 = arith.constant 0 : i32
    %dma_start3A_499 = tpu.memref_slice %arg2[%dma_start3A_497, %dma_start3A_498] : memref<26000x128xf32, #tpu.memory_space<hbm>> -> memref<26000x128xf32, #tpu.memory_space<hbm>>
    tpu.enqueue_indirect_dma source(%dma_start3A_499 : memref<26000x128xf32, #tpu.memory_space<hbm>>) target(%arg8 : memref<128x128xf32, #tpu.memory_space<vmem>>) offsets(%dma_start3A_496 : memref<128xi32, #tpu.memory_space<vmem>>) semaphore(%arg18 : memref<!tpu.dma_semaphore, #tpu.memory_space<semaphore_mem>>)
    %dma_start3A_500 = arith.constant 15 : i32
    %dma_start3A_501 = arith.constant 0 : i32
    %dma_start3A_502 = tpu.memref_slice %arg7[%dma_start3A_500, %dma_start3A_501] : memref<26x128xi32, #tpu.memory_space<vmem>> -> memref<1x128xi32, #tpu.memory_space<vmem>>
    %dma_start3A_503 = tpu.memref_squeeze %dma_start3A_502 : memref<1x128xi32, #tpu.memory_space<vmem>> -> memref<128xi32, #tpu.memory_space<vmem>>
    %dma_start3A_504 = arith.constant 0 : i32
    %dma_start3A_505 = tpu.memref_slice %arg3[%dma_start3A_504] : memref<26000xf32, #tpu.memory_space<hbm>> -> memref<26000xf32, #tpu.memory_space<hbm>>
    tpu.enqueue_indirect_dma source(%dma_start3A_505 : memref<26000xf32, #tpu.memory_space<hbm>>) target(%arg13 : memref<128xf32, #tpu.memory_space<vmem>>) offsets(%dma_start3A_503 : memref<128xi32, #tpu.memory_space<vmem>>) semaphore(%arg23 : memref<!tpu.dma_semaphore, #tpu.memory_space<semaphore_mem>>)
    %dma_wait3A_506 = arith.constant 11 : i32
    %dma_wait3A_507 = arith.constant 0 : i32
    %dma_wait3A_508 = tpu.memref_slice %arg7[%dma_wait3A_506, %dma_wait3A_507] : memref<26x128xi32, #tpu.memory_space<vmem>> -> memref<1x128xi32, #tpu.memory_space<vmem>>
    %dma_wait3A_509 = tpu.memref_squeeze %dma_wait3A_508 : memref<1x128xi32, #tpu.memory_space<vmem>> -> memref<128xi32, #tpu.memory_space<vmem>>
    %dma_wait3A_510 = arith.constant 0 : i32
    %dma_wait3A_511 = arith.constant 0 : i32
    %dma_wait3A_512 = tpu.memref_slice %arg2[%dma_wait3A_510, %dma_wait3A_511] : memref<26000x128xf32, #tpu.memory_space<hbm>> -> memref<26000x128xf32, #tpu.memory_space<hbm>>
    tpu.wait_indirect_dma semaphore(%arg19 : memref<!tpu.dma_semaphore, #tpu.memory_space<semaphore_mem>>) src(%dma_wait3A_512 : memref<26000x128xf32, #tpu.memory_space<hbm>>) dst(%arg9 : memref<128x128xf32, #tpu.memory_space<vmem>>)
    %dma_wait3A_513 = arith.constant 11 : i32
    %dma_wait3A_514 = arith.constant 0 : i32
    %dma_wait3A_515 = tpu.memref_slice %arg7[%dma_wait3A_513, %dma_wait3A_514] : memref<26x128xi32, #tpu.memory_space<vmem>> -> memref<1x128xi32, #tpu.memory_space<vmem>>
    %dma_wait3A_516 = tpu.memref_squeeze %dma_wait3A_515 : memref<1x128xi32, #tpu.memory_space<vmem>> -> memref<128xi32, #tpu.memory_space<vmem>>
    %dma_wait3A_517 = arith.constant 0 : i32
    %dma_wait3A_518 = tpu.memref_slice %arg3[%dma_wait3A_517] : memref<26000xf32, #tpu.memory_space<hbm>> -> memref<26000xf32, #tpu.memory_space<hbm>>
    tpu.wait_indirect_dma semaphore(%arg24 : memref<!tpu.dma_semaphore, #tpu.memory_space<semaphore_mem>>) src(%dma_wait3A_518 : memref<26000xf32, #tpu.memory_space<hbm>>) dst(%arg14 : memref<128xf32, #tpu.memory_space<vmem>>)
    %add3A_519 = arith.constant 1408 : i32
    %add3A_520 = arith.addi %mul3A_2, %add3A_519 : i32
    %dma_start3A_521 = arith.constant 0 : i32
    %dma_start3A_522 = tpu.memref_slice %arg5[%add3A_520, %dma_start3A_521] : memref<106496x128xf32, #tpu.memory_space<hbm>> -> memref<128x128xf32, #tpu.memory_space<hbm>>
    %dma_start3A_523 = arith.constant 0 : i32
    %dma_start3A_524 = tpu.memref_slice %arg5[%add3A_520, %dma_start3A_523] : memref<106496x128xf32, #tpu.memory_space<hbm>> -> memref<128x128xf32, #tpu.memory_space<hbm>>
    tpu.enqueue_dma source(%arg9 : memref<128x128xf32, #tpu.memory_space<vmem>>) target(%dma_start3A_524 : memref<128x128xf32, #tpu.memory_space<hbm>>) target_semaphore(%arg29 : memref<!tpu.dma_semaphore, #tpu.memory_space<semaphore_mem>>)
    %dma_start3A_525 = tpu.memref_slice %arg6[%add3A_520] : memref<106496xf32, #tpu.memory_space<hbm>> -> memref<128xf32, #tpu.memory_space<hbm>>
    %dma_start3A_526 = tpu.memref_slice %arg6[%add3A_520] : memref<106496xf32, #tpu.memory_space<hbm>> -> memref<128xf32, #tpu.memory_space<hbm>>
    tpu.enqueue_dma source(%arg14 : memref<128xf32, #tpu.memory_space<vmem>>) target(%dma_start3A_526 : memref<128xf32, #tpu.memory_space<hbm>>) target_semaphore(%arg34 : memref<!tpu.dma_semaphore, #tpu.memory_space<semaphore_mem>>)
    %dma_wait3A_527 = arith.constant 0 : i32
    %dma_wait3A_528 = tpu.memref_slice %arg5[%add3A_520, %dma_wait3A_527] : memref<106496x128xf32, #tpu.memory_space<hbm>> -> memref<128x128xf32, #tpu.memory_space<hbm>>
    %dma_wait3A_529 = arith.constant 0 : i32
    %dma_wait3A_530 = tpu.memref_slice %arg5[%add3A_520, %dma_wait3A_529] : memref<106496x128xf32, #tpu.memory_space<hbm>> -> memref<128x128xf32, #tpu.memory_space<hbm>>
    tpu.wait_dma2 semaphore(%arg29 : memref<!tpu.dma_semaphore, #tpu.memory_space<semaphore_mem>>) src(%arg9 : memref<128x128xf32, #tpu.memory_space<vmem>>) dst(%dma_wait3A_530 : memref<128x128xf32, #tpu.memory_space<hbm>>)
    %dma_wait3A_531 = tpu.memref_slice %arg6[%add3A_520] : memref<106496xf32, #tpu.memory_space<hbm>> -> memref<128xf32, #tpu.memory_space<hbm>>
    %dma_wait3A_532 = tpu.memref_slice %arg6[%add3A_520] : memref<106496xf32, #tpu.memory_space<hbm>> -> memref<128xf32, #tpu.memory_space<hbm>>
    tpu.wait_dma2 semaphore(%arg34 : memref<!tpu.dma_semaphore, #tpu.memory_space<semaphore_mem>>) src(%arg14 : memref<128xf32, #tpu.memory_space<vmem>>) dst(%dma_wait3A_532 : memref<128xf32, #tpu.memory_space<hbm>>)
    %dma_start3A_533 = arith.constant 16 : i32
    %dma_start3A_534 = arith.constant 0 : i32
    %dma_start3A_535 = tpu.memref_slice %arg7[%dma_start3A_533, %dma_start3A_534] : memref<26x128xi32, #tpu.memory_space<vmem>> -> memref<1x128xi32, #tpu.memory_space<vmem>>
    %dma_start3A_536 = tpu.memref_squeeze %dma_start3A_535 : memref<1x128xi32, #tpu.memory_space<vmem>> -> memref<128xi32, #tpu.memory_space<vmem>>
    %dma_start3A_537 = arith.constant 0 : i32
    %dma_start3A_538 = arith.constant 0 : i32
    %dma_start3A_539 = tpu.memref_slice %arg2[%dma_start3A_537, %dma_start3A_538] : memref<26000x128xf32, #tpu.memory_space<hbm>> -> memref<26000x128xf32, #tpu.memory_space<hbm>>
    tpu.enqueue_indirect_dma source(%dma_start3A_539 : memref<26000x128xf32, #tpu.memory_space<hbm>>) target(%arg9 : memref<128x128xf32, #tpu.memory_space<vmem>>) offsets(%dma_start3A_536 : memref<128xi32, #tpu.memory_space<vmem>>) semaphore(%arg19 : memref<!tpu.dma_semaphore, #tpu.memory_space<semaphore_mem>>)
    %dma_start3A_540 = arith.constant 16 : i32
    %dma_start3A_541 = arith.constant 0 : i32
    %dma_start3A_542 = tpu.memref_slice %arg7[%dma_start3A_540, %dma_start3A_541] : memref<26x128xi32, #tpu.memory_space<vmem>> -> memref<1x128xi32, #tpu.memory_space<vmem>>
    %dma_start3A_543 = tpu.memref_squeeze %dma_start3A_542 : memref<1x128xi32, #tpu.memory_space<vmem>> -> memref<128xi32, #tpu.memory_space<vmem>>
    %dma_start3A_544 = arith.constant 0 : i32
    %dma_start3A_545 = tpu.memref_slice %arg3[%dma_start3A_544] : memref<26000xf32, #tpu.memory_space<hbm>> -> memref<26000xf32, #tpu.memory_space<hbm>>
    tpu.enqueue_indirect_dma source(%dma_start3A_545 : memref<26000xf32, #tpu.memory_space<hbm>>) target(%arg14 : memref<128xf32, #tpu.memory_space<vmem>>) offsets(%dma_start3A_543 : memref<128xi32, #tpu.memory_space<vmem>>) semaphore(%arg24 : memref<!tpu.dma_semaphore, #tpu.memory_space<semaphore_mem>>)
    %dma_wait3A_546 = arith.constant 12 : i32
    %dma_wait3A_547 = arith.constant 0 : i32
    %dma_wait3A_548 = tpu.memref_slice %arg7[%dma_wait3A_546, %dma_wait3A_547] : memref<26x128xi32, #tpu.memory_space<vmem>> -> memref<1x128xi32, #tpu.memory_space<vmem>>
    %dma_wait3A_549 = tpu.memref_squeeze %dma_wait3A_548 : memref<1x128xi32, #tpu.memory_space<vmem>> -> memref<128xi32, #tpu.memory_space<vmem>>
    %dma_wait3A_550 = arith.constant 0 : i32
    %dma_wait3A_551 = arith.constant 0 : i32
    %dma_wait3A_552 = tpu.memref_slice %arg2[%dma_wait3A_550, %dma_wait3A_551] : memref<26000x128xf32, #tpu.memory_space<hbm>> -> memref<26000x128xf32, #tpu.memory_space<hbm>>
    tpu.wait_indirect_dma semaphore(%arg20 : memref<!tpu.dma_semaphore, #tpu.memory_space<semaphore_mem>>) src(%dma_wait3A_552 : memref<26000x128xf32, #tpu.memory_space<hbm>>) dst(%arg10 : memref<128x128xf32, #tpu.memory_space<vmem>>)
    %dma_wait3A_553 = arith.constant 12 : i32
    %dma_wait3A_554 = arith.constant 0 : i32
    %dma_wait3A_555 = tpu.memref_slice %arg7[%dma_wait3A_553, %dma_wait3A_554] : memref<26x128xi32, #tpu.memory_space<vmem>> -> memref<1x128xi32, #tpu.memory_space<vmem>>
    %dma_wait3A_556 = tpu.memref_squeeze %dma_wait3A_555 : memref<1x128xi32, #tpu.memory_space<vmem>> -> memref<128xi32, #tpu.memory_space<vmem>>
    %dma_wait3A_557 = arith.constant 0 : i32
    %dma_wait3A_558 = tpu.memref_slice %arg3[%dma_wait3A_557] : memref<26000xf32, #tpu.memory_space<hbm>> -> memref<26000xf32, #tpu.memory_space<hbm>>
    tpu.wait_indirect_dma semaphore(%arg25 : memref<!tpu.dma_semaphore, #tpu.memory_space<semaphore_mem>>) src(%dma_wait3A_558 : memref<26000xf32, #tpu.memory_space<hbm>>) dst(%arg15 : memref<128xf32, #tpu.memory_space<vmem>>)
    %add3A_559 = arith.constant 1536 : i32
    %add3A_560 = arith.addi %mul3A_2, %add3A_559 : i32
    %dma_start3A_561 = arith.constant 0 : i32
    %dma_start3A_562 = tpu.memref_slice %arg5[%add3A_560, %dma_start3A_561] : memref<106496x128xf32, #tpu.memory_space<hbm>> -> memref<128x128xf32, #tpu.memory_space<hbm>>
    %dma_start3A_563 = arith.constant 0 : i32
    %dma_start3A_564 = tpu.memref_slice %arg5[%add3A_560, %dma_start3A_563] : memref<106496x128xf32, #tpu.memory_space<hbm>> -> memref<128x128xf32, #tpu.memory_space<hbm>>
    tpu.enqueue_dma source(%arg10 : memref<128x128xf32, #tpu.memory_space<vmem>>) target(%dma_start3A_564 : memref<128x128xf32, #tpu.memory_space<hbm>>) target_semaphore(%arg30 : memref<!tpu.dma_semaphore, #tpu.memory_space<semaphore_mem>>)
    %dma_start3A_565 = tpu.memref_slice %arg6[%add3A_560] : memref<106496xf32, #tpu.memory_space<hbm>> -> memref<128xf32, #tpu.memory_space<hbm>>
    %dma_start3A_566 = tpu.memref_slice %arg6[%add3A_560] : memref<106496xf32, #tpu.memory_space<hbm>> -> memref<128xf32, #tpu.memory_space<hbm>>
    tpu.enqueue_dma source(%arg15 : memref<128xf32, #tpu.memory_space<vmem>>) target(%dma_start3A_566 : memref<128xf32, #tpu.memory_space<hbm>>) target_semaphore(%arg35 : memref<!tpu.dma_semaphore, #tpu.memory_space<semaphore_mem>>)
    %dma_wait3A_567 = arith.constant 0 : i32
    %dma_wait3A_568 = tpu.memref_slice %arg5[%add3A_560, %dma_wait3A_567] : memref<106496x128xf32, #tpu.memory_space<hbm>> -> memref<128x128xf32, #tpu.memory_space<hbm>>
    %dma_wait3A_569 = arith.constant 0 : i32
    %dma_wait3A_570 = tpu.memref_slice %arg5[%add3A_560, %dma_wait3A_569] : memref<106496x128xf32, #tpu.memory_space<hbm>> -> memref<128x128xf32, #tpu.memory_space<hbm>>
    tpu.wait_dma2 semaphore(%arg30 : memref<!tpu.dma_semaphore, #tpu.memory_space<semaphore_mem>>) src(%arg10 : memref<128x128xf32, #tpu.memory_space<vmem>>) dst(%dma_wait3A_570 : memref<128x128xf32, #tpu.memory_space<hbm>>)
    %dma_wait3A_571 = tpu.memref_slice %arg6[%add3A_560] : memref<106496xf32, #tpu.memory_space<hbm>> -> memref<128xf32, #tpu.memory_space<hbm>>
    %dma_wait3A_572 = tpu.memref_slice %arg6[%add3A_560] : memref<106496xf32, #tpu.memory_space<hbm>> -> memref<128xf32, #tpu.memory_space<hbm>>
    tpu.wait_dma2 semaphore(%arg35 : memref<!tpu.dma_semaphore, #tpu.memory_space<semaphore_mem>>) src(%arg15 : memref<128xf32, #tpu.memory_space<vmem>>) dst(%dma_wait3A_572 : memref<128xf32, #tpu.memory_space<hbm>>)
    %dma_start3A_573 = arith.constant 17 : i32
    %dma_start3A_574 = arith.constant 0 : i32
    %dma_start3A_575 = tpu.memref_slice %arg7[%dma_start3A_573, %dma_start3A_574] : memref<26x128xi32, #tpu.memory_space<vmem>> -> memref<1x128xi32, #tpu.memory_space<vmem>>
    %dma_start3A_576 = tpu.memref_squeeze %dma_start3A_575 : memref<1x128xi32, #tpu.memory_space<vmem>> -> memref<128xi32, #tpu.memory_space<vmem>>
    %dma_start3A_577 = arith.constant 0 : i32
    %dma_start3A_578 = arith.constant 0 : i32
    %dma_start3A_579 = tpu.memref_slice %arg2[%dma_start3A_577, %dma_start3A_578] : memref<26000x128xf32, #tpu.memory_space<hbm>> -> memref<26000x128xf32, #tpu.memory_space<hbm>>
    tpu.enqueue_indirect_dma source(%dma_start3A_579 : memref<26000x128xf32, #tpu.memory_space<hbm>>) target(%arg10 : memref<128x128xf32, #tpu.memory_space<vmem>>) offsets(%dma_start3A_576 : memref<128xi32, #tpu.memory_space<vmem>>) semaphore(%arg20 : memref<!tpu.dma_semaphore, #tpu.memory_space<semaphore_mem>>)
    %dma_start3A_580 = arith.constant 17 : i32
    %dma_start3A_581 = arith.constant 0 : i32
    %dma_start3A_582 = tpu.memref_slice %arg7[%dma_start3A_580, %dma_start3A_581] : memref<26x128xi32, #tpu.memory_space<vmem>> -> memref<1x128xi32, #tpu.memory_space<vmem>>
    %dma_start3A_583 = tpu.memref_squeeze %dma_start3A_582 : memref<1x128xi32, #tpu.memory_space<vmem>> -> memref<128xi32, #tpu.memory_space<vmem>>
    %dma_start3A_584 = arith.constant 0 : i32
    %dma_start3A_585 = tpu.memref_slice %arg3[%dma_start3A_584] : memref<26000xf32, #tpu.memory_space<hbm>> -> memref<26000xf32, #tpu.memory_space<hbm>>
    tpu.enqueue_indirect_dma source(%dma_start3A_585 : memref<26000xf32, #tpu.memory_space<hbm>>) target(%arg15 : memref<128xf32, #tpu.memory_space<vmem>>) offsets(%dma_start3A_583 : memref<128xi32, #tpu.memory_space<vmem>>) semaphore(%arg25 : memref<!tpu.dma_semaphore, #tpu.memory_space<semaphore_mem>>)
    %dma_wait3A_586 = arith.constant 13 : i32
    %dma_wait3A_587 = arith.constant 0 : i32
    %dma_wait3A_588 = tpu.memref_slice %arg7[%dma_wait3A_586, %dma_wait3A_587] : memref<26x128xi32, #tpu.memory_space<vmem>> -> memref<1x128xi32, #tpu.memory_space<vmem>>
    %dma_wait3A_589 = tpu.memref_squeeze %dma_wait3A_588 : memref<1x128xi32, #tpu.memory_space<vmem>> -> memref<128xi32, #tpu.memory_space<vmem>>
    %dma_wait3A_590 = arith.constant 0 : i32
    %dma_wait3A_591 = arith.constant 0 : i32
    %dma_wait3A_592 = tpu.memref_slice %arg2[%dma_wait3A_590, %dma_wait3A_591] : memref<26000x128xf32, #tpu.memory_space<hbm>> -> memref<26000x128xf32, #tpu.memory_space<hbm>>
    tpu.wait_indirect_dma semaphore(%arg21 : memref<!tpu.dma_semaphore, #tpu.memory_space<semaphore_mem>>) src(%dma_wait3A_592 : memref<26000x128xf32, #tpu.memory_space<hbm>>) dst(%arg11 : memref<128x128xf32, #tpu.memory_space<vmem>>)
    %dma_wait3A_593 = arith.constant 13 : i32
    %dma_wait3A_594 = arith.constant 0 : i32
    %dma_wait3A_595 = tpu.memref_slice %arg7[%dma_wait3A_593, %dma_wait3A_594] : memref<26x128xi32, #tpu.memory_space<vmem>> -> memref<1x128xi32, #tpu.memory_space<vmem>>
    %dma_wait3A_596 = tpu.memref_squeeze %dma_wait3A_595 : memref<1x128xi32, #tpu.memory_space<vmem>> -> memref<128xi32, #tpu.memory_space<vmem>>
    %dma_wait3A_597 = arith.constant 0 : i32
    %dma_wait3A_598 = tpu.memref_slice %arg3[%dma_wait3A_597] : memref<26000xf32, #tpu.memory_space<hbm>> -> memref<26000xf32, #tpu.memory_space<hbm>>
    tpu.wait_indirect_dma semaphore(%arg26 : memref<!tpu.dma_semaphore, #tpu.memory_space<semaphore_mem>>) src(%dma_wait3A_598 : memref<26000xf32, #tpu.memory_space<hbm>>) dst(%arg16 : memref<128xf32, #tpu.memory_space<vmem>>)
    %add3A_599 = arith.constant 1664 : i32
    %add3A_600 = arith.addi %mul3A_2, %add3A_599 : i32
    %dma_start3A_601 = arith.constant 0 : i32
    %dma_start3A_602 = tpu.memref_slice %arg5[%add3A_600, %dma_start3A_601] : memref<106496x128xf32, #tpu.memory_space<hbm>> -> memref<128x128xf32, #tpu.memory_space<hbm>>
    %dma_start3A_603 = arith.constant 0 : i32
    %dma_start3A_604 = tpu.memref_slice %arg5[%add3A_600, %dma_start3A_603] : memref<106496x128xf32, #tpu.memory_space<hbm>> -> memref<128x128xf32, #tpu.memory_space<hbm>>
    tpu.enqueue_dma source(%arg11 : memref<128x128xf32, #tpu.memory_space<vmem>>) target(%dma_start3A_604 : memref<128x128xf32, #tpu.memory_space<hbm>>) target_semaphore(%arg31 : memref<!tpu.dma_semaphore, #tpu.memory_space<semaphore_mem>>)
    %dma_start3A_605 = tpu.memref_slice %arg6[%add3A_600] : memref<106496xf32, #tpu.memory_space<hbm>> -> memref<128xf32, #tpu.memory_space<hbm>>
    %dma_start3A_606 = tpu.memref_slice %arg6[%add3A_600] : memref<106496xf32, #tpu.memory_space<hbm>> -> memref<128xf32, #tpu.memory_space<hbm>>
    tpu.enqueue_dma source(%arg16 : memref<128xf32, #tpu.memory_space<vmem>>) target(%dma_start3A_606 : memref<128xf32, #tpu.memory_space<hbm>>) target_semaphore(%arg36 : memref<!tpu.dma_semaphore, #tpu.memory_space<semaphore_mem>>)
    %dma_wait3A_607 = arith.constant 0 : i32
    %dma_wait3A_608 = tpu.memref_slice %arg5[%add3A_600, %dma_wait3A_607] : memref<106496x128xf32, #tpu.memory_space<hbm>> -> memref<128x128xf32, #tpu.memory_space<hbm>>
    %dma_wait3A_609 = arith.constant 0 : i32
    %dma_wait3A_610 = tpu.memref_slice %arg5[%add3A_600, %dma_wait3A_609] : memref<106496x128xf32, #tpu.memory_space<hbm>> -> memref<128x128xf32, #tpu.memory_space<hbm>>
    tpu.wait_dma2 semaphore(%arg31 : memref<!tpu.dma_semaphore, #tpu.memory_space<semaphore_mem>>) src(%arg11 : memref<128x128xf32, #tpu.memory_space<vmem>>) dst(%dma_wait3A_610 : memref<128x128xf32, #tpu.memory_space<hbm>>)
    %dma_wait3A_611 = tpu.memref_slice %arg6[%add3A_600] : memref<106496xf32, #tpu.memory_space<hbm>> -> memref<128xf32, #tpu.memory_space<hbm>>
    %dma_wait3A_612 = tpu.memref_slice %arg6[%add3A_600] : memref<106496xf32, #tpu.memory_space<hbm>> -> memref<128xf32, #tpu.memory_space<hbm>>
    tpu.wait_dma2 semaphore(%arg36 : memref<!tpu.dma_semaphore, #tpu.memory_space<semaphore_mem>>) src(%arg16 : memref<128xf32, #tpu.memory_space<vmem>>) dst(%dma_wait3A_612 : memref<128xf32, #tpu.memory_space<hbm>>)
    %dma_start3A_613 = arith.constant 18 : i32
    %dma_start3A_614 = arith.constant 0 : i32
    %dma_start3A_615 = tpu.memref_slice %arg7[%dma_start3A_613, %dma_start3A_614] : memref<26x128xi32, #tpu.memory_space<vmem>> -> memref<1x128xi32, #tpu.memory_space<vmem>>
    %dma_start3A_616 = tpu.memref_squeeze %dma_start3A_615 : memref<1x128xi32, #tpu.memory_space<vmem>> -> memref<128xi32, #tpu.memory_space<vmem>>
    %dma_start3A_617 = arith.constant 0 : i32
    %dma_start3A_618 = arith.constant 0 : i32
    %dma_start3A_619 = tpu.memref_slice %arg2[%dma_start3A_617, %dma_start3A_618] : memref<26000x128xf32, #tpu.memory_space<hbm>> -> memref<26000x128xf32, #tpu.memory_space<hbm>>
    tpu.enqueue_indirect_dma source(%dma_start3A_619 : memref<26000x128xf32, #tpu.memory_space<hbm>>) target(%arg11 : memref<128x128xf32, #tpu.memory_space<vmem>>) offsets(%dma_start3A_616 : memref<128xi32, #tpu.memory_space<vmem>>) semaphore(%arg21 : memref<!tpu.dma_semaphore, #tpu.memory_space<semaphore_mem>>)
    %dma_start3A_620 = arith.constant 18 : i32
    %dma_start3A_621 = arith.constant 0 : i32
    %dma_start3A_622 = tpu.memref_slice %arg7[%dma_start3A_620, %dma_start3A_621] : memref<26x128xi32, #tpu.memory_space<vmem>> -> memref<1x128xi32, #tpu.memory_space<vmem>>
    %dma_start3A_623 = tpu.memref_squeeze %dma_start3A_622 : memref<1x128xi32, #tpu.memory_space<vmem>> -> memref<128xi32, #tpu.memory_space<vmem>>
    %dma_start3A_624 = arith.constant 0 : i32
    %dma_start3A_625 = tpu.memref_slice %arg3[%dma_start3A_624] : memref<26000xf32, #tpu.memory_space<hbm>> -> memref<26000xf32, #tpu.memory_space<hbm>>
    tpu.enqueue_indirect_dma source(%dma_start3A_625 : memref<26000xf32, #tpu.memory_space<hbm>>) target(%arg16 : memref<128xf32, #tpu.memory_space<vmem>>) offsets(%dma_start3A_623 : memref<128xi32, #tpu.memory_space<vmem>>) semaphore(%arg26 : memref<!tpu.dma_semaphore, #tpu.memory_space<semaphore_mem>>)
    %dma_wait3A_626 = arith.constant 14 : i32
    %dma_wait3A_627 = arith.constant 0 : i32
    %dma_wait3A_628 = tpu.memref_slice %arg7[%dma_wait3A_626, %dma_wait3A_627] : memref<26x128xi32, #tpu.memory_space<vmem>> -> memref<1x128xi32, #tpu.memory_space<vmem>>
    %dma_wait3A_629 = tpu.memref_squeeze %dma_wait3A_628 : memref<1x128xi32, #tpu.memory_space<vmem>> -> memref<128xi32, #tpu.memory_space<vmem>>
    %dma_wait3A_630 = arith.constant 0 : i32
    %dma_wait3A_631 = arith.constant 0 : i32
    %dma_wait3A_632 = tpu.memref_slice %arg2[%dma_wait3A_630, %dma_wait3A_631] : memref<26000x128xf32, #tpu.memory_space<hbm>> -> memref<26000x128xf32, #tpu.memory_space<hbm>>
    tpu.wait_indirect_dma semaphore(%arg22 : memref<!tpu.dma_semaphore, #tpu.memory_space<semaphore_mem>>) src(%dma_wait3A_632 : memref<26000x128xf32, #tpu.memory_space<hbm>>) dst(%arg12 : memref<128x128xf32, #tpu.memory_space<vmem>>)
    %dma_wait3A_633 = arith.constant 14 : i32
    %dma_wait3A_634 = arith.constant 0 : i32
    %dma_wait3A_635 = tpu.memref_slice %arg7[%dma_wait3A_633, %dma_wait3A_634] : memref<26x128xi32, #tpu.memory_space<vmem>> -> memref<1x128xi32, #tpu.memory_space<vmem>>
    %dma_wait3A_636 = tpu.memref_squeeze %dma_wait3A_635 : memref<1x128xi32, #tpu.memory_space<vmem>> -> memref<128xi32, #tpu.memory_space<vmem>>
    %dma_wait3A_637 = arith.constant 0 : i32
    %dma_wait3A_638 = tpu.memref_slice %arg3[%dma_wait3A_637] : memref<26000xf32, #tpu.memory_space<hbm>> -> memref<26000xf32, #tpu.memory_space<hbm>>
    tpu.wait_indirect_dma semaphore(%arg27 : memref<!tpu.dma_semaphore, #tpu.memory_space<semaphore_mem>>) src(%dma_wait3A_638 : memref<26000xf32, #tpu.memory_space<hbm>>) dst(%arg17 : memref<128xf32, #tpu.memory_space<vmem>>)
    %add3A_639 = arith.constant 1792 : i32
    %add3A_640 = arith.addi %mul3A_2, %add3A_639 : i32
    %dma_start3A_641 = arith.constant 0 : i32
    %dma_start3A_642 = tpu.memref_slice %arg5[%add3A_640, %dma_start3A_641] : memref<106496x128xf32, #tpu.memory_space<hbm>> -> memref<128x128xf32, #tpu.memory_space<hbm>>
    %dma_start3A_643 = arith.constant 0 : i32
    %dma_start3A_644 = tpu.memref_slice %arg5[%add3A_640, %dma_start3A_643] : memref<106496x128xf32, #tpu.memory_space<hbm>> -> memref<128x128xf32, #tpu.memory_space<hbm>>
    tpu.enqueue_dma source(%arg12 : memref<128x128xf32, #tpu.memory_space<vmem>>) target(%dma_start3A_644 : memref<128x128xf32, #tpu.memory_space<hbm>>) target_semaphore(%arg32 : memref<!tpu.dma_semaphore, #tpu.memory_space<semaphore_mem>>)
    %dma_start3A_645 = tpu.memref_slice %arg6[%add3A_640] : memref<106496xf32, #tpu.memory_space<hbm>> -> memref<128xf32, #tpu.memory_space<hbm>>
    %dma_start3A_646 = tpu.memref_slice %arg6[%add3A_640] : memref<106496xf32, #tpu.memory_space<hbm>> -> memref<128xf32, #tpu.memory_space<hbm>>
    tpu.enqueue_dma source(%arg17 : memref<128xf32, #tpu.memory_space<vmem>>) target(%dma_start3A_646 : memref<128xf32, #tpu.memory_space<hbm>>) target_semaphore(%arg37 : memref<!tpu.dma_semaphore, #tpu.memory_space<semaphore_mem>>)
    %dma_wait3A_647 = arith.constant 0 : i32
    %dma_wait3A_648 = tpu.memref_slice %arg5[%add3A_640, %dma_wait3A_647] : memref<106496x128xf32, #tpu.memory_space<hbm>> -> memref<128x128xf32, #tpu.memory_space<hbm>>
    %dma_wait3A_649 = arith.constant 0 : i32
    %dma_wait3A_650 = tpu.memref_slice %arg5[%add3A_640, %dma_wait3A_649] : memref<106496x128xf32, #tpu.memory_space<hbm>> -> memref<128x128xf32, #tpu.memory_space<hbm>>
    tpu.wait_dma2 semaphore(%arg32 : memref<!tpu.dma_semaphore, #tpu.memory_space<semaphore_mem>>) src(%arg12 : memref<128x128xf32, #tpu.memory_space<vmem>>) dst(%dma_wait3A_650 : memref<128x128xf32, #tpu.memory_space<hbm>>)
    %dma_wait3A_651 = tpu.memref_slice %arg6[%add3A_640] : memref<106496xf32, #tpu.memory_space<hbm>> -> memref<128xf32, #tpu.memory_space<hbm>>
    %dma_wait3A_652 = tpu.memref_slice %arg6[%add3A_640] : memref<106496xf32, #tpu.memory_space<hbm>> -> memref<128xf32, #tpu.memory_space<hbm>>
    tpu.wait_dma2 semaphore(%arg37 : memref<!tpu.dma_semaphore, #tpu.memory_space<semaphore_mem>>) src(%arg17 : memref<128xf32, #tpu.memory_space<vmem>>) dst(%dma_wait3A_652 : memref<128xf32, #tpu.memory_space<hbm>>)
    %dma_start3A_653 = arith.constant 19 : i32
    %dma_start3A_654 = arith.constant 0 : i32
    %dma_start3A_655 = tpu.memref_slice %arg7[%dma_start3A_653, %dma_start3A_654] : memref<26x128xi32, #tpu.memory_space<vmem>> -> memref<1x128xi32, #tpu.memory_space<vmem>>
    %dma_start3A_656 = tpu.memref_squeeze %dma_start3A_655 : memref<1x128xi32, #tpu.memory_space<vmem>> -> memref<128xi32, #tpu.memory_space<vmem>>
    %dma_start3A_657 = arith.constant 0 : i32
    %dma_start3A_658 = arith.constant 0 : i32
    %dma_start3A_659 = tpu.memref_slice %arg2[%dma_start3A_657, %dma_start3A_658] : memref<26000x128xf32, #tpu.memory_space<hbm>> -> memref<26000x128xf32, #tpu.memory_space<hbm>>
    tpu.enqueue_indirect_dma source(%dma_start3A_659 : memref<26000x128xf32, #tpu.memory_space<hbm>>) target(%arg12 : memref<128x128xf32, #tpu.memory_space<vmem>>) offsets(%dma_start3A_656 : memref<128xi32, #tpu.memory_space<vmem>>) semaphore(%arg22 : memref<!tpu.dma_semaphore, #tpu.memory_space<semaphore_mem>>)
    %dma_start3A_660 = arith.constant 19 : i32
    %dma_start3A_661 = arith.constant 0 : i32
    %dma_start3A_662 = tpu.memref_slice %arg7[%dma_start3A_660, %dma_start3A_661] : memref<26x128xi32, #tpu.memory_space<vmem>> -> memref<1x128xi32, #tpu.memory_space<vmem>>
    %dma_start3A_663 = tpu.memref_squeeze %dma_start3A_662 : memref<1x128xi32, #tpu.memory_space<vmem>> -> memref<128xi32, #tpu.memory_space<vmem>>
    %dma_start3A_664 = arith.constant 0 : i32
    %dma_start3A_665 = tpu.memref_slice %arg3[%dma_start3A_664] : memref<26000xf32, #tpu.memory_space<hbm>> -> memref<26000xf32, #tpu.memory_space<hbm>>
    tpu.enqueue_indirect_dma source(%dma_start3A_665 : memref<26000xf32, #tpu.memory_space<hbm>>) target(%arg17 : memref<128xf32, #tpu.memory_space<vmem>>) offsets(%dma_start3A_663 : memref<128xi32, #tpu.memory_space<vmem>>) semaphore(%arg27 : memref<!tpu.dma_semaphore, #tpu.memory_space<semaphore_mem>>)
    %dma_wait3A_666 = arith.constant 15 : i32
    %dma_wait3A_667 = arith.constant 0 : i32
    %dma_wait3A_668 = tpu.memref_slice %arg7[%dma_wait3A_666, %dma_wait3A_667] : memref<26x128xi32, #tpu.memory_space<vmem>> -> memref<1x128xi32, #tpu.memory_space<vmem>>
    %dma_wait3A_669 = tpu.memref_squeeze %dma_wait3A_668 : memref<1x128xi32, #tpu.memory_space<vmem>> -> memref<128xi32, #tpu.memory_space<vmem>>
    %dma_wait3A_670 = arith.constant 0 : i32
    %dma_wait3A_671 = arith.constant 0 : i32
    %dma_wait3A_672 = tpu.memref_slice %arg2[%dma_wait3A_670, %dma_wait3A_671] : memref<26000x128xf32, #tpu.memory_space<hbm>> -> memref<26000x128xf32, #tpu.memory_space<hbm>>
    tpu.wait_indirect_dma semaphore(%arg18 : memref<!tpu.dma_semaphore, #tpu.memory_space<semaphore_mem>>) src(%dma_wait3A_672 : memref<26000x128xf32, #tpu.memory_space<hbm>>) dst(%arg8 : memref<128x128xf32, #tpu.memory_space<vmem>>)
    %dma_wait3A_673 = arith.constant 15 : i32
    %dma_wait3A_674 = arith.constant 0 : i32
    %dma_wait3A_675 = tpu.memref_slice %arg7[%dma_wait3A_673, %dma_wait3A_674] : memref<26x128xi32, #tpu.memory_space<vmem>> -> memref<1x128xi32, #tpu.memory_space<vmem>>
    %dma_wait3A_676 = tpu.memref_squeeze %dma_wait3A_675 : memref<1x128xi32, #tpu.memory_space<vmem>> -> memref<128xi32, #tpu.memory_space<vmem>>
    %dma_wait3A_677 = arith.constant 0 : i32
    %dma_wait3A_678 = tpu.memref_slice %arg3[%dma_wait3A_677] : memref<26000xf32, #tpu.memory_space<hbm>> -> memref<26000xf32, #tpu.memory_space<hbm>>
    tpu.wait_indirect_dma semaphore(%arg23 : memref<!tpu.dma_semaphore, #tpu.memory_space<semaphore_mem>>) src(%dma_wait3A_678 : memref<26000xf32, #tpu.memory_space<hbm>>) dst(%arg13 : memref<128xf32, #tpu.memory_space<vmem>>)
    %add3A_679 = arith.constant 1920 : i32
    %add3A_680 = arith.addi %mul3A_2, %add3A_679 : i32
    %dma_start3A_681 = arith.constant 0 : i32
    %dma_start3A_682 = tpu.memref_slice %arg5[%add3A_680, %dma_start3A_681] : memref<106496x128xf32, #tpu.memory_space<hbm>> -> memref<128x128xf32, #tpu.memory_space<hbm>>
    %dma_start3A_683 = arith.constant 0 : i32
    %dma_start3A_684 = tpu.memref_slice %arg5[%add3A_680, %dma_start3A_683] : memref<106496x128xf32, #tpu.memory_space<hbm>> -> memref<128x128xf32, #tpu.memory_space<hbm>>
    tpu.enqueue_dma source(%arg8 : memref<128x128xf32, #tpu.memory_space<vmem>>) target(%dma_start3A_684 : memref<128x128xf32, #tpu.memory_space<hbm>>) target_semaphore(%arg28 : memref<!tpu.dma_semaphore, #tpu.memory_space<semaphore_mem>>)
    %dma_start3A_685 = tpu.memref_slice %arg6[%add3A_680] : memref<106496xf32, #tpu.memory_space<hbm>> -> memref<128xf32, #tpu.memory_space<hbm>>
    %dma_start3A_686 = tpu.memref_slice %arg6[%add3A_680] : memref<106496xf32, #tpu.memory_space<hbm>> -> memref<128xf32, #tpu.memory_space<hbm>>
    tpu.enqueue_dma source(%arg13 : memref<128xf32, #tpu.memory_space<vmem>>) target(%dma_start3A_686 : memref<128xf32, #tpu.memory_space<hbm>>) target_semaphore(%arg33 : memref<!tpu.dma_semaphore, #tpu.memory_space<semaphore_mem>>)
    %dma_wait3A_687 = arith.constant 0 : i32
    %dma_wait3A_688 = tpu.memref_slice %arg5[%add3A_680, %dma_wait3A_687] : memref<106496x128xf32, #tpu.memory_space<hbm>> -> memref<128x128xf32, #tpu.memory_space<hbm>>
    %dma_wait3A_689 = arith.constant 0 : i32
    %dma_wait3A_690 = tpu.memref_slice %arg5[%add3A_680, %dma_wait3A_689] : memref<106496x128xf32, #tpu.memory_space<hbm>> -> memref<128x128xf32, #tpu.memory_space<hbm>>
    tpu.wait_dma2 semaphore(%arg28 : memref<!tpu.dma_semaphore, #tpu.memory_space<semaphore_mem>>) src(%arg8 : memref<128x128xf32, #tpu.memory_space<vmem>>) dst(%dma_wait3A_690 : memref<128x128xf32, #tpu.memory_space<hbm>>)
    %dma_wait3A_691 = tpu.memref_slice %arg6[%add3A_680] : memref<106496xf32, #tpu.memory_space<hbm>> -> memref<128xf32, #tpu.memory_space<hbm>>
    %dma_wait3A_692 = tpu.memref_slice %arg6[%add3A_680] : memref<106496xf32, #tpu.memory_space<hbm>> -> memref<128xf32, #tpu.memory_space<hbm>>
    tpu.wait_dma2 semaphore(%arg33 : memref<!tpu.dma_semaphore, #tpu.memory_space<semaphore_mem>>) src(%arg13 : memref<128xf32, #tpu.memory_space<vmem>>) dst(%dma_wait3A_692 : memref<128xf32, #tpu.memory_space<hbm>>)
    %dma_start3A_693 = arith.constant 20 : i32
    %dma_start3A_694 = arith.constant 0 : i32
    %dma_start3A_695 = tpu.memref_slice %arg7[%dma_start3A_693, %dma_start3A_694] : memref<26x128xi32, #tpu.memory_space<vmem>> -> memref<1x128xi32, #tpu.memory_space<vmem>>
    %dma_start3A_696 = tpu.memref_squeeze %dma_start3A_695 : memref<1x128xi32, #tpu.memory_space<vmem>> -> memref<128xi32, #tpu.memory_space<vmem>>
    %dma_start3A_697 = arith.constant 0 : i32
    %dma_start3A_698 = arith.constant 0 : i32
    %dma_start3A_699 = tpu.memref_slice %arg2[%dma_start3A_697, %dma_start3A_698] : memref<26000x128xf32, #tpu.memory_space<hbm>> -> memref<26000x128xf32, #tpu.memory_space<hbm>>
    tpu.enqueue_indirect_dma source(%dma_start3A_699 : memref<26000x128xf32, #tpu.memory_space<hbm>>) target(%arg8 : memref<128x128xf32, #tpu.memory_space<vmem>>) offsets(%dma_start3A_696 : memref<128xi32, #tpu.memory_space<vmem>>) semaphore(%arg18 : memref<!tpu.dma_semaphore, #tpu.memory_space<semaphore_mem>>)
    %dma_start3A_700 = arith.constant 20 : i32
    %dma_start3A_701 = arith.constant 0 : i32
    %dma_start3A_702 = tpu.memref_slice %arg7[%dma_start3A_700, %dma_start3A_701] : memref<26x128xi32, #tpu.memory_space<vmem>> -> memref<1x128xi32, #tpu.memory_space<vmem>>
    %dma_start3A_703 = tpu.memref_squeeze %dma_start3A_702 : memref<1x128xi32, #tpu.memory_space<vmem>> -> memref<128xi32, #tpu.memory_space<vmem>>
    %dma_start3A_704 = arith.constant 0 : i32
    %dma_start3A_705 = tpu.memref_slice %arg3[%dma_start3A_704] : memref<26000xf32, #tpu.memory_space<hbm>> -> memref<26000xf32, #tpu.memory_space<hbm>>
    tpu.enqueue_indirect_dma source(%dma_start3A_705 : memref<26000xf32, #tpu.memory_space<hbm>>) target(%arg13 : memref<128xf32, #tpu.memory_space<vmem>>) offsets(%dma_start3A_703 : memref<128xi32, #tpu.memory_space<vmem>>) semaphore(%arg23 : memref<!tpu.dma_semaphore, #tpu.memory_space<semaphore_mem>>)
    %dma_wait3A_706 = arith.constant 16 : i32
    %dma_wait3A_707 = arith.constant 0 : i32
    %dma_wait3A_708 = tpu.memref_slice %arg7[%dma_wait3A_706, %dma_wait3A_707] : memref<26x128xi32, #tpu.memory_space<vmem>> -> memref<1x128xi32, #tpu.memory_space<vmem>>
    %dma_wait3A_709 = tpu.memref_squeeze %dma_wait3A_708 : memref<1x128xi32, #tpu.memory_space<vmem>> -> memref<128xi32, #tpu.memory_space<vmem>>
    %dma_wait3A_710 = arith.constant 0 : i32
    %dma_wait3A_711 = arith.constant 0 : i32
    %dma_wait3A_712 = tpu.memref_slice %arg2[%dma_wait3A_710, %dma_wait3A_711] : memref<26000x128xf32, #tpu.memory_space<hbm>> -> memref<26000x128xf32, #tpu.memory_space<hbm>>
    tpu.wait_indirect_dma semaphore(%arg19 : memref<!tpu.dma_semaphore, #tpu.memory_space<semaphore_mem>>) src(%dma_wait3A_712 : memref<26000x128xf32, #tpu.memory_space<hbm>>) dst(%arg9 : memref<128x128xf32, #tpu.memory_space<vmem>>)
    %dma_wait3A_713 = arith.constant 16 : i32
    %dma_wait3A_714 = arith.constant 0 : i32
    %dma_wait3A_715 = tpu.memref_slice %arg7[%dma_wait3A_713, %dma_wait3A_714] : memref<26x128xi32, #tpu.memory_space<vmem>> -> memref<1x128xi32, #tpu.memory_space<vmem>>
    %dma_wait3A_716 = tpu.memref_squeeze %dma_wait3A_715 : memref<1x128xi32, #tpu.memory_space<vmem>> -> memref<128xi32, #tpu.memory_space<vmem>>
    %dma_wait3A_717 = arith.constant 0 : i32
    %dma_wait3A_718 = tpu.memref_slice %arg3[%dma_wait3A_717] : memref<26000xf32, #tpu.memory_space<hbm>> -> memref<26000xf32, #tpu.memory_space<hbm>>
    tpu.wait_indirect_dma semaphore(%arg24 : memref<!tpu.dma_semaphore, #tpu.memory_space<semaphore_mem>>) src(%dma_wait3A_718 : memref<26000xf32, #tpu.memory_space<hbm>>) dst(%arg14 : memref<128xf32, #tpu.memory_space<vmem>>)
    %add3A_719 = arith.constant 2048 : i32
    %add3A_720 = arith.addi %mul3A_2, %add3A_719 : i32
    %dma_start3A_721 = arith.constant 0 : i32
    %dma_start3A_722 = tpu.memref_slice %arg5[%add3A_720, %dma_start3A_721] : memref<106496x128xf32, #tpu.memory_space<hbm>> -> memref<128x128xf32, #tpu.memory_space<hbm>>
    %dma_start3A_723 = arith.constant 0 : i32
    %dma_start3A_724 = tpu.memref_slice %arg5[%add3A_720, %dma_start3A_723] : memref<106496x128xf32, #tpu.memory_space<hbm>> -> memref<128x128xf32, #tpu.memory_space<hbm>>
    tpu.enqueue_dma source(%arg9 : memref<128x128xf32, #tpu.memory_space<vmem>>) target(%dma_start3A_724 : memref<128x128xf32, #tpu.memory_space<hbm>>) target_semaphore(%arg29 : memref<!tpu.dma_semaphore, #tpu.memory_space<semaphore_mem>>)
    %dma_start3A_725 = tpu.memref_slice %arg6[%add3A_720] : memref<106496xf32, #tpu.memory_space<hbm>> -> memref<128xf32, #tpu.memory_space<hbm>>
    %dma_start3A_726 = tpu.memref_slice %arg6[%add3A_720] : memref<106496xf32, #tpu.memory_space<hbm>> -> memref<128xf32, #tpu.memory_space<hbm>>
    tpu.enqueue_dma source(%arg14 : memref<128xf32, #tpu.memory_space<vmem>>) target(%dma_start3A_726 : memref<128xf32, #tpu.memory_space<hbm>>) target_semaphore(%arg34 : memref<!tpu.dma_semaphore, #tpu.memory_space<semaphore_mem>>)
    %dma_wait3A_727 = arith.constant 0 : i32
    %dma_wait3A_728 = tpu.memref_slice %arg5[%add3A_720, %dma_wait3A_727] : memref<106496x128xf32, #tpu.memory_space<hbm>> -> memref<128x128xf32, #tpu.memory_space<hbm>>
    %dma_wait3A_729 = arith.constant 0 : i32
    %dma_wait3A_730 = tpu.memref_slice %arg5[%add3A_720, %dma_wait3A_729] : memref<106496x128xf32, #tpu.memory_space<hbm>> -> memref<128x128xf32, #tpu.memory_space<hbm>>
    tpu.wait_dma2 semaphore(%arg29 : memref<!tpu.dma_semaphore, #tpu.memory_space<semaphore_mem>>) src(%arg9 : memref<128x128xf32, #tpu.memory_space<vmem>>) dst(%dma_wait3A_730 : memref<128x128xf32, #tpu.memory_space<hbm>>)
    %dma_wait3A_731 = tpu.memref_slice %arg6[%add3A_720] : memref<106496xf32, #tpu.memory_space<hbm>> -> memref<128xf32, #tpu.memory_space<hbm>>
    %dma_wait3A_732 = tpu.memref_slice %arg6[%add3A_720] : memref<106496xf32, #tpu.memory_space<hbm>> -> memref<128xf32, #tpu.memory_space<hbm>>
    tpu.wait_dma2 semaphore(%arg34 : memref<!tpu.dma_semaphore, #tpu.memory_space<semaphore_mem>>) src(%arg14 : memref<128xf32, #tpu.memory_space<vmem>>) dst(%dma_wait3A_732 : memref<128xf32, #tpu.memory_space<hbm>>)
    %dma_start3A_733 = arith.constant 21 : i32
    %dma_start3A_734 = arith.constant 0 : i32
    %dma_start3A_735 = tpu.memref_slice %arg7[%dma_start3A_733, %dma_start3A_734] : memref<26x128xi32, #tpu.memory_space<vmem>> -> memref<1x128xi32, #tpu.memory_space<vmem>>
    %dma_start3A_736 = tpu.memref_squeeze %dma_start3A_735 : memref<1x128xi32, #tpu.memory_space<vmem>> -> memref<128xi32, #tpu.memory_space<vmem>>
    %dma_start3A_737 = arith.constant 0 : i32
    %dma_start3A_738 = arith.constant 0 : i32
    %dma_start3A_739 = tpu.memref_slice %arg2[%dma_start3A_737, %dma_start3A_738] : memref<26000x128xf32, #tpu.memory_space<hbm>> -> memref<26000x128xf32, #tpu.memory_space<hbm>>
    tpu.enqueue_indirect_dma source(%dma_start3A_739 : memref<26000x128xf32, #tpu.memory_space<hbm>>) target(%arg9 : memref<128x128xf32, #tpu.memory_space<vmem>>) offsets(%dma_start3A_736 : memref<128xi32, #tpu.memory_space<vmem>>) semaphore(%arg19 : memref<!tpu.dma_semaphore, #tpu.memory_space<semaphore_mem>>)
    %dma_start3A_740 = arith.constant 21 : i32
    %dma_start3A_741 = arith.constant 0 : i32
    %dma_start3A_742 = tpu.memref_slice %arg7[%dma_start3A_740, %dma_start3A_741] : memref<26x128xi32, #tpu.memory_space<vmem>> -> memref<1x128xi32, #tpu.memory_space<vmem>>
    %dma_start3A_743 = tpu.memref_squeeze %dma_start3A_742 : memref<1x128xi32, #tpu.memory_space<vmem>> -> memref<128xi32, #tpu.memory_space<vmem>>
    %dma_start3A_744 = arith.constant 0 : i32
    %dma_start3A_745 = tpu.memref_slice %arg3[%dma_start3A_744] : memref<26000xf32, #tpu.memory_space<hbm>> -> memref<26000xf32, #tpu.memory_space<hbm>>
    tpu.enqueue_indirect_dma source(%dma_start3A_745 : memref<26000xf32, #tpu.memory_space<hbm>>) target(%arg14 : memref<128xf32, #tpu.memory_space<vmem>>) offsets(%dma_start3A_743 : memref<128xi32, #tpu.memory_space<vmem>>) semaphore(%arg24 : memref<!tpu.dma_semaphore, #tpu.memory_space<semaphore_mem>>)
    %dma_wait3A_746 = arith.constant 17 : i32
    %dma_wait3A_747 = arith.constant 0 : i32
    %dma_wait3A_748 = tpu.memref_slice %arg7[%dma_wait3A_746, %dma_wait3A_747] : memref<26x128xi32, #tpu.memory_space<vmem>> -> memref<1x128xi32, #tpu.memory_space<vmem>>
    %dma_wait3A_749 = tpu.memref_squeeze %dma_wait3A_748 : memref<1x128xi32, #tpu.memory_space<vmem>> -> memref<128xi32, #tpu.memory_space<vmem>>
    %dma_wait3A_750 = arith.constant 0 : i32
    %dma_wait3A_751 = arith.constant 0 : i32
    %dma_wait3A_752 = tpu.memref_slice %arg2[%dma_wait3A_750, %dma_wait3A_751] : memref<26000x128xf32, #tpu.memory_space<hbm>> -> memref<26000x128xf32, #tpu.memory_space<hbm>>
    tpu.wait_indirect_dma semaphore(%arg20 : memref<!tpu.dma_semaphore, #tpu.memory_space<semaphore_mem>>) src(%dma_wait3A_752 : memref<26000x128xf32, #tpu.memory_space<hbm>>) dst(%arg10 : memref<128x128xf32, #tpu.memory_space<vmem>>)
    %dma_wait3A_753 = arith.constant 17 : i32
    %dma_wait3A_754 = arith.constant 0 : i32
    %dma_wait3A_755 = tpu.memref_slice %arg7[%dma_wait3A_753, %dma_wait3A_754] : memref<26x128xi32, #tpu.memory_space<vmem>> -> memref<1x128xi32, #tpu.memory_space<vmem>>
    %dma_wait3A_756 = tpu.memref_squeeze %dma_wait3A_755 : memref<1x128xi32, #tpu.memory_space<vmem>> -> memref<128xi32, #tpu.memory_space<vmem>>
    %dma_wait3A_757 = arith.constant 0 : i32
    %dma_wait3A_758 = tpu.memref_slice %arg3[%dma_wait3A_757] : memref<26000xf32, #tpu.memory_space<hbm>> -> memref<26000xf32, #tpu.memory_space<hbm>>
    tpu.wait_indirect_dma semaphore(%arg25 : memref<!tpu.dma_semaphore, #tpu.memory_space<semaphore_mem>>) src(%dma_wait3A_758 : memref<26000xf32, #tpu.memory_space<hbm>>) dst(%arg15 : memref<128xf32, #tpu.memory_space<vmem>>)
    %add3A_759 = arith.constant 2176 : i32
    %add3A_760 = arith.addi %mul3A_2, %add3A_759 : i32
    %dma_start3A_761 = arith.constant 0 : i32
    %dma_start3A_762 = tpu.memref_slice %arg5[%add3A_760, %dma_start3A_761] : memref<106496x128xf32, #tpu.memory_space<hbm>> -> memref<128x128xf32, #tpu.memory_space<hbm>>
    %dma_start3A_763 = arith.constant 0 : i32
    %dma_start3A_764 = tpu.memref_slice %arg5[%add3A_760, %dma_start3A_763] : memref<106496x128xf32, #tpu.memory_space<hbm>> -> memref<128x128xf32, #tpu.memory_space<hbm>>
    tpu.enqueue_dma source(%arg10 : memref<128x128xf32, #tpu.memory_space<vmem>>) target(%dma_start3A_764 : memref<128x128xf32, #tpu.memory_space<hbm>>) target_semaphore(%arg30 : memref<!tpu.dma_semaphore, #tpu.memory_space<semaphore_mem>>)
    %dma_start3A_765 = tpu.memref_slice %arg6[%add3A_760] : memref<106496xf32, #tpu.memory_space<hbm>> -> memref<128xf32, #tpu.memory_space<hbm>>
    %dma_start3A_766 = tpu.memref_slice %arg6[%add3A_760] : memref<106496xf32, #tpu.memory_space<hbm>> -> memref<128xf32, #tpu.memory_space<hbm>>
    tpu.enqueue_dma source(%arg15 : memref<128xf32, #tpu.memory_space<vmem>>) target(%dma_start3A_766 : memref<128xf32, #tpu.memory_space<hbm>>) target_semaphore(%arg35 : memref<!tpu.dma_semaphore, #tpu.memory_space<semaphore_mem>>)
    %dma_wait3A_767 = arith.constant 0 : i32
    %dma_wait3A_768 = tpu.memref_slice %arg5[%add3A_760, %dma_wait3A_767] : memref<106496x128xf32, #tpu.memory_space<hbm>> -> memref<128x128xf32, #tpu.memory_space<hbm>>
    %dma_wait3A_769 = arith.constant 0 : i32
    %dma_wait3A_770 = tpu.memref_slice %arg5[%add3A_760, %dma_wait3A_769] : memref<106496x128xf32, #tpu.memory_space<hbm>> -> memref<128x128xf32, #tpu.memory_space<hbm>>
    tpu.wait_dma2 semaphore(%arg30 : memref<!tpu.dma_semaphore, #tpu.memory_space<semaphore_mem>>) src(%arg10 : memref<128x128xf32, #tpu.memory_space<vmem>>) dst(%dma_wait3A_770 : memref<128x128xf32, #tpu.memory_space<hbm>>)
    %dma_wait3A_771 = tpu.memref_slice %arg6[%add3A_760] : memref<106496xf32, #tpu.memory_space<hbm>> -> memref<128xf32, #tpu.memory_space<hbm>>
    %dma_wait3A_772 = tpu.memref_slice %arg6[%add3A_760] : memref<106496xf32, #tpu.memory_space<hbm>> -> memref<128xf32, #tpu.memory_space<hbm>>
    tpu.wait_dma2 semaphore(%arg35 : memref<!tpu.dma_semaphore, #tpu.memory_space<semaphore_mem>>) src(%arg15 : memref<128xf32, #tpu.memory_space<vmem>>) dst(%dma_wait3A_772 : memref<128xf32, #tpu.memory_space<hbm>>)
    %dma_start3A_773 = arith.constant 22 : i32
    %dma_start3A_774 = arith.constant 0 : i32
    %dma_start3A_775 = tpu.memref_slice %arg7[%dma_start3A_773, %dma_start3A_774] : memref<26x128xi32, #tpu.memory_space<vmem>> -> memref<1x128xi32, #tpu.memory_space<vmem>>
    %dma_start3A_776 = tpu.memref_squeeze %dma_start3A_775 : memref<1x128xi32, #tpu.memory_space<vmem>> -> memref<128xi32, #tpu.memory_space<vmem>>
    %dma_start3A_777 = arith.constant 0 : i32
    %dma_start3A_778 = arith.constant 0 : i32
    %dma_start3A_779 = tpu.memref_slice %arg2[%dma_start3A_777, %dma_start3A_778] : memref<26000x128xf32, #tpu.memory_space<hbm>> -> memref<26000x128xf32, #tpu.memory_space<hbm>>
    tpu.enqueue_indirect_dma source(%dma_start3A_779 : memref<26000x128xf32, #tpu.memory_space<hbm>>) target(%arg10 : memref<128x128xf32, #tpu.memory_space<vmem>>) offsets(%dma_start3A_776 : memref<128xi32, #tpu.memory_space<vmem>>) semaphore(%arg20 : memref<!tpu.dma_semaphore, #tpu.memory_space<semaphore_mem>>)
    %dma_start3A_780 = arith.constant 22 : i32
    %dma_start3A_781 = arith.constant 0 : i32
    %dma_start3A_782 = tpu.memref_slice %arg7[%dma_start3A_780, %dma_start3A_781] : memref<26x128xi32, #tpu.memory_space<vmem>> -> memref<1x128xi32, #tpu.memory_space<vmem>>
    %dma_start3A_783 = tpu.memref_squeeze %dma_start3A_782 : memref<1x128xi32, #tpu.memory_space<vmem>> -> memref<128xi32, #tpu.memory_space<vmem>>
    %dma_start3A_784 = arith.constant 0 : i32
    %dma_start3A_785 = tpu.memref_slice %arg3[%dma_start3A_784] : memref<26000xf32, #tpu.memory_space<hbm>> -> memref<26000xf32, #tpu.memory_space<hbm>>
    tpu.enqueue_indirect_dma source(%dma_start3A_785 : memref<26000xf32, #tpu.memory_space<hbm>>) target(%arg15 : memref<128xf32, #tpu.memory_space<vmem>>) offsets(%dma_start3A_783 : memref<128xi32, #tpu.memory_space<vmem>>) semaphore(%arg25 : memref<!tpu.dma_semaphore, #tpu.memory_space<semaphore_mem>>)
    %dma_wait3A_786 = arith.constant 18 : i32
    %dma_wait3A_787 = arith.constant 0 : i32
    %dma_wait3A_788 = tpu.memref_slice %arg7[%dma_wait3A_786, %dma_wait3A_787] : memref<26x128xi32, #tpu.memory_space<vmem>> -> memref<1x128xi32, #tpu.memory_space<vmem>>
    %dma_wait3A_789 = tpu.memref_squeeze %dma_wait3A_788 : memref<1x128xi32, #tpu.memory_space<vmem>> -> memref<128xi32, #tpu.memory_space<vmem>>
    %dma_wait3A_790 = arith.constant 0 : i32
    %dma_wait3A_791 = arith.constant 0 : i32
    %dma_wait3A_792 = tpu.memref_slice %arg2[%dma_wait3A_790, %dma_wait3A_791] : memref<26000x128xf32, #tpu.memory_space<hbm>> -> memref<26000x128xf32, #tpu.memory_space<hbm>>
    tpu.wait_indirect_dma semaphore(%arg21 : memref<!tpu.dma_semaphore, #tpu.memory_space<semaphore_mem>>) src(%dma_wait3A_792 : memref<26000x128xf32, #tpu.memory_space<hbm>>) dst(%arg11 : memref<128x128xf32, #tpu.memory_space<vmem>>)
    %dma_wait3A_793 = arith.constant 18 : i32
    %dma_wait3A_794 = arith.constant 0 : i32
    %dma_wait3A_795 = tpu.memref_slice %arg7[%dma_wait3A_793, %dma_wait3A_794] : memref<26x128xi32, #tpu.memory_space<vmem>> -> memref<1x128xi32, #tpu.memory_space<vmem>>
    %dma_wait3A_796 = tpu.memref_squeeze %dma_wait3A_795 : memref<1x128xi32, #tpu.memory_space<vmem>> -> memref<128xi32, #tpu.memory_space<vmem>>
    %dma_wait3A_797 = arith.constant 0 : i32
    %dma_wait3A_798 = tpu.memref_slice %arg3[%dma_wait3A_797] : memref<26000xf32, #tpu.memory_space<hbm>> -> memref<26000xf32, #tpu.memory_space<hbm>>
    tpu.wait_indirect_dma semaphore(%arg26 : memref<!tpu.dma_semaphore, #tpu.memory_space<semaphore_mem>>) src(%dma_wait3A_798 : memref<26000xf32, #tpu.memory_space<hbm>>) dst(%arg16 : memref<128xf32, #tpu.memory_space<vmem>>)
    %add3A_799 = arith.constant 2304 : i32
    %add3A_800 = arith.addi %mul3A_2, %add3A_799 : i32
    %dma_start3A_801 = arith.constant 0 : i32
    %dma_start3A_802 = tpu.memref_slice %arg5[%add3A_800, %dma_start3A_801] : memref<106496x128xf32, #tpu.memory_space<hbm>> -> memref<128x128xf32, #tpu.memory_space<hbm>>
    %dma_start3A_803 = arith.constant 0 : i32
    %dma_start3A_804 = tpu.memref_slice %arg5[%add3A_800, %dma_start3A_803] : memref<106496x128xf32, #tpu.memory_space<hbm>> -> memref<128x128xf32, #tpu.memory_space<hbm>>
    tpu.enqueue_dma source(%arg11 : memref<128x128xf32, #tpu.memory_space<vmem>>) target(%dma_start3A_804 : memref<128x128xf32, #tpu.memory_space<hbm>>) target_semaphore(%arg31 : memref<!tpu.dma_semaphore, #tpu.memory_space<semaphore_mem>>)
    %dma_start3A_805 = tpu.memref_slice %arg6[%add3A_800] : memref<106496xf32, #tpu.memory_space<hbm>> -> memref<128xf32, #tpu.memory_space<hbm>>
    %dma_start3A_806 = tpu.memref_slice %arg6[%add3A_800] : memref<106496xf32, #tpu.memory_space<hbm>> -> memref<128xf32, #tpu.memory_space<hbm>>
    tpu.enqueue_dma source(%arg16 : memref<128xf32, #tpu.memory_space<vmem>>) target(%dma_start3A_806 : memref<128xf32, #tpu.memory_space<hbm>>) target_semaphore(%arg36 : memref<!tpu.dma_semaphore, #tpu.memory_space<semaphore_mem>>)
    %dma_wait3A_807 = arith.constant 0 : i32
    %dma_wait3A_808 = tpu.memref_slice %arg5[%add3A_800, %dma_wait3A_807] : memref<106496x128xf32, #tpu.memory_space<hbm>> -> memref<128x128xf32, #tpu.memory_space<hbm>>
    %dma_wait3A_809 = arith.constant 0 : i32
    %dma_wait3A_810 = tpu.memref_slice %arg5[%add3A_800, %dma_wait3A_809] : memref<106496x128xf32, #tpu.memory_space<hbm>> -> memref<128x128xf32, #tpu.memory_space<hbm>>
    tpu.wait_dma2 semaphore(%arg31 : memref<!tpu.dma_semaphore, #tpu.memory_space<semaphore_mem>>) src(%arg11 : memref<128x128xf32, #tpu.memory_space<vmem>>) dst(%dma_wait3A_810 : memref<128x128xf32, #tpu.memory_space<hbm>>)
    %dma_wait3A_811 = tpu.memref_slice %arg6[%add3A_800] : memref<106496xf32, #tpu.memory_space<hbm>> -> memref<128xf32, #tpu.memory_space<hbm>>
    %dma_wait3A_812 = tpu.memref_slice %arg6[%add3A_800] : memref<106496xf32, #tpu.memory_space<hbm>> -> memref<128xf32, #tpu.memory_space<hbm>>
    tpu.wait_dma2 semaphore(%arg36 : memref<!tpu.dma_semaphore, #tpu.memory_space<semaphore_mem>>) src(%arg16 : memref<128xf32, #tpu.memory_space<vmem>>) dst(%dma_wait3A_812 : memref<128xf32, #tpu.memory_space<hbm>>)
    %dma_start3A_813 = arith.constant 23 : i32
    %dma_start3A_814 = arith.constant 0 : i32
    %dma_start3A_815 = tpu.memref_slice %arg7[%dma_start3A_813, %dma_start3A_814] : memref<26x128xi32, #tpu.memory_space<vmem>> -> memref<1x128xi32, #tpu.memory_space<vmem>>
    %dma_start3A_816 = tpu.memref_squeeze %dma_start3A_815 : memref<1x128xi32, #tpu.memory_space<vmem>> -> memref<128xi32, #tpu.memory_space<vmem>>
    %dma_start3A_817 = arith.constant 0 : i32
    %dma_start3A_818 = arith.constant 0 : i32
    %dma_start3A_819 = tpu.memref_slice %arg2[%dma_start3A_817, %dma_start3A_818] : memref<26000x128xf32, #tpu.memory_space<hbm>> -> memref<26000x128xf32, #tpu.memory_space<hbm>>
    tpu.enqueue_indirect_dma source(%dma_start3A_819 : memref<26000x128xf32, #tpu.memory_space<hbm>>) target(%arg11 : memref<128x128xf32, #tpu.memory_space<vmem>>) offsets(%dma_start3A_816 : memref<128xi32, #tpu.memory_space<vmem>>) semaphore(%arg21 : memref<!tpu.dma_semaphore, #tpu.memory_space<semaphore_mem>>)
    %dma_start3A_820 = arith.constant 23 : i32
    %dma_start3A_821 = arith.constant 0 : i32
    %dma_start3A_822 = tpu.memref_slice %arg7[%dma_start3A_820, %dma_start3A_821] : memref<26x128xi32, #tpu.memory_space<vmem>> -> memref<1x128xi32, #tpu.memory_space<vmem>>
    %dma_start3A_823 = tpu.memref_squeeze %dma_start3A_822 : memref<1x128xi32, #tpu.memory_space<vmem>> -> memref<128xi32, #tpu.memory_space<vmem>>
    %dma_start3A_824 = arith.constant 0 : i32
    %dma_start3A_825 = tpu.memref_slice %arg3[%dma_start3A_824] : memref<26000xf32, #tpu.memory_space<hbm>> -> memref<26000xf32, #tpu.memory_space<hbm>>
    tpu.enqueue_indirect_dma source(%dma_start3A_825 : memref<26000xf32, #tpu.memory_space<hbm>>) target(%arg16 : memref<128xf32, #tpu.memory_space<vmem>>) offsets(%dma_start3A_823 : memref<128xi32, #tpu.memory_space<vmem>>) semaphore(%arg26 : memref<!tpu.dma_semaphore, #tpu.memory_space<semaphore_mem>>)
    %dma_wait3A_826 = arith.constant 19 : i32
    %dma_wait3A_827 = arith.constant 0 : i32
    %dma_wait3A_828 = tpu.memref_slice %arg7[%dma_wait3A_826, %dma_wait3A_827] : memref<26x128xi32, #tpu.memory_space<vmem>> -> memref<1x128xi32, #tpu.memory_space<vmem>>
    %dma_wait3A_829 = tpu.memref_squeeze %dma_wait3A_828 : memref<1x128xi32, #tpu.memory_space<vmem>> -> memref<128xi32, #tpu.memory_space<vmem>>
    %dma_wait3A_830 = arith.constant 0 : i32
    %dma_wait3A_831 = arith.constant 0 : i32
    %dma_wait3A_832 = tpu.memref_slice %arg2[%dma_wait3A_830, %dma_wait3A_831] : memref<26000x128xf32, #tpu.memory_space<hbm>> -> memref<26000x128xf32, #tpu.memory_space<hbm>>
    tpu.wait_indirect_dma semaphore(%arg22 : memref<!tpu.dma_semaphore, #tpu.memory_space<semaphore_mem>>) src(%dma_wait3A_832 : memref<26000x128xf32, #tpu.memory_space<hbm>>) dst(%arg12 : memref<128x128xf32, #tpu.memory_space<vmem>>)
    %dma_wait3A_833 = arith.constant 19 : i32
    %dma_wait3A_834 = arith.constant 0 : i32
    %dma_wait3A_835 = tpu.memref_slice %arg7[%dma_wait3A_833, %dma_wait3A_834] : memref<26x128xi32, #tpu.memory_space<vmem>> -> memref<1x128xi32, #tpu.memory_space<vmem>>
    %dma_wait3A_836 = tpu.memref_squeeze %dma_wait3A_835 : memref<1x128xi32, #tpu.memory_space<vmem>> -> memref<128xi32, #tpu.memory_space<vmem>>
    %dma_wait3A_837 = arith.constant 0 : i32
    %dma_wait3A_838 = tpu.memref_slice %arg3[%dma_wait3A_837] : memref<26000xf32, #tpu.memory_space<hbm>> -> memref<26000xf32, #tpu.memory_space<hbm>>
    tpu.wait_indirect_dma semaphore(%arg27 : memref<!tpu.dma_semaphore, #tpu.memory_space<semaphore_mem>>) src(%dma_wait3A_838 : memref<26000xf32, #tpu.memory_space<hbm>>) dst(%arg17 : memref<128xf32, #tpu.memory_space<vmem>>)
    %add3A_839 = arith.constant 2432 : i32
    %add3A_840 = arith.addi %mul3A_2, %add3A_839 : i32
    %dma_start3A_841 = arith.constant 0 : i32
    %dma_start3A_842 = tpu.memref_slice %arg5[%add3A_840, %dma_start3A_841] : memref<106496x128xf32, #tpu.memory_space<hbm>> -> memref<128x128xf32, #tpu.memory_space<hbm>>
    %dma_start3A_843 = arith.constant 0 : i32
    %dma_start3A_844 = tpu.memref_slice %arg5[%add3A_840, %dma_start3A_843] : memref<106496x128xf32, #tpu.memory_space<hbm>> -> memref<128x128xf32, #tpu.memory_space<hbm>>
    tpu.enqueue_dma source(%arg12 : memref<128x128xf32, #tpu.memory_space<vmem>>) target(%dma_start3A_844 : memref<128x128xf32, #tpu.memory_space<hbm>>) target_semaphore(%arg32 : memref<!tpu.dma_semaphore, #tpu.memory_space<semaphore_mem>>)
    %dma_start3A_845 = tpu.memref_slice %arg6[%add3A_840] : memref<106496xf32, #tpu.memory_space<hbm>> -> memref<128xf32, #tpu.memory_space<hbm>>
    %dma_start3A_846 = tpu.memref_slice %arg6[%add3A_840] : memref<106496xf32, #tpu.memory_space<hbm>> -> memref<128xf32, #tpu.memory_space<hbm>>
    tpu.enqueue_dma source(%arg17 : memref<128xf32, #tpu.memory_space<vmem>>) target(%dma_start3A_846 : memref<128xf32, #tpu.memory_space<hbm>>) target_semaphore(%arg37 : memref<!tpu.dma_semaphore, #tpu.memory_space<semaphore_mem>>)
    %dma_wait3A_847 = arith.constant 0 : i32
    %dma_wait3A_848 = tpu.memref_slice %arg5[%add3A_840, %dma_wait3A_847] : memref<106496x128xf32, #tpu.memory_space<hbm>> -> memref<128x128xf32, #tpu.memory_space<hbm>>
    %dma_wait3A_849 = arith.constant 0 : i32
    %dma_wait3A_850 = tpu.memref_slice %arg5[%add3A_840, %dma_wait3A_849] : memref<106496x128xf32, #tpu.memory_space<hbm>> -> memref<128x128xf32, #tpu.memory_space<hbm>>
    tpu.wait_dma2 semaphore(%arg32 : memref<!tpu.dma_semaphore, #tpu.memory_space<semaphore_mem>>) src(%arg12 : memref<128x128xf32, #tpu.memory_space<vmem>>) dst(%dma_wait3A_850 : memref<128x128xf32, #tpu.memory_space<hbm>>)
    %dma_wait3A_851 = tpu.memref_slice %arg6[%add3A_840] : memref<106496xf32, #tpu.memory_space<hbm>> -> memref<128xf32, #tpu.memory_space<hbm>>
    %dma_wait3A_852 = tpu.memref_slice %arg6[%add3A_840] : memref<106496xf32, #tpu.memory_space<hbm>> -> memref<128xf32, #tpu.memory_space<hbm>>
    tpu.wait_dma2 semaphore(%arg37 : memref<!tpu.dma_semaphore, #tpu.memory_space<semaphore_mem>>) src(%arg17 : memref<128xf32, #tpu.memory_space<vmem>>) dst(%dma_wait3A_852 : memref<128xf32, #tpu.memory_space<hbm>>)
    %dma_start3A_853 = arith.constant 24 : i32
    %dma_start3A_854 = arith.constant 0 : i32
    %dma_start3A_855 = tpu.memref_slice %arg7[%dma_start3A_853, %dma_start3A_854] : memref<26x128xi32, #tpu.memory_space<vmem>> -> memref<1x128xi32, #tpu.memory_space<vmem>>
    %dma_start3A_856 = tpu.memref_squeeze %dma_start3A_855 : memref<1x128xi32, #tpu.memory_space<vmem>> -> memref<128xi32, #tpu.memory_space<vmem>>
    %dma_start3A_857 = arith.constant 0 : i32
    %dma_start3A_858 = arith.constant 0 : i32
    %dma_start3A_859 = tpu.memref_slice %arg2[%dma_start3A_857, %dma_start3A_858] : memref<26000x128xf32, #tpu.memory_space<hbm>> -> memref<26000x128xf32, #tpu.memory_space<hbm>>
    tpu.enqueue_indirect_dma source(%dma_start3A_859 : memref<26000x128xf32, #tpu.memory_space<hbm>>) target(%arg12 : memref<128x128xf32, #tpu.memory_space<vmem>>) offsets(%dma_start3A_856 : memref<128xi32, #tpu.memory_space<vmem>>) semaphore(%arg22 : memref<!tpu.dma_semaphore, #tpu.memory_space<semaphore_mem>>)
    %dma_start3A_860 = arith.constant 24 : i32
    %dma_start3A_861 = arith.constant 0 : i32
    %dma_start3A_862 = tpu.memref_slice %arg7[%dma_start3A_860, %dma_start3A_861] : memref<26x128xi32, #tpu.memory_space<vmem>> -> memref<1x128xi32, #tpu.memory_space<vmem>>
    %dma_start3A_863 = tpu.memref_squeeze %dma_start3A_862 : memref<1x128xi32, #tpu.memory_space<vmem>> -> memref<128xi32, #tpu.memory_space<vmem>>
    %dma_start3A_864 = arith.constant 0 : i32
    %dma_start3A_865 = tpu.memref_slice %arg3[%dma_start3A_864] : memref<26000xf32, #tpu.memory_space<hbm>> -> memref<26000xf32, #tpu.memory_space<hbm>>
    tpu.enqueue_indirect_dma source(%dma_start3A_865 : memref<26000xf32, #tpu.memory_space<hbm>>) target(%arg17 : memref<128xf32, #tpu.memory_space<vmem>>) offsets(%dma_start3A_863 : memref<128xi32, #tpu.memory_space<vmem>>) semaphore(%arg27 : memref<!tpu.dma_semaphore, #tpu.memory_space<semaphore_mem>>)
    %dma_wait3A_866 = arith.constant 20 : i32
    %dma_wait3A_867 = arith.constant 0 : i32
    %dma_wait3A_868 = tpu.memref_slice %arg7[%dma_wait3A_866, %dma_wait3A_867] : memref<26x128xi32, #tpu.memory_space<vmem>> -> memref<1x128xi32, #tpu.memory_space<vmem>>
    %dma_wait3A_869 = tpu.memref_squeeze %dma_wait3A_868 : memref<1x128xi32, #tpu.memory_space<vmem>> -> memref<128xi32, #tpu.memory_space<vmem>>
    %dma_wait3A_870 = arith.constant 0 : i32
    %dma_wait3A_871 = arith.constant 0 : i32
    %dma_wait3A_872 = tpu.memref_slice %arg2[%dma_wait3A_870, %dma_wait3A_871] : memref<26000x128xf32, #tpu.memory_space<hbm>> -> memref<26000x128xf32, #tpu.memory_space<hbm>>
    tpu.wait_indirect_dma semaphore(%arg18 : memref<!tpu.dma_semaphore, #tpu.memory_space<semaphore_mem>>) src(%dma_wait3A_872 : memref<26000x128xf32, #tpu.memory_space<hbm>>) dst(%arg8 : memref<128x128xf32, #tpu.memory_space<vmem>>)
    %dma_wait3A_873 = arith.constant 20 : i32
    %dma_wait3A_874 = arith.constant 0 : i32
    %dma_wait3A_875 = tpu.memref_slice %arg7[%dma_wait3A_873, %dma_wait3A_874] : memref<26x128xi32, #tpu.memory_space<vmem>> -> memref<1x128xi32, #tpu.memory_space<vmem>>
    %dma_wait3A_876 = tpu.memref_squeeze %dma_wait3A_875 : memref<1x128xi32, #tpu.memory_space<vmem>> -> memref<128xi32, #tpu.memory_space<vmem>>
    %dma_wait3A_877 = arith.constant 0 : i32
    %dma_wait3A_878 = tpu.memref_slice %arg3[%dma_wait3A_877] : memref<26000xf32, #tpu.memory_space<hbm>> -> memref<26000xf32, #tpu.memory_space<hbm>>
    tpu.wait_indirect_dma semaphore(%arg23 : memref<!tpu.dma_semaphore, #tpu.memory_space<semaphore_mem>>) src(%dma_wait3A_878 : memref<26000xf32, #tpu.memory_space<hbm>>) dst(%arg13 : memref<128xf32, #tpu.memory_space<vmem>>)
    %add3A_879 = arith.constant 2560 : i32
    %add3A_880 = arith.addi %mul3A_2, %add3A_879 : i32
    %dma_start3A_881 = arith.constant 0 : i32
    %dma_start3A_882 = tpu.memref_slice %arg5[%add3A_880, %dma_start3A_881] : memref<106496x128xf32, #tpu.memory_space<hbm>> -> memref<128x128xf32, #tpu.memory_space<hbm>>
    %dma_start3A_883 = arith.constant 0 : i32
    %dma_start3A_884 = tpu.memref_slice %arg5[%add3A_880, %dma_start3A_883] : memref<106496x128xf32, #tpu.memory_space<hbm>> -> memref<128x128xf32, #tpu.memory_space<hbm>>
    tpu.enqueue_dma source(%arg8 : memref<128x128xf32, #tpu.memory_space<vmem>>) target(%dma_start3A_884 : memref<128x128xf32, #tpu.memory_space<hbm>>) target_semaphore(%arg28 : memref<!tpu.dma_semaphore, #tpu.memory_space<semaphore_mem>>)
    %dma_start3A_885 = tpu.memref_slice %arg6[%add3A_880] : memref<106496xf32, #tpu.memory_space<hbm>> -> memref<128xf32, #tpu.memory_space<hbm>>
    %dma_start3A_886 = tpu.memref_slice %arg6[%add3A_880] : memref<106496xf32, #tpu.memory_space<hbm>> -> memref<128xf32, #tpu.memory_space<hbm>>
    tpu.enqueue_dma source(%arg13 : memref<128xf32, #tpu.memory_space<vmem>>) target(%dma_start3A_886 : memref<128xf32, #tpu.memory_space<hbm>>) target_semaphore(%arg33 : memref<!tpu.dma_semaphore, #tpu.memory_space<semaphore_mem>>)
    %dma_wait3A_887 = arith.constant 0 : i32
    %dma_wait3A_888 = tpu.memref_slice %arg5[%add3A_880, %dma_wait3A_887] : memref<106496x128xf32, #tpu.memory_space<hbm>> -> memref<128x128xf32, #tpu.memory_space<hbm>>
    %dma_wait3A_889 = arith.constant 0 : i32
    %dma_wait3A_890 = tpu.memref_slice %arg5[%add3A_880, %dma_wait3A_889] : memref<106496x128xf32, #tpu.memory_space<hbm>> -> memref<128x128xf32, #tpu.memory_space<hbm>>
    tpu.wait_dma2 semaphore(%arg28 : memref<!tpu.dma_semaphore, #tpu.memory_space<semaphore_mem>>) src(%arg8 : memref<128x128xf32, #tpu.memory_space<vmem>>) dst(%dma_wait3A_890 : memref<128x128xf32, #tpu.memory_space<hbm>>)
    %dma_wait3A_891 = tpu.memref_slice %arg6[%add3A_880] : memref<106496xf32, #tpu.memory_space<hbm>> -> memref<128xf32, #tpu.memory_space<hbm>>
    %dma_wait3A_892 = tpu.memref_slice %arg6[%add3A_880] : memref<106496xf32, #tpu.memory_space<hbm>> -> memref<128xf32, #tpu.memory_space<hbm>>
    tpu.wait_dma2 semaphore(%arg33 : memref<!tpu.dma_semaphore, #tpu.memory_space<semaphore_mem>>) src(%arg13 : memref<128xf32, #tpu.memory_space<vmem>>) dst(%dma_wait3A_892 : memref<128xf32, #tpu.memory_space<hbm>>)
    %dma_start3A_893 = arith.constant 25 : i32
    %dma_start3A_894 = arith.constant 0 : i32
    %dma_start3A_895 = tpu.memref_slice %arg7[%dma_start3A_893, %dma_start3A_894] : memref<26x128xi32, #tpu.memory_space<vmem>> -> memref<1x128xi32, #tpu.memory_space<vmem>>
    %dma_start3A_896 = tpu.memref_squeeze %dma_start3A_895 : memref<1x128xi32, #tpu.memory_space<vmem>> -> memref<128xi32, #tpu.memory_space<vmem>>
    %dma_start3A_897 = arith.constant 0 : i32
    %dma_start3A_898 = arith.constant 0 : i32
    %dma_start3A_899 = tpu.memref_slice %arg2[%dma_start3A_897, %dma_start3A_898] : memref<26000x128xf32, #tpu.memory_space<hbm>> -> memref<26000x128xf32, #tpu.memory_space<hbm>>
    tpu.enqueue_indirect_dma source(%dma_start3A_899 : memref<26000x128xf32, #tpu.memory_space<hbm>>) target(%arg8 : memref<128x128xf32, #tpu.memory_space<vmem>>) offsets(%dma_start3A_896 : memref<128xi32, #tpu.memory_space<vmem>>) semaphore(%arg18 : memref<!tpu.dma_semaphore, #tpu.memory_space<semaphore_mem>>)
    %dma_start3A_900 = arith.constant 25 : i32
    %dma_start3A_901 = arith.constant 0 : i32
    %dma_start3A_902 = tpu.memref_slice %arg7[%dma_start3A_900, %dma_start3A_901] : memref<26x128xi32, #tpu.memory_space<vmem>> -> memref<1x128xi32, #tpu.memory_space<vmem>>
    %dma_start3A_903 = tpu.memref_squeeze %dma_start3A_902 : memref<1x128xi32, #tpu.memory_space<vmem>> -> memref<128xi32, #tpu.memory_space<vmem>>
    %dma_start3A_904 = arith.constant 0 : i32
    %dma_start3A_905 = tpu.memref_slice %arg3[%dma_start3A_904] : memref<26000xf32, #tpu.memory_space<hbm>> -> memref<26000xf32, #tpu.memory_space<hbm>>
    tpu.enqueue_indirect_dma source(%dma_start3A_905 : memref<26000xf32, #tpu.memory_space<hbm>>) target(%arg13 : memref<128xf32, #tpu.memory_space<vmem>>) offsets(%dma_start3A_903 : memref<128xi32, #tpu.memory_space<vmem>>) semaphore(%arg23 : memref<!tpu.dma_semaphore, #tpu.memory_space<semaphore_mem>>)
    %dma_wait3A_906 = arith.constant 21 : i32
    %dma_wait3A_907 = arith.constant 0 : i32
    %dma_wait3A_908 = tpu.memref_slice %arg7[%dma_wait3A_906, %dma_wait3A_907] : memref<26x128xi32, #tpu.memory_space<vmem>> -> memref<1x128xi32, #tpu.memory_space<vmem>>
    %dma_wait3A_909 = tpu.memref_squeeze %dma_wait3A_908 : memref<1x128xi32, #tpu.memory_space<vmem>> -> memref<128xi32, #tpu.memory_space<vmem>>
    %dma_wait3A_910 = arith.constant 0 : i32
    %dma_wait3A_911 = arith.constant 0 : i32
    %dma_wait3A_912 = tpu.memref_slice %arg2[%dma_wait3A_910, %dma_wait3A_911] : memref<26000x128xf32, #tpu.memory_space<hbm>> -> memref<26000x128xf32, #tpu.memory_space<hbm>>
    tpu.wait_indirect_dma semaphore(%arg19 : memref<!tpu.dma_semaphore, #tpu.memory_space<semaphore_mem>>) src(%dma_wait3A_912 : memref<26000x128xf32, #tpu.memory_space<hbm>>) dst(%arg9 : memref<128x128xf32, #tpu.memory_space<vmem>>)
    %dma_wait3A_913 = arith.constant 21 : i32
    %dma_wait3A_914 = arith.constant 0 : i32
    %dma_wait3A_915 = tpu.memref_slice %arg7[%dma_wait3A_913, %dma_wait3A_914] : memref<26x128xi32, #tpu.memory_space<vmem>> -> memref<1x128xi32, #tpu.memory_space<vmem>>
    %dma_wait3A_916 = tpu.memref_squeeze %dma_wait3A_915 : memref<1x128xi32, #tpu.memory_space<vmem>> -> memref<128xi32, #tpu.memory_space<vmem>>
    %dma_wait3A_917 = arith.constant 0 : i32
    %dma_wait3A_918 = tpu.memref_slice %arg3[%dma_wait3A_917] : memref<26000xf32, #tpu.memory_space<hbm>> -> memref<26000xf32, #tpu.memory_space<hbm>>
    tpu.wait_indirect_dma semaphore(%arg24 : memref<!tpu.dma_semaphore, #tpu.memory_space<semaphore_mem>>) src(%dma_wait3A_918 : memref<26000xf32, #tpu.memory_space<hbm>>) dst(%arg14 : memref<128xf32, #tpu.memory_space<vmem>>)
    %add3A_919 = arith.constant 2688 : i32
    %add3A_920 = arith.addi %mul3A_2, %add3A_919 : i32
    %dma_start3A_921 = arith.constant 0 : i32
    %dma_start3A_922 = tpu.memref_slice %arg5[%add3A_920, %dma_start3A_921] : memref<106496x128xf32, #tpu.memory_space<hbm>> -> memref<128x128xf32, #tpu.memory_space<hbm>>
    %dma_start3A_923 = arith.constant 0 : i32
    %dma_start3A_924 = tpu.memref_slice %arg5[%add3A_920, %dma_start3A_923] : memref<106496x128xf32, #tpu.memory_space<hbm>> -> memref<128x128xf32, #tpu.memory_space<hbm>>
    tpu.enqueue_dma source(%arg9 : memref<128x128xf32, #tpu.memory_space<vmem>>) target(%dma_start3A_924 : memref<128x128xf32, #tpu.memory_space<hbm>>) target_semaphore(%arg29 : memref<!tpu.dma_semaphore, #tpu.memory_space<semaphore_mem>>)
    %dma_start3A_925 = tpu.memref_slice %arg6[%add3A_920] : memref<106496xf32, #tpu.memory_space<hbm>> -> memref<128xf32, #tpu.memory_space<hbm>>
    %dma_start3A_926 = tpu.memref_slice %arg6[%add3A_920] : memref<106496xf32, #tpu.memory_space<hbm>> -> memref<128xf32, #tpu.memory_space<hbm>>
    tpu.enqueue_dma source(%arg14 : memref<128xf32, #tpu.memory_space<vmem>>) target(%dma_start3A_926 : memref<128xf32, #tpu.memory_space<hbm>>) target_semaphore(%arg34 : memref<!tpu.dma_semaphore, #tpu.memory_space<semaphore_mem>>)
    %dma_wait3A_927 = arith.constant 22 : i32
    %dma_wait3A_928 = arith.constant 0 : i32
    %dma_wait3A_929 = tpu.memref_slice %arg7[%dma_wait3A_927, %dma_wait3A_928] : memref<26x128xi32, #tpu.memory_space<vmem>> -> memref<1x128xi32, #tpu.memory_space<vmem>>
    %dma_wait3A_930 = tpu.memref_squeeze %dma_wait3A_929 : memref<1x128xi32, #tpu.memory_space<vmem>> -> memref<128xi32, #tpu.memory_space<vmem>>
    %dma_wait3A_931 = arith.constant 0 : i32
    %dma_wait3A_932 = arith.constant 0 : i32
    %dma_wait3A_933 = tpu.memref_slice %arg2[%dma_wait3A_931, %dma_wait3A_932] : memref<26000x128xf32, #tpu.memory_space<hbm>> -> memref<26000x128xf32, #tpu.memory_space<hbm>>
    tpu.wait_indirect_dma semaphore(%arg20 : memref<!tpu.dma_semaphore, #tpu.memory_space<semaphore_mem>>) src(%dma_wait3A_933 : memref<26000x128xf32, #tpu.memory_space<hbm>>) dst(%arg10 : memref<128x128xf32, #tpu.memory_space<vmem>>)
    %dma_wait3A_934 = arith.constant 22 : i32
    %dma_wait3A_935 = arith.constant 0 : i32
    %dma_wait3A_936 = tpu.memref_slice %arg7[%dma_wait3A_934, %dma_wait3A_935] : memref<26x128xi32, #tpu.memory_space<vmem>> -> memref<1x128xi32, #tpu.memory_space<vmem>>
    %dma_wait3A_937 = tpu.memref_squeeze %dma_wait3A_936 : memref<1x128xi32, #tpu.memory_space<vmem>> -> memref<128xi32, #tpu.memory_space<vmem>>
    %dma_wait3A_938 = arith.constant 0 : i32
    %dma_wait3A_939 = tpu.memref_slice %arg3[%dma_wait3A_938] : memref<26000xf32, #tpu.memory_space<hbm>> -> memref<26000xf32, #tpu.memory_space<hbm>>
    tpu.wait_indirect_dma semaphore(%arg25 : memref<!tpu.dma_semaphore, #tpu.memory_space<semaphore_mem>>) src(%dma_wait3A_939 : memref<26000xf32, #tpu.memory_space<hbm>>) dst(%arg15 : memref<128xf32, #tpu.memory_space<vmem>>)
    %add3A_940 = arith.constant 2816 : i32
    %add3A_941 = arith.addi %mul3A_2, %add3A_940 : i32
    %dma_start3A_942 = arith.constant 0 : i32
    %dma_start3A_943 = tpu.memref_slice %arg5[%add3A_941, %dma_start3A_942] : memref<106496x128xf32, #tpu.memory_space<hbm>> -> memref<128x128xf32, #tpu.memory_space<hbm>>
    %dma_start3A_944 = arith.constant 0 : i32
    %dma_start3A_945 = tpu.memref_slice %arg5[%add3A_941, %dma_start3A_944] : memref<106496x128xf32, #tpu.memory_space<hbm>> -> memref<128x128xf32, #tpu.memory_space<hbm>>
    tpu.enqueue_dma source(%arg10 : memref<128x128xf32, #tpu.memory_space<vmem>>) target(%dma_start3A_945 : memref<128x128xf32, #tpu.memory_space<hbm>>) target_semaphore(%arg30 : memref<!tpu.dma_semaphore, #tpu.memory_space<semaphore_mem>>)
    %dma_start3A_946 = tpu.memref_slice %arg6[%add3A_941] : memref<106496xf32, #tpu.memory_space<hbm>> -> memref<128xf32, #tpu.memory_space<hbm>>
    %dma_start3A_947 = tpu.memref_slice %arg6[%add3A_941] : memref<106496xf32, #tpu.memory_space<hbm>> -> memref<128xf32, #tpu.memory_space<hbm>>
    tpu.enqueue_dma source(%arg15 : memref<128xf32, #tpu.memory_space<vmem>>) target(%dma_start3A_947 : memref<128xf32, #tpu.memory_space<hbm>>) target_semaphore(%arg35 : memref<!tpu.dma_semaphore, #tpu.memory_space<semaphore_mem>>)
    %dma_wait3A_948 = arith.constant 23 : i32
    %dma_wait3A_949 = arith.constant 0 : i32
    %dma_wait3A_950 = tpu.memref_slice %arg7[%dma_wait3A_948, %dma_wait3A_949] : memref<26x128xi32, #tpu.memory_space<vmem>> -> memref<1x128xi32, #tpu.memory_space<vmem>>
    %dma_wait3A_951 = tpu.memref_squeeze %dma_wait3A_950 : memref<1x128xi32, #tpu.memory_space<vmem>> -> memref<128xi32, #tpu.memory_space<vmem>>
    %dma_wait3A_952 = arith.constant 0 : i32
    %dma_wait3A_953 = arith.constant 0 : i32
    %dma_wait3A_954 = tpu.memref_slice %arg2[%dma_wait3A_952, %dma_wait3A_953] : memref<26000x128xf32, #tpu.memory_space<hbm>> -> memref<26000x128xf32, #tpu.memory_space<hbm>>
    tpu.wait_indirect_dma semaphore(%arg21 : memref<!tpu.dma_semaphore, #tpu.memory_space<semaphore_mem>>) src(%dma_wait3A_954 : memref<26000x128xf32, #tpu.memory_space<hbm>>) dst(%arg11 : memref<128x128xf32, #tpu.memory_space<vmem>>)
    %dma_wait3A_955 = arith.constant 23 : i32
    %dma_wait3A_956 = arith.constant 0 : i32
    %dma_wait3A_957 = tpu.memref_slice %arg7[%dma_wait3A_955, %dma_wait3A_956] : memref<26x128xi32, #tpu.memory_space<vmem>> -> memref<1x128xi32, #tpu.memory_space<vmem>>
    %dma_wait3A_958 = tpu.memref_squeeze %dma_wait3A_957 : memref<1x128xi32, #tpu.memory_space<vmem>> -> memref<128xi32, #tpu.memory_space<vmem>>
    %dma_wait3A_959 = arith.constant 0 : i32
    %dma_wait3A_960 = tpu.memref_slice %arg3[%dma_wait3A_959] : memref<26000xf32, #tpu.memory_space<hbm>> -> memref<26000xf32, #tpu.memory_space<hbm>>
    tpu.wait_indirect_dma semaphore(%arg26 : memref<!tpu.dma_semaphore, #tpu.memory_space<semaphore_mem>>) src(%dma_wait3A_960 : memref<26000xf32, #tpu.memory_space<hbm>>) dst(%arg16 : memref<128xf32, #tpu.memory_space<vmem>>)
    %add3A_961 = arith.constant 2944 : i32
    %add3A_962 = arith.addi %mul3A_2, %add3A_961 : i32
    %dma_start3A_963 = arith.constant 0 : i32
    %dma_start3A_964 = tpu.memref_slice %arg5[%add3A_962, %dma_start3A_963] : memref<106496x128xf32, #tpu.memory_space<hbm>> -> memref<128x128xf32, #tpu.memory_space<hbm>>
    %dma_start3A_965 = arith.constant 0 : i32
    %dma_start3A_966 = tpu.memref_slice %arg5[%add3A_962, %dma_start3A_965] : memref<106496x128xf32, #tpu.memory_space<hbm>> -> memref<128x128xf32, #tpu.memory_space<hbm>>
    tpu.enqueue_dma source(%arg11 : memref<128x128xf32, #tpu.memory_space<vmem>>) target(%dma_start3A_966 : memref<128x128xf32, #tpu.memory_space<hbm>>) target_semaphore(%arg31 : memref<!tpu.dma_semaphore, #tpu.memory_space<semaphore_mem>>)
    %dma_start3A_967 = tpu.memref_slice %arg6[%add3A_962] : memref<106496xf32, #tpu.memory_space<hbm>> -> memref<128xf32, #tpu.memory_space<hbm>>
    %dma_start3A_968 = tpu.memref_slice %arg6[%add3A_962] : memref<106496xf32, #tpu.memory_space<hbm>> -> memref<128xf32, #tpu.memory_space<hbm>>
    tpu.enqueue_dma source(%arg16 : memref<128xf32, #tpu.memory_space<vmem>>) target(%dma_start3A_968 : memref<128xf32, #tpu.memory_space<hbm>>) target_semaphore(%arg36 : memref<!tpu.dma_semaphore, #tpu.memory_space<semaphore_mem>>)
    %dma_wait3A_969 = arith.constant 24 : i32
    %dma_wait3A_970 = arith.constant 0 : i32
    %dma_wait3A_971 = tpu.memref_slice %arg7[%dma_wait3A_969, %dma_wait3A_970] : memref<26x128xi32, #tpu.memory_space<vmem>> -> memref<1x128xi32, #tpu.memory_space<vmem>>
    %dma_wait3A_972 = tpu.memref_squeeze %dma_wait3A_971 : memref<1x128xi32, #tpu.memory_space<vmem>> -> memref<128xi32, #tpu.memory_space<vmem>>
    %dma_wait3A_973 = arith.constant 0 : i32
    %dma_wait3A_974 = arith.constant 0 : i32
    %dma_wait3A_975 = tpu.memref_slice %arg2[%dma_wait3A_973, %dma_wait3A_974] : memref<26000x128xf32, #tpu.memory_space<hbm>> -> memref<26000x128xf32, #tpu.memory_space<hbm>>
    tpu.wait_indirect_dma semaphore(%arg22 : memref<!tpu.dma_semaphore, #tpu.memory_space<semaphore_mem>>) src(%dma_wait3A_975 : memref<26000x128xf32, #tpu.memory_space<hbm>>) dst(%arg12 : memref<128x128xf32, #tpu.memory_space<vmem>>)
    %dma_wait3A_976 = arith.constant 24 : i32
    %dma_wait3A_977 = arith.constant 0 : i32
    %dma_wait3A_978 = tpu.memref_slice %arg7[%dma_wait3A_976, %dma_wait3A_977] : memref<26x128xi32, #tpu.memory_space<vmem>> -> memref<1x128xi32, #tpu.memory_space<vmem>>
    %dma_wait3A_979 = tpu.memref_squeeze %dma_wait3A_978 : memref<1x128xi32, #tpu.memory_space<vmem>> -> memref<128xi32, #tpu.memory_space<vmem>>
    %dma_wait3A_980 = arith.constant 0 : i32
    %dma_wait3A_981 = tpu.memref_slice %arg3[%dma_wait3A_980] : memref<26000xf32, #tpu.memory_space<hbm>> -> memref<26000xf32, #tpu.memory_space<hbm>>
    tpu.wait_indirect_dma semaphore(%arg27 : memref<!tpu.dma_semaphore, #tpu.memory_space<semaphore_mem>>) src(%dma_wait3A_981 : memref<26000xf32, #tpu.memory_space<hbm>>) dst(%arg17 : memref<128xf32, #tpu.memory_space<vmem>>)
    %add3A_982 = arith.constant 3072 : i32
    %add3A_983 = arith.addi %mul3A_2, %add3A_982 : i32
    %dma_start3A_984 = arith.constant 0 : i32
    %dma_start3A_985 = tpu.memref_slice %arg5[%add3A_983, %dma_start3A_984] : memref<106496x128xf32, #tpu.memory_space<hbm>> -> memref<128x128xf32, #tpu.memory_space<hbm>>
    %dma_start3A_986 = arith.constant 0 : i32
    %dma_start3A_987 = tpu.memref_slice %arg5[%add3A_983, %dma_start3A_986] : memref<106496x128xf32, #tpu.memory_space<hbm>> -> memref<128x128xf32, #tpu.memory_space<hbm>>
    tpu.enqueue_dma source(%arg12 : memref<128x128xf32, #tpu.memory_space<vmem>>) target(%dma_start3A_987 : memref<128x128xf32, #tpu.memory_space<hbm>>) target_semaphore(%arg32 : memref<!tpu.dma_semaphore, #tpu.memory_space<semaphore_mem>>)
    %dma_start3A_988 = tpu.memref_slice %arg6[%add3A_983] : memref<106496xf32, #tpu.memory_space<hbm>> -> memref<128xf32, #tpu.memory_space<hbm>>
    %dma_start3A_989 = tpu.memref_slice %arg6[%add3A_983] : memref<106496xf32, #tpu.memory_space<hbm>> -> memref<128xf32, #tpu.memory_space<hbm>>
    tpu.enqueue_dma source(%arg17 : memref<128xf32, #tpu.memory_space<vmem>>) target(%dma_start3A_989 : memref<128xf32, #tpu.memory_space<hbm>>) target_semaphore(%arg37 : memref<!tpu.dma_semaphore, #tpu.memory_space<semaphore_mem>>)
    %dma_wait3A_990 = arith.constant 25 : i32
    %dma_wait3A_991 = arith.constant 0 : i32
    %dma_wait3A_992 = tpu.memref_slice %arg7[%dma_wait3A_990, %dma_wait3A_991] : memref<26x128xi32, #tpu.memory_space<vmem>> -> memref<1x128xi32, #tpu.memory_space<vmem>>
    %dma_wait3A_993 = tpu.memref_squeeze %dma_wait3A_992 : memref<1x128xi32, #tpu.memory_space<vmem>> -> memref<128xi32, #tpu.memory_space<vmem>>
    %dma_wait3A_994 = arith.constant 0 : i32
    %dma_wait3A_995 = arith.constant 0 : i32
    %dma_wait3A_996 = tpu.memref_slice %arg2[%dma_wait3A_994, %dma_wait3A_995] : memref<26000x128xf32, #tpu.memory_space<hbm>> -> memref<26000x128xf32, #tpu.memory_space<hbm>>
    tpu.wait_indirect_dma semaphore(%arg18 : memref<!tpu.dma_semaphore, #tpu.memory_space<semaphore_mem>>) src(%dma_wait3A_996 : memref<26000x128xf32, #tpu.memory_space<hbm>>) dst(%arg8 : memref<128x128xf32, #tpu.memory_space<vmem>>)
    %dma_wait3A_997 = arith.constant 25 : i32
    %dma_wait3A_998 = arith.constant 0 : i32
    %dma_wait3A_999 = tpu.memref_slice %arg7[%dma_wait3A_997, %dma_wait3A_998] : memref<26x128xi32, #tpu.memory_space<vmem>> -> memref<1x128xi32, #tpu.memory_space<vmem>>
    %dma_wait3A_1000 = tpu.memref_squeeze %dma_wait3A_999 : memref<1x128xi32, #tpu.memory_space<vmem>> -> memref<128xi32, #tpu.memory_space<vmem>>
    %dma_wait3A_1001 = arith.constant 0 : i32
    %dma_wait3A_1002 = tpu.memref_slice %arg3[%dma_wait3A_1001] : memref<26000xf32, #tpu.memory_space<hbm>> -> memref<26000xf32, #tpu.memory_space<hbm>>
    tpu.wait_indirect_dma semaphore(%arg23 : memref<!tpu.dma_semaphore, #tpu.memory_space<semaphore_mem>>) src(%dma_wait3A_1002 : memref<26000xf32, #tpu.memory_space<hbm>>) dst(%arg13 : memref<128xf32, #tpu.memory_space<vmem>>)
    %add3A_1003 = arith.constant 3200 : i32
    %add3A_1004 = arith.addi %mul3A_2, %add3A_1003 : i32
    %dma_start3A_1005 = arith.constant 0 : i32
    %dma_start3A_1006 = tpu.memref_slice %arg5[%add3A_1004, %dma_start3A_1005] : memref<106496x128xf32, #tpu.memory_space<hbm>> -> memref<128x128xf32, #tpu.memory_space<hbm>>
    %dma_start3A_1007 = arith.constant 0 : i32
    %dma_start3A_1008 = tpu.memref_slice %arg5[%add3A_1004, %dma_start3A_1007] : memref<106496x128xf32, #tpu.memory_space<hbm>> -> memref<128x128xf32, #tpu.memory_space<hbm>>
    tpu.enqueue_dma source(%arg8 : memref<128x128xf32, #tpu.memory_space<vmem>>) target(%dma_start3A_1008 : memref<128x128xf32, #tpu.memory_space<hbm>>) target_semaphore(%arg28 : memref<!tpu.dma_semaphore, #tpu.memory_space<semaphore_mem>>)
    %dma_start3A_1009 = tpu.memref_slice %arg6[%add3A_1004] : memref<106496xf32, #tpu.memory_space<hbm>> -> memref<128xf32, #tpu.memory_space<hbm>>
    %dma_start3A_1010 = tpu.memref_slice %arg6[%add3A_1004] : memref<106496xf32, #tpu.memory_space<hbm>> -> memref<128xf32, #tpu.memory_space<hbm>>
    tpu.enqueue_dma source(%arg13 : memref<128xf32, #tpu.memory_space<vmem>>) target(%dma_start3A_1010 : memref<128xf32, #tpu.memory_space<hbm>>) target_semaphore(%arg33 : memref<!tpu.dma_semaphore, #tpu.memory_space<semaphore_mem>>)
    %dma_wait3A_1011 = arith.constant 0 : i32
    %dma_wait3A_1012 = tpu.memref_slice %arg5[%add3A_1004, %dma_wait3A_1011] : memref<106496x128xf32, #tpu.memory_space<hbm>> -> memref<128x128xf32, #tpu.memory_space<hbm>>
    %dma_wait3A_1013 = arith.constant 0 : i32
    %dma_wait3A_1014 = tpu.memref_slice %arg5[%add3A_1004, %dma_wait3A_1013] : memref<106496x128xf32, #tpu.memory_space<hbm>> -> memref<128x128xf32, #tpu.memory_space<hbm>>
    tpu.wait_dma2 semaphore(%arg28 : memref<!tpu.dma_semaphore, #tpu.memory_space<semaphore_mem>>) src(%arg8 : memref<128x128xf32, #tpu.memory_space<vmem>>) dst(%dma_wait3A_1014 : memref<128x128xf32, #tpu.memory_space<hbm>>)
    %dma_wait3A_1015 = tpu.memref_slice %arg6[%add3A_1004] : memref<106496xf32, #tpu.memory_space<hbm>> -> memref<128xf32, #tpu.memory_space<hbm>>
    %dma_wait3A_1016 = tpu.memref_slice %arg6[%add3A_1004] : memref<106496xf32, #tpu.memory_space<hbm>> -> memref<128xf32, #tpu.memory_space<hbm>>
    tpu.wait_dma2 semaphore(%arg33 : memref<!tpu.dma_semaphore, #tpu.memory_space<semaphore_mem>>) src(%arg13 : memref<128xf32, #tpu.memory_space<vmem>>) dst(%dma_wait3A_1016 : memref<128xf32, #tpu.memory_space<hbm>>)
    %dma_wait3A_1017 = arith.constant 0 : i32
    %dma_wait3A_1018 = tpu.memref_slice %arg5[%add3A_920, %dma_wait3A_1017] : memref<106496x128xf32, #tpu.memory_space<hbm>> -> memref<128x128xf32, #tpu.memory_space<hbm>>
    %dma_wait3A_1019 = arith.constant 0 : i32
    %dma_wait3A_1020 = tpu.memref_slice %arg5[%add3A_920, %dma_wait3A_1019] : memref<106496x128xf32, #tpu.memory_space<hbm>> -> memref<128x128xf32, #tpu.memory_space<hbm>>
    tpu.wait_dma2 semaphore(%arg29 : memref<!tpu.dma_semaphore, #tpu.memory_space<semaphore_mem>>) src(%arg9 : memref<128x128xf32, #tpu.memory_space<vmem>>) dst(%dma_wait3A_1020 : memref<128x128xf32, #tpu.memory_space<hbm>>)
    %dma_wait3A_1021 = tpu.memref_slice %arg6[%add3A_920] : memref<106496xf32, #tpu.memory_space<hbm>> -> memref<128xf32, #tpu.memory_space<hbm>>
    %dma_wait3A_1022 = tpu.memref_slice %arg6[%add3A_920] : memref<106496xf32, #tpu.memory_space<hbm>> -> memref<128xf32, #tpu.memory_space<hbm>>
    tpu.wait_dma2 semaphore(%arg34 : memref<!tpu.dma_semaphore, #tpu.memory_space<semaphore_mem>>) src(%arg14 : memref<128xf32, #tpu.memory_space<vmem>>) dst(%dma_wait3A_1022 : memref<128xf32, #tpu.memory_space<hbm>>)
    %dma_wait3A_1023 = arith.constant 0 : i32
    %dma_wait3A_1024 = tpu.memref_slice %arg5[%add3A_941, %dma_wait3A_1023] : memref<106496x128xf32, #tpu.memory_space<hbm>> -> memref<128x128xf32, #tpu.memory_space<hbm>>
    %dma_wait3A_1025 = arith.constant 0 : i32
    %dma_wait3A_1026 = tpu.memref_slice %arg5[%add3A_941, %dma_wait3A_1025] : memref<106496x128xf32, #tpu.memory_space<hbm>> -> memref<128x128xf32, #tpu.memory_space<hbm>>
    tpu.wait_dma2 semaphore(%arg30 : memref<!tpu.dma_semaphore, #tpu.memory_space<semaphore_mem>>) src(%arg10 : memref<128x128xf32, #tpu.memory_space<vmem>>) dst(%dma_wait3A_1026 : memref<128x128xf32, #tpu.memory_space<hbm>>)
    %dma_wait3A_1027 = tpu.memref_slice %arg6[%add3A_941] : memref<106496xf32, #tpu.memory_space<hbm>> -> memref<128xf32, #tpu.memory_space<hbm>>
    %dma_wait3A_1028 = tpu.memref_slice %arg6[%add3A_941] : memref<106496xf32, #tpu.memory_space<hbm>> -> memref<128xf32, #tpu.memory_space<hbm>>
    tpu.wait_dma2 semaphore(%arg35 : memref<!tpu.dma_semaphore, #tpu.memory_space<semaphore_mem>>) src(%arg15 : memref<128xf32, #tpu.memory_space<vmem>>) dst(%dma_wait3A_1028 : memref<128xf32, #tpu.memory_space<hbm>>)
    %dma_wait3A_1029 = arith.constant 0 : i32
    %dma_wait3A_1030 = tpu.memref_slice %arg5[%add3A_962, %dma_wait3A_1029] : memref<106496x128xf32, #tpu.memory_space<hbm>> -> memref<128x128xf32, #tpu.memory_space<hbm>>
    %dma_wait3A_1031 = arith.constant 0 : i32
    %dma_wait3A_1032 = tpu.memref_slice %arg5[%add3A_962, %dma_wait3A_1031] : memref<106496x128xf32, #tpu.memory_space<hbm>> -> memref<128x128xf32, #tpu.memory_space<hbm>>
    tpu.wait_dma2 semaphore(%arg31 : memref<!tpu.dma_semaphore, #tpu.memory_space<semaphore_mem>>) src(%arg11 : memref<128x128xf32, #tpu.memory_space<vmem>>) dst(%dma_wait3A_1032 : memref<128x128xf32, #tpu.memory_space<hbm>>)
    %dma_wait3A_1033 = tpu.memref_slice %arg6[%add3A_962] : memref<106496xf32, #tpu.memory_space<hbm>> -> memref<128xf32, #tpu.memory_space<hbm>>
    %dma_wait3A_1034 = tpu.memref_slice %arg6[%add3A_962] : memref<106496xf32, #tpu.memory_space<hbm>> -> memref<128xf32, #tpu.memory_space<hbm>>
    tpu.wait_dma2 semaphore(%arg36 : memref<!tpu.dma_semaphore, #tpu.memory_space<semaphore_mem>>) src(%arg16 : memref<128xf32, #tpu.memory_space<vmem>>) dst(%dma_wait3A_1034 : memref<128xf32, #tpu.memory_space<hbm>>)
    %dma_wait3A_1035 = arith.constant 0 : i32
    %dma_wait3A_1036 = tpu.memref_slice %arg5[%add3A_983, %dma_wait3A_1035] : memref<106496x128xf32, #tpu.memory_space<hbm>> -> memref<128x128xf32, #tpu.memory_space<hbm>>
    %dma_wait3A_1037 = arith.constant 0 : i32
    %dma_wait3A_1038 = tpu.memref_slice %arg5[%add3A_983, %dma_wait3A_1037] : memref<106496x128xf32, #tpu.memory_space<hbm>> -> memref<128x128xf32, #tpu.memory_space<hbm>>
    tpu.wait_dma2 semaphore(%arg32 : memref<!tpu.dma_semaphore, #tpu.memory_space<semaphore_mem>>) src(%arg12 : memref<128x128xf32, #tpu.memory_space<vmem>>) dst(%dma_wait3A_1038 : memref<128x128xf32, #tpu.memory_space<hbm>>)
    %dma_wait3A_1039 = tpu.memref_slice %arg6[%add3A_983] : memref<106496xf32, #tpu.memory_space<hbm>> -> memref<128xf32, #tpu.memory_space<hbm>>
    %dma_wait3A_1040 = tpu.memref_slice %arg6[%add3A_983] : memref<106496xf32, #tpu.memory_space<hbm>> -> memref<128xf32, #tpu.memory_space<hbm>>
    tpu.wait_dma2 semaphore(%arg37 : memref<!tpu.dma_semaphore, #tpu.memory_space<semaphore_mem>>) src(%arg17 : memref<128xf32, #tpu.memory_space<vmem>>) dst(%dma_wait3A_1040 : memref<128xf32, #tpu.memory_space<hbm>>)
    return
  }
}

module attributes {stable_mosaic.version = 14 : i64} {
  func.func @_rowsum_body(%arg0: i32, %arg1: memref<1000x128xf32, #tpu.memory_space<vmem>>, %arg2: memref<1000x16xf32, #tpu.memory_space<vmem>>) attributes {dimension_semantics = [#tpu.dimension_semantics<arbitrary>], iteration_bounds = array<i64: 26>, scalar_prefetch = 0 : i64, scratch_operands = 0 : i64, tpu.core_type = #tpu.core_type<tc>, window_params = [{transform_indices = @transform_0, window_bounds = array<i64: 1000, 128>}, {transform_indices = @transform_1, window_bounds = array<i64: 1000, 16>}]} {
    %get3A = arith.constant 0 : index
    %get3A_0 = arith.constant 0 : index
    %get3A_1 = vector.load %arg1[%get3A, %get3A_0] : memref<1000x128xf32, #tpu.memory_space<vmem>>, vector<1000x128xf32>
    %broadcast_in_dim3A = arith.constant 1.000000e+00 : f32
    %broadcast_in_dim3A_2 = vector.broadcast %broadcast_in_dim3A : f32 to vector<128x16xf32>
    %dot_general3A = arith.constant dense<0.000000e+00> : vector<1000x16xf32>
    %dot_general3A_3 = tpu.matmul %get3A_1, %broadcast_in_dim3A_2, %dot_general3A {dimension_numbers = #tpu.dot_dimension_numbers<[1], [0], [0], [1], [0, 0, 1, 1], [], []>, transpose_lhs_hint = false} : vector<1000x128xf32>, vector<128x16xf32>, vector<1000x16xf32> -> vector<1000x16xf32>
    %swap3A = arith.constant 0 : index
    %swap3A_4 = arith.constant 0 : index
    %swap3A_5 = vector.load %arg2[%swap3A, %swap3A_4] : memref<1000x16xf32, #tpu.memory_space<vmem>>, vector<1000x16xf32>
    tpu.vector_store %arg2[%swap3A, %swap3A_4], %dot_general3A_3 {strides = array<i32>} : memref<1000x16xf32, #tpu.memory_space<vmem>>, vector<1000x16xf32>,
    return
  }
  func.func @transform_0(%arg0: i32) -> (i32, i32) {
    %c0_i32 = arith.constant 0 : i32
    %c0_i32_0 = arith.constant 0 : i32
    return %arg0, %c0_i32 : i32, i32
  }
  func.func @transform_1(%arg0: i32) -> (i32, i32) {
    %c0_i32 = arith.constant 0 : i32
    %c0_i32_0 = arith.constant 0 : i32
    return %arg0, %c0_i32 : i32, i32
  }
}

module attributes {stable_mosaic.version = 14 : i64} {
  func.func @_collapse_body(%arg0: memref<1024x512xf32, #tpu.memory_space<vmem>>, %arg1: memref<1x512xf32, #tpu.memory_space<vmem>>, %arg2: memref<1x1024xf32, #tpu.memory_space<vmem>>, %arg3: memref<1x1024xf32, #tpu.memory_space<vmem>>, %arg4: memref<1x1024xf32, #tpu.memory_space<vmem>>, %arg5: memref<1x512xf32, #tpu.memory_space<vmem>>, %arg6: memref<1x512xf32, #tpu.memory_space<vmem>>, %arg7: memref<1x1024xf32, #tpu.memory_space<vmem>>, %arg8: memref<1x1xf32, #tpu.memory_space<vmem>>) attributes {dimension_semantics = [], scalar_prefetch = 0 : i64, scratch_operands = 0 : i64, tpu.core_type = #tpu.core_type<tc>} {
    %get3A = arith.constant 0 : index
    %get3A_0 = arith.constant 0 : index
    %get3A_1 = vector.load %arg1[%get3A, %get3A_0] : memref<1x512xf32, #tpu.memory_space<vmem>>, vector<1x512xf32>
    %mul3A = arith.constant 0.999994993 : f32
    %mul3A_2 = vector.broadcast %mul3A : f32 to vector<1x512xf32>
    %mul3A_3 = arith.mulf %get3A_1, %mul3A_2 : vector<1x512xf32>
    %get3A_4 = arith.constant 0 : index
    %get3A_5 = arith.constant 0 : index
    %get3A_6 = vector.load %arg0[%get3A_4, %get3A_5] : memref<1024x512xf32, #tpu.memory_space<vmem>>, vector<1024x512xf32>
    %dot_general3A = arith.constant dense<0.000000e+00> : vector<1x1024xf32>
    %dot_general3A_7 = tpu.matmul %mul3A_3, %get3A_6, %dot_general3A {dimension_numbers = #tpu.dot_dimension_numbers<[1], [1], [0], [0], [0, 0, 1, 0], [], []>, precision = #tpu.contract_precision<fp32>, transpose_lhs_hint = false} : vector<1x512xf32>, vector<1024x512xf32>, vector<1x1024xf32> -> vector<1x1024xf32>
    %get3A_8 = arith.constant 0 : index
    %get3A_9 = arith.constant 0 : index
    %get3A_10 = vector.load %arg2[%get3A_8, %get3A_9] : memref<1x1024xf32, #tpu.memory_space<vmem>>, vector<1x1024xf32>
    %mul3A_11 = arith.mulf %dot_general3A_7, %get3A_10 : vector<1x1024xf32>
    %mul3A_12 = arith.constant 0.999994993 : f32
    %mul3A_13 = vector.broadcast %mul3A_12 : f32 to vector<1x1024xf32>
    %mul3A_14 = arith.mulf %mul3A_11, %mul3A_13 : vector<1x1024xf32>
    %get3A_15 = arith.constant 0 : index
    %get3A_16 = arith.constant 0 : index
    %get3A_17 = vector.load %arg3[%get3A_15, %get3A_16] : memref<1x1024xf32, #tpu.memory_space<vmem>>, vector<1x1024xf32>
    %mul3A_18 = arith.mulf %get3A_17, %mul3A_14 : vector<1x1024xf32>
    %reduce_sum3A = arith.constant dense<0.000000e+00> : vector<1xf32>
    %reduce_sum3A_19 = vector.multi_reduction <add>, %mul3A_18, %reduce_sum3A [1] : vector<1x1024xf32> to vector<1xf32>
    %broadcast_in_dim3A = vector.shape_cast %reduce_sum3A_19 : vector<1xf32> to vector<1x1xf32>
    %get3A_20 = arith.constant 0 : index
    %get3A_21 = arith.constant 0 : index
    %get3A_22 = vector.load %arg4[%get3A_20, %get3A_21] : memref<1x1024xf32, #tpu.memory_space<vmem>>, vector<1x1024xf32>
    %mul3A_23 = arith.mulf %get3A_22, %dot_general3A_7 : vector<1x1024xf32>
    %reduce_sum3A_24 = arith.constant dense<0.000000e+00> : vector<1xf32>
    %reduce_sum3A_25 = vector.multi_reduction <add>, %mul3A_23, %reduce_sum3A_24 [1] : vector<1x1024xf32> to vector<1xf32>
    %broadcast_in_dim3A_26 = vector.shape_cast %reduce_sum3A_25 : vector<1xf32> to vector<1x1xf32>
    %add3A = arith.addf %broadcast_in_dim3A, %broadcast_in_dim3A_26 : vector<1x1xf32>
    %get3A_27 = arith.constant 0 : index
    %get3A_28 = arith.constant 0 : index
    %get3A_29 = vector.load %arg5[%get3A_27, %get3A_28] : memref<1x512xf32, #tpu.memory_space<vmem>>, vector<1x512xf32>
    %mul3A_30 = arith.mulf %get3A_29, %mul3A_3 : vector<1x512xf32>
    %reduce_sum3A_31 = arith.constant dense<0.000000e+00> : vector<1xf32>
    %reduce_sum3A_32 = vector.multi_reduction <add>, %mul3A_30, %reduce_sum3A_31 [1] : vector<1x512xf32> to vector<1xf32>
    %broadcast_in_dim3A_33 = vector.shape_cast %reduce_sum3A_32 : vector<1xf32> to vector<1x1xf32>
    %add3A_34 = arith.addf %add3A, %broadcast_in_dim3A_33 : vector<1x1xf32>
    %get3A_35 = arith.constant 0 : index
    %get3A_36 = arith.constant 0 : index
    %get3A_37 = vector.load %arg6[%get3A_35, %get3A_36] : memref<1x512xf32, #tpu.memory_space<vmem>>, vector<1x512xf32>
    %reduce_sum3A_38 = arith.constant dense<0.000000e+00> : vector<1xf32>
    %reduce_sum3A_39 = vector.multi_reduction <add>, %get3A_37, %reduce_sum3A_38 [1] : vector<1x512xf32> to vector<1xf32>
    %broadcast_in_dim3A_40 = vector.shape_cast %reduce_sum3A_39 : vector<1xf32> to vector<1x1xf32>
    %add3A_41 = arith.addf %add3A_34, %broadcast_in_dim3A_40 : vector<1x1xf32>
    %swap3A = arith.constant 0 : index
    %swap3A_42 = arith.constant 0 : index
    %swap3A_43 = vector.load %arg7[%swap3A, %swap3A_42] : memref<1x1024xf32, #tpu.memory_space<vmem>>, vector<1x1024xf32>
    tpu.vector_store %arg7[%swap3A, %swap3A_42], %mul3A_14 {strides = array<i32>} : memref<1x1024xf32, #tpu.memory_space<vmem>>, vector<1x1024xf32>,
    %swap3A_44 = arith.constant 0 : index
    %swap3A_45 = arith.constant 0 : index
    %swap3A_46 = vector.load %arg8[%swap3A_44, %swap3A_45] : memref<1x1xf32, #tpu.memory_space<vmem>>, vector<1x1xf32>
    tpu.vector_store %arg8[%swap3A_44, %swap3A_45], %add3A_41 {strides = array<i32>} : memref<1x1xf32, #tpu.memory_space<vmem>>, vector<1x1xf32>,
    return
  }
}

module attributes {stable_mosaic.version = 14 : i64} {
  func.func @_w1v_body(%arg0: i32, %arg1: memref<1x1024xf32, #tpu.memory_space<vmem>>, %arg2: memref<128x1024xf32, #tpu.memory_space<vmem>>, %arg3: memref<1x128xf32, #tpu.memory_space<vmem>>) attributes {dimension_semantics = [#tpu.dimension_semantics<arbitrary>], iteration_bounds = array<i64: 39>, scalar_prefetch = 0 : i64, scratch_operands = 0 : i64, tpu.core_type = #tpu.core_type<tc>, window_params = [{pipeline_mode = #tpu.pipeline_mode<synchronous>, transform_indices = @transform_0, window_bounds = array<i64: 1, 1024>}, {transform_indices = @transform_1, window_bounds = array<i64: 128, 1024>}, {transform_indices = @transform_2, window_bounds = array<i64: 1, 128>}]} {
    %get3A = arith.constant 0 : index
    %get3A_0 = arith.constant 0 : index
    %get3A_1 = vector.load %arg1[%get3A, %get3A_0] : memref<1x1024xf32, #tpu.memory_space<vmem>>, vector<1x1024xf32>
    %get3A_2 = arith.constant 0 : index
    %get3A_3 = arith.constant 0 : index
    %get3A_4 = vector.load %arg2[%get3A_2, %get3A_3] : memref<128x1024xf32, #tpu.memory_space<vmem>>, vector<128x1024xf32>
    %dot_general3A = arith.constant dense<0.000000e+00> : vector<1x128xf32>
    %dot_general3A_5 = tpu.matmul %get3A_1, %get3A_4, %dot_general3A {dimension_numbers = #tpu.dot_dimension_numbers<[1], [1], [0], [0], [0, 0, 1, 0], [], []>, transpose_lhs_hint = false} : vector<1x1024xf32>, vector<128x1024xf32>, vector<1x128xf32> -> vector<1x128xf32>
    %swap3A = arith.constant 0 : index
    %swap3A_6 = arith.constant 0 : index
    %swap3A_7 = vector.load %arg3[%swap3A, %swap3A_6] : memref<1x128xf32, #tpu.memory_space<vmem>>, vector<1x128xf32>
    tpu.vector_store %arg3[%swap3A, %swap3A_6], %dot_general3A_5 {strides = array<i32>} : memref<1x128xf32, #tpu.memory_space<vmem>>, vector<1x128xf32>,
    return
  }
  func.func @transform_0(%arg0: i32) -> (i32, i32) {
    %c0_i32 = arith.constant 0 : i32
    %c0_i32_0 = arith.constant 0 : i32
    %c0_i32_1 = arith.constant 0 : i32
    return %c0_i32, %c0_i32_0 : i32, i32
  }
  func.func @transform_1(%arg0: i32) -> (i32, i32) {
    %c0_i32 = arith.constant 0 : i32
    %c0_i32_0 = arith.constant 0 : i32
    return %arg0, %c0_i32 : i32, i32
  }
  func.func @transform_2(%arg0: i32) -> (i32, i32) {
    %c0_i32 = arith.constant 0 : i32
    %c0_i32_0 = arith.constant 0 : i32
    return %c0_i32, %arg0 : i32, i32
  }
}

module attributes {stable_mosaic.version = 14 : i64} {
  func.func @_main_body(%arg0: i32, %arg1: memref<1x3328x128xf32, #tpu.memory_space<vmem>>, %arg2: memref<128x26xf32, #tpu.memory_space<vmem>>, %arg3: memref<128x13xf32, #tpu.memory_space<vmem>>, %arg4: memref<128x13xf32, #tpu.memory_space<vmem>>, %arg5: memref<128x26xf32, #tpu.memory_space<vmem>>, %arg6: memref<13x128xf32, #tpu.memory_space<vmem>>, %arg7: memref<13x128xf32, #tpu.memory_space<vmem>>, %arg8: memref<13x128xf32, #tpu.memory_space<vmem>>, %arg9: memref<13x128xf32, #tpu.memory_space<vmem>>, %arg10: memref<39x128xf32, #tpu.memory_space<vmem>>, %arg11: memref<1x1xf32, #tpu.memory_space<vmem>>, %arg12: memref<128x1xf32, #tpu.memory_space<vmem>>, %arg13: memref<128x1xf32, #tpu.memory_space<vmem>>) attributes {dimension_semantics = [#tpu.dimension_semantics<arbitrary>], iteration_bounds = array<i64: 32>, scalar_prefetch = 0 : i64, scratch_operands = 0 : i64, tpu.core_type = #tpu.core_type<tc>, window_params = [{transform_indices = @transform_0, window_bounds = array<i64: 1, 3328, 128>}, {transform_indices = @transform_1, window_bounds = array<i64: 128, 26>}, {transform_indices = @transform_2, window_bounds = array<i64: 128, 13>}, {transform_indices = @transform_3, window_bounds = array<i64: 128, 13>}, {transform_indices = @transform_4, window_bounds = array<i64: 128, 26>}, {pipeline_mode = #tpu.pipeline_mode<synchronous>, transform_indices = @transform_5, window_bounds = array<i64: 13, 128>}, {pipeline_mode = #tpu.pipeline_mode<synchronous>, transform_indices = @transform_6, window_bounds = array<i64: 13, 128>}, {pipeline_mode = #tpu.pipeline_mode<synchronous>, transform_indices = @transform_7, window_bounds = array<i64: 13, 128>}, {pipeline_mode = #tpu.pipeline_mode<synchronous>, transform_indices = @transform_8, window_bounds = array<i64: 13, 128>}, {pipeline_mode = #tpu.pipeline_mode<synchronous>, transform_indices = @transform_9, window_bounds = array<i64: 39, 128>}, {pipeline_mode = #tpu.pipeline_mode<synchronous>, transform_indices = @transform_10, window_bounds = array<i64: 1, 1>}, {transform_indices = @transform_11, window_bounds = array<i64: 128, 1>}, {transform_indices = @transform_12, window_bounds = array<i64: 128, 1>}]} {
    %get3A = arith.constant 0 : index
    %get3A_0 = arith.constant 0 : index
    %get3A_1 = vector.load %arg3[%get3A, %get3A_0] : memref<128x13xf32, #tpu.memory_space<vmem>>, vector<128x13xf32>
    %get3A_2 = arith.constant 0 : index
    %get3A_3 = arith.constant 0 : index
    %get3A_4 = vector.load %arg4[%get3A_2, %get3A_3] : memref<128x13xf32, #tpu.memory_space<vmem>>, vector<128x13xf32>
    %get3A_5 = arith.constant 0 : index
    %get3A_6 = arith.constant 0 : index
    %get3A_7 = vector.load %arg5[%get3A_5, %get3A_6] : memref<128x26xf32, #tpu.memory_space<vmem>>, vector<128x26xf32>
    %mul3A = arith.mulf %get3A_4, %get3A_1 : vector<128x13xf32>
    %get3A_8 = arith.constant 0 : index
    %get3A_9 = arith.constant 0 : index
    %get3A_10 = vector.load %arg6[%get3A_8, %get3A_9] : memref<13x128xf32, #tpu.memory_space<vmem>>, vector<13x128xf32>
    %get3A_11 = arith.constant 0 : index
    %get3A_12 = arith.constant 0 : index
    %get3A_13 = vector.load %arg7[%get3A_11, %get3A_12] : memref<13x128xf32, #tpu.memory_space<vmem>>, vector<13x128xf32>
    %get3A_14 = arith.constant 0 : index
    %get3A_15 = arith.constant 0 : index
    %get3A_16 = vector.load %arg10[%get3A_14, %get3A_15] : memref<39x128xf32, #tpu.memory_space<vmem>>, vector<39x128xf32>
    %slice3A = vector.extract_strided_slice %get3A_16 {offsets = [0, 0], sizes = [13, 128], strides = [1, 1]} : vector<39x128xf32> to vector<13x128xf32>
    %dot_general3A = arith.constant dense<0.000000e+00> : vector<128x128xf32>
    %dot_general3A_17 = tpu.matmul %mul3A, %get3A_10, %dot_general3A {dimension_numbers = #tpu.dot_dimension_numbers<[1], [0], [0], [1], [0, 0, 1, 1], [], []>, precision = #tpu.contract_precision<fp32>, transpose_lhs_hint = false} : vector<128x13xf32>, vector<13x128xf32>, vector<128x128xf32> -> vector<128x128xf32>
    %dot_general3A_18 = arith.constant dense<0.000000e+00> : vector<128x128xf32>
    %dot_general3A_19 = tpu.matmul %get3A_4, %get3A_13, %dot_general3A_18 {dimension_numbers = #tpu.dot_dimension_numbers<[1], [0], [0], [1], [0, 0, 1, 1], [], []>, precision = #tpu.contract_precision<fp32>, transpose_lhs_hint = false} : vector<128x13xf32>, vector<13x128xf32>, vector<128x128xf32> -> vector<128x128xf32>
    %add3A = arith.addf %dot_general3A_17, %dot_general3A_19 : vector<128x128xf32>
    %get3A_20 = arith.constant 0 : index
    %get3A_21 = arith.constant 0 : index
    %get3A_22 = vector.load %arg8[%get3A_20, %get3A_21] : memref<13x128xf32, #tpu.memory_space<vmem>>, vector<13x128xf32>
    %dot_general3A_23 = arith.constant dense<0.000000e+00> : vector<128x128xf32>
    %dot_general3A_24 = tpu.matmul %mul3A, %get3A_22, %dot_general3A_23 {dimension_numbers = #tpu.dot_dimension_numbers<[1], [0], [0], [1], [0, 0, 1, 1], [], []>, precision = #tpu.contract_precision<fp32>, transpose_lhs_hint = false} : vector<128x13xf32>, vector<13x128xf32>, vector<128x128xf32> -> vector<128x128xf32>
    %get3A_25 = arith.constant 0 : index
    %get3A_26 = arith.constant 0 : index
    %get3A_27 = vector.load %arg9[%get3A_25, %get3A_26] : memref<13x128xf32, #tpu.memory_space<vmem>>, vector<13x128xf32>
    %dot_general3A_28 = arith.constant dense<0.000000e+00> : vector<128x128xf32>
    %dot_general3A_29 = tpu.matmul %get3A_4, %get3A_27, %dot_general3A_28 {dimension_numbers = #tpu.dot_dimension_numbers<[1], [0], [0], [1], [0, 0, 1, 1], [], []>, precision = #tpu.contract_precision<fp32>, transpose_lhs_hint = false} : vector<128x13xf32>, vector<13x128xf32>, vector<128x128xf32> -> vector<128x128xf32>
    %add3A_30 = arith.addf %dot_general3A_24, %dot_general3A_29 : vector<128x128xf32>
    %mul3A_31 = arith.mulf %get3A_10, %get3A_10 : vector<13x128xf32>
    %reduce_sum3A = arith.constant dense<0.000000e+00> : vector<13xf32>
    %reduce_sum3A_32 = vector.multi_reduction <add>, %mul3A_31, %reduce_sum3A [1] : vector<13x128xf32> to vector<13xf32>
    %broadcast_in_dim3A = vector.shape_cast %reduce_sum3A_32 : vector<13xf32> to vector<13x1xf32>
    %mul3A_33 = arith.mulf %get3A_10, %get3A_13 : vector<13x128xf32>
    %reduce_sum3A_34 = arith.constant dense<0.000000e+00> : vector<13xf32>
    %reduce_sum3A_35 = vector.multi_reduction <add>, %mul3A_33, %reduce_sum3A_34 [1] : vector<13x128xf32> to vector<13xf32>
    %broadcast_in_dim3A_36 = vector.shape_cast %reduce_sum3A_35 : vector<13xf32> to vector<13x1xf32>
    %mul3A_37 = arith.mulf %get3A_13, %get3A_13 : vector<13x128xf32>
    %reduce_sum3A_38 = arith.constant dense<0.000000e+00> : vector<13xf32>
    %reduce_sum3A_39 = vector.multi_reduction <add>, %mul3A_37, %reduce_sum3A_38 [1] : vector<13x128xf32> to vector<13xf32>
    %broadcast_in_dim3A_40 = vector.shape_cast %reduce_sum3A_39 : vector<13xf32> to vector<13x1xf32>
    %mul3A_41 = arith.mulf %get3A_4, %get3A_4 : vector<128x13xf32>
    %mul3A_42 = arith.mulf %mul3A_41, %get3A_1 : vector<128x13xf32>
    %mul3A_43 = arith.mulf %mul3A_42, %get3A_1 : vector<128x13xf32>
    %dot_general3A_44 = arith.constant dense<0.000000e+00> : vector<128x1xf32>
    %dot_general3A_45 = tpu.matmul %mul3A_43, %broadcast_in_dim3A, %dot_general3A_44 {dimension_numbers = #tpu.dot_dimension_numbers<[1], [0], [0], [1], [0, 0, 1, 1], [], []>, precision = #tpu.contract_precision<fp32>, transpose_lhs_hint = false} : vector<128x13xf32>, vector<13x1xf32>, vector<128x1xf32> -> vector<128x1xf32>
    %mul3A_46 = arith.mulf %mul3A_41, %get3A_1 : vector<128x13xf32>
    %dot_general3A_47 = arith.constant dense<0.000000e+00> : vector<128x1xf32>
    %dot_general3A_48 = tpu.matmul %mul3A_46, %broadcast_in_dim3A_36, %dot_general3A_47 {dimension_numbers = #tpu.dot_dimension_numbers<[1], [0], [0], [1], [0, 0, 1, 1], [], []>, precision = #tpu.contract_precision<fp32>, transpose_lhs_hint = false} : vector<128x13xf32>, vector<13x1xf32>, vector<128x1xf32> -> vector<128x1xf32>
    %mul3A_49 = arith.constant 2.000000e+00 : f32
    %mul3A_50 = vector.broadcast %mul3A_49 : f32 to vector<128x1xf32>
    %mul3A_51 = arith.mulf %mul3A_50, %dot_general3A_48 : vector<128x1xf32>
    %add3A_52 = arith.addf %dot_general3A_45, %mul3A_51 : vector<128x1xf32>
    %dot_general3A_53 = arith.constant dense<0.000000e+00> : vector<128x1xf32>
    %dot_general3A_54 = tpu.matmul %mul3A_41, %broadcast_in_dim3A_40, %dot_general3A_53 {dimension_numbers = #tpu.dot_dimension_numbers<[1], [0], [0], [1], [0, 0, 1, 1], [], []>, precision = #tpu.contract_precision<fp32>, transpose_lhs_hint = false} : vector<128x13xf32>, vector<13x1xf32>, vector<128x1xf32> -> vector<128x1xf32>
    %add3A_55 = arith.addf %add3A_52, %dot_general3A_54 : vector<128x1xf32>
    %mul3A_56 = arith.mulf %get3A_10, %slice3A : vector<13x128xf32>
    %reduce_sum3A_57 = arith.constant dense<0.000000e+00> : vector<13xf32>
    %reduce_sum3A_58 = vector.multi_reduction <add>, %mul3A_56, %reduce_sum3A_57 [1] : vector<13x128xf32> to vector<13xf32>
    %broadcast_in_dim3A_59 = vector.shape_cast %reduce_sum3A_58 : vector<13xf32> to vector<13x1xf32>
    %mul3A_60 = arith.mulf %get3A_13, %slice3A : vector<13x128xf32>
    %reduce_sum3A_61 = arith.constant dense<0.000000e+00> : vector<13xf32>
    %reduce_sum3A_62 = vector.multi_reduction <add>, %mul3A_60, %reduce_sum3A_61 [1] : vector<13x128xf32> to vector<13xf32>
    %broadcast_in_dim3A_63 = vector.shape_cast %reduce_sum3A_62 : vector<13xf32> to vector<13x1xf32>
    %dot_general3A_64 = arith.constant dense<0.000000e+00> : vector<128x1xf32>
    %dot_general3A_65 = tpu.matmul %mul3A, %broadcast_in_dim3A_59, %dot_general3A_64 {dimension_numbers = #tpu.dot_dimension_numbers<[1], [0], [0], [1], [0, 0, 1, 1], [], []>, precision = #tpu.contract_precision<fp32>, transpose_lhs_hint = false} : vector<128x13xf32>, vector<13x1xf32>, vector<128x1xf32> -> vector<128x1xf32>
    %dot_general3A_66 = arith.constant dense<0.000000e+00> : vector<128x1xf32>
    %dot_general3A_67 = tpu.matmul %get3A_4, %broadcast_in_dim3A_63, %dot_general3A_66 {dimension_numbers = #tpu.dot_dimension_numbers<[1], [0], [0], [1], [0, 0, 1, 1], [], []>, precision = #tpu.contract_precision<fp32>, transpose_lhs_hint = false} : vector<128x13xf32>, vector<13x1xf32>, vector<128x1xf32> -> vector<128x1xf32>
    %add3A_68 = arith.addf %dot_general3A_65, %dot_general3A_67 : vector<128x1xf32>
    %broadcast_in_dim3A_69 = arith.constant 0.000000e+00 : f32
    %broadcast_in_dim3A_70 = vector.broadcast %broadcast_in_dim3A_69 : f32 to vector<128x128xf32>
    %broadcast_in_dim3A_71 = arith.constant 0.000000e+00 : f32
    %broadcast_in_dim3A_72 = vector.broadcast %broadcast_in_dim3A_71 : f32 to vector<128x128xf32>
    %get3A_73 = arith.constant 0 : index
    %get3A_74 = arith.constant 0 : index
    %get3A_75 = vector.load %arg2[%get3A_73, %get3A_74] : memref<128x26xf32, #tpu.memory_space<vmem>>, vector<128x26xf32>
    %mul3A_76 = arith.mulf %get3A_7, %get3A_75 : vector<128x26xf32>
    %reduce_sum3A_77 = arith.constant dense<0.000000e+00> : vector<128xf32>
    %reduce_sum3A_78 = vector.multi_reduction <add>, %mul3A_76, %reduce_sum3A_77 [1] : vector<128x26xf32> to vector<128xf32>
    %broadcast_in_dim3A_79 = vector.shape_cast %reduce_sum3A_78 : vector<128xf32> to vector<128x1xf32>
    %slice3A_80 = vector.extract_strided_slice %get3A_7 {offsets = [0, 0], sizes = [128, 1], strides = [1, 1]} : vector<128x26xf32> to vector<128x1xf32>
    %get3A_81 = arith.constant 0 : index
    %get3A_82 = arith.constant 0 : index
    %get3A_83 = arith.constant 0 : index
    %get3A_84 = vector.load %arg1[%get3A_81, %get3A_82, %get3A_83] : memref<1x3328x128xf32, #tpu.memory_space<vmem>>, vector<1x128x128xf32>
    %get3A_85 = vector.shape_cast %get3A_84 : vector<1x128x128xf32> to vector<128x128xf32>
    %mul3A_86 = vector.broadcast %slice3A_80 : vector<128x1xf32> to vector<128x128xf32>
    %mul3A_87 = arith.mulf %mul3A_86, %get3A_85 : vector<128x128xf32>
    %add3A_88 = arith.addf %add3A, %mul3A_87 : vector<128x128xf32>
    %mul3A_89 = arith.mulf %mul3A_87, %mul3A_87 : vector<128x128xf32>
    %add3A_90 = arith.addf %broadcast_in_dim3A_70, %mul3A_89 : vector<128x128xf32>
    %slice3A_91 = vector.extract_strided_slice %get3A_16 {offsets = [13, 0], sizes = [1, 128], strides = [1, 1]} : vector<39x128xf32> to vector<1x128xf32>
    %mul3A_92 = vector.broadcast %slice3A_91 : vector<1x128xf32> to vector<128x128xf32>
    %mul3A_93 = arith.mulf %mul3A_87, %mul3A_92 : vector<128x128xf32>
    %add3A_94 = arith.addf %broadcast_in_dim3A_72, %mul3A_93 : vector<128x128xf32>
    %slice3A_95 = vector.extract_strided_slice %get3A_7 {offsets = [0, 1], sizes = [128, 1], strides = [1, 1]} : vector<128x26xf32> to vector<128x1xf32>
    %get3A_96 = arith.constant 0 : index
    %get3A_97 = arith.constant 128 : index
    %get3A_98 = arith.constant 0 : index
    %get3A_99 = vector.load %arg1[%get3A_96, %get3A_97, %get3A_98] : memref<1x3328x128xf32, #tpu.memory_space<vmem>>, vector<1x128x128xf32>
    %get3A_100 = vector.shape_cast %get3A_99 : vector<1x128x128xf32> to vector<128x128xf32>
    %mul3A_101 = vector.broadcast %slice3A_95 : vector<128x1xf32> to vector<128x128xf32>
    %mul3A_102 = arith.mulf %mul3A_101, %get3A_100 : vector<128x128xf32>
    %add3A_103 = arith.addf %add3A_88, %mul3A_102 : vector<128x128xf32>
    %mul3A_104 = arith.mulf %mul3A_102, %mul3A_102 : vector<128x128xf32>
    %add3A_105 = arith.addf %add3A_90, %mul3A_104 : vector<128x128xf32>
    %slice3A_106 = vector.extract_strided_slice %get3A_16 {offsets = [14, 0], sizes = [1, 128], strides = [1, 1]} : vector<39x128xf32> to vector<1x128xf32>
    %mul3A_107 = vector.broadcast %slice3A_106 : vector<1x128xf32> to vector<128x128xf32>
    %mul3A_108 = arith.mulf %mul3A_102, %mul3A_107 : vector<128x128xf32>
    %add3A_109 = arith.addf %add3A_94, %mul3A_108 : vector<128x128xf32>
    %slice3A_110 = vector.extract_strided_slice %get3A_7 {offsets = [0, 2], sizes = [128, 1], strides = [1, 1]} : vector<128x26xf32> to vector<128x1xf32>
    %get3A_111 = arith.constant 0 : index
    %get3A_112 = arith.constant 256 : index
    %get3A_113 = arith.constant 0 : index
    %get3A_114 = vector.load %arg1[%get3A_111, %get3A_112, %get3A_113] : memref<1x3328x128xf32, #tpu.memory_space<vmem>>, vector<1x128x128xf32>
    %get3A_115 = vector.shape_cast %get3A_114 : vector<1x128x128xf32> to vector<128x128xf32>
    %mul3A_116 = vector.broadcast %slice3A_110 : vector<128x1xf32> to vector<128x128xf32>
    %mul3A_117 = arith.mulf %mul3A_116, %get3A_115 : vector<128x128xf32>
    %add3A_118 = arith.addf %add3A_103, %mul3A_117 : vector<128x128xf32>
    %mul3A_119 = arith.mulf %mul3A_117, %mul3A_117 : vector<128x128xf32>
    %add3A_120 = arith.addf %add3A_105, %mul3A_119 : vector<128x128xf32>
    %slice3A_121 = vector.extract_strided_slice %get3A_16 {offsets = [15, 0], sizes = [1, 128], strides = [1, 1]} : vector<39x128xf32> to vector<1x128xf32>
    %mul3A_122 = vector.broadcast %slice3A_121 : vector<1x128xf32> to vector<128x128xf32>
    %mul3A_123 = arith.mulf %mul3A_117, %mul3A_122 : vector<128x128xf32>
    %add3A_124 = arith.addf %add3A_109, %mul3A_123 : vector<128x128xf32>
    %slice3A_125 = vector.extract_strided_slice %get3A_7 {offsets = [0, 3], sizes = [128, 1], strides = [1, 1]} : vector<128x26xf32> to vector<128x1xf32>
    %get3A_126 = arith.constant 0 : index
    %get3A_127 = arith.constant 384 : index
    %get3A_128 = arith.constant 0 : index
    %get3A_129 = vector.load %arg1[%get3A_126, %get3A_127, %get3A_128] : memref<1x3328x128xf32, #tpu.memory_space<vmem>>, vector<1x128x128xf32>
    %get3A_130 = vector.shape_cast %get3A_129 : vector<1x128x128xf32> to vector<128x128xf32>
    %mul3A_131 = vector.broadcast %slice3A_125 : vector<128x1xf32> to vector<128x128xf32>
    %mul3A_132 = arith.mulf %mul3A_131, %get3A_130 : vector<128x128xf32>
    %add3A_133 = arith.addf %add3A_118, %mul3A_132 : vector<128x128xf32>
    %mul3A_134 = arith.mulf %mul3A_132, %mul3A_132 : vector<128x128xf32>
    %add3A_135 = arith.addf %add3A_120, %mul3A_134 : vector<128x128xf32>
    %slice3A_136 = vector.extract_strided_slice %get3A_16 {offsets = [16, 0], sizes = [1, 128], strides = [1, 1]} : vector<39x128xf32> to vector<1x128xf32>
    %mul3A_137 = vector.broadcast %slice3A_136 : vector<1x128xf32> to vector<128x128xf32>
    %mul3A_138 = arith.mulf %mul3A_132, %mul3A_137 : vector<128x128xf32>
    %add3A_139 = arith.addf %add3A_124, %mul3A_138 : vector<128x128xf32>
    %slice3A_140 = vector.extract_strided_slice %get3A_7 {offsets = [0, 4], sizes = [128, 1], strides = [1, 1]} : vector<128x26xf32> to vector<128x1xf32>
    %get3A_141 = arith.constant 0 : index
    %get3A_142 = arith.constant 512 : index
    %get3A_143 = arith.constant 0 : index
    %get3A_144 = vector.load %arg1[%get3A_141, %get3A_142, %get3A_143] : memref<1x3328x128xf32, #tpu.memory_space<vmem>>, vector<1x128x128xf32>
    %get3A_145 = vector.shape_cast %get3A_144 : vector<1x128x128xf32> to vector<128x128xf32>
    %mul3A_146 = vector.broadcast %slice3A_140 : vector<128x1xf32> to vector<128x128xf32>
    %mul3A_147 = arith.mulf %mul3A_146, %get3A_145 : vector<128x128xf32>
    %add3A_148 = arith.addf %add3A_133, %mul3A_147 : vector<128x128xf32>
    %mul3A_149 = arith.mulf %mul3A_147, %mul3A_147 : vector<128x128xf32>
    %add3A_150 = arith.addf %add3A_135, %mul3A_149 : vector<128x128xf32>
    %slice3A_151 = vector.extract_strided_slice %get3A_16 {offsets = [17, 0], sizes = [1, 128], strides = [1, 1]} : vector<39x128xf32> to vector<1x128xf32>
    %mul3A_152 = vector.broadcast %slice3A_151 : vector<1x128xf32> to vector<128x128xf32>
    %mul3A_153 = arith.mulf %mul3A_147, %mul3A_152 : vector<128x128xf32>
    %add3A_154 = arith.addf %add3A_139, %mul3A_153 : vector<128x128xf32>
    %slice3A_155 = vector.extract_strided_slice %get3A_7 {offsets = [0, 5], sizes = [128, 1], strides = [1, 1]} : vector<128x26xf32> to vector<128x1xf32>
    %get3A_156 = arith.constant 0 : index
    %get3A_157 = arith.constant 640 : index
    %get3A_158 = arith.constant 0 : index
    %get3A_159 = vector.load %arg1[%get3A_156, %get3A_157, %get3A_158] : memref<1x3328x128xf32, #tpu.memory_space<vmem>>, vector<1x128x128xf32>
    %get3A_160 = vector.shape_cast %get3A_159 : vector<1x128x128xf32> to vector<128x128xf32>
    %mul3A_161 = vector.broadcast %slice3A_155 : vector<128x1xf32> to vector<128x128xf32>
    %mul3A_162 = arith.mulf %mul3A_161, %get3A_160 : vector<128x128xf32>
    %add3A_163 = arith.addf %add3A_148, %mul3A_162 : vector<128x128xf32>
    %mul3A_164 = arith.mulf %mul3A_162, %mul3A_162 : vector<128x128xf32>
    %add3A_165 = arith.addf %add3A_150, %mul3A_164 : vector<128x128xf32>
    %slice3A_166 = vector.extract_strided_slice %get3A_16 {offsets = [18, 0], sizes = [1, 128], strides = [1, 1]} : vector<39x128xf32> to vector<1x128xf32>
    %mul3A_167 = vector.broadcast %slice3A_166 : vector<1x128xf32> to vector<128x128xf32>
    %mul3A_168 = arith.mulf %mul3A_162, %mul3A_167 : vector<128x128xf32>
    %add3A_169 = arith.addf %add3A_154, %mul3A_168 : vector<128x128xf32>
    %slice3A_170 = vector.extract_strided_slice %get3A_7 {offsets = [0, 6], sizes = [128, 1], strides = [1, 1]} : vector<128x26xf32> to vector<128x1xf32>
    %get3A_171 = arith.constant 0 : index
    %get3A_172 = arith.constant 768 : index
    %get3A_173 = arith.constant 0 : index
    %get3A_174 = vector.load %arg1[%get3A_171, %get3A_172, %get3A_173] : memref<1x3328x128xf32, #tpu.memory_space<vmem>>, vector<1x128x128xf32>
    %get3A_175 = vector.shape_cast %get3A_174 : vector<1x128x128xf32> to vector<128x128xf32>
    %mul3A_176 = vector.broadcast %slice3A_170 : vector<128x1xf32> to vector<128x128xf32>
    %mul3A_177 = arith.mulf %mul3A_176, %get3A_175 : vector<128x128xf32>
    %add3A_178 = arith.addf %add3A_163, %mul3A_177 : vector<128x128xf32>
    %mul3A_179 = arith.mulf %mul3A_177, %mul3A_177 : vector<128x128xf32>
    %add3A_180 = arith.addf %add3A_165, %mul3A_179 : vector<128x128xf32>
    %slice3A_181 = vector.extract_strided_slice %get3A_16 {offsets = [19, 0], sizes = [1, 128], strides = [1, 1]} : vector<39x128xf32> to vector<1x128xf32>
    %mul3A_182 = vector.broadcast %slice3A_181 : vector<1x128xf32> to vector<128x128xf32>
    %mul3A_183 = arith.mulf %mul3A_177, %mul3A_182 : vector<128x128xf32>
    %add3A_184 = arith.addf %add3A_169, %mul3A_183 : vector<128x128xf32>
    %slice3A_185 = vector.extract_strided_slice %get3A_7 {offsets = [0, 7], sizes = [128, 1], strides = [1, 1]} : vector<128x26xf32> to vector<128x1xf32>
    %get3A_186 = arith.constant 0 : index
    %get3A_187 = arith.constant 896 : index
    %get3A_188 = arith.constant 0 : index
    %get3A_189 = vector.load %arg1[%get3A_186, %get3A_187, %get3A_188] : memref<1x3328x128xf32, #tpu.memory_space<vmem>>, vector<1x128x128xf32>
    %get3A_190 = vector.shape_cast %get3A_189 : vector<1x128x128xf32> to vector<128x128xf32>
    %mul3A_191 = vector.broadcast %slice3A_185 : vector<128x1xf32> to vector<128x128xf32>
    %mul3A_192 = arith.mulf %mul3A_191, %get3A_190 : vector<128x128xf32>
    %add3A_193 = arith.addf %add3A_178, %mul3A_192 : vector<128x128xf32>
    %mul3A_194 = arith.mulf %mul3A_192, %mul3A_192 : vector<128x128xf32>
    %add3A_195 = arith.addf %add3A_180, %mul3A_194 : vector<128x128xf32>
    %slice3A_196 = vector.extract_strided_slice %get3A_16 {offsets = [20, 0], sizes = [1, 128], strides = [1, 1]} : vector<39x128xf32> to vector<1x128xf32>
    %mul3A_197 = vector.broadcast %slice3A_196 : vector<1x128xf32> to vector<128x128xf32>
    %mul3A_198 = arith.mulf %mul3A_192, %mul3A_197 : vector<128x128xf32>
    %add3A_199 = arith.addf %add3A_184, %mul3A_198 : vector<128x128xf32>
    %slice3A_200 = vector.extract_strided_slice %get3A_7 {offsets = [0, 8], sizes = [128, 1], strides = [1, 1]} : vector<128x26xf32> to vector<128x1xf32>
    %get3A_201 = arith.constant 0 : index
    %get3A_202 = arith.constant 1024 : index
    %get3A_203 = arith.constant 0 : index
    %get3A_204 = vector.load %arg1[%get3A_201, %get3A_202, %get3A_203] : memref<1x3328x128xf32, #tpu.memory_space<vmem>>, vector<1x128x128xf32>
    %get3A_205 = vector.shape_cast %get3A_204 : vector<1x128x128xf32> to vector<128x128xf32>
    %mul3A_206 = vector.broadcast %slice3A_200 : vector<128x1xf32> to vector<128x128xf32>
    %mul3A_207 = arith.mulf %mul3A_206, %get3A_205 : vector<128x128xf32>
    %add3A_208 = arith.addf %add3A_193, %mul3A_207 : vector<128x128xf32>
    %mul3A_209 = arith.mulf %mul3A_207, %mul3A_207 : vector<128x128xf32>
    %add3A_210 = arith.addf %add3A_195, %mul3A_209 : vector<128x128xf32>
    %slice3A_211 = vector.extract_strided_slice %get3A_16 {offsets = [21, 0], sizes = [1, 128], strides = [1, 1]} : vector<39x128xf32> to vector<1x128xf32>
    %mul3A_212 = vector.broadcast %slice3A_211 : vector<1x128xf32> to vector<128x128xf32>
    %mul3A_213 = arith.mulf %mul3A_207, %mul3A_212 : vector<128x128xf32>
    %add3A_214 = arith.addf %add3A_199, %mul3A_213 : vector<128x128xf32>
    %slice3A_215 = vector.extract_strided_slice %get3A_7 {offsets = [0, 9], sizes = [128, 1], strides = [1, 1]} : vector<128x26xf32> to vector<128x1xf32>
    %get3A_216 = arith.constant 0 : index
    %get3A_217 = arith.constant 1152 : index
    %get3A_218 = arith.constant 0 : index
    %get3A_219 = vector.load %arg1[%get3A_216, %get3A_217, %get3A_218] : memref<1x3328x128xf32, #tpu.memory_space<vmem>>, vector<1x128x128xf32>
    %get3A_220 = vector.shape_cast %get3A_219 : vector<1x128x128xf32> to vector<128x128xf32>
    %mul3A_221 = vector.broadcast %slice3A_215 : vector<128x1xf32> to vector<128x128xf32>
    %mul3A_222 = arith.mulf %mul3A_221, %get3A_220 : vector<128x128xf32>
    %add3A_223 = arith.addf %add3A_208, %mul3A_222 : vector<128x128xf32>
    %mul3A_224 = arith.mulf %mul3A_222, %mul3A_222 : vector<128x128xf32>
    %add3A_225 = arith.addf %add3A_210, %mul3A_224 : vector<128x128xf32>
    %slice3A_226 = vector.extract_strided_slice %get3A_16 {offsets = [22, 0], sizes = [1, 128], strides = [1, 1]} : vector<39x128xf32> to vector<1x128xf32>
    %mul3A_227 = vector.broadcast %slice3A_226 : vector<1x128xf32> to vector<128x128xf32>
    %mul3A_228 = arith.mulf %mul3A_222, %mul3A_227 : vector<128x128xf32>
    %add3A_229 = arith.addf %add3A_214, %mul3A_228 : vector<128x128xf32>
    %slice3A_230 = vector.extract_strided_slice %get3A_7 {offsets = [0, 10], sizes = [128, 1], strides = [1, 1]} : vector<128x26xf32> to vector<128x1xf32>
    %get3A_231 = arith.constant 0 : index
    %get3A_232 = arith.constant 1280 : index
    %get3A_233 = arith.constant 0 : index
    %get3A_234 = vector.load %arg1[%get3A_231, %get3A_232, %get3A_233] : memref<1x3328x128xf32, #tpu.memory_space<vmem>>, vector<1x128x128xf32>
    %get3A_235 = vector.shape_cast %get3A_234 : vector<1x128x128xf32> to vector<128x128xf32>
    %mul3A_236 = vector.broadcast %slice3A_230 : vector<128x1xf32> to vector<128x128xf32>
    %mul3A_237 = arith.mulf %mul3A_236, %get3A_235 : vector<128x128xf32>
    %add3A_238 = arith.addf %add3A_223, %mul3A_237 : vector<128x128xf32>
    %mul3A_239 = arith.mulf %mul3A_237, %mul3A_237 : vector<128x128xf32>
    %add3A_240 = arith.addf %add3A_225, %mul3A_239 : vector<128x128xf32>
    %slice3A_241 = vector.extract_strided_slice %get3A_16 {offsets = [23, 0], sizes = [1, 128], strides = [1, 1]} : vector<39x128xf32> to vector<1x128xf32>
    %mul3A_242 = vector.broadcast %slice3A_241 : vector<1x128xf32> to vector<128x128xf32>
    %mul3A_243 = arith.mulf %mul3A_237, %mul3A_242 : vector<128x128xf32>
    %add3A_244 = arith.addf %add3A_229, %mul3A_243 : vector<128x128xf32>
    %slice3A_245 = vector.extract_strided_slice %get3A_7 {offsets = [0, 11], sizes = [128, 1], strides = [1, 1]} : vector<128x26xf32> to vector<128x1xf32>
    %get3A_246 = arith.constant 0 : index
    %get3A_247 = arith.constant 1408 : index
    %get3A_248 = arith.constant 0 : index
    %get3A_249 = vector.load %arg1[%get3A_246, %get3A_247, %get3A_248] : memref<1x3328x128xf32, #tpu.memory_space<vmem>>, vector<1x128x128xf32>
    %get3A_250 = vector.shape_cast %get3A_249 : vector<1x128x128xf32> to vector<128x128xf32>
    %mul3A_251 = vector.broadcast %slice3A_245 : vector<128x1xf32> to vector<128x128xf32>
    %mul3A_252 = arith.mulf %mul3A_251, %get3A_250 : vector<128x128xf32>
    %add3A_253 = arith.addf %add3A_238, %mul3A_252 : vector<128x128xf32>
    %mul3A_254 = arith.mulf %mul3A_252, %mul3A_252 : vector<128x128xf32>
    %add3A_255 = arith.addf %add3A_240, %mul3A_254 : vector<128x128xf32>
    %slice3A_256 = vector.extract_strided_slice %get3A_16 {offsets = [24, 0], sizes = [1, 128], strides = [1, 1]} : vector<39x128xf32> to vector<1x128xf32>
    %mul3A_257 = vector.broadcast %slice3A_256 : vector<1x128xf32> to vector<128x128xf32>
    %mul3A_258 = arith.mulf %mul3A_252, %mul3A_257 : vector<128x128xf32>
    %add3A_259 = arith.addf %add3A_244, %mul3A_258 : vector<128x128xf32>
    %slice3A_260 = vector.extract_strided_slice %get3A_7 {offsets = [0, 12], sizes = [128, 1], strides = [1, 1]} : vector<128x26xf32> to vector<128x1xf32>
    %get3A_261 = arith.constant 0 : index
    %get3A_262 = arith.constant 1536 : index
    %get3A_263 = arith.constant 0 : index
    %get3A_264 = vector.load %arg1[%get3A_261, %get3A_262, %get3A_263] : memref<1x3328x128xf32, #tpu.memory_space<vmem>>, vector<1x128x128xf32>
    %get3A_265 = vector.shape_cast %get3A_264 : vector<1x128x128xf32> to vector<128x128xf32>
    %mul3A_266 = vector.broadcast %slice3A_260 : vector<128x1xf32> to vector<128x128xf32>
    %mul3A_267 = arith.mulf %mul3A_266, %get3A_265 : vector<128x128xf32>
    %add3A_268 = arith.addf %add3A_253, %mul3A_267 : vector<128x128xf32>
    %mul3A_269 = arith.mulf %mul3A_267, %mul3A_267 : vector<128x128xf32>
    %add3A_270 = arith.addf %add3A_255, %mul3A_269 : vector<128x128xf32>
    %slice3A_271 = vector.extract_strided_slice %get3A_16 {offsets = [25, 0], sizes = [1, 128], strides = [1, 1]} : vector<39x128xf32> to vector<1x128xf32>
    %mul3A_272 = vector.broadcast %slice3A_271 : vector<1x128xf32> to vector<128x128xf32>
    %mul3A_273 = arith.mulf %mul3A_267, %mul3A_272 : vector<128x128xf32>
    %add3A_274 = arith.addf %add3A_259, %mul3A_273 : vector<128x128xf32>
    %slice3A_275 = vector.extract_strided_slice %get3A_7 {offsets = [0, 13], sizes = [128, 1], strides = [1, 1]} : vector<128x26xf32> to vector<128x1xf32>
    %get3A_276 = arith.constant 0 : index
    %get3A_277 = arith.constant 1664 : index
    %get3A_278 = arith.constant 0 : index
    %get3A_279 = vector.load %arg1[%get3A_276, %get3A_277, %get3A_278] : memref<1x3328x128xf32, #tpu.memory_space<vmem>>, vector<1x128x128xf32>
    %get3A_280 = vector.shape_cast %get3A_279 : vector<1x128x128xf32> to vector<128x128xf32>
    %mul3A_281 = vector.broadcast %slice3A_275 : vector<128x1xf32> to vector<128x128xf32>
    %mul3A_282 = arith.mulf %mul3A_281, %get3A_280 : vector<128x128xf32>
    %add3A_283 = arith.addf %add3A_268, %mul3A_282 : vector<128x128xf32>
    %mul3A_284 = arith.mulf %mul3A_282, %mul3A_282 : vector<128x128xf32>
    %add3A_285 = arith.addf %add3A_270, %mul3A_284 : vector<128x128xf32>
    %slice3A_286 = vector.extract_strided_slice %get3A_16 {offsets = [26, 0], sizes = [1, 128], strides = [1, 1]} : vector<39x128xf32> to vector<1x128xf32>
    %mul3A_287 = vector.broadcast %slice3A_286 : vector<1x128xf32> to vector<128x128xf32>
    %mul3A_288 = arith.mulf %mul3A_282, %mul3A_287 : vector<128x128xf32>
    %add3A_289 = arith.addf %add3A_274, %mul3A_288 : vector<128x128xf32>
    %slice3A_290 = vector.extract_strided_slice %get3A_7 {offsets = [0, 14], sizes = [128, 1], strides = [1, 1]} : vector<128x26xf32> to vector<128x1xf32>
    %get3A_291 = arith.constant 0 : index
    %get3A_292 = arith.constant 1792 : index
    %get3A_293 = arith.constant 0 : index
    %get3A_294 = vector.load %arg1[%get3A_291, %get3A_292, %get3A_293] : memref<1x3328x128xf32, #tpu.memory_space<vmem>>, vector<1x128x128xf32>
    %get3A_295 = vector.shape_cast %get3A_294 : vector<1x128x128xf32> to vector<128x128xf32>
    %mul3A_296 = vector.broadcast %slice3A_290 : vector<128x1xf32> to vector<128x128xf32>
    %mul3A_297 = arith.mulf %mul3A_296, %get3A_295 : vector<128x128xf32>
    %add3A_298 = arith.addf %add3A_283, %mul3A_297 : vector<128x128xf32>
    %mul3A_299 = arith.mulf %mul3A_297, %mul3A_297 : vector<128x128xf32>
    %add3A_300 = arith.addf %add3A_285, %mul3A_299 : vector<128x128xf32>
    %slice3A_301 = vector.extract_strided_slice %get3A_16 {offsets = [27, 0], sizes = [1, 128], strides = [1, 1]} : vector<39x128xf32> to vector<1x128xf32>
    %mul3A_302 = vector.broadcast %slice3A_301 : vector<1x128xf32> to vector<128x128xf32>
    %mul3A_303 = arith.mulf %mul3A_297, %mul3A_302 : vector<128x128xf32>
    %add3A_304 = arith.addf %add3A_289, %mul3A_303 : vector<128x128xf32>
    %slice3A_305 = vector.extract_strided_slice %get3A_7 {offsets = [0, 15], sizes = [128, 1], strides = [1, 1]} : vector<128x26xf32> to vector<128x1xf32>
    %get3A_306 = arith.constant 0 : index
    %get3A_307 = arith.constant 1920 : index
    %get3A_308 = arith.constant 0 : index
    %get3A_309 = vector.load %arg1[%get3A_306, %get3A_307, %get3A_308] : memref<1x3328x128xf32, #tpu.memory_space<vmem>>, vector<1x128x128xf32>
    %get3A_310 = vector.shape_cast %get3A_309 : vector<1x128x128xf32> to vector<128x128xf32>
    %mul3A_311 = vector.broadcast %slice3A_305 : vector<128x1xf32> to vector<128x128xf32>
    %mul3A_312 = arith.mulf %mul3A_311, %get3A_310 : vector<128x128xf32>
    %add3A_313 = arith.addf %add3A_298, %mul3A_312 : vector<128x128xf32>
    %mul3A_314 = arith.mulf %mul3A_312, %mul3A_312 : vector<128x128xf32>
    %add3A_315 = arith.addf %add3A_300, %mul3A_314 : vector<128x128xf32>
    %slice3A_316 = vector.extract_strided_slice %get3A_16 {offsets = [28, 0], sizes = [1, 128], strides = [1, 1]} : vector<39x128xf32> to vector<1x128xf32>
    %mul3A_317 = vector.broadcast %slice3A_316 : vector<1x128xf32> to vector<128x128xf32>
    %mul3A_318 = arith.mulf %mul3A_312, %mul3A_317 : vector<128x128xf32>
    %add3A_319 = arith.addf %add3A_304, %mul3A_318 : vector<128x128xf32>
    %slice3A_320 = vector.extract_strided_slice %get3A_7 {offsets = [0, 16], sizes = [128, 1], strides = [1, 1]} : vector<128x26xf32> to vector<128x1xf32>
    %get3A_321 = arith.constant 0 : index
    %get3A_322 = arith.constant 2048 : index
    %get3A_323 = arith.constant 0 : index
    %get3A_324 = vector.load %arg1[%get3A_321, %get3A_322, %get3A_323] : memref<1x3328x128xf32, #tpu.memory_space<vmem>>, vector<1x128x128xf32>
    %get3A_325 = vector.shape_cast %get3A_324 : vector<1x128x128xf32> to vector<128x128xf32>
    %mul3A_326 = vector.broadcast %slice3A_320 : vector<128x1xf32> to vector<128x128xf32>
    %mul3A_327 = arith.mulf %mul3A_326, %get3A_325 : vector<128x128xf32>
    %add3A_328 = arith.addf %add3A_313, %mul3A_327 : vector<128x128xf32>
    %mul3A_329 = arith.mulf %mul3A_327, %mul3A_327 : vector<128x128xf32>
    %add3A_330 = arith.addf %add3A_315, %mul3A_329 : vector<128x128xf32>
    %slice3A_331 = vector.extract_strided_slice %get3A_16 {offsets = [29, 0], sizes = [1, 128], strides = [1, 1]} : vector<39x128xf32> to vector<1x128xf32>
    %mul3A_332 = vector.broadcast %slice3A_331 : vector<1x128xf32> to vector<128x128xf32>
    %mul3A_333 = arith.mulf %mul3A_327, %mul3A_332 : vector<128x128xf32>
    %add3A_334 = arith.addf %add3A_319, %mul3A_333 : vector<128x128xf32>
    %slice3A_335 = vector.extract_strided_slice %get3A_7 {offsets = [0, 17], sizes = [128, 1], strides = [1, 1]} : vector<128x26xf32> to vector<128x1xf32>
    %get3A_336 = arith.constant 0 : index
    %get3A_337 = arith.constant 2176 : index
    %get3A_338 = arith.constant 0 : index
    %get3A_339 = vector.load %arg1[%get3A_336, %get3A_337, %get3A_338] : memref<1x3328x128xf32, #tpu.memory_space<vmem>>, vector<1x128x128xf32>
    %get3A_340 = vector.shape_cast %get3A_339 : vector<1x128x128xf32> to vector<128x128xf32>
    %mul3A_341 = vector.broadcast %slice3A_335 : vector<128x1xf32> to vector<128x128xf32>
    %mul3A_342 = arith.mulf %mul3A_341, %get3A_340 : vector<128x128xf32>
    %add3A_343 = arith.addf %add3A_328, %mul3A_342 : vector<128x128xf32>
    %mul3A_344 = arith.mulf %mul3A_342, %mul3A_342 : vector<128x128xf32>
    %add3A_345 = arith.addf %add3A_330, %mul3A_344 : vector<128x128xf32>
    %slice3A_346 = vector.extract_strided_slice %get3A_16 {offsets = [30, 0], sizes = [1, 128], strides = [1, 1]} : vector<39x128xf32> to vector<1x128xf32>
    %mul3A_347 = vector.broadcast %slice3A_346 : vector<1x128xf32> to vector<128x128xf32>
    %mul3A_348 = arith.mulf %mul3A_342, %mul3A_347 : vector<128x128xf32>
    %add3A_349 = arith.addf %add3A_334, %mul3A_348 : vector<128x128xf32>
    %slice3A_350 = vector.extract_strided_slice %get3A_7 {offsets = [0, 18], sizes = [128, 1], strides = [1, 1]} : vector<128x26xf32> to vector<128x1xf32>
    %get3A_351 = arith.constant 0 : index
    %get3A_352 = arith.constant 2304 : index
    %get3A_353 = arith.constant 0 : index
    %get3A_354 = vector.load %arg1[%get3A_351, %get3A_352, %get3A_353] : memref<1x3328x128xf32, #tpu.memory_space<vmem>>, vector<1x128x128xf32>
    %get3A_355 = vector.shape_cast %get3A_354 : vector<1x128x128xf32> to vector<128x128xf32>
    %mul3A_356 = vector.broadcast %slice3A_350 : vector<128x1xf32> to vector<128x128xf32>
    %mul3A_357 = arith.mulf %mul3A_356, %get3A_355 : vector<128x128xf32>
    %add3A_358 = arith.addf %add3A_343, %mul3A_357 : vector<128x128xf32>
    %mul3A_359 = arith.mulf %mul3A_357, %mul3A_357 : vector<128x128xf32>
    %add3A_360 = arith.addf %add3A_345, %mul3A_359 : vector<128x128xf32>
    %slice3A_361 = vector.extract_strided_slice %get3A_16 {offsets = [31, 0], sizes = [1, 128], strides = [1, 1]} : vector<39x128xf32> to vector<1x128xf32>
    %mul3A_362 = vector.broadcast %slice3A_361 : vector<1x128xf32> to vector<128x128xf32>
    %mul3A_363 = arith.mulf %mul3A_357, %mul3A_362 : vector<128x128xf32>
    %add3A_364 = arith.addf %add3A_349, %mul3A_363 : vector<128x128xf32>
    %slice3A_365 = vector.extract_strided_slice %get3A_7 {offsets = [0, 19], sizes = [128, 1], strides = [1, 1]} : vector<128x26xf32> to vector<128x1xf32>
    %get3A_366 = arith.constant 0 : index
    %get3A_367 = arith.constant 2432 : index
    %get3A_368 = arith.constant 0 : index
    %get3A_369 = vector.load %arg1[%get3A_366, %get3A_367, %get3A_368] : memref<1x3328x128xf32, #tpu.memory_space<vmem>>, vector<1x128x128xf32>
    %get3A_370 = vector.shape_cast %get3A_369 : vector<1x128x128xf32> to vector<128x128xf32>
    %mul3A_371 = vector.broadcast %slice3A_365 : vector<128x1xf32> to vector<128x128xf32>
    %mul3A_372 = arith.mulf %mul3A_371, %get3A_370 : vector<128x128xf32>
    %add3A_373 = arith.addf %add3A_358, %mul3A_372 : vector<128x128xf32>
    %mul3A_374 = arith.mulf %mul3A_372, %mul3A_372 : vector<128x128xf32>
    %add3A_375 = arith.addf %add3A_360, %mul3A_374 : vector<128x128xf32>
    %slice3A_376 = vector.extract_strided_slice %get3A_16 {offsets = [32, 0], sizes = [1, 128], strides = [1, 1]} : vector<39x128xf32> to vector<1x128xf32>
    %mul3A_377 = vector.broadcast %slice3A_376 : vector<1x128xf32> to vector<128x128xf32>
    %mul3A_378 = arith.mulf %mul3A_372, %mul3A_377 : vector<128x128xf32>
    %add3A_379 = arith.addf %add3A_364, %mul3A_378 : vector<128x128xf32>
    %slice3A_380 = vector.extract_strided_slice %get3A_7 {offsets = [0, 20], sizes = [128, 1], strides = [1, 1]} : vector<128x26xf32> to vector<128x1xf32>
    %get3A_381 = arith.constant 0 : index
    %get3A_382 = arith.constant 2560 : index
    %get3A_383 = arith.constant 0 : index
    %get3A_384 = vector.load %arg1[%get3A_381, %get3A_382, %get3A_383] : memref<1x3328x128xf32, #tpu.memory_space<vmem>>, vector<1x128x128xf32>
    %get3A_385 = vector.shape_cast %get3A_384 : vector<1x128x128xf32> to vector<128x128xf32>
    %mul3A_386 = vector.broadcast %slice3A_380 : vector<128x1xf32> to vector<128x128xf32>
    %mul3A_387 = arith.mulf %mul3A_386, %get3A_385 : vector<128x128xf32>
    %add3A_388 = arith.addf %add3A_373, %mul3A_387 : vector<128x128xf32>
    %mul3A_389 = arith.mulf %mul3A_387, %mul3A_387 : vector<128x128xf32>
    %add3A_390 = arith.addf %add3A_375, %mul3A_389 : vector<128x128xf32>
    %slice3A_391 = vector.extract_strided_slice %get3A_16 {offsets = [33, 0], sizes = [1, 128], strides = [1, 1]} : vector<39x128xf32> to vector<1x128xf32>
    %mul3A_392 = vector.broadcast %slice3A_391 : vector<1x128xf32> to vector<128x128xf32>
    %mul3A_393 = arith.mulf %mul3A_387, %mul3A_392 : vector<128x128xf32>
    %add3A_394 = arith.addf %add3A_379, %mul3A_393 : vector<128x128xf32>
    %slice3A_395 = vector.extract_strided_slice %get3A_7 {offsets = [0, 21], sizes = [128, 1], strides = [1, 1]} : vector<128x26xf32> to vector<128x1xf32>
    %get3A_396 = arith.constant 0 : index
    %get3A_397 = arith.constant 2688 : index
    %get3A_398 = arith.constant 0 : index
    %get3A_399 = vector.load %arg1[%get3A_396, %get3A_397, %get3A_398] : memref<1x3328x128xf32, #tpu.memory_space<vmem>>, vector<1x128x128xf32>
    %get3A_400 = vector.shape_cast %get3A_399 : vector<1x128x128xf32> to vector<128x128xf32>
    %mul3A_401 = vector.broadcast %slice3A_395 : vector<128x1xf32> to vector<128x128xf32>
    %mul3A_402 = arith.mulf %mul3A_401, %get3A_400 : vector<128x128xf32>
    %add3A_403 = arith.addf %add3A_388, %mul3A_402 : vector<128x128xf32>
    %mul3A_404 = arith.mulf %mul3A_402, %mul3A_402 : vector<128x128xf32>
    %add3A_405 = arith.addf %add3A_390, %mul3A_404 : vector<128x128xf32>
    %slice3A_406 = vector.extract_strided_slice %get3A_16 {offsets = [34, 0], sizes = [1, 128], strides = [1, 1]} : vector<39x128xf32> to vector<1x128xf32>
    %mul3A_407 = vector.broadcast %slice3A_406 : vector<1x128xf32> to vector<128x128xf32>
    %mul3A_408 = arith.mulf %mul3A_402, %mul3A_407 : vector<128x128xf32>
    %add3A_409 = arith.addf %add3A_394, %mul3A_408 : vector<128x128xf32>
    %slice3A_410 = vector.extract_strided_slice %get3A_7 {offsets = [0, 22], sizes = [128, 1], strides = [1, 1]} : vector<128x26xf32> to vector<128x1xf32>
    %get3A_411 = arith.constant 0 : index
    %get3A_412 = arith.constant 2816 : index
    %get3A_413 = arith.constant 0 : index
    %get3A_414 = vector.load %arg1[%get3A_411, %get3A_412, %get3A_413] : memref<1x3328x128xf32, #tpu.memory_space<vmem>>, vector<1x128x128xf32>
    %get3A_415 = vector.shape_cast %get3A_414 : vector<1x128x128xf32> to vector<128x128xf32>
    %mul3A_416 = vector.broadcast %slice3A_410 : vector<128x1xf32> to vector<128x128xf32>
    %mul3A_417 = arith.mulf %mul3A_416, %get3A_415 : vector<128x128xf32>
    %add3A_418 = arith.addf %add3A_403, %mul3A_417 : vector<128x128xf32>
    %mul3A_419 = arith.mulf %mul3A_417, %mul3A_417 : vector<128x128xf32>
    %add3A_420 = arith.addf %add3A_405, %mul3A_419 : vector<128x128xf32>
    %slice3A_421 = vector.extract_strided_slice %get3A_16 {offsets = [35, 0], sizes = [1, 128], strides = [1, 1]} : vector<39x128xf32> to vector<1x128xf32>
    %mul3A_422 = vector.broadcast %slice3A_421 : vector<1x128xf32> to vector<128x128xf32>
    %mul3A_423 = arith.mulf %mul3A_417, %mul3A_422 : vector<128x128xf32>
    %add3A_424 = arith.addf %add3A_409, %mul3A_423 : vector<128x128xf32>
    %slice3A_425 = vector.extract_strided_slice %get3A_7 {offsets = [0, 23], sizes = [128, 1], strides = [1, 1]} : vector<128x26xf32> to vector<128x1xf32>
    %get3A_426 = arith.constant 0 : index
    %get3A_427 = arith.constant 2944 : index
    %get3A_428 = arith.constant 0 : index
    %get3A_429 = vector.load %arg1[%get3A_426, %get3A_427, %get3A_428] : memref<1x3328x128xf32, #tpu.memory_space<vmem>>, vector<1x128x128xf32>
    %get3A_430 = vector.shape_cast %get3A_429 : vector<1x128x128xf32> to vector<128x128xf32>
    %mul3A_431 = vector.broadcast %slice3A_425 : vector<128x1xf32> to vector<128x128xf32>
    %mul3A_432 = arith.mulf %mul3A_431, %get3A_430 : vector<128x128xf32>
    %add3A_433 = arith.addf %add3A_418, %mul3A_432 : vector<128x128xf32>
    %mul3A_434 = arith.mulf %mul3A_432, %mul3A_432 : vector<128x128xf32>
    %add3A_435 = arith.addf %add3A_420, %mul3A_434 : vector<128x128xf32>
    %slice3A_436 = vector.extract_strided_slice %get3A_16 {offsets = [36, 0], sizes = [1, 128], strides = [1, 1]} : vector<39x128xf32> to vector<1x128xf32>
    %mul3A_437 = vector.broadcast %slice3A_436 : vector<1x128xf32> to vector<128x128xf32>
    %mul3A_438 = arith.mulf %mul3A_432, %mul3A_437 : vector<128x128xf32>
    %add3A_439 = arith.addf %add3A_424, %mul3A_438 : vector<128x128xf32>
    %slice3A_440 = vector.extract_strided_slice %get3A_7 {offsets = [0, 24], sizes = [128, 1], strides = [1, 1]} : vector<128x26xf32> to vector<128x1xf32>
    %get3A_441 = arith.constant 0 : index
    %get3A_442 = arith.constant 3072 : index
    %get3A_443 = arith.constant 0 : index
    %get3A_444 = vector.load %arg1[%get3A_441, %get3A_442, %get3A_443] : memref<1x3328x128xf32, #tpu.memory_space<vmem>>, vector<1x128x128xf32>
    %get3A_445 = vector.shape_cast %get3A_444 : vector<1x128x128xf32> to vector<128x128xf32>
    %mul3A_446 = vector.broadcast %slice3A_440 : vector<128x1xf32> to vector<128x128xf32>
    %mul3A_447 = arith.mulf %mul3A_446, %get3A_445 : vector<128x128xf32>
    %add3A_448 = arith.addf %add3A_433, %mul3A_447 : vector<128x128xf32>
    %mul3A_449 = arith.mulf %mul3A_447, %mul3A_447 : vector<128x128xf32>
    %add3A_450 = arith.addf %add3A_435, %mul3A_449 : vector<128x128xf32>
    %slice3A_451 = vector.extract_strided_slice %get3A_16 {offsets = [37, 0], sizes = [1, 128], strides = [1, 1]} : vector<39x128xf32> to vector<1x128xf32>
    %mul3A_452 = vector.broadcast %slice3A_451 : vector<1x128xf32> to vector<128x128xf32>
    %mul3A_453 = arith.mulf %mul3A_447, %mul3A_452 : vector<128x128xf32>
    %add3A_454 = arith.addf %add3A_439, %mul3A_453 : vector<128x128xf32>
    %slice3A_455 = vector.extract_strided_slice %get3A_7 {offsets = [0, 25], sizes = [128, 1], strides = [1, 1]} : vector<128x26xf32> to vector<128x1xf32>
    %get3A_456 = arith.constant 0 : index
    %get3A_457 = arith.constant 3200 : index
    %get3A_458 = arith.constant 0 : index
    %get3A_459 = vector.load %arg1[%get3A_456, %get3A_457, %get3A_458] : memref<1x3328x128xf32, #tpu.memory_space<vmem>>, vector<1x128x128xf32>
    %get3A_460 = vector.shape_cast %get3A_459 : vector<1x128x128xf32> to vector<128x128xf32>
    %mul3A_461 = vector.broadcast %slice3A_455 : vector<128x1xf32> to vector<128x128xf32>
    %mul3A_462 = arith.mulf %mul3A_461, %get3A_460 : vector<128x128xf32>
    %add3A_463 = arith.addf %add3A_448, %mul3A_462 : vector<128x128xf32>
    %mul3A_464 = arith.mulf %mul3A_462, %mul3A_462 : vector<128x128xf32>
    %add3A_465 = arith.addf %add3A_450, %mul3A_464 : vector<128x128xf32>
    %slice3A_466 = vector.extract_strided_slice %get3A_16 {offsets = [38, 0], sizes = [1, 128], strides = [1, 1]} : vector<39x128xf32> to vector<1x128xf32>
    %mul3A_467 = vector.broadcast %slice3A_466 : vector<1x128xf32> to vector<128x128xf32>
    %mul3A_468 = arith.mulf %mul3A_462, %mul3A_467 : vector<128x128xf32>
    %add3A_469 = arith.addf %add3A_454, %mul3A_468 : vector<128x128xf32>
    %reduce_sum3A_470 = arith.constant dense<0.000000e+00> : vector<128xf32>
    %reduce_sum3A_471 = vector.multi_reduction <add>, %add3A_30, %reduce_sum3A_470 [1] : vector<128x128xf32> to vector<128xf32>
    %broadcast_in_dim3A_472 = vector.shape_cast %reduce_sum3A_471 : vector<128xf32> to vector<128x1xf32>
    %add3A_473 = arith.addf %broadcast_in_dim3A_79, %broadcast_in_dim3A_472 : vector<128x1xf32>
    %mul3A_474 = arith.mulf %add3A_463, %add3A_463 : vector<128x128xf32>
    %reduce_sum3A_475 = arith.constant dense<0.000000e+00> : vector<128xf32>
    %reduce_sum3A_476 = vector.multi_reduction <add>, %mul3A_474, %reduce_sum3A_475 [1] : vector<128x128xf32> to vector<128xf32>
    %broadcast_in_dim3A_477 = vector.shape_cast %reduce_sum3A_476 : vector<128xf32> to vector<128x1xf32>
    %reduce_sum3A_478 = arith.constant dense<0.000000e+00> : vector<128xf32>
    %reduce_sum3A_479 = vector.multi_reduction <add>, %add3A_465, %reduce_sum3A_478 [1] : vector<128x128xf32> to vector<128xf32>
    %broadcast_in_dim3A_480 = vector.shape_cast %reduce_sum3A_479 : vector<128xf32> to vector<128x1xf32>
    %sub3A = arith.subf %broadcast_in_dim3A_477, %broadcast_in_dim3A_480 : vector<128x1xf32>
    %mul3A_481 = arith.constant 5.000000e-01 : f32
    %mul3A_482 = vector.broadcast %mul3A_481 : f32 to vector<128x1xf32>
    %mul3A_483 = arith.mulf %mul3A_482, %sub3A : vector<128x1xf32>
    %add3A_484 = arith.addf %add3A_473, %mul3A_483 : vector<128x1xf32>
    %mul3A_485 = arith.constant 5.000000e-01 : f32
    %mul3A_486 = vector.broadcast %mul3A_485 : f32 to vector<128x1xf32>
    %mul3A_487 = arith.mulf %mul3A_486, %add3A_55 : vector<128x1xf32>
    %sub3A_488 = arith.subf %add3A_484, %mul3A_487 : vector<128x1xf32>
    %reduce_sum3A_489 = arith.constant dense<0.000000e+00> : vector<128xf32>
    %reduce_sum3A_490 = vector.multi_reduction <add>, %add3A_469, %reduce_sum3A_489 [1] : vector<128x128xf32> to vector<128xf32>
    %broadcast_in_dim3A_491 = vector.shape_cast %reduce_sum3A_490 : vector<128xf32> to vector<128x1xf32>
    %add3A_492 = arith.addf %sub3A_488, %broadcast_in_dim3A_491 : vector<128x1xf32>
    %add3A_493 = arith.addf %add3A_492, %add3A_68 : vector<128x1xf32>
    %get3A_494 = arith.constant 0 : index
    %get3A_495 = arith.constant 0 : index
    %get3A_496 = vector.load %arg11[%get3A_494, %get3A_495] : memref<1x1xf32, #tpu.memory_space<vmem>>, vector<1x1xf32>
    %add3A_497 = vector.broadcast %get3A_496 : vector<1x1xf32> to vector<128x1xf32>
    %add3A_498 = arith.addf %add3A_493, %add3A_497 : vector<128x1xf32>
    %get3A_499 = arith.constant 0 : index
    %get3A_500 = arith.constant 0 : index
    %get3A_501 = vector.load %arg12[%get3A_499, %get3A_500] : memref<128x1xf32, #tpu.memory_space<vmem>>, vector<128x1xf32>
    %add3A_502 = arith.addf %add3A_498, %get3A_501 : vector<128x1xf32>
    %swap3A = arith.constant 0 : index
    %swap3A_503 = arith.constant 0 : index
    %swap3A_504 = vector.load %arg13[%swap3A, %swap3A_503] : memref<128x1xf32, #tpu.memory_space<vmem>>, vector<128x1xf32>
    tpu.vector_store %arg13[%swap3A, %swap3A_503], %add3A_502 {strides = array<i32>} : memref<128x1xf32, #tpu.memory_space<vmem>>, vector<128x1xf32>,
    return
  }
  func.func @transform_0(%arg0: i32) -> (i32, i32, i32) {
    %c0_i32 = arith.constant 0 : i32
    %c0_i32_0 = arith.constant 0 : i32
    %c0_i32_1 = arith.constant 0 : i32
    return %arg0, %c0_i32, %c0_i32_0 : i32, i32, i32
  }
  func.func @transform_1(%arg0: i32) -> (i32, i32) {
    %c0_i32 = arith.constant 0 : i32
    %c0_i32_0 = arith.constant 0 : i32
    return %arg0, %c0_i32 : i32, i32
  }
  func.func @transform_2(%arg0: i32) -> (i32, i32) {
    %c0_i32 = arith.constant 0 : i32
    %c0_i32_0 = arith.constant 0 : i32
    return %arg0, %c0_i32 : i32, i32
  }
  func.func @transform_3(%arg0: i32) -> (i32, i32) {
    %c0_i32 = arith.constant 0 : i32
    %c0_i32_0 = arith.constant 0 : i32
    return %arg0, %c0_i32 : i32, i32
  }
  func.func @transform_4(%arg0: i32) -> (i32, i32) {
    %c0_i32 = arith.constant 0 : i32
    %c0_i32_0 = arith.constant 0 : i32
    return %arg0, %c0_i32 : i32, i32
  }
  func.func @transform_5(%arg0: i32) -> (i32, i32) {
    %c0_i32 = arith.constant 0 : i32
    %c0_i32_0 = arith.constant 0 : i32
    %c0_i32_1 = arith.constant 0 : i32
    return %c0_i32, %c0_i32_0 : i32, i32
  }
  func.func @transform_6(%arg0: i32) -> (i32, i32) {
    %c0_i32 = arith.constant 0 : i32
    %c0_i32_0 = arith.constant 0 : i32
    %c0_i32_1 = arith.constant 0 : i32
    return %c0_i32, %c0_i32_0 : i32, i32
  }
  func.func @transform_7(%arg0: i32) -> (i32, i32) {
    %c0_i32 = arith.constant 0 : i32
    %c0_i32_0 = arith.constant 0 : i32
    %c0_i32_1 = arith.constant 0 : i32
    return %c0_i32, %c0_i32_0 : i32, i32
  }
  func.func @transform_8(%arg0: i32) -> (i32, i32) {
    %c0_i32 = arith.constant 0 : i32
    %c0_i32_0 = arith.constant 0 : i32
    %c0_i32_1 = arith.constant 0 : i32
    return %c0_i32, %c0_i32_0 : i32, i32
  }
  func.func @transform_9(%arg0: i32) -> (i32, i32) {
    %c0_i32 = arith.constant 0 : i32
    %c0_i32_0 = arith.constant 0 : i32
    %c0_i32_1 = arith.constant 0 : i32
    return %c0_i32, %c0_i32_0 : i32, i32
  }
  func.func @transform_10(%arg0: i32) -> (i32, i32) {
    %c0_i32 = arith.constant 0 : i32
    %c0_i32_0 = arith.constant 0 : i32
    %c0_i32_1 = arith.constant 0 : i32
    return %c0_i32, %c0_i32_0 : i32, i32
  }
  func.func @transform_11(%arg0: i32) -> (i32, i32) {
    %c0_i32 = arith.constant 0 : i32
    %c0_i32_0 = arith.constant 0 : i32
    return %arg0, %c0_i32 : i32, i32
  }
  func.func @transform_12(%arg0: i32) -> (i32, i32) {
    %c0_i32 = arith.constant 0 : i32
    %c0_i32_0 = arith.constant 0 : i32
    return %arg0, %c0_i32 : i32, i32
  }
}

</mosaic_0001>

<sc_bundles>
// kernel: kernel.7.cloned.1.call-start
scs
__scs_entry_jumppad:
0x0: {  	(pc) =	sbr.rel $0x88, $3  }
0x1: {  	(tag) =	ssettag $0x0;
	lr =	simm.s32 $0x1  }
0x2: {  	[smem:$0x3F90] =	sst lr;
	_ =	strace $0xD0000000  }
0x3: {  	_ = 	snop  }
0x4: {  	_ = 	snop  }
0x5: {  	_ = 	snop  }
0x6: {  	_ = 	snop  }
0x7: {  	_ = 	snop  }
__scs_overlays_trampoline_lowered:
0x8: {  	[smem:$0x3F9F] =	sst s0  }
0x9: {  	[smem:$0x3FA0] =	sst s1  }
0xa: {  	[smem:$0x3FA1] =	sst s2  }
0xb: {  	[smem:$0x3FA2] =	sst s3  }
0xc: {  	[smem:$0x3FA3] =	sst s4  }
0xd: {  	[smem:$0x3FA4] =	sst s5  }
0xe: {  	[smem:$0x3FA5] =	sst s6  }
0xf: {  	[smem:$0x3FA6] =	sst s7  }
0x10: {  	[smem:$0x3FA7] =	sst s8  }
0x11: {  	[smem:$0x3FA8] =	sst s9;
	s0 =	simm.s32 @!p0 $0x0  }
0x12: {  	s1 =	sld [smem:$0x3F8E];
	s0 =	simm.s32 @p0 $0x1  }
0x13: {  	[smem:$0x3FA9] =	sst s0;
	s0 =	simm.s32 @!p1 $0x0  }
0x14: {  	s2 =	sld [smem:$0x3F8D];
	s0 =	simm.s32 @p1 $0x1  }
0x15: {  	[smem:$0x3FAA] =	sst s0;
	s0 =	simm.s32 @!p2 $0x0  }
0x16: {  	s3 =	sld [smem:$0x3FDB];
	s0 =	simm.s32 @p2 $0x1  }
0x17: {  	s4 =	simm.s32 $0x1BF5;
	[smem:$0x3FAC] =	sst s0  }
0x18: {  	s0 =	sld [smem:$0x3F8F];
	_ =	swait.ge [sflag:s4], $0x0  }
0x19: {  	s7 =	sld [smem:$0x3F90]  }
0x1a: {  	s8 =	sadd.s32 $0xFFFFE003, lr  }
0x1b: {  	s9 =	sadd.s32 $0xFFFFFEF7, lr;
	s5 =	simm.s32 $0xFFFFFFFF;
	p2 =	slt.u32 s8, $0xFFFFF086  }
0x1c: {  	p1 =	slt.u32 s9, $0xF7A;
	s5 =	simm.s32 @!p2 $0x0  }
0x1d: {  	s5 =	simm.s32 @p1 $0x1;
	p0 =	seq.s32 s7, s2  }
0x1e: {  	s7 =	smul.u32 @!p0 $0xF7A, s2;
	p2 =	seq.s32 @!p0 s5, $0x0  }
0x1f: {  	s9 =	smul.u32 $0xF7A, s1;
	s8 =	simm.s32 @!p0 $0x1BF5;
	p2 =	por !p2, p0  }
0x20: {  	[sflag:s8] =	ssyncset.s32 @!p0 $0xFFFFF086;
	s6 =	sadd.s32 @!p0 s3, s7;
	s7 =	simm.s32 @!p0 $0x108  }
0x21: {  	s3 =	sadd.s32 s3, s9;
	s6 =	sadd.s32 @!p0 $0x88, s6;
	s7 =	simm.s32 @p2 $0x1082  }
0x22: {  	[simem:s7], [sflag:s8] =	dma.local @!p0 [hbm:s6], $0xF7A  }
0x23: {  	s9 =	sor.u32 $0xD0000000, s2;
	s6 =	simm.s32 $0x108;
	_ =	swait.ge @!p0 [sflag:s8], $0x0  }
0x24: {  	s3 =	sadd.s32 $0x88, s3;
	s6 =	simm.s32 @!p1 $0x1082;
	[sflag:s4] =	ssyncset.s32 $0xFFFFF086  }
0x25: {  	[simem:s6], [sflag:s4] =	dma.local [hbm:s3], $0xF7A  }
0x26: {  	[smem:$0x3F90] =	sst s1;
	(tag) =	ssettag s2;
	_ =	strace s9  }
0x27: {  	s1 =	sld [smem:$0x3FA0]  }
0x28: {  	s2 =	sld [smem:$0x3FA1]  }
0x29: {  	s4 =	sld [smem:$0x3FA3]  }
0x2a: {  	p0 =	seq.s32 s5, $0x0;
	s5 =	sld [smem:$0x3FA4]  }
0x2b: {  	s6 =	sld [smem:$0x3FA5]  }
0x2c: {  	s7 =	sld [smem:$0x3FA6]  }
0x2d: {  	s3 =	simm.s32 $0x108;
	s8 =	sld [smem:$0x3FA7]  }
0x2e: {  	s3 =	simm.s32 @!p0 $0x1082;
	s9 =	sld [smem:$0x3FA8]  }
0x2f: {  	lr =	sadd.s32 s0, s3;
	s0 =	sld [smem:$0x3F9F]  }
0x30: {  	s3 =	sld [smem:$0x3FA2]  }
0x31: {  	[smem:$0x3FAB] =	sst s10  }
0x32: {  	s10 =	sld [smem:$0x3FA9];
	_ =	sdelay $0x3  }
0x33: {  	p0 =	seq.s32 s10, $0x1;
	s10 =	sld [smem:$0x3FAB];
	_ =	sdelay $0x3  }
0x34: {  	[smem:$0x3FAB] =	sst s10  }
0x35: {  	s10 =	sld [smem:$0x3FAA];
	_ =	sdelay $0x3  }
0x36: {  	p1 =	seq.s32 s10, $0x1;
	s10 =	sld [smem:$0x3FAB];
	_ =	sdelay $0x3  }
0x37: {  	[smem:$0x3FAB] =	sst s10  }
0x38: {  	s10 =	sld [smem:$0x3FAC]  }
0x39: {  	_ = 	snop;
	(pc) =	sbr.ind lr, $3  }
0x3a: {  	_ = 	snop  }
0x3b: {  	_ = 	snop  }
0x3c: {  	p2 =	seq.s32 s10, $0x1;
	s10 =	sld [smem:$0x3FAB]  }
0x3d: {  	_ =	shalt  }
0x3e: {  	_ =	shalt  }
0x3f: {  	_ =	shalt  }
0x40: {  	_ =	shalt  }
0x41: {  	_ =	shalt  }
0x42: {  	_ =	shalt  }
0x43: {  	_ =	shalt  }
0x44: {  	_ =	shalt  }
0x45: {  	_ =	shalt  }
0x46: {  	_ =	shalt  }
0x47: {  	_ =	shalt  }
0x48: {  	_ =	shalt  }
0x49: {  	_ =	shalt  }
0x4a: {  	_ =	shalt  }
0x4b: {  	_ =	shalt  }
0x4c: {  	_ =	shalt  }
0x4d: {  	_ =	shalt  }
0x4e: {  	_ =	shalt  }
0x4f: {  	_ =	shalt  }
0x50: {  	_ =	shalt  }
0x51: {  	_ =	shalt  }
0x52: {  	_ =	shalt  }
0x53: {  	_ =	shalt  }
0x54: {  	_ =	shalt  }
0x55: {  	_ =	shalt  }
0x56: {  	_ =	shalt  }
0x57: {  	_ =	shalt  }
0x58: {  	_ =	shalt  }
0x59: {  	_ =	shalt  }
0x5a: {  	_ =	shalt  }
0x5b: {  	_ =	shalt  }
0x5c: {  	_ =	shalt  }
0x5d: {  	_ =	shalt  }
0x5e: {  	_ =	shalt  }
0x5f: {  	_ =	shalt  }
0x60: {  	_ =	shalt  }
0x61: {  	_ =	shalt  }
0x62: {  	_ =	shalt  }
0x63: {  	_ =	shalt  }
0x64: {  	_ =	shalt  }
0x65: {  	_ =	shalt  }
0x66: {  	_ =	shalt  }
0x67: {  	_ =	shalt  }
0x68: {  	_ =	shalt  }
0x69: {  	_ =	shalt  }
0x6a: {  	_ =	shalt  }
0x6b: {  	_ =	shalt  }
0x6c: {  	_ =	shalt  }
0x6d: {  	_ =	shalt  }
0x6e: {  	_ =	shalt  }
0x6f: {  	_ =	shalt  }
0x70: {  	_ =	shalt  }
0x71: {  	_ =	shalt  }
0x72: {  	_ =	shalt  }
0x73: {  	_ =	shalt  }
0x74: {  	_ =	shalt  }
0x75: {  	_ =	shalt  }
0x76: {  	_ =	shalt  }
0x77: {  	_ =	shalt  }
0x78: {  	_ =	shalt  }
0x79: {  	_ =	shalt  }
0x7a: {  	_ =	shalt  }
0x7b: {  	_ =	shalt  }
0x7c: {  	_ =	shalt  }
0x7d: {  	_ =	shalt  }
0x7e: {  	_ =	shalt  }
0x7f: {  	_ =	shalt  }
0x80: {  	_ =	shalt  }
0x81: {  	_ =	shalt  }
0x82: {  	_ =	shalt  }
0x83: {  	_ =	shalt  }
0x84: {  	_ =	shalt  }
0x85: {  	_ =	shalt  }
0x86: {  	_ =	shalt  }
0x87: {  	_ =	shalt  }
.Lfunc_end0:
.L_simem_size_0:
called_computation_lowered:
.L_overlay_start_0:
0x88: {  	s2 =	sld [smem:$0x3FD9]  }
0x89: {  	s3 =	sld [smem:$0x3FFE];
	_ =	sdelay $0x1  }
0x8a: {  	s1 =	srdreg.scid  }
0x8b: {  	s0 =	sand.u32 $0x1, s1  }
0x8c: {  	s17 =	sshll.u32 s0, $0xA;
	s2 =	sadd.s32 s3, s2  }
0x8d: {  	s2 =	sadd.s32 s2, s17  }
0x8e: {  	[smem:$0x3FB7] =	sst s2  }
0x8f: {  	_ = 	snop  }
0x90: {  	s2 =	sld [smem:$0x3FC2];
	(tm) =	ssettm $0x1  }
0x91: {  	s18 =	sld [smem:$0x3FFB];
	_ =	sdelay $0x3  }
0x92: {  	_ =	strace s18  }
0x93: {  	s3 =	sld [smem:$0x3FFC];
	_ =	sdelay $0x3  }
0x94: {  	_ =	strace s3  }
0x95: {  	s3 =	sld [smem:$0x3FFD];
	_ =	sdelay $0x3  }
0x96: {  	_ =	strace s3  }
0x97: {  	_ =	strace $0x8FFFFFFF  }
0x98: {  	s19 =	sld [smem:$0x3FDB];
	_ =	sdelay $0x1  }
0x99: {  	s4 =	simm.s32 $_scs_section_size  }
0x9a: {  	s5 =	simm.s32 $_size__tile_overlayer_lowered;
	s6 =	simm.s32 $_tile_overlayer_lowered  }
0x9b: {  	s22 =	simm.s32 $0x1BFF;
	s21 =	sshll.u32 s6, $0x1;
	s3 =	sadd.s32 s4, s19  }
0x9c: {  	s7 =	simm.s32 $0x0;
	s20 =	sshll.u32 s5, $0x1;
	s5 =	sadd.s32 s21, s3  }
0x9d: {  	[timem:s7], [sflag:s22] =	dma.local [hbm:s5], s20  }
0x9e: {  	_ =	swait.ge [sflag:s22], s20  }
0x9f: {  	s4 =	ssub.s32 $0x0, s20;
	[sflag:s22] =	ssyncset.done $0x0  }
0xa0: {  	[sflag:s22] =	ssyncadd.s32 s4;
	_ =	sdelay $0x1  }
0xa1: {  	s23 =	simm.s32 $0x1B8B  }
0xa2: {  	_ =	swait.ge [sflag:s23], $0x1  }
0xa3: {  	[sflag:s23] =	ssyncset.done $0x0  }
0xa4: {  	s25 =	simm.s32 $0x1B8E;
	s24 =	sld [smem:$0x3FFE];
	[sflag:s23] =	ssyncadd.s32 $0xFFFFFFFF  }
0xa5: {  	s26 =	simm.s32 $execute0_lowered;
	[smem:$0x3FD2] =	sst s25  }
0xa6: {  	s5 =	sshll.u32 s26, $0x1;
	_ =	strace $0x80000046;
	[dreg:$0x1] =	wrdreg $0xFFFFFFFF  }
0xa7: {  	s28 =	simm.s32 $_size_execute0_lowered;
	s3 =	sadd.s32 s3, s5;
	[dreg:$0x0] =	wrdreg $0x0  }
0xa8: {  	s5 =	sshll.u32 s28, $0x1;
	[dreg:$0x2] =	wrdreg s3  }
0xa9: {  	[dreg:$0x3] =	wrdreg s5  }
0xaa: {  	[dreg:$0x4] =	wrdreg $0xC0  }
0xab: {  	_ =	task [dreg:s7], $0x5FFFF  }
0xac: {  	[dreg:$0x1] =	wrdreg $0xFFFFFFFF  }
0xad: {  	[dreg:$0x0] =	wrdreg $0x60  }
0xae: {  	[dreg:$0x2] =	wrdreg s2  }
0xaf: {  	[dreg:$0x3] =	wrdreg s24  }
0xb0: {  	[dreg:$0x4] =	wrdreg $0x9  }
0xb1: {  	_ =	task.clear_ibuf [dreg:s7], $0x5FFFF;
	_ =	strace $0x90000046  }
0xb2: {  	s29 =	simm.s32 $0x9;
	_ =	strace $0x80000048  }
0xb3: {  	_ =	swait.ge [sflag:s29], $0x1  }
0xb4: {  	[sflag:s29] =	ssyncadd.s32 $0xFFFFFFFF  }
0xb5: {  	_ =	strace $0x90000048  }
0xb6: {  	_ =	sfence  }
0xb7: {  	s30 =	sld [smem:$0x0];
	_ =	sdelay $0x2  }
0xb8: {  	s31 =	sshll.u32 s1, $0xD;
	s1 =	sshrl.u32 s1, $0x2  }
0xb9: {  	s3 =	sand.u32 $0x4000, s31;
	s1 =	sadd.s32 s1, s30  }
0xba: {  	s0 =	sor.u32 s3, s0;
	s1 =	sshll.u32 s1, $0x11  }
0xbb: {  	s0 =	sor.u32 s1, s0  }
0xbc: {  	s0 =	sadd.s32 $0x8F2B, s0  }
0xbd: {  	[sflag:s0] =	ssyncadd.remote.s32 $0x1  }
0xbe: {  	_ =	sfence.sel $0xFFFF  }
0xbf: {  	[dreg:$0x0] =	wrdreg $0xFFFFFFFF;
	(pc) =	sbr.abs _section_cstart, $3  }
0xc0: {  	[dreg:$0x1] =	wrdreg $0xFFFFFFFF  }
0xc1: {  	_ =	task.clear_ibuf [dreg:s7], $0x2FFFF;
	_ =	strace $0x9FFFFFFF  }
0xc2: {  	(tm) =	ssettm $0x7FFFFFFF  }
0xc3: {  	_ =	shalt  }
tec
execute0_lowered:
.L_overlay_start_1:
0x0: {  	(tag) =	ssettag $0x1  }
0x1: {  	s0 =	srdreg.scid;
	s1 =	stileid.u32  }
0x2: {  	s3 =	rddreg [dreg:$0x0];
	s14 =	simm.s32 $0x0;
	s28 =	simm.s32 $0x80  }
0x3: {  	p0 =	por $0x0, $0x0;
	s31 =	simm.s32 $0x9;
	s30 =	simm.s32 $0x5  }
0x4: {  	s6 =	sand.u32 $0x1, s0;
	s1 =	sshll.u32 s1, $0x1;
	s0 =	rddreg [dreg:$0x1]  }
0x5: {  	s29 =	simm.s32 $0xA;
	[smem:$0x7FF] =	sst s14;
	s1 =	sor.u32 s6, s1  }
0x6: {  	_ =	strace $0x80000047;
	s4 =	sshll.u32 s1, $0x9;
	s5 =	smul.u32 $0xD00, s1  }
0x7: {  	s6 =	ssub.s32 $0x2, s6;
	s8 =	smul.u32 $0xD000, s1;
	s4 =	sadd.s32 s4, s0  }
0x8: {  	s1 =	sadd.s32 $0x7000, s0;
	s7 =	sadd.s32 $0x3000, s4;
	s4 =	sadd.s32 $0xA400, s0  }
0x9: {  	s17 =	sshrl.u32 s5, $0x3;
	s9 =	sor.u32 $0x80, s5;
	s23 =	sadd.s32 $0x100, s5  }
0xa: {  	s25 =	sadd.s32 $0x180, s5;
	s12 =	sadd.s32 $0x200, s5;
	s15 =	sadd.s32 $0x280, s5  }
0xb: {  	[dreg:$0x3] =	wrdreg s7;
	s16 =	sadd.s32 s4, s8;
	s18 =	sadd.s32 s1, s17  }
0xc: {  	s19 =	sshll.u32 s9, $0x4;
	s21 =	sshrl.u32 s9, $0x3;
	s24 =	sshll.u32 s23, $0x4  }
0xd: {  	s8 =	sshrl.u32 s23, $0x3;
	s2 =	sshll.u32 s25, $0x4;
	s10 =	sshrl.u32 s25, $0x3  }
0xe: {  	s13 =	sshll.u32 s12, $0x4;
	s17 =	sshll.u32 s15, $0x4;
	[dreg:$0x4] =	wrdreg s16  }
0xf: {  	s23 =	sadd.s32 $0x380, s5;
	[dreg:$0x5] =	wrdreg s18;
	s20 =	sadd.s32 s4, s19  }
0x10: {  	s22 =	sadd.s32 s1, s21;
	s7 =	sadd.s32 s4, s24;
	[dreg:$0x6] =	wrdreg s20  }
0x11: {  	s26 =	sadd.s32 s1, s8;
	s8 =	sadd.s32 s4, s2;
	[dreg:$0x7] =	wrdreg s22  }
0x12: {  	s11 =	sadd.s32 s1, s10;
	s18 =	sadd.s32 s4, s17;
	[dreg:$0x8] =	wrdreg s7  }
0x13: {  	s19 =	sshrl.u32 s15, $0x3;
	s21 =	sadd.s32 $0x300, s5;
	[dreg:$0x9] =	wrdreg s26  }
0x14: {  	s25 =	sshll.u32 s23, $0x4;
	s2 =	sshrl.u32 s23, $0x3;
	[dreg:$0xa] =	wrdreg s8  }
0x15: {  	s10 =	sadd.s32 $0x400, s5;
	[dreg:$0xb] =	wrdreg s11;
	s7 =	sadd.s32 s4, s13  }
0x16: {  	s8 =	sshrl.u32 s12, $0x3;
	[dreg:$0xe] =	wrdreg s18;
	s20 =	sadd.s32 s1, s19  }
0x17: {  	s22 =	sshll.u32 s21, $0x4;
	s26 =	sadd.s32 s4, s25;
	s9 =	sadd.s32 s1, s2  }
0x18: {  	s11 =	sshll.u32 s10, $0x4;
	s12 =	sadd.s32 $0x480, s5;
	[dreg:$0xc] =	wrdreg s7  }
0x19: {  	s19 =	sadd.s32 $0x500, s5;
	s2 =	sadd.s32 $0x600, s5;
	[dreg:$0xf] =	wrdreg s20  }
0x1a: {  	s16 =	sadd.s32 s1, s8;
	s7 =	sadd.s32 s4, s22;
	[dreg:$0x12] =	wrdreg s26  }
0x1b: {  	s8 =	sshrl.u32 s21, $0x3;
	[dreg:$0x13] =	wrdreg s9;
	s15 =	sshll.u32 s12, $0x4  }
0x1c: {  	s17 =	sshrl.u32 s12, $0x3;
	s20 =	sshll.u32 s19, $0x4;
	[dreg:$0xd] =	wrdreg s16  }
0x1d: {  	s21 =	sadd.s32 $0x580, s5;
	s9 =	sshll.u32 s2, $0x4;
	[dreg:$0x10] =	wrdreg s7  }
0x1e: {  	s24 =	sadd.s32 s1, s8;
	s7 =	sadd.s32 s4, s11;
	s8 =	sshrl.u32 s10, $0x3  }
0x1f: {  	s16 =	sadd.s32 s4, s15;
	s18 =	sadd.s32 s1, s17;
	[dreg:$0x11] =	wrdreg s24  }
0x20: {  	s23 =	sshll.u32 s21, $0x4;
	s25 =	sshrl.u32 s21, $0x3;
	[dreg:$0x14] =	wrdreg s7  }
0x21: {  	s10 =	sadd.s32 $0x680, s5;
	s17 =	sadd.s32 $0x700, s5;
	[dreg:$0x16] =	wrdreg s16  }
0x22: {  	s13 =	sadd.s32 s1, s8;
	[dreg:$0x17] =	wrdreg s18;
	s7 =	sadd.s32 s4, s20  }
0x23: {  	s8 =	sshrl.u32 s19, $0x3;
	s24 =	sadd.s32 s4, s23;
	s26 =	sadd.s32 s1, s25  }
0x24: {  	s12 =	sshll.u32 s10, $0x4;
	s15 =	sshrl.u32 s10, $0x3;
	[dreg:$0x15] =	wrdreg s13  }
0x25: {  	s18 =	sshll.u32 s17, $0x4;
	s19 =	sadd.s32 $0x780, s5;
	[dreg:$0x18] =	wrdreg s7  }
0x26: {  	s25 =	sadd.s32 $0x800, s5;
	s22 =	sadd.s32 s1, s8;
	[dreg:$0x1a] =	wrdreg s24  }
0x27: {  	[dreg:$0x1b] =	wrdreg s26;
	s7 =	sadd.s32 s4, s9;
	s8 =	sshrl.u32 s2, $0x3  }
0x28: {  	s13 =	sadd.s32 s4, s12;
	s16 =	sadd.s32 s1, s15;
	[dreg:$0x19] =	wrdreg s22  }
0x29: {  	s21 =	sshll.u32 s19, $0x4;
	s23 =	sshrl.u32 s19, $0x3;
	[dreg:$0x1c] =	wrdreg s7  }
0x2a: {  	s26 =	sshll.u32 s25, $0x4;
	s2 =	sadd.s32 $0x880, s5;
	[dreg:$0x1e] =	wrdreg s13  }
0x2b: {  	s15 =	sadd.s32 $0x900, s5;
	s11 =	sadd.s32 s1, s8;
	[dreg:$0x1f] =	wrdreg s16  }
0x2c: {  	s7 =	sadd.s32 s4, s18;
	s8 =	sshrl.u32 s17, $0x3;
	s22 =	sadd.s32 s4, s21  }
0x2d: {  	s24 =	sadd.s32 s1, s23;
	s10 =	sshll.u32 s2, $0x4;
	[dreg:$0x1d] =	wrdreg s11  }
0x2e: {  	s12 =	sshrl.u32 s2, $0x3;
	s16 =	sshll.u32 s15, $0x4;
	[smem:$0x7E6] =	sst s7  }
0x2f: {  	s17 =	sadd.s32 $0x980, s5;
	s23 =	sadd.s32 $0xA00, s5;
	[smem:$0x7E8] =	sst s22  }
0x30: {  	s20 =	sadd.s32 s1, s8;
	[smem:$0x7E9] =	sst s24;
	s7 =	sadd.s32 s4, s26  }
0x31: {  	s8 =	sshrl.u32 s25, $0x3;
	s11 =	sadd.s32 s4, s10;
	[smem:$0x7E7] =	sst s20  }
0x32: {  	s13 =	sadd.s32 s1, s12;
	s19 =	sshll.u32 s17, $0x4;
	[smem:$0x7EA] =	sst s7  }
0x33: {  	s21 =	sshrl.u32 s17, $0x3;
	s24 =	sshll.u32 s23, $0x4;
	[smem:$0x7EC] =	sst s11  }
0x34: {  	s25 =	sadd.s32 $0xA80, s5;
	s8 =	sadd.s32 s1, s8;
	[smem:$0x7ED] =	sst s13  }
0x35: {  	s7 =	sadd.s32 s4, s16;
	s20 =	sadd.s32 s4, s19;
	s22 =	sadd.s32 s1, s21  }
0x36: {  	s2 =	sshll.u32 s25, $0x4;
	s9 =	sshrl.u32 s25, $0x3;
	[smem:$0x7EB] =	sst s8  }
0x37: {  	s11 =	sadd.s32 $0xB00, s5;
	s13 =	sadd.s32 $0xB80, s5;
	[smem:$0x7EE] =	sst s7  }
0x38: {  	s21 =	sshrl.u32 s6, $0x1;
	s8 =	sshrl.u32 s15, $0x3;
	[smem:$0x7F0] =	sst s20  }
0x39: {  	[smem:$0x7F1] =	sst s22;
	s7 =	sadd.s32 s4, s24;
	s10 =	sadd.s32 s1, s9  }
0x3a: {  	s12 =	sshll.u32 s11, $0x4;
	s16 =	sshll.u32 s13, $0x4;
	s20 =	sadd.s32 $0xC00, s5  }
0x3b: {  	s5 =	sadd.s32 $0xC80, s5;
	s6 =	ssub.s32 s6, s21;
	s21 =	simm.s32 $0x11000  }
0x3c: {  	s18 =	sadd.s32 s1, s8;
	s8 =	sshrl.u32 s23, $0x3;
	[smem:$0x7F2] =	sst s7  }
0x3d: {  	[smem:$0x7F5] =	sst s10;
	s7 =	sadd.s32 s4, s12;
	s17 =	sadd.s32 s4, s16  }
0x3e: {  	s22 =	sshll.u32 s20, $0x4;
	s24 =	sshll.u32 s5, $0x4;
	s5 =	sshrl.u32 s5, $0x3  }
0x3f: {  	s25 =	smax.u32 s6, $0x1;
	s6 =	simm.s32 $0x15180;
	s16 =	simm.s32 $0x6  }
0x40: {  	s10 =	simm.s32 $0xD;
	s12 =	simm.s32 $0xF;
	[smem:$0x7EF] =	sst s18  }
0x41: {  	s26 =	sadd.s32 s1, s8;
	s8 =	sadd.s32 s4, s2;
	[smem:$0x7F6] =	sst s7  }
0x42: {  	s18 =	sshrl.u32 s13, $0x3;
	[smem:$0x7F8] =	sst s17;
	s7 =	sadd.s32 s4, s22  }
0x43: {  	s4 =	sadd.s32 s4, s24;
	s24 =	simm.s32 $0x15200;
	s22 =	rddreg [dreg:$0x3]  }
0x44: {  	s17 =	simm.s32 $0x1;
	p1 =	sne.s32 s25, $0x1;
	[smem:$0x7F3] =	sst s26  }
0x45: {  	s2 =	simm.s32 $0x11;
	s13 =	simm.s32 $0xE;
	[smem:$0x7F4] =	sst s8  }
0x46: {  	s8 =	sshrl.u32 s11, $0x3;
	s19 =	sadd.s32 s1, s18;
	[smem:$0x7FA] =	sst s7  }
0x47: {  	[smem:$0x7FC] =	sst s4;
	s26 =	sadd.s32 $0x2200, s0;
	s4 =	simm.s32 $0xD000  }
0x48: {  	s11 =	simm.s32 $0xB;
	s7 =	simm.s32 $0x10;
	s18 =	simm.s32 $0x3  }
0x49: {  	s0 =	simm.s32 $0x8;
	s15 =	sadd.s32 s1, s8;
	[smem:$0x7F9] =	sst s19  }
.Ltmp0:
0x4a: {  	s8 =	sshrl.u32 s20, $0x3;
	s20 =	simm.s32 $0x2;
	(pc) =	sbr.rel @!p1 .LBB2_5-.Ltmp0, $4  }
0x4b: {  	s19 =	simm.s32 $0x7;
	[smem:$0x7F7] =	sst s15;
	s23 =	sadd.s32 s1, s8  }
0x4c: {  	s1 =	sadd.s32 s1, s5;
	s5 =	simm.s32 $0x1000;
	s8 =	sadd.s32 $0xFFFFFFFF, s25  }
0x4d: {  	s15 =	simm.s32 $0xC;
	s25 =	simm.s32 $0x14;
	[smem:$0x7FB] =	sst s23  }
0x4e: {  	[smem:$0x7FD] =	sst s1;
	s23 =	simm.s32 $0x15000;
	s1 =	simm.s32 $0x4  }
0x4f: {  	[tilespmem:s14], [sflag:$0x15] =	stream.linear.gather [hbm4b:s22+s14], $0xD00, $0x38;
	[tilespmem:$0x15280] =	vst v63  }
0x50: {  	s0 =	simm.s32 $0x15  }
0x51: {  	_ =	swait.ge [sflag:s0], $0xD00  }
0x52: {  	[sflag:s0] =	ssyncset.done $0x0  }
0x53: {  	[sflag:s0] =	ssyncadd.s32 $0xFFFFF300  }
0x54: {  	[tilespmem:s5], [sflag:$0x1] =	stream.indirect.gather [hbm4b:s3+s28], $0x80, s14, s28, $0xb8;
	[tilespmem:$0x15280] =	vst v63  }
0x55: {  	_ = 	snop  }
0x56: {  	[tilespmem:s23], [sflag:$0x6] =	stream.indirect.gather [hbm4b:s26+s28], $0x1, s14, s28, $0xb8;
	[tilespmem:$0x15280] =	vst v63  }
0x57: {  	s1 =	simm.s32 $0x5000  }
0x58: {  	[tilespmem:s1], [sflag:$0x2] =	stream.indirect.gather [hbm4b:s3+s28], $0x80, s28, s28, $0xb8;
	[tilespmem:$0x15280] =	vst v63  }
0x59: {  	s2 =	simm.s32 $0x15080  }
0x5a: {  	[tilespmem:s2], [sflag:$0x7] =	stream.indirect.gather [hbm4b:s26+s28], $0x1, s28, s28, $0xb8;
	[tilespmem:$0x15280] =	vst v63  }
0x5b: {  	s7 =	simm.s32 $0x9000;
	s2 =	simm.s32 $0x100  }
0x5c: {  	[tilespmem:s7], [sflag:$0x3] =	stream.indirect.gather [hbm4b:s3+s28], $0x80, s2, s28, $0xb8;
	[tilespmem:$0x15280] =	vst v63  }
0x5d: {  	s11 =	simm.s32 $0x15100  }
0x5e: {  	[tilespmem:s11], [sflag:$0x8] =	stream.indirect.gather [hbm4b:s26+s28], $0x1, s2, s28, $0xb8;
	[tilespmem:$0x15280] =	vst v63  }
0x5f: {  	s25 =	simm.s32 $0x180  }
0x60: {  	[tilespmem:s4], [sflag:$0x4] =	stream.indirect.gather [hbm4b:s3+s28], $0x80, s25, s28, $0xb8;
	[tilespmem:$0x15280] =	vst v63  }
0x61: {  	_ = 	snop  }
0x62: {  	[tilespmem:s6], [sflag:$0x9] =	stream.indirect.gather [hbm4b:s26+s28], $0x1, s25, s28, $0xb8;
	[tilespmem:$0x15280] =	vst v63  }
0x63: {  	s2 =	simm.s32 $0x200  }
0x64: {  	[tilespmem:s21], [sflag:$0x5] =	stream.indirect.gather [hbm4b:s3+s28], $0x80, s2, s28, $0xb8;
	[tilespmem:$0x15280] =	vst v63  }
0x65: {  	[smem:$0x7E5] =	sst s8  }
0x66: {  	[tilespmem:s24], [sflag:$0xA] =	stream.indirect.gather [hbm4b:s26+s28], $0x1, s2, s28, $0xb8;
	[tilespmem:$0x15280] =	vst v63  }
0x67: {  	_ =	swait.ge [sflag:s17], $0x4000  }
0x68: {  	[sflag:s17] =	ssyncset.done $0x0  }
0x69: {  	[sflag:s17] =	ssyncadd.s32 $0xFFFFC000  }
0x6a: {  	_ =	swait.ge [sflag:s16], $0x80  }
0x6b: {  	[sflag:s16] =	ssyncset.done $0x0  }
0x6c: {  	s7 =	simm.s32 $0x1000;
	s4 =	rddreg [dreg:$0x4];
	[sflag:s16] =	ssyncadd.s32 $0xFFFFFF80  }
0x6d: {  	[hbm4b:s4+s14] =	stream.linear.scatter [tilespmem:s7], [sflag:$0xB], $0x4000, $0x38;
	[tilespmem:$0x15280] =	vst v63  }
0x6e: {  	s24 =	simm.s32 $0x15000;
	s6 =	rddreg [dreg:$0x5];
	s16 =	simm.s32 $0xB  }
0x6f: {  	[hbm4b:s6+s14] =	stream.linear.scatter [tilespmem:s24], [sflag:$0x10], $0x80, $0x38;
	[tilespmem:$0x15280] =	vst v63  }
0x70: {  	_ =	swait.ge [sflag:s16], $0x4000  }
0x71: {  	[sflag:s16] =	ssyncset.done $0x0  }
0x72: {  	s11 =	simm.s32 $0x10;
	[sflag:s16] =	ssyncadd.s32 $0xFFFFC000  }
0x73: {  	_ =	swait.ge [sflag:s11], $0x80  }
0x74: {  	[sflag:s11] =	ssyncset.done $0x0  }
0x75: {  	[sflag:s11] =	ssyncadd.s32 $0xFFFFFF80  }
0x76: {  	s22 =	simm.s32 $0x280;
	s21 =	rddreg [dreg:$0x0]  }
0x77: {  	[tilespmem:s7], [sflag:$0x1] =	stream.indirect.gather [hbm4b:s21+s28], $0x80, s22, s28, $0xb8;
	[tilespmem:$0x15280] =	vst v63  }
0x78: {  	s5 =	simm.s32 $0x2  }
0x79: {  	[tilespmem:s24], [sflag:$0x6] =	stream.indirect.gather [hbm4b:s26+s28], $0x1, s22, s28, $0xb8;
	[tilespmem:$0x15280] =	vst v63  }
0x7a: {  	_ =	swait.ge [sflag:s5], $0x4000  }
0x7b: {  	[sflag:s5] =	ssyncset.done $0x0  }
0x7c: {  	s20 =	simm.s32 $0x7;
	[sflag:s5] =	ssyncadd.s32 $0xFFFFC000  }
0x7d: {  	_ =	swait.ge [sflag:s20], $0x80  }
0x7e: {  	[sflag:s20] =	ssyncset.done $0x0  }
0x7f: {  	s5 =	simm.s32 $0x5000;
	s22 =	rddreg [dreg:$0x6];
	[sflag:s20] =	ssyncadd.s32 $0xFFFFFF80  }
0x80: {  	[hbm4b:s22+s14] =	stream.linear.scatter [tilespmem:s5], [sflag:$0xC], $0x4000, $0x38;
	[tilespmem:$0x15280] =	vst v63  }
0x81: {  	s29 =	simm.s32 $0xC;
	s21 =	simm.s32 $0x15080;
	s4 =	rddreg [dreg:$0x7]  }
0x82: {  	[hbm4b:s4+s14] =	stream.linear.scatter [tilespmem:s21], [sflag:$0x11], $0x80, $0x38;
	[tilespmem:$0x15280] =	vst v63  }
0x83: {  	_ =	swait.ge [sflag:s29], $0x4000  }
0x84: {  	[sflag:s29] =	ssyncset.done $0x0  }
0x85: {  	s13 =	simm.s32 $0x11;
	[sflag:s29] =	ssyncadd.s32 $0xFFFFC000  }
0x86: {  	_ =	swait.ge [sflag:s13], $0x80  }
0x87: {  	[sflag:s13] =	ssyncset.done $0x0  }
0x88: {  	[sflag:s13] =	ssyncadd.s32 $0xFFFFFF80  }
0x89: {  	s4 =	simm.s32 $0x300;
	s22 =	rddreg [dreg:$0x0]  }
0x8a: {  	[tilespmem:s5], [sflag:$0x2] =	stream.indirect.gather [hbm4b:s22+s28], $0x80, s4, s28, $0xb8;
	[tilespmem:$0x15280] =	vst v63  }
0x8b: {  	s19 =	simm.s32 $0x3  }
0x8c: {  	[tilespmem:s21], [sflag:$0x7] =	stream.indirect.gather [hbm4b:s26+s28], $0x1, s4, s28, $0xb8;
	[tilespmem:$0x15280] =	vst v63  }
0x8d: {  	_ =	swait.ge [sflag:s19], $0x4000  }
0x8e: {  	[sflag:s19] =	ssyncset.done $0x0  }
0x8f: {  	s18 =	simm.s32 $0x8;
	[sflag:s19] =	ssyncadd.s32 $0xFFFFC000  }
0x90: {  	_ =	swait.ge [sflag:s18], $0x80  }
0x91: {  	[sflag:s18] =	ssyncset.done $0x0  }
0x92: {  	s5 =	simm.s32 $0x9000;
	s22 =	rddreg [dreg:$0x8];
	[sflag:s18] =	ssyncadd.s32 $0xFFFFFF80  }
0x93: {  	[hbm4b:s22+s14] =	stream.linear.scatter [tilespmem:s5], [sflag:$0xD], $0x4000, $0x38;
	[tilespmem:$0x15280] =	vst v63  }
0x94: {  	s15 =	simm.s32 $0xD;
	s21 =	simm.s32 $0x15100;
	s4 =	rddreg [dreg:$0x9]  }
0x95: {  	[hbm4b:s4+s14] =	stream.linear.scatter [tilespmem:s21], [sflag:$0x12], $0x80, $0x38;
	[tilespmem:$0x15280] =	vst v63  }
0x96: {  	_ =	swait.ge [sflag:s15], $0x4000  }
0x97: {  	[sflag:s15] =	ssyncset.done $0x0  }
0x98: {  	s12 =	simm.s32 $0x12;
	[sflag:s15] =	ssyncadd.s32 $0xFFFFC000  }
0x99: {  	_ =	swait.ge [sflag:s12], $0x80  }
0x9a: {  	[sflag:s12] =	ssyncset.done $0x0  }
0x9b: {  	[sflag:s12] =	ssyncadd.s32 $0xFFFFFF80  }
0x9c: {  	s4 =	simm.s32 $0x380;
	s22 =	rddreg [dreg:$0x0]  }
0x9d: {  	[tilespmem:s5], [sflag:$0x3] =	stream.indirect.gather [hbm4b:s22+s28], $0x80, s4, s28, $0xb8;
	[tilespmem:$0x15280] =	vst v63  }
0x9e: {  	s0 =	simm.s32 $0x4  }
0x9f: {  	[tilespmem:s21], [sflag:$0x8] =	stream.indirect.gather [hbm4b:s26+s28], $0x1, s4, s28, $0xb8;
	[tilespmem:$0x15280] =	vst v63  }
0xa0: {  	_ =	swait.ge [sflag:s0], $0x4000  }
0xa1: {  	[sflag:s0] =	ssyncset.done $0x0  }
0xa2: {  	s1 =	simm.s32 $0x9;
	[sflag:s0] =	ssyncadd.s32 $0xFFFFC000  }
0xa3: {  	_ =	swait.ge [sflag:s1], $0x80  }
0xa4: {  	[sflag:s1] =	ssyncset.done $0x0  }
0xa5: {  	s2 =	simm.s32 $0xD000;
	s5 =	rddreg [dreg:$0xa];
	[sflag:s1] =	ssyncadd.s32 $0xFFFFFF80  }
0xa6: {  	[hbm4b:s5+s14] =	stream.linear.scatter [tilespmem:s2], [sflag:$0xE], $0x4000, $0x38;
	[tilespmem:$0x15280] =	vst v63  }
0xa7: {  	s10 =	simm.s32 $0xE;
	s25 =	simm.s32 $0x15180;
	s6 =	rddreg [dreg:$0xb]  }
0xa8: {  	[hbm4b:s6+s14] =	stream.linear.scatter [tilespmem:s25], [sflag:$0x13], $0x80, $0x38;
	[tilespmem:$0x15280] =	vst v63  }
0xa9: {  	_ =	swait.ge [sflag:s10], $0x4000  }
0xaa: {  	[sflag:s10] =	ssyncset.done $0x0  }
0xab: {  	s9 =	simm.s32 $0x13;
	[sflag:s10] =	ssyncadd.s32 $0xFFFFC000  }
0xac: {  	_ =	swait.ge [sflag:s9], $0x80  }
0xad: {  	[sflag:s9] =	ssyncset.done $0x0  }
0xae: {  	[sflag:s9] =	ssyncadd.s32 $0xFFFFFF80  }
0xaf: {  	s21 =	simm.s32 $0x400;
	s22 =	rddreg [dreg:$0x0]  }
0xb0: {  	[tilespmem:s2], [sflag:$0x4] =	stream.indirect.gather [hbm4b:s22+s28], $0x80, s21, s28, $0xb8;
	[tilespmem:$0x15280] =	vst v63  }
0xb1: {  	s31 =	simm.s32 $0x5  }
0xb2: {  	[tilespmem:s25], [sflag:$0x9] =	stream.indirect.gather [hbm4b:s26+s28], $0x1, s21, s28, $0xb8;
	[tilespmem:$0x15280] =	vst v63  }
0xb3: {  	_ =	swait.ge [sflag:s31], $0x4000  }
0xb4: {  	[sflag:s31] =	ssyncset.done $0x0  }
0xb5: {  	s30 =	simm.s32 $0xA;
	[sflag:s31] =	ssyncadd.s32 $0xFFFFC000  }
0xb6: {  	_ =	swait.ge [sflag:s30], $0x80  }
0xb7: {  	[sflag:s30] =	ssyncset.done $0x0  }
0xb8: {  	s2 =	simm.s32 $0x11000;
	s5 =	rddreg [dreg:$0xc];
	[sflag:s30] =	ssyncadd.s32 $0xFFFFFF80  }
0xb9: {  	[hbm4b:s5+s14] =	stream.linear.scatter [tilespmem:s2], [sflag:$0xF], $0x4000, $0x38;
	[tilespmem:$0x15280] =	vst v63  }
0xba: {  	s23 =	simm.s32 $0xF;
	s4 =	simm.s32 $0x15200;
	s6 =	rddreg [dreg:$0xd]  }
0xbb: {  	[hbm4b:s6+s14] =	stream.linear.scatter [tilespmem:s4], [sflag:$0x14], $0x80, $0x38;
	[tilespmem:$0x15280] =	vst v63  }
0xbc: {  	_ =	swait.ge [sflag:s23], $0x4000  }
0xbd: {  	[sflag:s23] =	ssyncset.done $0x0  }
0xbe: {  	s8 =	simm.s32 $0x14;
	[sflag:s23] =	ssyncadd.s32 $0xFFFFC000  }
0xbf: {  	_ =	swait.ge [sflag:s8], $0x80  }
0xc0: {  	[sflag:s8] =	ssyncset.done $0x0  }
0xc1: {  	[sflag:s8] =	ssyncadd.s32 $0xFFFFFF80  }
0xc2: {  	s21 =	simm.s32 $0x480;
	s22 =	rddreg [dreg:$0x0]  }
0xc3: {  	[tilespmem:s2], [sflag:$0x5] =	stream.indirect.gather [hbm4b:s22+s28], $0x80, s21, s28, $0xb8;
	[tilespmem:$0x15280] =	vst v63  }
0xc4: {  	s3 =	simm.s32 $0x1  }
0xc5: {  	[tilespmem:s4], [sflag:$0xA] =	stream.indirect.gather [hbm4b:s26+s28], $0x1, s21, s28, $0xb8;
	[tilespmem:$0x15280] =	vst v63  }
0xc6: {  	_ =	swait.ge [sflag:s3], $0x4000  }
0xc7: {  	[sflag:s3] =	ssyncset.done $0x0  }
0xc8: {  	s17 =	simm.s32 $0x6;
	[sflag:s3] =	ssyncadd.s32 $0xFFFFC000  }
0xc9: {  	_ =	swait.ge [sflag:s17], $0x80  }
0xca: {  	[sflag:s17] =	ssyncset.done $0x0  }
0xcb: {  	s5 =	rddreg [dreg:$0xe];
	[sflag:s17] =	ssyncadd.s32 $0xFFFFFF80  }
0xcc: {  	[hbm4b:s5+s14] =	stream.linear.scatter [tilespmem:s7], [sflag:$0xB], $0x4000, $0x38;
	[tilespmem:$0x15280] =	vst v63  }
0xcd: {  	s6 =	rddreg [dreg:$0xf]  }
0xce: {  	[hbm4b:s6+s14] =	stream.linear.scatter [tilespmem:s24], [sflag:$0x10], $0x80, $0x38;
	[tilespmem:$0x15280] =	vst v63  }
0xcf: {  	_ =	swait.ge [sflag:s16], $0x4000  }
0xd0: {  	[sflag:s16] =	ssyncset.done $0x0  }
0xd1: {  	[sflag:s16] =	ssyncadd.s32 $0xFFFFC000  }
0xd2: {  	_ =	swait.ge [sflag:s11], $0x80  }
0xd3: {  	[sflag:s11] =	ssyncset.done $0x0  }
0xd4: {  	[sflag:s11] =	ssyncadd.s32 $0xFFFFFF80  }
0xd5: {  	s22 =	simm.s32 $0x500;
	s2 =	rddreg [dreg:$0x0]  }
0xd6: {  	[tilespmem:s7], [sflag:$0x1] =	stream.indirect.gather [hbm4b:s2+s28], $0x80, s22, s28, $0xb8;
	[tilespmem:$0x15280] =	vst v63  }
0xd7: {  	s20 =	simm.s32 $0x2  }
0xd8: {  	[tilespmem:s24], [sflag:$0x6] =	stream.indirect.gather [hbm4b:s26+s28], $0x1, s22, s28, $0xb8;
	[tilespmem:$0x15280] =	vst v63  }
0xd9: {  	_ =	swait.ge [sflag:s20], $0x4000  }
0xda: {  	[sflag:s20] =	ssyncset.done $0x0  }
0xdb: {  	s19 =	simm.s32 $0x7;
	[sflag:s20] =	ssyncadd.s32 $0xFFFFC000  }
0xdc: {  	_ =	swait.ge [sflag:s19], $0x80  }
0xdd: {  	[sflag:s19] =	ssyncset.done $0x0  }
0xde: {  	s6 =	simm.s32 $0x5000;
	s4 =	rddreg [dreg:$0x10];
	[sflag:s19] =	ssyncadd.s32 $0xFFFFFF80  }
0xdf: {  	[hbm4b:s4+s14] =	stream.linear.scatter [tilespmem:s6], [sflag:$0xC], $0x4000, $0x38;
	[tilespmem:$0x15280] =	vst v63  }
0xe0: {  	s5 =	rddreg [dreg:$0x11];
	s4 =	simm.s32 $0x15080  }
0xe1: {  	[hbm4b:s5+s14] =	stream.linear.scatter [tilespmem:s4], [sflag:$0x11], $0x80, $0x38;
	[tilespmem:$0x15280] =	vst v63  }
0xe2: {  	_ =	swait.ge [sflag:s29], $0x4000  }
0xe3: {  	[sflag:s29] =	ssyncset.done $0x0  }
0xe4: {  	[sflag:s29] =	ssyncadd.s32 $0xFFFFC000  }
0xe5: {  	_ =	swait.ge [sflag:s13], $0x80  }
0xe6: {  	[sflag:s13] =	ssyncset.done $0x0  }
0xe7: {  	[sflag:s13] =	ssyncadd.s32 $0xFFFFFF80  }
0xe8: {  	s21 =	simm.s32 $0x580;
	s22 =	rddreg [dreg:$0x0]  }
0xe9: {  	[tilespmem:s6], [sflag:$0x2] =	stream.indirect.gather [hbm4b:s22+s28], $0x80, s21, s28, $0xb8;
	[tilespmem:$0x15280] =	vst v63  }
0xea: {  	s18 =	simm.s32 $0x3  }
0xeb: {  	[tilespmem:s4], [sflag:$0x7] =	stream.indirect.gather [hbm4b:s26+s28], $0x1, s21, s28, $0xb8;
	[tilespmem:$0x15280] =	vst v63  }
0xec: {  	_ =	swait.ge [sflag:s18], $0x4000  }
0xed: {  	[sflag:s18] =	ssyncset.done $0x0  }
0xee: {  	s0 =	simm.s32 $0x8;
	[sflag:s18] =	ssyncadd.s32 $0xFFFFC000  }
0xef: {  	_ =	swait.ge [sflag:s0], $0x80  }
0xf0: {  	[sflag:s0] =	ssyncset.done $0x0  }
0xf1: {  	s6 =	simm.s32 $0x9000;
	s4 =	rddreg [dreg:$0x12];
	[sflag:s0] =	ssyncadd.s32 $0xFFFFFF80  }
0xf2: {  	[hbm4b:s4+s14] =	stream.linear.scatter [tilespmem:s6], [sflag:$0xD], $0x4000, $0x38;
	[tilespmem:$0x15280] =	vst v63  }
0xf3: {  	s21 =	simm.s32 $0x15100;
	s5 =	rddreg [dreg:$0x13]  }
0xf4: {  	[hbm4b:s5+s14] =	stream.linear.scatter [tilespmem:s21], [sflag:$0x12], $0x80, $0x38;
	[tilespmem:$0x15280] =	vst v63  }
0xf5: {  	_ =	swait.ge [sflag:s15], $0x4000  }
0xf6: {  	[sflag:s15] =	ssyncset.done $0x0  }
0xf7: {  	[sflag:s15] =	ssyncadd.s32 $0xFFFFC000  }
0xf8: {  	_ =	swait.ge [sflag:s12], $0x80  }
0xf9: {  	[sflag:s12] =	ssyncset.done $0x0  }
0xfa: {  	[sflag:s12] =	ssyncadd.s32 $0xFFFFFF80  }
0xfb: {  	s4 =	simm.s32 $0x600;
	s22 =	rddreg [dreg:$0x0]  }
0xfc: {  	[tilespmem:s6], [sflag:$0x3] =	stream.indirect.gather [hbm4b:s22+s28], $0x80, s4, s28, $0xb8;
	[tilespmem:$0x15280] =	vst v63  }
0xfd: {  	s1 =	simm.s32 $0x4  }
0xfe: {  	[tilespmem:s21], [sflag:$0x8] =	stream.indirect.gather [hbm4b:s26+s28], $0x1, s4, s28, $0xb8;
	[tilespmem:$0x15280] =	vst v63  }
0xff: {  	_ =	swait.ge [sflag:s1], $0x4000  }
0x100: {  	[sflag:s1] =	ssyncset.done $0x0  }
0x101: {  	s31 =	simm.s32 $0x9;
	[sflag:s1] =	ssyncadd.s32 $0xFFFFC000  }
0x102: {  	_ =	swait.ge [sflag:s31], $0x80  }
0x103: {  	[sflag:s31] =	ssyncset.done $0x0  }
0x104: {  	s5 =	simm.s32 $0xD000;
	s2 =	rddreg [dreg:$0x14];
	[sflag:s31] =	ssyncadd.s32 $0xFFFFFF80  }
0x105: {  	[hbm4b:s2+s14] =	stream.linear.scatter [tilespmem:s5], [sflag:$0xE], $0x4000, $0x38;
	[tilespmem:$0x15280] =	vst v63  }
0x106: {  	s4 =	rddreg [dreg:$0x15]  }
0x107: {  	[hbm4b:s4+s14] =	stream.linear.scatter [tilespmem:s25], [sflag:$0x13], $0x80, $0x38;
	[tilespmem:$0x15280] =	vst v63  }
0x108: {  	_ =	swait.ge [sflag:s10], $0x4000  }
0x109: {  	[sflag:s10] =	ssyncset.done $0x0  }
0x10a: {  	[sflag:s10] =	ssyncadd.s32 $0xFFFFC000  }
0x10b: {  	_ =	swait.ge [sflag:s9], $0x80  }
0x10c: {  	[sflag:s9] =	ssyncset.done $0x0  }
0x10d: {  	[sflag:s9] =	ssyncadd.s32 $0xFFFFFF80  }
0x10e: {  	s21 =	simm.s32 $0x680;
	s22 =	rddreg [dreg:$0x0]  }
0x10f: {  	[tilespmem:s5], [sflag:$0x4] =	stream.indirect.gather [hbm4b:s22+s28], $0x80, s21, s28, $0xb8;
	[tilespmem:$0x15280] =	vst v63  }
0x110: {  	s30 =	simm.s32 $0x5  }
0x111: {  	[tilespmem:s25], [sflag:$0x9] =	stream.indirect.gather [hbm4b:s26+s28], $0x1, s21, s28, $0xb8;
	[tilespmem:$0x15280] =	vst v63  }
0x112: {  	_ =	swait.ge [sflag:s30], $0x4000  }
0x113: {  	[sflag:s30] =	ssyncset.done $0x0  }
0x114: {  	s29 =	simm.s32 $0xA;
	[sflag:s30] =	ssyncadd.s32 $0xFFFFC000  }
0x115: {  	_ =	swait.ge [sflag:s29], $0x80  }
0x116: {  	[sflag:s29] =	ssyncset.done $0x0  }
0x117: {  	s5 =	simm.s32 $0x11000;
	s25 =	rddreg [dreg:$0x16];
	[sflag:s29] =	ssyncadd.s32 $0xFFFFFF80  }
0x118: {  	[hbm4b:s25+s14] =	stream.linear.scatter [tilespmem:s5], [sflag:$0xF], $0x4000, $0x38;
	[tilespmem:$0x15280] =	vst v63  }
0x119: {  	s4 =	simm.s32 $0x15200;
	s2 =	rddreg [dreg:$0x17]  }
0x11a: {  	[hbm4b:s2+s14] =	stream.linear.scatter [tilespmem:s4], [sflag:$0x14], $0x80, $0x38;
	[tilespmem:$0x15280] =	vst v63  }
0x11b: {  	_ =	swait.ge [sflag:s23], $0x4000  }
0x11c: {  	[sflag:s23] =	ssyncset.done $0x0  }
0x11d: {  	[sflag:s23] =	ssyncadd.s32 $0xFFFFC000  }
0x11e: {  	_ =	swait.ge [sflag:s8], $0x80  }
0x11f: {  	[sflag:s8] =	ssyncset.done $0x0  }
0x120: {  	[sflag:s8] =	ssyncadd.s32 $0xFFFFFF80  }
0x121: {  	s22 =	simm.s32 $0x700;
	s25 =	rddreg [dreg:$0x0]  }
0x122: {  	[tilespmem:s5], [sflag:$0x5] =	stream.indirect.gather [hbm4b:s25+s28], $0x80, s22, s28, $0xb8;
	[tilespmem:$0x15280] =	vst v63  }
0x123: {  	_ = 	snop  }
0x124: {  	[tilespmem:s4], [sflag:$0xA] =	stream.indirect.gather [hbm4b:s26+s28], $0x1, s22, s28, $0xb8;
	[tilespmem:$0x15280] =	vst v63  }
0x125: {  	_ =	swait.ge [sflag:s3], $0x4000  }
0x126: {  	[sflag:s3] =	ssyncset.done $0x0  }
0x127: {  	[sflag:s3] =	ssyncadd.s32 $0xFFFFC000  }
0x128: {  	_ =	swait.ge [sflag:s17], $0x80  }
0x129: {  	[sflag:s17] =	ssyncset.done $0x0  }
0x12a: {  	s4 =	rddreg [dreg:$0x18];
	[sflag:s17] =	ssyncadd.s32 $0xFFFFFF80  }
0x12b: {  	[hbm4b:s4+s14] =	stream.linear.scatter [tilespmem:s7], [sflag:$0xB], $0x4000, $0x38;
	[tilespmem:$0x15280] =	vst v63  }
0x12c: {  	s5 =	rddreg [dreg:$0x19]  }
0x12d: {  	[hbm4b:s5+s14] =	stream.linear.scatter [tilespmem:s24], [sflag:$0x10], $0x80, $0x38;
	[tilespmem:$0x15280] =	vst v63  }
0x12e: {  	_ =	swait.ge [sflag:s16], $0x4000  }
0x12f: {  	[sflag:s16] =	ssyncset.done $0x0  }
0x130: {  	[sflag:s16] =	ssyncadd.s32 $0xFFFFC000  }
0x131: {  	_ =	swait.ge [sflag:s11], $0x80  }
0x132: {  	[sflag:s11] =	ssyncset.done $0x0  }
0x133: {  	[sflag:s11] =	ssyncadd.s32 $0xFFFFFF80  }
0x134: {  	s21 =	simm.s32 $0x780;
	s22 =	rddreg [dreg:$0x0]  }
0x135: {  	[tilespmem:s7], [sflag:$0x1] =	stream.indirect.gather [hbm4b:s22+s28], $0x80, s21, s28, $0xb8;
	[tilespmem:$0x15280] =	vst v63  }
0x136: {  	_ = 	snop  }
0x137: {  	[tilespmem:s24], [sflag:$0x6] =	stream.indirect.gather [hbm4b:s26+s28], $0x1, s21, s28, $0xb8;
	[tilespmem:$0x15280] =	vst v63  }
0x138: {  	_ =	swait.ge [sflag:s20], $0x4000  }
0x139: {  	[sflag:s20] =	ssyncset.done $0x0  }
0x13a: {  	[sflag:s20] =	ssyncadd.s32 $0xFFFFC000  }
0x13b: {  	_ =	swait.ge [sflag:s19], $0x80  }
0x13c: {  	[sflag:s19] =	ssyncset.done $0x0  }
0x13d: {  	s5 =	simm.s32 $0x5000;
	s2 =	rddreg [dreg:$0x1a];
	[sflag:s19] =	ssyncadd.s32 $0xFFFFFF80  }
0x13e: {  	[hbm4b:s2+s14] =	stream.linear.scatter [tilespmem:s5], [sflag:$0xC], $0x4000, $0x38;
	[tilespmem:$0x15280] =	vst v63  }
0x13f: {  	s15 =	simm.s32 $0xC;
	s21 =	simm.s32 $0x15080;
	s4 =	rddreg [dreg:$0x1b]  }
0x140: {  	[hbm4b:s4+s14] =	stream.linear.scatter [tilespmem:s21], [sflag:$0x11], $0x80, $0x38;
	[tilespmem:$0x15280] =	vst v63  }
0x141: {  	_ =	swait.ge [sflag:s15], $0x4000  }
0x142: {  	[sflag:s15] =	ssyncset.done $0x0  }
0x143: {  	[sflag:s15] =	ssyncadd.s32 $0xFFFFC000  }
0x144: {  	_ =	swait.ge [sflag:s13], $0x80  }
0x145: {  	[sflag:s13] =	ssyncset.done $0x0  }
0x146: {  	[sflag:s13] =	ssyncadd.s32 $0xFFFFFF80  }
0x147: {  	s4 =	simm.s32 $0x800;
	s22 =	rddreg [dreg:$0x0]  }
0x148: {  	[tilespmem:s5], [sflag:$0x2] =	stream.indirect.gather [hbm4b:s22+s28], $0x80, s4, s28, $0xb8;
	[tilespmem:$0x15280] =	vst v63  }
0x149: {  	_ = 	snop  }
0x14a: {  	[tilespmem:s21], [sflag:$0x7] =	stream.indirect.gather [hbm4b:s26+s28], $0x1, s4, s28, $0xb8;
	[tilespmem:$0x15280] =	vst v63  }
0x14b: {  	_ =	swait.ge [sflag:s18], $0x4000  }
0x14c: {  	[sflag:s18] =	ssyncset.done $0x0  }
0x14d: {  	[sflag:s18] =	ssyncadd.s32 $0xFFFFC000  }
0x14e: {  	_ =	swait.ge [sflag:s0], $0x80  }
0x14f: {  	[sflag:s0] =	ssyncset.done $0x0  }
0x150: {  	s6 =	simm.s32 $0x9000;
	s22 =	rddreg [dreg:$0x1c];
	[sflag:s0] =	ssyncadd.s32 $0xFFFFFF80  }
0x151: {  	[hbm4b:s22+s14] =	stream.linear.scatter [tilespmem:s6], [sflag:$0xD], $0x4000, $0x38;
	[tilespmem:$0x15280] =	vst v63  }
0x152: {  	s10 =	simm.s32 $0xD;
	s4 =	simm.s32 $0x15100;
	s2 =	rddreg [dreg:$0x1d]  }
0x153: {  	[hbm4b:s2+s14] =	stream.linear.scatter [tilespmem:s4], [sflag:$0x12], $0x80, $0x38;
	[tilespmem:$0x15280] =	vst v63  }
0x154: {  	_ =	swait.ge [sflag:s10], $0x4000  }
0x155: {  	[sflag:s10] =	ssyncset.done $0x0  }
0x156: {  	[sflag:s10] =	ssyncadd.s32 $0xFFFFC000  }
0x157: {  	_ =	swait.ge [sflag:s12], $0x80  }
0x158: {  	[sflag:s12] =	ssyncset.done $0x0  }
0x159: {  	[sflag:s12] =	ssyncadd.s32 $0xFFFFFF80  }
0x15a: {  	s21 =	simm.s32 $0x880;
	s22 =	rddreg [dreg:$0x0]  }
0x15b: {  	[tilespmem:s6], [sflag:$0x3] =	stream.indirect.gather [hbm4b:s22+s28], $0x80, s21, s28, $0xb8;
	[tilespmem:$0x15280] =	vst v63  }
0x15c: {  	_ = 	snop  }
0x15d: {  	[tilespmem:s4], [sflag:$0x8] =	stream.indirect.gather [hbm4b:s26+s28], $0x1, s21, s28, $0xb8;
	[tilespmem:$0x15280] =	vst v63  }
0x15e: {  	_ =	swait.ge [sflag:s1], $0x4000  }
0x15f: {  	[sflag:s1] =	ssyncset.done $0x0  }
0x160: {  	[sflag:s1] =	ssyncadd.s32 $0xFFFFC000  }
0x161: {  	_ =	swait.ge [sflag:s31], $0x80  }
0x162: {  	[sflag:s31] =	ssyncset.done $0x0  }
0x163: {  	s2 =	simm.s32 $0xD000;
	s5 =	rddreg [dreg:$0x1e];
	[sflag:s31] =	ssyncadd.s32 $0xFFFFFF80  }
0x164: {  	[hbm4b:s5+s14] =	stream.linear.scatter [tilespmem:s2], [sflag:$0xE], $0x4000, $0x38;
	[tilespmem:$0x15280] =	vst v63  }
0x165: {  	s13 =	simm.s32 $0xE;
	s4 =	simm.s32 $0x15180;
	s6 =	rddreg [dreg:$0x1f]  }
0x166: {  	[hbm4b:s6+s14] =	stream.linear.scatter [tilespmem:s4], [sflag:$0x13], $0x80, $0x38;
	[tilespmem:$0x15280] =	vst v63  }
0x167: {  	_ =	swait.ge [sflag:s13], $0x4000  }
0x168: {  	[sflag:s13] =	ssyncset.done $0x0  }
0x169: {  	[sflag:s13] =	ssyncadd.s32 $0xFFFFC000  }
0x16a: {  	_ =	swait.ge [sflag:s9], $0x80  }
0x16b: {  	[sflag:s9] =	ssyncset.done $0x0  }
0x16c: {  	[sflag:s9] =	ssyncadd.s32 $0xFFFFFF80  }
0x16d: {  	s21 =	simm.s32 $0x900;
	s22 =	rddreg [dreg:$0x0]  }
0x16e: {  	[tilespmem:s2], [sflag:$0x4] =	stream.indirect.gather [hbm4b:s22+s28], $0x80, s21, s28, $0xb8;
	[tilespmem:$0x15280] =	vst v63  }
0x16f: {  	_ = 	snop  }
0x170: {  	[tilespmem:s4], [sflag:$0x9] =	stream.indirect.gather [hbm4b:s26+s28], $0x1, s21, s28, $0xb8;
	[tilespmem:$0x15280] =	vst v63  }
0x171: {  	_ =	swait.ge [sflag:s30], $0x4000  }
0x172: {  	[sflag:s30] =	ssyncset.done $0x0  }
0x173: {  	[sflag:s30] =	ssyncadd.s32 $0xFFFFC000  }
0x174: {  	_ =	swait.ge [sflag:s29], $0x80  }
0x175: {  	s5 =	sld [smem:$0x7E6]  }
0x176: {  	[sflag:s29] =	ssyncset.done $0x0  }
0x177: {  	s25 =	simm.s32 $0x11000;
	s6 =	sld [smem:$0x7E7];
	[sflag:s29] =	ssyncadd.s32 $0xFFFFFF80  }
0x178: {  	[hbm4b:s5+s14] =	stream.linear.scatter [tilespmem:s25], [sflag:$0xF], $0x4000, $0x38;
	[tilespmem:$0x15280] =	vst v63  }
0x179: {  	s21 =	simm.s32 $0x15200  }
0x17a: {  	[hbm4b:s6+s14] =	stream.linear.scatter [tilespmem:s21], [sflag:$0x14], $0x80, $0x38;
	[tilespmem:$0x15280] =	vst v63  }
0x17b: {  	_ =	swait.ge [sflag:s23], $0x4000  }
0x17c: {  	[sflag:s23] =	ssyncset.done $0x0  }
0x17d: {  	[sflag:s23] =	ssyncadd.s32 $0xFFFFC000  }
0x17e: {  	_ =	swait.ge [sflag:s8], $0x80  }
0x17f: {  	[sflag:s8] =	ssyncset.done $0x0  }
0x180: {  	[sflag:s8] =	ssyncadd.s32 $0xFFFFFF80  }
0x181: {  	s22 =	simm.s32 $0x980;
	s23 =	rddreg [dreg:$0x0]  }
0x182: {  	[tilespmem:s25], [sflag:$0x5] =	stream.indirect.gather [hbm4b:s23+s28], $0x80, s22, s28, $0xb8;
	[tilespmem:$0x15280] =	vst v63  }
0x183: {  	_ = 	snop  }
0x184: {  	[tilespmem:s21], [sflag:$0xA] =	stream.indirect.gather [hbm4b:s26+s28], $0x1, s22, s28, $0xb8;
	[tilespmem:$0x15280] =	vst v63  }
0x185: {  	_ =	swait.ge [sflag:s3], $0x4000  }
0x186: {  	[sflag:s3] =	ssyncset.done $0x0  }
0x187: {  	[sflag:s3] =	ssyncadd.s32 $0xFFFFC000  }
0x188: {  	_ =	swait.ge [sflag:s17], $0x80  }
0x189: {  	s5 =	sld [smem:$0x7E8]  }
0x18a: {  	[sflag:s17] =	ssyncset.done $0x0  }
0x18b: {  	s6 =	sld [smem:$0x7E9];
	[sflag:s17] =	ssyncadd.s32 $0xFFFFFF80  }
0x18c: {  	[hbm4b:s5+s14] =	stream.linear.scatter [tilespmem:s7], [sflag:$0xB], $0x4000, $0x38;
	[tilespmem:$0x15280] =	vst v63  }
0x18d: {  	_ = 	snop  }
0x18e: {  	[hbm4b:s6+s14] =	stream.linear.scatter [tilespmem:s24], [sflag:$0x10], $0x80, $0x38;
	[tilespmem:$0x15280] =	vst v63  }
0x18f: {  	_ =	swait.ge [sflag:s16], $0x4000  }
0x190: {  	[sflag:s16] =	ssyncset.done $0x0  }
0x191: {  	[sflag:s16] =	ssyncadd.s32 $0xFFFFC000  }
0x192: {  	_ =	swait.ge [sflag:s11], $0x80  }
0x193: {  	[sflag:s11] =	ssyncset.done $0x0  }
0x194: {  	[sflag:s11] =	ssyncadd.s32 $0xFFFFFF80  }
0x195: {  	s23 =	simm.s32 $0xA00;
	s25 =	rddreg [dreg:$0x0]  }
0x196: {  	[tilespmem:s7], [sflag:$0x1] =	stream.indirect.gather [hbm4b:s25+s28], $0x80, s23, s28, $0xb8;
	[tilespmem:$0x15280] =	vst v63  }
0x197: {  	_ = 	snop  }
0x198: {  	[tilespmem:s24], [sflag:$0x6] =	stream.indirect.gather [hbm4b:s26+s28], $0x1, s23, s28, $0xb8;
	[tilespmem:$0x15280] =	vst v63  }
0x199: {  	_ =	swait.ge [sflag:s20], $0x4000  }
0x19a: {  	[sflag:s20] =	ssyncset.done $0x0  }
0x19b: {  	[sflag:s20] =	ssyncadd.s32 $0xFFFFC000  }
0x19c: {  	_ =	swait.ge [sflag:s19], $0x80  }
0x19d: {  	s5 =	sld [smem:$0x7EA]  }
0x19e: {  	[sflag:s19] =	ssyncset.done $0x0  }
0x19f: {  	s7 =	simm.s32 $0x5000;
	s6 =	sld [smem:$0x7EB];
	[sflag:s19] =	ssyncadd.s32 $0xFFFFFF80  }
0x1a0: {  	[hbm4b:s5+s14] =	stream.linear.scatter [tilespmem:s7], [sflag:$0xC], $0x4000, $0x38;
	[tilespmem:$0x15280] =	vst v63  }
0x1a1: {  	s23 =	simm.s32 $0x15080  }
0x1a2: {  	[hbm4b:s6+s14] =	stream.linear.scatter [tilespmem:s23], [sflag:$0x11], $0x80, $0x38;
	[tilespmem:$0x15280] =	vst v63  }
0x1a3: {  	_ =	swait.ge [sflag:s15], $0x4000  }
0x1a4: {  	[sflag:s15] =	ssyncset.done $0x0  }
0x1a5: {  	s2 =	simm.s32 $0x11;
	[sflag:s15] =	ssyncadd.s32 $0xFFFFC000  }
0x1a6: {  	_ =	swait.ge [sflag:s2], $0x80  }
0x1a7: {  	[sflag:s2] =	ssyncset.done $0x0  }
0x1a8: {  	[sflag:s2] =	ssyncadd.s32 $0xFFFFFF80  }
0x1a9: {  	s24 =	simm.s32 $0xA80;
	s25 =	rddreg [dreg:$0x0]  }
0x1aa: {  	[tilespmem:s7], [sflag:$0x2] =	stream.indirect.gather [hbm4b:s25+s28], $0x80, s24, s28, $0xb8;
	[tilespmem:$0x15280] =	vst v63  }
0x1ab: {  	_ = 	snop  }
0x1ac: {  	[tilespmem:s23], [sflag:$0x7] =	stream.indirect.gather [hbm4b:s26+s28], $0x1, s24, s28, $0xb8;
	[tilespmem:$0x15280] =	vst v63  }
0x1ad: {  	_ =	swait.ge [sflag:s18], $0x4000  }
0x1ae: {  	[sflag:s18] =	ssyncset.done $0x0  }
0x1af: {  	[sflag:s18] =	ssyncadd.s32 $0xFFFFC000  }
0x1b0: {  	_ =	swait.ge [sflag:s0], $0x80  }
0x1b1: {  	s5 =	sld [smem:$0x7EC]  }
0x1b2: {  	[sflag:s0] =	ssyncset.done $0x0  }
0x1b3: {  	s7 =	simm.s32 $0x9000;
	s6 =	sld [smem:$0x7ED];
	[sflag:s0] =	ssyncadd.s32 $0xFFFFFF80  }
0x1b4: {  	[hbm4b:s5+s14] =	stream.linear.scatter [tilespmem:s7], [sflag:$0xD], $0x4000, $0x38;
	[tilespmem:$0x15280] =	vst v63  }
0x1b5: {  	s23 =	simm.s32 $0x15100  }
0x1b6: {  	[hbm4b:s6+s14] =	stream.linear.scatter [tilespmem:s23], [sflag:$0x12], $0x80, $0x38;
	[tilespmem:$0x15280] =	vst v63  }
0x1b7: {  	_ =	swait.ge [sflag:s10], $0x4000  }
0x1b8: {  	[sflag:s10] =	ssyncset.done $0x0  }
0x1b9: {  	[sflag:s10] =	ssyncadd.s32 $0xFFFFC000  }
0x1ba: {  	_ =	swait.ge [sflag:s12], $0x80  }
0x1bb: {  	[sflag:s12] =	ssyncset.done $0x0  }
0x1bc: {  	[sflag:s12] =	ssyncadd.s32 $0xFFFFFF80  }
0x1bd: {  	s24 =	simm.s32 $0xB00;
	s21 =	rddreg [dreg:$0x0]  }
0x1be: {  	[tilespmem:s7], [sflag:$0x3] =	stream.indirect.gather [hbm4b:s21+s28], $0x80, s24, s28, $0xb8;
	[tilespmem:$0x15280] =	vst v63  }
0x1bf: {  	_ = 	snop  }
0x1c0: {  	[tilespmem:s23], [sflag:$0x8] =	stream.indirect.gather [hbm4b:s26+s28], $0x1, s24, s28, $0xb8;
	[tilespmem:$0x15280] =	vst v63  }
0x1c1: {  	_ =	swait.ge [sflag:s1], $0x4000  }
0x1c2: {  	[sflag:s1] =	ssyncset.done $0x0  }
0x1c3: {  	[sflag:s1] =	ssyncadd.s32 $0xFFFFC000  }
0x1c4: {  	_ =	swait.ge [sflag:s31], $0x80  }
0x1c5: {  	s22 =	sld [smem:$0x7EE]  }
0x1c6: {  	[sflag:s31] =	ssyncset.done $0x0  }
0x1c7: {  	s24 =	simm.s32 $0xD000;
	s23 =	sld [smem:$0x7EF];
	[sflag:s31] =	ssyncadd.s32 $0xFFFFFF80  }
0x1c8: {  	[hbm4b:s22+s14] =	stream.linear.scatter [tilespmem:s24], [sflag:$0xE], $0x4000, $0x38;
	[tilespmem:$0x15280] =	vst v63  }
0x1c9: {  	s4 =	simm.s32 $0x15180  }
0x1ca: {  	[hbm4b:s23+s14] =	stream.linear.scatter [tilespmem:s4], [sflag:$0x13], $0x80, $0x38;
	[tilespmem:$0x15280] =	vst v63  }
0x1cb: {  	_ =	swait.ge [sflag:s13], $0x4000  }
0x1cc: {  	[sflag:s13] =	ssyncset.done $0x0  }
0x1cd: {  	[sflag:s13] =	ssyncadd.s32 $0xFFFFC000  }
0x1ce: {  	_ =	swait.ge [sflag:s9], $0x80  }
0x1cf: {  	[sflag:s9] =	ssyncset.done $0x0  }
0x1d0: {  	[sflag:s9] =	ssyncadd.s32 $0xFFFFFF80  }
0x1d1: {  	s9 =	simm.s32 $0xB80;
	s22 =	rddreg [dreg:$0x0]  }
0x1d2: {  	[tilespmem:s24], [sflag:$0x4] =	stream.indirect.gather [hbm4b:s22+s28], $0x80, s9, s28, $0xb8;
	[tilespmem:$0x15280] =	vst v63  }
0x1d3: {  	_ = 	snop  }
0x1d4: {  	[tilespmem:s4], [sflag:$0x9] =	stream.indirect.gather [hbm4b:s26+s28], $0x1, s9, s28, $0xb8;
	[tilespmem:$0x15280] =	vst v63  }
0x1d5: {  	_ =	swait.ge [sflag:s30], $0x4000  }
0x1d6: {  	[sflag:s30] =	ssyncset.done $0x0  }
0x1d7: {  	[sflag:s30] =	ssyncadd.s32 $0xFFFFC000  }
0x1d8: {  	_ =	swait.ge [sflag:s29], $0x80  }
0x1d9: {  	s23 =	sld [smem:$0x7F0]  }
0x1da: {  	[sflag:s29] =	ssyncset.done $0x0  }
0x1db: {  	s6 =	simm.s32 $0x11000;
	s4 =	sld [smem:$0x7F1];
	[sflag:s29] =	ssyncadd.s32 $0xFFFFFF80  }
0x1dc: {  	[hbm4b:s23+s14] =	stream.linear.scatter [tilespmem:s6], [sflag:$0xF], $0x4000, $0x38;
	[tilespmem:$0x15280] =	vst v63  }
0x1dd: {  	s12 =	simm.s32 $0xF;
	s9 =	simm.s32 $0x15200  }
0x1de: {  	[hbm4b:s4+s14] =	stream.linear.scatter [tilespmem:s9], [sflag:$0x14], $0x80, $0x38;
	[tilespmem:$0x15280] =	vst v63  }
0x1df: {  	_ =	swait.ge [sflag:s12], $0x4000  }
0x1e0: {  	[sflag:s12] =	ssyncset.done $0x0  }
0x1e1: {  	[sflag:s12] =	ssyncadd.s32 $0xFFFFC000  }
0x1e2: {  	_ =	swait.ge [sflag:s8], $0x80  }
0x1e3: {  	[sflag:s8] =	ssyncset.done $0x0  }
0x1e4: {  	[sflag:s8] =	ssyncadd.s32 $0xFFFFFF80  }
0x1e5: {  	s22 =	simm.s32 $0xC00;
	s23 =	rddreg [dreg:$0x0]  }
0x1e6: {  	[tilespmem:s6], [sflag:$0x5] =	stream.indirect.gather [hbm4b:s23+s28], $0x80, s22, s28, $0xb8;
	[tilespmem:$0x15280] =	vst v63  }
0x1e7: {  	_ = 	snop  }
0x1e8: {  	[tilespmem:s9], [sflag:$0xA] =	stream.indirect.gather [hbm4b:s26+s28], $0x1, s22, s28, $0xb8;
	[tilespmem:$0x15280] =	vst v63  }
0x1e9: {  	_ =	swait.ge [sflag:s3], $0x4000  }
0x1ea: {  	[sflag:s3] =	ssyncset.done $0x0  }
0x1eb: {  	[sflag:s3] =	ssyncadd.s32 $0xFFFFC000  }
0x1ec: {  	s3 =	rddreg [dreg:$0x0];
	_ =	swait.ge [sflag:s17], $0x80  }
0x1ed: {  	s4 =	sld [smem:$0x7F2]  }
0x1ee: {  	[sflag:s17] =	ssyncset.done $0x0  }
0x1ef: {  	s7 =	simm.s32 $0x1000;
	s6 =	sld [smem:$0x7F3];
	[sflag:s17] =	ssyncadd.s32 $0xFFFFFF80  }
0x1f0: {  	[hbm4b:s4+s14] =	stream.linear.scatter [tilespmem:s7], [sflag:$0xB], $0x4000, $0x38;
	[tilespmem:$0x15280] =	vst v63  }
0x1f1: {  	s21 =	simm.s32 $0x15000  }
0x1f2: {  	[hbm4b:s6+s14] =	stream.linear.scatter [tilespmem:s21], [sflag:$0x10], $0x80, $0x38;
	[tilespmem:$0x15280] =	vst v63  }
0x1f3: {  	_ =	swait.ge [sflag:s16], $0x4000  }
0x1f4: {  	[sflag:s16] =	ssyncset.done $0x0  }
0x1f5: {  	[sflag:s16] =	ssyncadd.s32 $0xFFFFC000  }
0x1f6: {  	_ =	swait.ge [sflag:s11], $0x80  }
0x1f7: {  	[sflag:s11] =	ssyncset.done $0x0  }
0x1f8: {  	s22 =	simm.s32 $0xC80;
	[sflag:s11] =	ssyncadd.s32 $0xFFFFFF80  }
0x1f9: {  	[tilespmem:s7], [sflag:$0x1] =	stream.indirect.gather [hbm4b:s3+s28], $0x80, s22, s28, $0xb8;
	[tilespmem:$0x15280] =	vst v63  }
0x1fa: {  	_ = 	snop  }
0x1fb: {  	[tilespmem:s21], [sflag:$0x6] =	stream.indirect.gather [hbm4b:s26+s28], $0x1, s22, s28, $0xb8;
	[tilespmem:$0x15280] =	vst v63  }
0x1fc: {  	_ =	swait.ge [sflag:s20], $0x4000  }
0x1fd: {  	[sflag:s20] =	ssyncset.done $0x0  }
0x1fe: {  	[sflag:s20] =	ssyncadd.s32 $0xFFFFC000  }
0x1ff: {  	_ =	swait.ge [sflag:s19], $0x80  }
0x200: {  	s21 =	sld [smem:$0x7F4]  }
0x201: {  	[sflag:s19] =	ssyncset.done $0x0  }
0x202: {  	s7 =	simm.s32 $0x5000;
	s22 =	sld [smem:$0x7F5];
	[sflag:s19] =	ssyncadd.s32 $0xFFFFFF80  }
0x203: {  	[hbm4b:s21+s14] =	stream.linear.scatter [tilespmem:s7], [sflag:$0xC], $0x4000, $0x38;
	[tilespmem:$0x15280] =	vst v63  }
0x204: {  	s25 =	simm.s32 $0x15080  }
0x205: {  	[hbm4b:s22+s14] =	stream.linear.scatter [tilespmem:s25], [sflag:$0x11], $0x80, $0x38;
	[tilespmem:$0x15280] =	vst v63  }
0x206: {  	_ =	swait.ge [sflag:s18], $0x4000  }
0x207: {  	[sflag:s18] =	ssyncset.done $0x0  }
0x208: {  	[sflag:s18] =	ssyncadd.s32 $0xFFFFC000  }
0x209: {  	_ =	swait.ge [sflag:s0], $0x80  }
0x20a: {  	s21 =	sld [smem:$0x7F6]  }
0x20b: {  	[sflag:s0] =	ssyncset.done $0x0  }
0x20c: {  	s7 =	simm.s32 $0x9000;
	s22 =	sld [smem:$0x7F7];
	[sflag:s0] =	ssyncadd.s32 $0xFFFFFF80  }
0x20d: {  	[hbm4b:s21+s14] =	stream.linear.scatter [tilespmem:s7], [sflag:$0xD], $0x4000, $0x38;
	[tilespmem:$0x15280] =	vst v63  }
0x20e: {  	s21 =	simm.s32 $0x15100  }
0x20f: {  	[hbm4b:s22+s14] =	stream.linear.scatter [tilespmem:s21], [sflag:$0x12], $0x80, $0x38;
	[tilespmem:$0x15280] =	vst v63  }
0x210: {  	_ =	swait.ge [sflag:s1], $0x4000  }
0x211: {  	[sflag:s1] =	ssyncset.done $0x0  }
0x212: {  	[sflag:s1] =	ssyncadd.s32 $0xFFFFC000  }
0x213: {  	_ =	swait.ge [sflag:s31], $0x80  }
0x214: {  	s21 =	sld [smem:$0x7F8]  }
0x215: {  	[sflag:s31] =	ssyncset.done $0x0  }
0x216: {  	s7 =	simm.s32 $0xD000;
	s22 =	sld [smem:$0x7F9];
	[sflag:s31] =	ssyncadd.s32 $0xFFFFFF80  }
0x217: {  	[hbm4b:s21+s14] =	stream.linear.scatter [tilespmem:s7], [sflag:$0xE], $0x4000, $0x38;
	[tilespmem:$0x15280] =	vst v63  }
0x218: {  	s24 =	simm.s32 $0x15180  }
0x219: {  	[hbm4b:s22+s14] =	stream.linear.scatter [tilespmem:s24], [sflag:$0x13], $0x80, $0x38;
	[tilespmem:$0x15280] =	vst v63  }
0x21a: {  	_ =	swait.ge [sflag:s30], $0x4000  }
0x21b: {  	[sflag:s30] =	ssyncset.done $0x0  }
0x21c: {  	[sflag:s30] =	ssyncadd.s32 $0xFFFFC000  }
0x21d: {  	_ =	swait.ge [sflag:s29], $0x80  }
0x21e: {  	s22 =	sld [smem:$0x7FA]  }
0x21f: {  	[sflag:s29] =	ssyncset.done $0x0  }
0x220: {  	s23 =	simm.s32 $0x11000;
	s24 =	sld [smem:$0x7FB];
	[sflag:s29] =	ssyncadd.s32 $0xFFFFFF80  }
0x221: {  	[hbm4b:s22+s14] =	stream.linear.scatter [tilespmem:s23], [sflag:$0xF], $0x4000, $0x38;
	[tilespmem:$0x15280] =	vst v63  }
0x222: {  	s9 =	simm.s32 $0x15200;
	s17 =	simm.s32 $0x1  }
0x223: {  	[hbm4b:s24+s14] =	stream.linear.scatter [tilespmem:s9], [sflag:$0x14], $0x80, $0x38;
	[tilespmem:$0x15280] =	vst v63  }
0x224: {  	_ =	swait.ge [sflag:s17], $0x4000  }
0x225: {  	[sflag:s17] =	ssyncset.done $0x0  }
0x226: {  	s16 =	simm.s32 $0x6;
	[sflag:s17] =	ssyncadd.s32 $0xFFFFC000  }
0x227: {  	_ =	swait.ge [sflag:s16], $0x80  }
0x228: {  	s22 =	sld [smem:$0x7FC]  }
0x229: {  	[sflag:s16] =	ssyncset.done $0x0  }
0x22a: {  	s6 =	simm.s32 $0x1000;
	s23 =	sld [smem:$0x7FD];
	[sflag:s16] =	ssyncadd.s32 $0xFFFFFF80  }
0x22b: {  	[hbm4b:s22+s14] =	stream.linear.scatter [tilespmem:s6], [sflag:$0xB], $0x4000, $0x38;
	[tilespmem:$0x15280] =	vst v63  }
0x22c: {  	s4 =	simm.s32 $0x15000;
	s11 =	simm.s32 $0xB  }
0x22d: {  	[hbm4b:s23+s14] =	stream.linear.scatter [tilespmem:s4], [sflag:$0x10], $0x80, $0x38;
	[tilespmem:$0x15280] =	vst v63  }
0x22e: {  	_ =	swait.ge [sflag:s11], $0x4000  }
0x22f: {  	[sflag:s11] =	ssyncset.done $0x0  }
0x230: {  	s7 =	simm.s32 $0x10;
	[sflag:s11] =	ssyncadd.s32 $0xFFFFC000  }
0x231: {  	_ =	swait.ge [sflag:s7], $0x80  }
0x232: {  	[sflag:s7] =	ssyncset.done $0x0  }
0x233: {  	[sflag:s7] =	ssyncadd.s32 $0xFFFFFF80  }
0x234: {  	_ =	swait.ge [sflag:s15], $0x4000  }
0x235: {  	[sflag:s15] =	ssyncset.done $0x0  }
0x236: {  	[sflag:s15] =	ssyncadd.s32 $0xFFFFC000  }
0x237: {  	_ =	swait.ge [sflag:s2], $0x80  }
0x238: {  	[sflag:s2] =	ssyncset.done $0x0  }
0x239: {  	[sflag:s2] =	ssyncadd.s32 $0xFFFFFF80  }
0x23a: {  	_ =	swait.ge [sflag:s10], $0x4000  }
0x23b: {  	[sflag:s10] =	ssyncset.done $0x0  }
0x23c: {  	s5 =	simm.s32 $0x12;
	[sflag:s10] =	ssyncadd.s32 $0xFFFFC000  }
0x23d: {  	_ =	swait.ge [sflag:s5], $0x80  }
0x23e: {  	[sflag:s5] =	ssyncset.done $0x0  }
0x23f: {  	[sflag:s5] =	ssyncadd.s32 $0xFFFFFF80  }
0x240: {  	_ =	swait.ge [sflag:s13], $0x4000  }
0x241: {  	[sflag:s13] =	ssyncset.done $0x0  }
0x242: {  	s8 =	simm.s32 $0x13;
	[sflag:s13] =	ssyncadd.s32 $0xFFFFC000  }
0x243: {  	_ =	swait.ge [sflag:s8], $0x80  }
0x244: {  	[sflag:s8] =	ssyncset.done $0x0  }
0x245: {  	[sflag:s8] =	ssyncadd.s32 $0xFFFFFF80  }
0x246: {  	_ =	swait.ge [sflag:s12], $0x4000  }
0x247: {  	s24 =	sld [smem:$0x7E5];
	_ =	sdelay $0x2  }
0x248: {  	p1 =	sne.s32 s24, $0x1  }
.Ltmp1:
0x249: {  	_ = 	snop;
	(pc) =	sbr.rel @!p1 .LBB2_2-.Ltmp1, $4  }
0x24a: {  	[sflag:s12] =	ssyncset.done $0x0  }
0x24b: {  	s25 =	simm.s32 $0x14;
	[sflag:s12] =	ssyncadd.s32 $0xFFFFC000  }
0x24c: {  	p0 =	por $0x1, $0x1;
	_ =	swait.ge [sflag:s25], $0x80  }
0x24d: {  	s4 =	sadd.s32 $0xFFFFFFFF, s24;
	s22 =	rddreg [dreg:$0x3];
	[sflag:s25] =	ssyncset.done $0x0  }
.LBB2_3:
0x24e: {  	s18 =	sadd.s32 $0xFFFFFFFF, s4  }
0x24f: {  	[sflag:s25] =	ssyncadd.s32 $0xFFFFFF80;
	s0 =	simm.s32 $0x15;
	[smem:$0x7E4] =	sst s18  }
0x250: {  	[tilespmem:s14], [sflag:$0x15] =	stream.linear.gather [hbm4b:s22+s14], $0xD00, $0x38;
	[tilespmem:$0x15280] =	vst v63  }
0x251: {  	_ =	swait.ge [sflag:s0], $0xD00  }
0x252: {  	[sflag:s0] =	ssyncset.done $0x0  }
0x253: {  	s19 =	simm.s32 $0x1000;
	[sflag:s0] =	ssyncadd.s32 $0xFFFFF300  }
0x254: {  	[tilespmem:s19], [sflag:$0x1] =	stream.indirect.gather [hbm4b:s3+s28], $0x80, s14, s28, $0xb8;
	[tilespmem:$0x15280] =	vst v63  }
0x255: {  	s20 =	simm.s32 $0x15000  }
0x256: {  	[tilespmem:s20], [sflag:$0x6] =	stream.indirect.gather [hbm4b:s26+s28], $0x1, s14, s28, $0xb8;
	[tilespmem:$0x15280] =	vst v63  }
0x257: {  	s21 =	simm.s32 $0x5000  }
0x258: {  	[tilespmem:s21], [sflag:$0x2] =	stream.indirect.gather [hbm4b:s3+s28], $0x80, s28, s28, $0xb8;
	[tilespmem:$0x15280] =	vst v63  }
0x259: {  	s2 =	simm.s32 $0x15080  }
0x25a: {  	[tilespmem:s2], [sflag:$0x7] =	stream.indirect.gather [hbm4b:s26+s28], $0x1, s28, s28, $0xb8;
	[tilespmem:$0x15280] =	vst v63  }
0x25b: {  	s23 =	simm.s32 $0x100;
	s22 =	simm.s32 $0x9000  }
0x25c: {  	[tilespmem:s22], [sflag:$0x3] =	stream.indirect.gather [hbm4b:s3+s28], $0x80, s23, s28, $0xb8;
	[tilespmem:$0x15280] =	vst v63  }
0x25d: {  	s24 =	simm.s32 $0x15100  }
0x25e: {  	[tilespmem:s24], [sflag:$0x8] =	stream.indirect.gather [hbm4b:s26+s28], $0x1, s23, s28, $0xb8;
	[tilespmem:$0x15280] =	vst v63  }
0x25f: {  	s7 =	rddreg [dreg:$0x0];
	s2 =	simm.s32 $0x180;
	s23 =	simm.s32 $0xD000  }
0x260: {  	[tilespmem:s23], [sflag:$0x4] =	stream.indirect.gather [hbm4b:s7+s28], $0x80, s2, s28, $0xb8;
	[tilespmem:$0x15280] =	vst v63  }
0x261: {  	s24 =	simm.s32 $0x15180  }
0x262: {  	[tilespmem:s24], [sflag:$0x9] =	stream.indirect.gather [hbm4b:s26+s28], $0x1, s2, s28, $0xb8;
	[tilespmem:$0x15280] =	vst v63  }
0x263: {  	s22 =	simm.s32 $0x200;
	s7 =	rddreg [dreg:$0x0];
	s2 =	simm.s32 $0x11000  }
0x264: {  	[tilespmem:s2], [sflag:$0x5] =	stream.indirect.gather [hbm4b:s7+s28], $0x80, s22, s28, $0xb8;
	[tilespmem:$0x15280] =	vst v63  }
0x265: {  	s8 =	simm.s32 $0x1;
	s7 =	simm.s32 $0x15200  }
0x266: {  	[tilespmem:s7], [sflag:$0xA] =	stream.indirect.gather [hbm4b:s26+s28], $0x1, s22, s28, $0xb8;
	[tilespmem:$0x15280] =	vst v63  }
0x267: {  	_ =	swait.ge [sflag:s8], $0x4000  }
0x268: {  	[sflag:s8] =	ssyncset.done $0x0  }
0x269: {  	s17 =	simm.s32 $0x6;
	[sflag:s8] =	ssyncadd.s32 $0xFFFFC000  }
0x26a: {  	_ =	swait.ge [sflag:s17], $0x80  }
0x26b: {  	[sflag:s17] =	ssyncset.done $0x0  }
0x26c: {  	s7 =	simm.s32 $0x1000;
	s23 =	rddreg [dreg:$0x4];
	[sflag:s17] =	ssyncadd.s32 $0xFFFFFF80  }
0x26d: {  	[hbm4b:s23+s14] =	stream.linear.scatter [tilespmem:s7], [sflag:$0xB], $0x4000, $0x38;
	[tilespmem:$0x15280] =	vst v63  }
0x26e: {  	s25 =	simm.s32 $0x15000;
	s16 =	simm.s32 $0xB;
	s2 =	rddreg [dreg:$0x5]  }
0x26f: {  	[hbm4b:s2+s14] =	stream.linear.scatter [tilespmem:s25], [sflag:$0x10], $0x80, $0x38;
	[tilespmem:$0x15280] =	vst v63  }
0x270: {  	_ =	swait.ge [sflag:s16], $0x4000  }
0x271: {  	[sflag:s16] =	ssyncset.done $0x0  }
0x272: {  	s11 =	simm.s32 $0x10;
	[sflag:s16] =	ssyncadd.s32 $0xFFFFC000  }
0x273: {  	_ =	swait.ge [sflag:s11], $0x80  }
0x274: {  	[sflag:s11] =	ssyncset.done $0x0  }
0x275: {  	[sflag:s11] =	ssyncadd.s32 $0xFFFFFF80  }
0x276: {  	s22 =	simm.s32 $0x280;
	s23 =	rddreg [dreg:$0x0]  }
0x277: {  	[tilespmem:s7], [sflag:$0x1] =	stream.indirect.gather [hbm4b:s23+s28], $0x80, s22, s28, $0xb8;
	[tilespmem:$0x15280] =	vst v63  }
0x278: {  	s5 =	simm.s32 $0x2  }
0x279: {  	[tilespmem:s25], [sflag:$0x6] =	stream.indirect.gather [hbm4b:s26+s28], $0x1, s22, s28, $0xb8;
	[tilespmem:$0x15280] =	vst v63  }
0x27a: {  	_ =	swait.ge [sflag:s5], $0x4000  }
0x27b: {  	[sflag:s5] =	ssyncset.done $0x0  }
0x27c: {  	s20 =	simm.s32 $0x7;
	[sflag:s5] =	ssyncadd.s32 $0xFFFFC000  }
0x27d: {  	_ =	swait.ge [sflag:s20], $0x80  }
0x27e: {  	[sflag:s20] =	ssyncset.done $0x0  }
0x27f: {  	s12 =	simm.s32 $0x5000;
	s5 =	rddreg [dreg:$0x6];
	[sflag:s20] =	ssyncadd.s32 $0xFFFFFF80  }
0x280: {  	[hbm4b:s5+s14] =	stream.linear.scatter [tilespmem:s12], [sflag:$0xC], $0x4000, $0x38;
	[tilespmem:$0x15280] =	vst v63  }
0x281: {  	s29 =	simm.s32 $0xC;
	s10 =	simm.s32 $0x15080;
	s7 =	rddreg [dreg:$0x7]  }
0x282: {  	[hbm4b:s7+s14] =	stream.linear.scatter [tilespmem:s10], [sflag:$0x11], $0x80, $0x38;
	[tilespmem:$0x15280] =	vst v63  }
0x283: {  	_ =	swait.ge [sflag:s29], $0x4000  }
0x284: {  	[sflag:s29] =	ssyncset.done $0x0  }
0x285: {  	s13 =	simm.s32 $0x11;
	[sflag:s29] =	ssyncadd.s32 $0xFFFFC000  }
0x286: {  	_ =	swait.ge [sflag:s13], $0x80  }
0x287: {  	[sflag:s13] =	ssyncset.done $0x0  }
0x288: {  	[sflag:s13] =	ssyncadd.s32 $0xFFFFFF80  }
0x289: {  	s25 =	simm.s32 $0x300;
	s2 =	rddreg [dreg:$0x0]  }
0x28a: {  	[tilespmem:s12], [sflag:$0x2] =	stream.indirect.gather [hbm4b:s2+s28], $0x80, s25, s28, $0xb8;
	[tilespmem:$0x15280] =	vst v63  }
0x28b: {  	s19 =	simm.s32 $0x3  }
0x28c: {  	[tilespmem:s10], [sflag:$0x7] =	stream.indirect.gather [hbm4b:s26+s28], $0x1, s25, s28, $0xb8;
	[tilespmem:$0x15280] =	vst v63  }
0x28d: {  	_ =	swait.ge [sflag:s19], $0x4000  }
0x28e: {  	[sflag:s19] =	ssyncset.done $0x0  }
0x28f: {  	s18 =	simm.s32 $0x8;
	[sflag:s19] =	ssyncadd.s32 $0xFFFFC000  }
0x290: {  	_ =	swait.ge [sflag:s18], $0x80  }
0x291: {  	[sflag:s18] =	ssyncset.done $0x0  }
0x292: {  	s6 =	simm.s32 $0x9000;
	s10 =	rddreg [dreg:$0x8];
	[sflag:s18] =	ssyncadd.s32 $0xFFFFFF80  }
0x293: {  	[hbm4b:s10+s14] =	stream.linear.scatter [tilespmem:s6], [sflag:$0xD], $0x4000, $0x38;
	[tilespmem:$0x15280] =	vst v63  }
0x294: {  	s15 =	simm.s32 $0xD;
	s3 =	simm.s32 $0x15100;
	s12 =	rddreg [dreg:$0x9]  }
0x295: {  	[hbm4b:s12+s14] =	stream.linear.scatter [tilespmem:s3], [sflag:$0x12], $0x80, $0x38;
	[tilespmem:$0x15280] =	vst v63  }
0x296: {  	_ =	swait.ge [sflag:s15], $0x4000  }
0x297: {  	[sflag:s15] =	ssyncset.done $0x0  }
0x298: {  	s21 =	simm.s32 $0x12;
	[sflag:s15] =	ssyncadd.s32 $0xFFFFC000  }
0x299: {  	_ =	swait.ge [sflag:s21], $0x80  }
0x29a: {  	[sflag:s21] =	ssyncset.done $0x0  }
0x29b: {  	[sflag:s21] =	ssyncadd.s32 $0xFFFFFF80  }
0x29c: {  	s25 =	simm.s32 $0x380;
	s2 =	rddreg [dreg:$0x0]  }
0x29d: {  	[tilespmem:s6], [sflag:$0x3] =	stream.indirect.gather [hbm4b:s2+s28], $0x80, s25, s28, $0xb8;
	[tilespmem:$0x15280] =	vst v63  }
0x29e: {  	s0 =	simm.s32 $0x4  }
0x29f: {  	[tilespmem:s3], [sflag:$0x8] =	stream.indirect.gather [hbm4b:s26+s28], $0x1, s25, s28, $0xb8;
	[tilespmem:$0x15280] =	vst v63  }
0x2a0: {  	_ =	swait.ge [sflag:s0], $0x4000  }
0x2a1: {  	[sflag:s0] =	ssyncset.done $0x0  }
0x2a2: {  	s1 =	simm.s32 $0x9;
	[sflag:s0] =	ssyncadd.s32 $0xFFFFC000  }
0x2a3: {  	_ =	swait.ge [sflag:s1], $0x80  }
0x2a4: {  	p1 =	sne.s32 s4, $0x1;
	[sflag:s1] =	ssyncset.done $0x0  }
0x2a5: {  	s4 =	simm.s32 $0xD000;
	s6 =	rddreg [dreg:$0xa];
	[sflag:s1] =	ssyncadd.s32 $0xFFFFFF80  }
0x2a6: {  	[hbm4b:s6+s14] =	stream.linear.scatter [tilespmem:s4], [sflag:$0xE], $0x4000, $0x38;
	[tilespmem:$0x15280] =	vst v63  }
0x2a7: {  	s9 =	simm.s32 $0xE;
	s24 =	simm.s32 $0x15180;
	s7 =	rddreg [dreg:$0xb]  }
0x2a8: {  	[hbm4b:s7+s14] =	stream.linear.scatter [tilespmem:s24], [sflag:$0x13], $0x80, $0x38;
	[tilespmem:$0x15280] =	vst v63  }
0x2a9: {  	_ =	swait.ge [sflag:s9], $0x4000  }
0x2aa: {  	[sflag:s9] =	ssyncset.done $0x0  }
0x2ab: {  	s10 =	simm.s32 $0x13;
	[sflag:s9] =	ssyncadd.s32 $0xFFFFC000  }
0x2ac: {  	s12 =	simm.s32 $0x13;
	_ =	swait.ge [sflag:s10], $0x80  }
0x2ad: {  	s22 =	simm.s32 $0x13;
	[sflag:s12] =	ssyncset.done $0x0  }
0x2ae: {  	[sflag:s22] =	ssyncadd.s32 $0xFFFFFF80  }
0x2af: {  	s23 =	simm.s32 $0x400;
	s25 =	rddreg [dreg:$0x0]  }
0x2b0: {  	[tilespmem:s4], [sflag:$0x4] =	stream.indirect.gather [hbm4b:s25+s28], $0x80, s23, s28, $0xb8;
	[tilespmem:$0x15280] =	vst v63  }
0x2b1: {  	s31 =	simm.s32 $0x5  }
0x2b2: {  	[tilespmem:s24], [sflag:$0x9] =	stream.indirect.gather [hbm4b:s26+s28], $0x1, s23, s28, $0xb8;
	[tilespmem:$0x15280] =	vst v63  }
0x2b3: {  	_ =	swait.ge [sflag:s31], $0x4000  }
0x2b4: {  	[sflag:s31] =	ssyncset.done $0x0  }
0x2b5: {  	s30 =	simm.s32 $0xA;
	[sflag:s31] =	ssyncadd.s32 $0xFFFFC000  }
0x2b6: {  	_ =	swait.ge [sflag:s30], $0x80  }
0x2b7: {  	[sflag:s30] =	ssyncset.done $0x0  }
0x2b8: {  	s4 =	simm.s32 $0x11000;
	s2 =	rddreg [dreg:$0xc];
	[sflag:s30] =	ssyncadd.s32 $0xFFFFFF80  }
0x2b9: {  	[hbm4b:s2+s14] =	stream.linear.scatter [tilespmem:s4], [sflag:$0xF], $0x4000, $0x38;
	[tilespmem:$0x15280] =	vst v63  }
0x2ba: {  	s5 =	simm.s32 $0x15200;
	s7 =	simm.s32 $0xF;
	s3 =	rddreg [dreg:$0xd]  }
0x2bb: {  	[hbm4b:s3+s14] =	stream.linear.scatter [tilespmem:s5], [sflag:$0x14], $0x80, $0x38;
	[tilespmem:$0x15280] =	vst v63  }
0x2bc: {  	s10 =	simm.s32 $0xF;
	_ =	swait.ge [sflag:s7], $0x4000  }
0x2bd: {  	s12 =	simm.s32 $0xF;
	[sflag:s10] =	ssyncset.done $0x0  }
0x2be: {  	s22 =	simm.s32 $0x14;
	[sflag:s12] =	ssyncadd.s32 $0xFFFFC000  }
0x2bf: {  	s23 =	simm.s32 $0x14;
	_ =	swait.ge [sflag:s22], $0x80  }
0x2c0: {  	s25 =	simm.s32 $0x14;
	[sflag:s23] =	ssyncset.done $0x0  }
0x2c1: {  	[sflag:s25] =	ssyncadd.s32 $0xFFFFFF80  }
0x2c2: {  	s2 =	simm.s32 $0x480;
	s6 =	rddreg [dreg:$0x0]  }
0x2c3: {  	[tilespmem:s4], [sflag:$0x5] =	stream.indirect.gather [hbm4b:s6+s28], $0x80, s2, s28, $0xb8;
	[tilespmem:$0x15280] =	vst v63  }
0x2c4: {  	_ = 	snop  }
0x2c5: {  	[tilespmem:s5], [sflag:$0xA] =	stream.indirect.gather [hbm4b:s26+s28], $0x1, s2, s28, $0xb8;
	[tilespmem:$0x15280] =	vst v63  }
0x2c6: {  	_ =	swait.ge [sflag:s8], $0x4000  }
0x2c7: {  	[sflag:s8] =	ssyncset.done $0x0  }
0x2c8: {  	[sflag:s8] =	ssyncadd.s32 $0xFFFFC000  }
0x2c9: {  	_ =	swait.ge [sflag:s17], $0x80  }
0x2ca: {  	[sflag:s17] =	ssyncset.done $0x0  }
0x2cb: {  	s12 =	simm.s32 $0x1000;
	s7 =	rddreg [dreg:$0xe];
	[sflag:s17] =	ssyncadd.s32 $0xFFFFFF80  }
0x2cc: {  	[hbm4b:s7+s14] =	stream.linear.scatter [tilespmem:s12], [sflag:$0xB], $0x4000, $0x38;
	[tilespmem:$0x15280] =	vst v63  }
0x2cd: {  	s22 =	simm.s32 $0x15000;
	s10 =	rddreg [dreg:$0xf]  }
0x2ce: {  	[hbm4b:s10+s14] =	stream.linear.scatter [tilespmem:s22], [sflag:$0x10], $0x80, $0x38;
	[tilespmem:$0x15280] =	vst v63  }
0x2cf: {  	_ =	swait.ge [sflag:s16], $0x4000  }
0x2d0: {  	[sflag:s16] =	ssyncset.done $0x0  }
0x2d1: {  	[sflag:s16] =	ssyncadd.s32 $0xFFFFC000  }
0x2d2: {  	_ =	swait.ge [sflag:s11], $0x80  }
0x2d3: {  	[sflag:s11] =	ssyncset.done $0x0  }
0x2d4: {  	[sflag:s11] =	ssyncadd.s32 $0xFFFFFF80  }
0x2d5: {  	s25 =	simm.s32 $0x500;
	s3 =	rddreg [dreg:$0x0]  }
0x2d6: {  	[tilespmem:s12], [sflag:$0x1] =	stream.indirect.gather [hbm4b:s3+s28], $0x80, s25, s28, $0xb8;
	[tilespmem:$0x15280] =	vst v63  }
0x2d7: {  	s20 =	simm.s32 $0x2  }
0x2d8: {  	[tilespmem:s22], [sflag:$0x6] =	stream.indirect.gather [hbm4b:s26+s28], $0x1, s25, s28, $0xb8;
	[tilespmem:$0x15280] =	vst v63  }
0x2d9: {  	_ =	swait.ge [sflag:s20], $0x4000  }
0x2da: {  	[sflag:s20] =	ssyncset.done $0x0  }
0x2db: {  	s19 =	simm.s32 $0x7;
	[sflag:s20] =	ssyncadd.s32 $0xFFFFC000  }
0x2dc: {  	_ =	swait.ge [sflag:s19], $0x80  }
0x2dd: {  	[sflag:s19] =	ssyncset.done $0x0  }
0x2de: {  	s10 =	simm.s32 $0x5000;
	s6 =	rddreg [dreg:$0x10];
	[sflag:s19] =	ssyncadd.s32 $0xFFFFFF80  }
0x2df: {  	[hbm4b:s6+s14] =	stream.linear.scatter [tilespmem:s10], [sflag:$0xC], $0x4000, $0x38;
	[tilespmem:$0x15280] =	vst v63  }
0x2e0: {  	s12 =	simm.s32 $0x15080;
	s7 =	rddreg [dreg:$0x11]  }
0x2e1: {  	[hbm4b:s7+s14] =	stream.linear.scatter [tilespmem:s12], [sflag:$0x11], $0x80, $0x38;
	[tilespmem:$0x15280] =	vst v63  }
0x2e2: {  	_ =	swait.ge [sflag:s29], $0x4000  }
0x2e3: {  	[sflag:s29] =	ssyncset.done $0x0  }
0x2e4: {  	[sflag:s29] =	ssyncadd.s32 $0xFFFFC000  }
0x2e5: {  	_ =	swait.ge [sflag:s13], $0x80  }
0x2e6: {  	[sflag:s13] =	ssyncset.done $0x0  }
0x2e7: {  	[sflag:s13] =	ssyncadd.s32 $0xFFFFFF80  }
0x2e8: {  	s22 =	simm.s32 $0x580;
	s23 =	rddreg [dreg:$0x0]  }
0x2e9: {  	[tilespmem:s10], [sflag:$0x2] =	stream.indirect.gather [hbm4b:s23+s28], $0x80, s22, s28, $0xb8;
	[tilespmem:$0x15280] =	vst v63  }
0x2ea: {  	s18 =	simm.s32 $0x3  }
0x2eb: {  	[tilespmem:s12], [sflag:$0x7] =	stream.indirect.gather [hbm4b:s26+s28], $0x1, s22, s28, $0xb8;
	[tilespmem:$0x15280] =	vst v63  }
0x2ec: {  	_ =	swait.ge [sflag:s18], $0x4000  }
0x2ed: {  	[sflag:s18] =	ssyncset.done $0x0  }
0x2ee: {  	s0 =	simm.s32 $0x8;
	[sflag:s18] =	ssyncadd.s32 $0xFFFFC000  }
0x2ef: {  	_ =	swait.ge [sflag:s0], $0x80  }
0x2f0: {  	[sflag:s0] =	ssyncset.done $0x0  }
0x2f1: {  	s10 =	simm.s32 $0x9000;
	s5 =	rddreg [dreg:$0x12];
	[sflag:s0] =	ssyncadd.s32 $0xFFFFFF80  }
0x2f2: {  	[hbm4b:s5+s14] =	stream.linear.scatter [tilespmem:s10], [sflag:$0xD], $0x4000, $0x38;
	[tilespmem:$0x15280] =	vst v63  }
0x2f3: {  	s12 =	simm.s32 $0x15100;
	s6 =	rddreg [dreg:$0x13]  }
0x2f4: {  	[hbm4b:s6+s14] =	stream.linear.scatter [tilespmem:s12], [sflag:$0x12], $0x80, $0x38;
	[tilespmem:$0x15280] =	vst v63  }
0x2f5: {  	_ =	swait.ge [sflag:s15], $0x4000  }
0x2f6: {  	[sflag:s15] =	ssyncset.done $0x0  }
0x2f7: {  	[sflag:s15] =	ssyncadd.s32 $0xFFFFC000  }
0x2f8: {  	_ =	swait.ge [sflag:s21], $0x80  }
0x2f9: {  	[sflag:s21] =	ssyncset.done $0x0  }
0x2fa: {  	[sflag:s21] =	ssyncadd.s32 $0xFFFFFF80  }
0x2fb: {  	s22 =	simm.s32 $0x600;
	s23 =	rddreg [dreg:$0x0]  }
0x2fc: {  	[tilespmem:s10], [sflag:$0x3] =	stream.indirect.gather [hbm4b:s23+s28], $0x80, s22, s28, $0xb8;
	[tilespmem:$0x15280] =	vst v63  }
0x2fd: {  	s1 =	simm.s32 $0x4  }
0x2fe: {  	[tilespmem:s12], [sflag:$0x8] =	stream.indirect.gather [hbm4b:s26+s28], $0x1, s22, s28, $0xb8;
	[tilespmem:$0x15280] =	vst v63  }
0x2ff: {  	_ =	swait.ge [sflag:s1], $0x4000  }
0x300: {  	[sflag:s1] =	ssyncset.done $0x0  }
0x301: {  	s31 =	simm.s32 $0x9;
	[sflag:s1] =	ssyncadd.s32 $0xFFFFC000  }
0x302: {  	_ =	swait.ge [sflag:s31], $0x80  }
0x303: {  	[sflag:s31] =	ssyncset.done $0x0  }
0x304: {  	s4 =	simm.s32 $0xD000;
	s2 =	rddreg [dreg:$0x14];
	[sflag:s31] =	ssyncadd.s32 $0xFFFFFF80  }
0x305: {  	[hbm4b:s2+s14] =	stream.linear.scatter [tilespmem:s4], [sflag:$0xE], $0x4000, $0x38;
	[tilespmem:$0x15280] =	vst v63  }
0x306: {  	s5 =	simm.s32 $0x15180;
	s3 =	rddreg [dreg:$0x15]  }
0x307: {  	[hbm4b:s3+s14] =	stream.linear.scatter [tilespmem:s5], [sflag:$0x13], $0x80, $0x38;
	[tilespmem:$0x15280] =	vst v63  }
0x308: {  	_ =	swait.ge [sflag:s9], $0x4000  }
0x309: {  	[sflag:s9] =	ssyncset.done $0x0  }
0x30a: {  	s6 =	simm.s32 $0x13;
	[sflag:s9] =	ssyncadd.s32 $0xFFFFC000  }
0x30b: {  	s9 =	simm.s32 $0x13;
	_ =	swait.ge [sflag:s6], $0x80  }
0x30c: {  	s23 =	simm.s32 $0x13;
	[sflag:s9] =	ssyncset.done $0x0  }
0x30d: {  	[sflag:s23] =	ssyncadd.s32 $0xFFFFFF80  }
0x30e: {  	s2 =	simm.s32 $0x680;
	s3 =	rddreg [dreg:$0x0]  }
0x30f: {  	[tilespmem:s4], [sflag:$0x4] =	stream.indirect.gather [hbm4b:s3+s28], $0x80, s2, s28, $0xb8;
	[tilespmem:$0x15280] =	vst v63  }
0x310: {  	s30 =	simm.s32 $0x5  }
0x311: {  	[tilespmem:s5], [sflag:$0x9] =	stream.indirect.gather [hbm4b:s26+s28], $0x1, s2, s28, $0xb8;
	[tilespmem:$0x15280] =	vst v63  }
0x312: {  	_ =	swait.ge [sflag:s30], $0x4000  }
0x313: {  	[sflag:s30] =	ssyncset.done $0x0  }
0x314: {  	s29 =	simm.s32 $0xA;
	[sflag:s30] =	ssyncadd.s32 $0xFFFFC000  }
0x315: {  	_ =	swait.ge [sflag:s29], $0x80  }
0x316: {  	[sflag:s29] =	ssyncset.done $0x0  }
0x317: {  	s3 =	simm.s32 $0x11000;
	s5 =	rddreg [dreg:$0x16];
	[sflag:s29] =	ssyncadd.s32 $0xFFFFFF80  }
0x318: {  	[hbm4b:s5+s14] =	stream.linear.scatter [tilespmem:s3], [sflag:$0xF], $0x4000, $0x38;
	[tilespmem:$0x15280] =	vst v63  }
0x319: {  	s24 =	simm.s32 $0x15200;
	s22 =	simm.s32 $0xF;
	s9 =	rddreg [dreg:$0x17]  }
0x31a: {  	[hbm4b:s9+s14] =	stream.linear.scatter [tilespmem:s24], [sflag:$0x14], $0x80, $0x38;
	[tilespmem:$0x15280] =	vst v63  }
0x31b: {  	s23 =	simm.s32 $0xF;
	_ =	swait.ge [sflag:s22], $0x4000  }
0x31c: {  	s4 =	simm.s32 $0xF;
	[sflag:s23] =	ssyncset.done $0x0  }
0x31d: {  	s5 =	simm.s32 $0x14;
	[sflag:s4] =	ssyncadd.s32 $0xFFFFC000  }
0x31e: {  	s9 =	simm.s32 $0x14;
	_ =	swait.ge [sflag:s5], $0x80  }
0x31f: {  	s22 =	simm.s32 $0x14;
	[sflag:s9] =	ssyncset.done $0x0  }
0x320: {  	[sflag:s22] =	ssyncadd.s32 $0xFFFFFF80  }
0x321: {  	s23 =	simm.s32 $0x700;
	s2 =	rddreg [dreg:$0x0]  }
0x322: {  	[tilespmem:s3], [sflag:$0x5] =	stream.indirect.gather [hbm4b:s2+s28], $0x80, s23, s28, $0xb8;
	[tilespmem:$0x15280] =	vst v63  }
0x323: {  	_ = 	snop  }
0x324: {  	[tilespmem:s24], [sflag:$0xA] =	stream.indirect.gather [hbm4b:s26+s28], $0x1, s23, s28, $0xb8;
	[tilespmem:$0x15280] =	vst v63  }
0x325: {  	_ =	swait.ge [sflag:s8], $0x4000  }
0x326: {  	[sflag:s8] =	ssyncset.done $0x0  }
0x327: {  	[sflag:s8] =	ssyncadd.s32 $0xFFFFC000  }
0x328: {  	_ =	swait.ge [sflag:s17], $0x80  }
0x329: {  	[sflag:s17] =	ssyncset.done $0x0  }
0x32a: {  	s5 =	simm.s32 $0x1000;
	s3 =	rddreg [dreg:$0x18];
	[sflag:s17] =	ssyncadd.s32 $0xFFFFFF80  }
0x32b: {  	[hbm4b:s3+s14] =	stream.linear.scatter [tilespmem:s5], [sflag:$0xB], $0x4000, $0x38;
	[tilespmem:$0x15280] =	vst v63  }
0x32c: {  	s25 =	simm.s32 $0x15000;
	s4 =	rddreg [dreg:$0x19]  }
0x32d: {  	[hbm4b:s4+s14] =	stream.linear.scatter [tilespmem:s25], [sflag:$0x10], $0x80, $0x38;
	[tilespmem:$0x15280] =	vst v63  }
0x32e: {  	_ =	swait.ge [sflag:s16], $0x4000  }
0x32f: {  	[sflag:s16] =	ssyncset.done $0x0  }
0x330: {  	[sflag:s16] =	ssyncadd.s32 $0xFFFFC000  }
0x331: {  	_ =	swait.ge [sflag:s11], $0x80  }
0x332: {  	[sflag:s11] =	ssyncset.done $0x0  }
0x333: {  	[sflag:s11] =	ssyncadd.s32 $0xFFFFFF80  }
0x334: {  	s22 =	simm.s32 $0x780;
	s23 =	rddreg [dreg:$0x0]  }
0x335: {  	[tilespmem:s5], [sflag:$0x1] =	stream.indirect.gather [hbm4b:s23+s28], $0x80, s22, s28, $0xb8;
	[tilespmem:$0x15280] =	vst v63  }
0x336: {  	_ = 	snop  }
0x337: {  	[tilespmem:s25], [sflag:$0x6] =	stream.indirect.gather [hbm4b:s26+s28], $0x1, s22, s28, $0xb8;
	[tilespmem:$0x15280] =	vst v63  }
0x338: {  	_ =	swait.ge [sflag:s20], $0x4000  }
0x339: {  	[sflag:s20] =	ssyncset.done $0x0  }
0x33a: {  	[sflag:s20] =	ssyncadd.s32 $0xFFFFC000  }
0x33b: {  	_ =	swait.ge [sflag:s19], $0x80  }
0x33c: {  	[sflag:s19] =	ssyncset.done $0x0  }
0x33d: {  	s5 =	simm.s32 $0x5000;
	s3 =	rddreg [dreg:$0x1a];
	[sflag:s19] =	ssyncadd.s32 $0xFFFFFF80  }
0x33e: {  	[hbm4b:s3+s14] =	stream.linear.scatter [tilespmem:s5], [sflag:$0xC], $0x4000, $0x38;
	[tilespmem:$0x15280] =	vst v63  }
0x33f: {  	s7 =	simm.s32 $0x15080;
	s15 =	simm.s32 $0xC;
	s4 =	rddreg [dreg:$0x1b]  }
0x340: {  	[hbm4b:s4+s14] =	stream.linear.scatter [tilespmem:s7], [sflag:$0x11], $0x80, $0x38;
	[tilespmem:$0x15280] =	vst v63  }
0x341: {  	_ =	swait.ge [sflag:s15], $0x4000  }
0x342: {  	[sflag:s15] =	ssyncset.done $0x0  }
0x343: {  	[sflag:s15] =	ssyncadd.s32 $0xFFFFC000  }
0x344: {  	_ =	swait.ge [sflag:s13], $0x80  }
0x345: {  	[sflag:s13] =	ssyncset.done $0x0  }
0x346: {  	[sflag:s13] =	ssyncadd.s32 $0xFFFFFF80  }
0x347: {  	s22 =	simm.s32 $0x800;
	s23 =	rddreg [dreg:$0x0]  }
0x348: {  	[tilespmem:s5], [sflag:$0x2] =	stream.indirect.gather [hbm4b:s23+s28], $0x80, s22, s28, $0xb8;
	[tilespmem:$0x15280] =	vst v63  }
0x349: {  	_ = 	snop  }
0x34a: {  	[tilespmem:s7], [sflag:$0x7] =	stream.indirect.gather [hbm4b:s26+s28], $0x1, s22, s28, $0xb8;
	[tilespmem:$0x15280] =	vst v63  }
0x34b: {  	_ =	swait.ge [sflag:s18], $0x4000  }
0x34c: {  	[sflag:s18] =	ssyncset.done $0x0  }
0x34d: {  	[sflag:s18] =	ssyncadd.s32 $0xFFFFC000  }
0x34e: {  	_ =	swait.ge [sflag:s0], $0x80  }
0x34f: {  	[sflag:s0] =	ssyncset.done $0x0  }
0x350: {  	s5 =	simm.s32 $0x9000;
	s3 =	rddreg [dreg:$0x1c];
	[sflag:s0] =	ssyncadd.s32 $0xFFFFFF80  }
0x351: {  	[hbm4b:s3+s14] =	stream.linear.scatter [tilespmem:s5], [sflag:$0xD], $0x4000, $0x38;
	[tilespmem:$0x15280] =	vst v63  }
0x352: {  	s10 =	simm.s32 $0xD;
	s12 =	simm.s32 $0x15100;
	s4 =	rddreg [dreg:$0x1d]  }
0x353: {  	[hbm4b:s4+s14] =	stream.linear.scatter [tilespmem:s12], [sflag:$0x12], $0x80, $0x38;
	[tilespmem:$0x15280] =	vst v63  }
0x354: {  	_ =	swait.ge [sflag:s10], $0x4000  }
0x355: {  	[sflag:s10] =	ssyncset.done $0x0  }
0x356: {  	[sflag:s10] =	ssyncadd.s32 $0xFFFFC000  }
0x357: {  	_ =	swait.ge [sflag:s21], $0x80  }
0x358: {  	[sflag:s21] =	ssyncset.done $0x0  }
0x359: {  	[sflag:s21] =	ssyncadd.s32 $0xFFFFFF80  }
0x35a: {  	s7 =	simm.s32 $0x880;
	s22 =	rddreg [dreg:$0x0]  }
0x35b: {  	[tilespmem:s5], [sflag:$0x3] =	stream.indirect.gather [hbm4b:s22+s28], $0x80, s7, s28, $0xb8;
	[tilespmem:$0x15280] =	vst v63  }
0x35c: {  	_ = 	snop  }
0x35d: {  	[tilespmem:s12], [sflag:$0x8] =	stream.indirect.gather [hbm4b:s26+s28], $0x1, s7, s28, $0xb8;
	[tilespmem:$0x15280] =	vst v63  }
0x35e: {  	_ =	swait.ge [sflag:s1], $0x4000  }
0x35f: {  	[sflag:s1] =	ssyncset.done $0x0  }
0x360: {  	[sflag:s1] =	ssyncadd.s32 $0xFFFFC000  }
0x361: {  	_ =	swait.ge [sflag:s31], $0x80  }
0x362: {  	[sflag:s31] =	ssyncset.done $0x0  }
0x363: {  	s3 =	simm.s32 $0xD000;
	s23 =	rddreg [dreg:$0x1e];
	[sflag:s31] =	ssyncadd.s32 $0xFFFFFF80  }
0x364: {  	[hbm4b:s23+s14] =	stream.linear.scatter [tilespmem:s3], [sflag:$0xE], $0x4000, $0x38;
	[tilespmem:$0x15280] =	vst v63  }
0x365: {  	s6 =	simm.s32 $0x15180;
	s13 =	simm.s32 $0xE;
	s2 =	rddreg [dreg:$0x1f]  }
0x366: {  	[hbm4b:s2+s14] =	stream.linear.scatter [tilespmem:s6], [sflag:$0x13], $0x80, $0x38;
	[tilespmem:$0x15280] =	vst v63  }
0x367: {  	_ =	swait.ge [sflag:s13], $0x4000  }
0x368: {  	[sflag:s13] =	ssyncset.done $0x0  }
0x369: {  	s4 =	simm.s32 $0x13;
	[sflag:s13] =	ssyncadd.s32 $0xFFFFC000  }
0x36a: {  	s5 =	simm.s32 $0x13;
	_ =	swait.ge [sflag:s4], $0x80  }
0x36b: {  	s7 =	simm.s32 $0x13;
	[sflag:s5] =	ssyncset.done $0x0  }
0x36c: {  	[sflag:s7] =	ssyncadd.s32 $0xFFFFFF80  }
0x36d: {  	s12 =	simm.s32 $0x900;
	s22 =	rddreg [dreg:$0x0]  }
0x36e: {  	[tilespmem:s3], [sflag:$0x4] =	stream.indirect.gather [hbm4b:s22+s28], $0x80, s12, s28, $0xb8;
	[tilespmem:$0x15280] =	vst v63  }
0x36f: {  	_ = 	snop  }
0x370: {  	[tilespmem:s6], [sflag:$0x9] =	stream.indirect.gather [hbm4b:s26+s28], $0x1, s12, s28, $0xb8;
	[tilespmem:$0x15280] =	vst v63  }
0x371: {  	_ =	swait.ge [sflag:s30], $0x4000  }
0x372: {  	[sflag:s30] =	ssyncset.done $0x0  }
0x373: {  	[sflag:s30] =	ssyncadd.s32 $0xFFFFC000  }
0x374: {  	_ =	swait.ge [sflag:s29], $0x80  }
0x375: {  	s23 =	sld [smem:$0x7E6]  }
0x376: {  	[sflag:s29] =	ssyncset.done $0x0  }
0x377: {  	s9 =	simm.s32 $0x11000;
	s2 =	sld [smem:$0x7E7];
	[sflag:s29] =	ssyncadd.s32 $0xFFFFFF80  }
0x378: {  	[hbm4b:s23+s14] =	stream.linear.scatter [tilespmem:s9], [sflag:$0xF], $0x4000, $0x38;
	[tilespmem:$0x15280] =	vst v63  }
0x379: {  	s3 =	simm.s32 $0xF  }
0x37a: {  	[hbm4b:s2+s14] =	stream.linear.scatter [tilespmem:s24], [sflag:$0x14], $0x80, $0x38;
	[tilespmem:$0x15280] =	vst v63  }
0x37b: {  	s4 =	simm.s32 $0xF;
	_ =	swait.ge [sflag:s3], $0x4000  }
0x37c: {  	s5 =	simm.s32 $0xF;
	[sflag:s4] =	ssyncset.done $0x0  }
0x37d: {  	s6 =	simm.s32 $0x14;
	[sflag:s5] =	ssyncadd.s32 $0xFFFFC000  }
0x37e: {  	s12 =	simm.s32 $0x14;
	_ =	swait.ge [sflag:s6], $0x80  }
0x37f: {  	s22 =	simm.s32 $0x14;
	[sflag:s12] =	ssyncset.done $0x0  }
0x380: {  	[sflag:s22] =	ssyncadd.s32 $0xFFFFFF80  }
0x381: {  	s23 =	simm.s32 $0x980;
	s3 =	rddreg [dreg:$0x0]  }
0x382: {  	[tilespmem:s9], [sflag:$0x5] =	stream.indirect.gather [hbm4b:s3+s28], $0x80, s23, s28, $0xb8;
	[tilespmem:$0x15280] =	vst v63  }
0x383: {  	_ = 	snop  }
0x384: {  	[tilespmem:s24], [sflag:$0xA] =	stream.indirect.gather [hbm4b:s26+s28], $0x1, s23, s28, $0xb8;
	[tilespmem:$0x15280] =	vst v63  }
0x385: {  	_ =	swait.ge [sflag:s8], $0x4000  }
0x386: {  	[sflag:s8] =	ssyncset.done $0x0  }
0x387: {  	[sflag:s8] =	ssyncadd.s32 $0xFFFFC000  }
0x388: {  	_ =	swait.ge [sflag:s17], $0x80  }
0x389: {  	s6 =	sld [smem:$0x7E8]  }
0x38a: {  	[sflag:s17] =	ssyncset.done $0x0  }
0x38b: {  	s12 =	simm.s32 $0x1000;
	s9 =	sld [smem:$0x7E9];
	[sflag:s17] =	ssyncadd.s32 $0xFFFFFF80  }
0x38c: {  	[hbm4b:s6+s14] =	stream.linear.scatter [tilespmem:s12], [sflag:$0xB], $0x4000, $0x38;
	[tilespmem:$0x15280] =	vst v63  }
0x38d: {  	_ = 	snop  }
0x38e: {  	[hbm4b:s9+s14] =	stream.linear.scatter [tilespmem:s25], [sflag:$0x10], $0x80, $0x38;
	[tilespmem:$0x15280] =	vst v63  }
0x38f: {  	_ =	swait.ge [sflag:s16], $0x4000  }
0x390: {  	[sflag:s16] =	ssyncset.done $0x0  }
0x391: {  	[sflag:s16] =	ssyncadd.s32 $0xFFFFC000  }
0x392: {  	_ =	swait.ge [sflag:s11], $0x80  }
0x393: {  	[sflag:s11] =	ssyncset.done $0x0  }
0x394: {  	[sflag:s11] =	ssyncadd.s32 $0xFFFFFF80  }
0x395: {  	s23 =	simm.s32 $0xA00;
	s24 =	rddreg [dreg:$0x0]  }
0x396: {  	[tilespmem:s12], [sflag:$0x1] =	stream.indirect.gather [hbm4b:s24+s28], $0x80, s23, s28, $0xb8;
	[tilespmem:$0x15280] =	vst v63  }
0x397: {  	_ = 	snop  }
0x398: {  	[tilespmem:s25], [sflag:$0x6] =	stream.indirect.gather [hbm4b:s26+s28], $0x1, s23, s28, $0xb8;
	[tilespmem:$0x15280] =	vst v63  }
0x399: {  	_ =	swait.ge [sflag:s20], $0x4000  }
0x39a: {  	[sflag:s20] =	ssyncset.done $0x0  }
0x39b: {  	[sflag:s20] =	ssyncadd.s32 $0xFFFFC000  }
0x39c: {  	_ =	swait.ge [sflag:s19], $0x80  }
0x39d: {  	s6 =	sld [smem:$0x7EA]  }
0x39e: {  	[sflag:s19] =	ssyncset.done $0x0  }
0x39f: {  	s12 =	simm.s32 $0x5000;
	s9 =	sld [smem:$0x7EB];
	[sflag:s19] =	ssyncadd.s32 $0xFFFFFF80  }
0x3a0: {  	[hbm4b:s6+s14] =	stream.linear.scatter [tilespmem:s12], [sflag:$0xC], $0x4000, $0x38;
	[tilespmem:$0x15280] =	vst v63  }
0x3a1: {  	s22 =	simm.s32 $0x15080  }
0x3a2: {  	[hbm4b:s9+s14] =	stream.linear.scatter [tilespmem:s22], [sflag:$0x11], $0x80, $0x38;
	[tilespmem:$0x15280] =	vst v63  }
0x3a3: {  	_ =	swait.ge [sflag:s15], $0x4000  }
0x3a4: {  	[sflag:s15] =	ssyncset.done $0x0  }
0x3a5: {  	s2 =	simm.s32 $0x11;
	[sflag:s15] =	ssyncadd.s32 $0xFFFFC000  }
0x3a6: {  	_ =	swait.ge [sflag:s2], $0x80  }
0x3a7: {  	[sflag:s2] =	ssyncset.done $0x0  }
0x3a8: {  	[sflag:s2] =	ssyncadd.s32 $0xFFFFFF80  }
0x3a9: {  	s24 =	simm.s32 $0xA80;
	s25 =	rddreg [dreg:$0x0]  }
0x3aa: {  	[tilespmem:s12], [sflag:$0x2] =	stream.indirect.gather [hbm4b:s25+s28], $0x80, s24, s28, $0xb8;
	[tilespmem:$0x15280] =	vst v63  }
0x3ab: {  	_ = 	snop  }
0x3ac: {  	[tilespmem:s22], [sflag:$0x7] =	stream.indirect.gather [hbm4b:s26+s28], $0x1, s24, s28, $0xb8;
	[tilespmem:$0x15280] =	vst v63  }
0x3ad: {  	_ =	swait.ge [sflag:s18], $0x4000  }
0x3ae: {  	[sflag:s18] =	ssyncset.done $0x0  }
0x3af: {  	[sflag:s18] =	ssyncadd.s32 $0xFFFFC000  }
0x3b0: {  	_ =	swait.ge [sflag:s0], $0x80  }
0x3b1: {  	s3 =	sld [smem:$0x7EC]  }
0x3b2: {  	[sflag:s0] =	ssyncset.done $0x0  }
0x3b3: {  	s5 =	simm.s32 $0x9000;
	s4 =	sld [smem:$0x7ED];
	[sflag:s0] =	ssyncadd.s32 $0xFFFFFF80  }
0x3b4: {  	[hbm4b:s3+s14] =	stream.linear.scatter [tilespmem:s5], [sflag:$0xD], $0x4000, $0x38;
	[tilespmem:$0x15280] =	vst v63  }
0x3b5: {  	s9 =	simm.s32 $0x15100  }
0x3b6: {  	[hbm4b:s4+s14] =	stream.linear.scatter [tilespmem:s9], [sflag:$0x12], $0x80, $0x38;
	[tilespmem:$0x15280] =	vst v63  }
0x3b7: {  	_ =	swait.ge [sflag:s10], $0x4000  }
0x3b8: {  	[sflag:s10] =	ssyncset.done $0x0  }
0x3b9: {  	[sflag:s10] =	ssyncadd.s32 $0xFFFFC000  }
0x3ba: {  	_ =	swait.ge [sflag:s21], $0x80  }
0x3bb: {  	[sflag:s21] =	ssyncset.done $0x0  }
0x3bc: {  	[sflag:s21] =	ssyncadd.s32 $0xFFFFFF80  }
0x3bd: {  	s22 =	simm.s32 $0xB00;
	s23 =	rddreg [dreg:$0x0]  }
0x3be: {  	[tilespmem:s5], [sflag:$0x3] =	stream.indirect.gather [hbm4b:s23+s28], $0x80, s22, s28, $0xb8;
	[tilespmem:$0x15280] =	vst v63  }
0x3bf: {  	_ = 	snop  }
0x3c0: {  	[tilespmem:s9], [sflag:$0x8] =	stream.indirect.gather [hbm4b:s26+s28], $0x1, s22, s28, $0xb8;
	[tilespmem:$0x15280] =	vst v63  }
0x3c1: {  	_ =	swait.ge [sflag:s1], $0x4000  }
0x3c2: {  	[sflag:s1] =	ssyncset.done $0x0  }
0x3c3: {  	[sflag:s1] =	ssyncadd.s32 $0xFFFFC000  }
0x3c4: {  	_ =	swait.ge [sflag:s31], $0x80  }
0x3c5: {  	s24 =	sld [smem:$0x7EE]  }
0x3c6: {  	[sflag:s31] =	ssyncset.done $0x0  }
0x3c7: {  	s7 =	simm.s32 $0xD000;
	s3 =	sld [smem:$0x7EF];
	[sflag:s31] =	ssyncadd.s32 $0xFFFFFF80  }
0x3c8: {  	[hbm4b:s24+s14] =	stream.linear.scatter [tilespmem:s7], [sflag:$0xE], $0x4000, $0x38;
	[tilespmem:$0x15280] =	vst v63  }
0x3c9: {  	s6 =	simm.s32 $0x15180  }
0x3ca: {  	[hbm4b:s3+s14] =	stream.linear.scatter [tilespmem:s6], [sflag:$0x13], $0x80, $0x38;
	[tilespmem:$0x15280] =	vst v63  }
0x3cb: {  	_ =	swait.ge [sflag:s13], $0x4000  }
0x3cc: {  	[sflag:s13] =	ssyncset.done $0x0  }
0x3cd: {  	s4 =	simm.s32 $0x13;
	[sflag:s13] =	ssyncadd.s32 $0xFFFFC000  }
0x3ce: {  	s5 =	simm.s32 $0x13;
	_ =	swait.ge [sflag:s4], $0x80  }
0x3cf: {  	s9 =	simm.s32 $0x13;
	[sflag:s5] =	ssyncset.done $0x0  }
0x3d0: {  	[sflag:s9] =	ssyncadd.s32 $0xFFFFFF80  }
0x3d1: {  	s21 =	simm.s32 $0xB80;
	s22 =	rddreg [dreg:$0x0]  }
0x3d2: {  	[tilespmem:s7], [sflag:$0x4] =	stream.indirect.gather [hbm4b:s22+s28], $0x80, s21, s28, $0xb8;
	[tilespmem:$0x15280] =	vst v63  }
0x3d3: {  	_ = 	snop  }
0x3d4: {  	[tilespmem:s6], [sflag:$0x9] =	stream.indirect.gather [hbm4b:s26+s28], $0x1, s21, s28, $0xb8;
	[tilespmem:$0x15280] =	vst v63  }
0x3d5: {  	_ =	swait.ge [sflag:s30], $0x4000  }
0x3d6: {  	[sflag:s30] =	ssyncset.done $0x0  }
0x3d7: {  	[sflag:s30] =	ssyncadd.s32 $0xFFFFC000  }
0x3d8: {  	_ =	swait.ge [sflag:s29], $0x80  }
0x3d9: {  	s23 =	sld [smem:$0x7F0]  }
0x3da: {  	[sflag:s29] =	ssyncset.done $0x0  }
0x3db: {  	s4 =	simm.s32 $0x11000;
	s3 =	sld [smem:$0x7F1];
	[sflag:s29] =	ssyncadd.s32 $0xFFFFFF80  }
0x3dc: {  	[hbm4b:s23+s14] =	stream.linear.scatter [tilespmem:s4], [sflag:$0xF], $0x4000, $0x38;
	[tilespmem:$0x15280] =	vst v63  }
0x3dd: {  	s12 =	simm.s32 $0xF;
	s5 =	simm.s32 $0x15200  }
0x3de: {  	[hbm4b:s3+s14] =	stream.linear.scatter [tilespmem:s5], [sflag:$0x14], $0x80, $0x38;
	[tilespmem:$0x15280] =	vst v63  }
0x3df: {  	_ =	swait.ge [sflag:s12], $0x4000  }
0x3e0: {  	[sflag:s12] =	ssyncset.done $0x0  }
0x3e1: {  	s6 =	simm.s32 $0x14;
	[sflag:s12] =	ssyncadd.s32 $0xFFFFC000  }
0x3e2: {  	s22 =	simm.s32 $0x14;
	_ =	swait.ge [sflag:s6], $0x80  }
0x3e3: {  	s23 =	simm.s32 $0x14;
	[sflag:s22] =	ssyncset.done $0x0  }
0x3e4: {  	[sflag:s23] =	ssyncadd.s32 $0xFFFFFF80  }
0x3e5: {  	s3 =	simm.s32 $0xC00;
	s22 =	rddreg [dreg:$0x0]  }
0x3e6: {  	[tilespmem:s4], [sflag:$0x5] =	stream.indirect.gather [hbm4b:s22+s28], $0x80, s3, s28, $0xb8;
	[tilespmem:$0x15280] =	vst v63  }
0x3e7: {  	_ = 	snop  }
0x3e8: {  	[tilespmem:s5], [sflag:$0xA] =	stream.indirect.gather [hbm4b:s26+s28], $0x1, s3, s28, $0xb8;
	[tilespmem:$0x15280] =	vst v63  }
0x3e9: {  	_ =	swait.ge [sflag:s8], $0x4000  }
0x3ea: {  	[sflag:s8] =	ssyncset.done $0x0  }
0x3eb: {  	[sflag:s8] =	ssyncadd.s32 $0xFFFFC000  }
0x3ec: {  	s3 =	rddreg [dreg:$0x0];
	_ =	swait.ge [sflag:s17], $0x80  }
0x3ed: {  	s23 =	sld [smem:$0x7F2]  }
0x3ee: {  	[sflag:s17] =	ssyncset.done $0x0  }
0x3ef: {  	s5 =	simm.s32 $0x1000;
	s4 =	sld [smem:$0x7F3];
	[sflag:s17] =	ssyncadd.s32 $0xFFFFFF80  }
0x3f0: {  	[hbm4b:s23+s14] =	stream.linear.scatter [tilespmem:s5], [sflag:$0xB], $0x4000, $0x38;
	[tilespmem:$0x15280] =	vst v63  }
0x3f1: {  	s22 =	simm.s32 $0x15000  }
0x3f2: {  	[hbm4b:s4+s14] =	stream.linear.scatter [tilespmem:s22], [sflag:$0x10], $0x80, $0x38;
	[tilespmem:$0x15280] =	vst v63  }
0x3f3: {  	_ =	swait.ge [sflag:s16], $0x4000  }
0x3f4: {  	[sflag:s16] =	ssyncset.done $0x0  }
0x3f5: {  	[sflag:s16] =	ssyncadd.s32 $0xFFFFC000  }
0x3f6: {  	_ =	swait.ge [sflag:s11], $0x80  }
0x3f7: {  	[sflag:s11] =	ssyncset.done $0x0  }
0x3f8: {  	s23 =	simm.s32 $0xC80;
	[sflag:s11] =	ssyncadd.s32 $0xFFFFFF80  }
0x3f9: {  	[tilespmem:s5], [sflag:$0x1] =	stream.indirect.gather [hbm4b:s3+s28], $0x80, s23, s28, $0xb8;
	[tilespmem:$0x15280] =	vst v63  }
0x3fa: {  	_ = 	snop  }
0x3fb: {  	[tilespmem:s22], [sflag:$0x6] =	stream.indirect.gather [hbm4b:s26+s28], $0x1, s23, s28, $0xb8;
	[tilespmem:$0x15280] =	vst v63  }
0x3fc: {  	_ =	swait.ge [sflag:s20], $0x4000  }
0x3fd: {  	[sflag:s20] =	ssyncset.done $0x0  }
0x3fe: {  	[sflag:s20] =	ssyncadd.s32 $0xFFFFC000  }
0x3ff: {  	_ =	swait.ge [sflag:s19], $0x80  }
0x400: {  	s22 =	sld [smem:$0x7F4]  }
0x401: {  	[sflag:s19] =	ssyncset.done $0x0  }
0x402: {  	s4 =	simm.s32 $0x5000;
	s23 =	sld [smem:$0x7F5];
	[sflag:s19] =	ssyncadd.s32 $0xFFFFFF80  }
0x403: {  	[hbm4b:s22+s14] =	stream.linear.scatter [tilespmem:s4], [sflag:$0xC], $0x4000, $0x38;
	[tilespmem:$0x15280] =	vst v63  }
0x404: {  	s25 =	simm.s32 $0x15080  }
0x405: {  	[hbm4b:s23+s14] =	stream.linear.scatter [tilespmem:s25], [sflag:$0x11], $0x80, $0x38;
	[tilespmem:$0x15280] =	vst v63  }
0x406: {  	_ =	swait.ge [sflag:s18], $0x4000  }
0x407: {  	[sflag:s18] =	ssyncset.done $0x0  }
0x408: {  	[sflag:s18] =	ssyncadd.s32 $0xFFFFC000  }
0x409: {  	_ =	swait.ge [sflag:s0], $0x80  }
0x40a: {  	s22 =	sld [smem:$0x7F6]  }
0x40b: {  	[sflag:s0] =	ssyncset.done $0x0  }
0x40c: {  	s4 =	simm.s32 $0x9000;
	s23 =	sld [smem:$0x7F7];
	[sflag:s0] =	ssyncadd.s32 $0xFFFFFF80  }
0x40d: {  	[hbm4b:s22+s14] =	stream.linear.scatter [tilespmem:s4], [sflag:$0xD], $0x4000, $0x38;
	[tilespmem:$0x15280] =	vst v63  }
0x40e: {  	s22 =	simm.s32 $0x15100  }
0x40f: {  	[hbm4b:s23+s14] =	stream.linear.scatter [tilespmem:s22], [sflag:$0x12], $0x80, $0x38;
	[tilespmem:$0x15280] =	vst v63  }
0x410: {  	_ =	swait.ge [sflag:s1], $0x4000  }
0x411: {  	[sflag:s1] =	ssyncset.done $0x0  }
0x412: {  	[sflag:s1] =	ssyncadd.s32 $0xFFFFC000  }
0x413: {  	_ =	swait.ge [sflag:s31], $0x80  }
0x414: {  	s23 =	sld [smem:$0x7F8]  }
0x415: {  	[sflag:s31] =	ssyncset.done $0x0  }
0x416: {  	s4 =	sld [smem:$0x7F9];
	[sflag:s31] =	ssyncadd.s32 $0xFFFFFF80  }
0x417: {  	[hbm4b:s23+s14] =	stream.linear.scatter [tilespmem:s7], [sflag:$0xE], $0x4000, $0x38;
	[tilespmem:$0x15280] =	vst v63  }
0x418: {  	s22 =	simm.s32 $0x15180  }
0x419: {  	[hbm4b:s4+s14] =	stream.linear.scatter [tilespmem:s22], [sflag:$0x13], $0x80, $0x38;
	[tilespmem:$0x15280] =	vst v63  }
0x41a: {  	_ =	swait.ge [sflag:s30], $0x4000  }
0x41b: {  	[sflag:s30] =	ssyncset.done $0x0  }
0x41c: {  	[sflag:s30] =	ssyncadd.s32 $0xFFFFC000  }
0x41d: {  	_ =	swait.ge [sflag:s29], $0x80  }
0x41e: {  	s23 =	sld [smem:$0x7FA]  }
0x41f: {  	[sflag:s29] =	ssyncset.done $0x0  }
0x420: {  	s21 =	simm.s32 $0x11000;
	s4 =	sld [smem:$0x7FB];
	[sflag:s29] =	ssyncadd.s32 $0xFFFFFF80  }
0x421: {  	[hbm4b:s23+s14] =	stream.linear.scatter [tilespmem:s21], [sflag:$0xF], $0x4000, $0x38;
	[tilespmem:$0x15280] =	vst v63  }
0x422: {  	s9 =	simm.s32 $0x15200;
	s17 =	simm.s32 $0x1  }
0x423: {  	[hbm4b:s4+s14] =	stream.linear.scatter [tilespmem:s9], [sflag:$0x14], $0x80, $0x38;
	[tilespmem:$0x15280] =	vst v63  }
0x424: {  	_ =	swait.ge [sflag:s17], $0x4000  }
0x425: {  	[sflag:s17] =	ssyncset.done $0x0  }
0x426: {  	s16 =	simm.s32 $0x6;
	[sflag:s17] =	ssyncadd.s32 $0xFFFFC000  }
0x427: {  	_ =	swait.ge [sflag:s16], $0x80  }
0x428: {  	s9 =	sld [smem:$0x7FC]  }
0x429: {  	[sflag:s16] =	ssyncset.done $0x0  }
0x42a: {  	s8 =	simm.s32 $0x1000;
	s21 =	sld [smem:$0x7FD];
	[sflag:s16] =	ssyncadd.s32 $0xFFFFFF80  }
0x42b: {  	[hbm4b:s9+s14] =	stream.linear.scatter [tilespmem:s8], [sflag:$0xB], $0x4000, $0x38;
	[tilespmem:$0x15280] =	vst v63  }
0x42c: {  	s11 =	simm.s32 $0xB;
	s5 =	simm.s32 $0x15000  }
0x42d: {  	[hbm4b:s21+s14] =	stream.linear.scatter [tilespmem:s5], [sflag:$0x10], $0x80, $0x38;
	[tilespmem:$0x15280] =	vst v63  }
0x42e: {  	s4 =	sld [smem:$0x7E4];
	_ =	swait.ge [sflag:s11], $0x4000  }
0x42f: {  	[sflag:s11] =	ssyncset.done $0x0  }
0x430: {  	s7 =	simm.s32 $0x10;
	[sflag:s11] =	ssyncadd.s32 $0xFFFFC000  }
0x431: {  	_ =	swait.ge [sflag:s7], $0x80  }
0x432: {  	[sflag:s7] =	ssyncset.done $0x0  }
0x433: {  	[sflag:s7] =	ssyncadd.s32 $0xFFFFFF80  }
0x434: {  	_ =	swait.ge [sflag:s15], $0x4000  }
0x435: {  	[sflag:s15] =	ssyncset.done $0x0  }
0x436: {  	[sflag:s15] =	ssyncadd.s32 $0xFFFFC000  }
0x437: {  	_ =	swait.ge [sflag:s2], $0x80  }
0x438: {  	[sflag:s2] =	ssyncset.done $0x0  }
0x439: {  	[sflag:s2] =	ssyncadd.s32 $0xFFFFFF80  }
0x43a: {  	_ =	swait.ge [sflag:s10], $0x4000  }
0x43b: {  	[sflag:s10] =	ssyncset.done $0x0  }
0x43c: {  	s24 =	simm.s32 $0x12;
	[sflag:s10] =	ssyncadd.s32 $0xFFFFC000  }
0x43d: {  	_ =	swait.ge [sflag:s24], $0x80  }
0x43e: {  	[sflag:s24] =	ssyncset.done $0x0  }
0x43f: {  	[sflag:s24] =	ssyncadd.s32 $0xFFFFFF80  }
0x440: {  	_ =	swait.ge [sflag:s13], $0x4000  }
0x441: {  	[sflag:s13] =	ssyncset.done $0x0  }
0x442: {  	s6 =	simm.s32 $0x13;
	[sflag:s13] =	ssyncadd.s32 $0xFFFFC000  }
0x443: {  	_ =	swait.ge [sflag:s6], $0x80  }
0x444: {  	[sflag:s6] =	ssyncset.done $0x0  }
0x445: {  	[sflag:s6] =	ssyncadd.s32 $0xFFFFFF80  }
.Ltmp2:
0x446: {  	_ =	swait.ge [sflag:s12], $0x4000;
	(pc) =	sbr.rel @p1 .LBB2_3-.Ltmp2, $4  }
0x447: {  	[sflag:s12] =	ssyncset.done $0x0  }
0x448: {  	s25 =	simm.s32 $0x14;
	[sflag:s12] =	ssyncadd.s32 $0xFFFFC000  }
0x449: {  	_ =	swait.ge [sflag:s25], $0x80  }
0x44a: {  	s22 =	rddreg [dreg:$0x3];
	[sflag:s25] =	ssyncset.done $0x0  }
0x44b: {  	s21 =	simm.s32 $0x11000;
	s24 =	simm.s32 $0x15200;
	s4 =	simm.s32 $0xD000  }
0x44c: {  	s5 =	simm.s32 $0x1000;
	s23 =	simm.s32 $0x15000;
	s6 =	simm.s32 $0x15180  }
.LBB2_5:
0x44d: {  	[sflag:s25] =	ssyncadd.s32 @p0 $0xFFFFFF80;
	s9 =	simm.s32 $0x15  }
0x44e: {  	[tilespmem:s14], [sflag:$0x15] =	stream.linear.gather [hbm4b:s22+s14], $0xD00, $0x38;
	[tilespmem:$0x15280] =	vst v63  }
0x44f: {  	_ =	swait.ge [sflag:s9], $0xD00  }
0x450: {  	[sflag:s9] =	ssyncset.done $0x0  }
0x451: {  	[sflag:s9] =	ssyncadd.s32 $0xFFFFF300  }
0x452: {  	[tilespmem:s5], [sflag:$0x1] =	stream.indirect.gather [hbm4b:s3+s28], $0x80, s14, s28, $0xb8;
	[tilespmem:$0x15280] =	vst v63  }
0x453: {  	_ = 	snop  }
0x454: {  	[tilespmem:s23], [sflag:$0x6] =	stream.indirect.gather [hbm4b:s26+s28], $0x1, s14, s28, $0xb8;
	[tilespmem:$0x15280] =	vst v63  }
0x455: {  	s8 =	simm.s32 $0x5000  }
0x456: {  	[tilespmem:s8], [sflag:$0x2] =	stream.indirect.gather [hbm4b:s3+s28], $0x80, s28, s28, $0xb8;
	[tilespmem:$0x15280] =	vst v63  }
0x457: {  	s9 =	simm.s32 $0x15080  }
0x458: {  	[tilespmem:s9], [sflag:$0x7] =	stream.indirect.gather [hbm4b:s26+s28], $0x1, s28, s28, $0xb8;
	[tilespmem:$0x15280] =	vst v63  }
0x459: {  	s22 =	simm.s32 $0x100;
	s8 =	simm.s32 $0x9000  }
0x45a: {  	[tilespmem:s8], [sflag:$0x3] =	stream.indirect.gather [hbm4b:s3+s28], $0x80, s22, s28, $0xb8;
	[tilespmem:$0x15280] =	vst v63  }
0x45b: {  	s23 =	simm.s32 $0x15100  }
0x45c: {  	[tilespmem:s23], [sflag:$0x8] =	stream.indirect.gather [hbm4b:s26+s28], $0x1, s22, s28, $0xb8;
	[tilespmem:$0x15280] =	vst v63  }
0x45d: {  	s22 =	simm.s32 $0x180  }
0x45e: {  	[tilespmem:s4], [sflag:$0x4] =	stream.indirect.gather [hbm4b:s3+s28], $0x80, s22, s28, $0xb8;
	[tilespmem:$0x15280] =	vst v63  }
0x45f: {  	_ = 	snop  }
0x460: {  	[tilespmem:s6], [sflag:$0x9] =	stream.indirect.gather [hbm4b:s26+s28], $0x1, s22, s28, $0xb8;
	[tilespmem:$0x15280] =	vst v63  }
0x461: {  	s23 =	simm.s32 $0x200  }
0x462: {  	[tilespmem:s21], [sflag:$0x5] =	stream.indirect.gather [hbm4b:s3+s28], $0x80, s23, s28, $0xb8;
	[tilespmem:$0x15280] =	vst v63  }
0x463: {  	_ = 	snop  }
0x464: {  	[tilespmem:s24], [sflag:$0xA] =	stream.indirect.gather [hbm4b:s26+s28], $0x1, s23, s28, $0xb8;
	[tilespmem:$0x15280] =	vst v63  }
0x465: {  	_ =	swait.ge [sflag:s17], $0x4000  }
0x466: {  	[sflag:s17] =	ssyncset.done $0x0  }
0x467: {  	[sflag:s17] =	ssyncadd.s32 $0xFFFFC000  }
0x468: {  	_ =	swait.ge [sflag:s16], $0x80  }
0x469: {  	[sflag:s16] =	ssyncset.done $0x0  }
0x46a: {  	s24 =	simm.s32 $0x1000;
	s5 =	rddreg [dreg:$0x4];
	[sflag:s16] =	ssyncadd.s32 $0xFFFFFF80  }
0x46b: {  	[hbm4b:s5+s14] =	stream.linear.scatter [tilespmem:s24], [sflag:$0xB], $0x4000, $0x38;
	[tilespmem:$0x15280] =	vst v63  }
0x46c: {  	s4 =	simm.s32 $0x15000;
	s8 =	rddreg [dreg:$0x5]  }
0x46d: {  	[hbm4b:s8+s14] =	stream.linear.scatter [tilespmem:s4], [sflag:$0x10], $0x80, $0x38;
	[tilespmem:$0x15280] =	vst v63  }
0x46e: {  	_ =	swait.ge [sflag:s11], $0x4000  }
0x46f: {  	[sflag:s11] =	ssyncset.done $0x0  }
0x470: {  	[sflag:s11] =	ssyncadd.s32 $0xFFFFC000  }
0x471: {  	_ =	swait.ge [sflag:s7], $0x80  }
0x472: {  	[sflag:s7] =	ssyncset.done $0x0  }
0x473: {  	s22 =	simm.s32 $0x280;
	[sflag:s7] =	ssyncadd.s32 $0xFFFFFF80  }
0x474: {  	[tilespmem:s24], [sflag:$0x1] =	stream.indirect.gather [hbm4b:s3+s28], $0x80, s22, s28, $0xb8;
	[tilespmem:$0x15280] =	vst v63  }
0x475: {  	_ = 	snop  }
0x476: {  	[tilespmem:s4], [sflag:$0x6] =	stream.indirect.gather [hbm4b:s26+s28], $0x1, s22, s28, $0xb8;
	[tilespmem:$0x15280] =	vst v63  }
0x477: {  	_ =	swait.ge [sflag:s20], $0x4000  }
0x478: {  	[sflag:s20] =	ssyncset.done $0x0  }
0x479: {  	[sflag:s20] =	ssyncadd.s32 $0xFFFFC000  }
0x47a: {  	_ =	swait.ge [sflag:s19], $0x80  }
0x47b: {  	[sflag:s19] =	ssyncset.done $0x0  }
0x47c: {  	s4 =	simm.s32 $0x5000;
	s5 =	rddreg [dreg:$0x6];
	[sflag:s19] =	ssyncadd.s32 $0xFFFFFF80  }
0x47d: {  	[hbm4b:s5+s14] =	stream.linear.scatter [tilespmem:s4], [sflag:$0xC], $0x4000, $0x38;
	[tilespmem:$0x15280] =	vst v63  }
0x47e: {  	s9 =	simm.s32 $0x15080;
	s8 =	rddreg [dreg:$0x7]  }
0x47f: {  	[hbm4b:s8+s14] =	stream.linear.scatter [tilespmem:s9], [sflag:$0x11], $0x80, $0x38;
	[tilespmem:$0x15280] =	vst v63  }
0x480: {  	_ =	swait.ge [sflag:s15], $0x4000  }
0x481: {  	[sflag:s15] =	ssyncset.done $0x0  }
0x482: {  	[sflag:s15] =	ssyncadd.s32 $0xFFFFC000  }
0x483: {  	_ =	swait.ge [sflag:s2], $0x80  }
0x484: {  	[sflag:s2] =	ssyncset.done $0x0  }
0x485: {  	s5 =	simm.s32 $0x300;
	[sflag:s2] =	ssyncadd.s32 $0xFFFFFF80  }
0x486: {  	[tilespmem:s4], [sflag:$0x2] =	stream.indirect.gather [hbm4b:s3+s28], $0x80, s5, s28, $0xb8;
	[tilespmem:$0x15280] =	vst v63  }
0x487: {  	_ = 	snop  }
0x488: {  	[tilespmem:s9], [sflag:$0x7] =	stream.indirect.gather [hbm4b:s26+s28], $0x1, s5, s28, $0xb8;
	[tilespmem:$0x15280] =	vst v63  }
0x489: {  	_ =	swait.ge [sflag:s18], $0x4000  }
0x48a: {  	[sflag:s18] =	ssyncset.done $0x0  }
0x48b: {  	[sflag:s18] =	ssyncadd.s32 $0xFFFFC000  }
0x48c: {  	_ =	swait.ge [sflag:s0], $0x80  }
0x48d: {  	[sflag:s0] =	ssyncset.done $0x0  }
0x48e: {  	s5 =	simm.s32 $0x9000;
	s22 =	rddreg [dreg:$0x8];
	[sflag:s0] =	ssyncadd.s32 $0xFFFFFF80  }
0x48f: {  	[hbm4b:s22+s14] =	stream.linear.scatter [tilespmem:s5], [sflag:$0xD], $0x4000, $0x38;
	[tilespmem:$0x15280] =	vst v63  }
0x490: {  	s21 =	simm.s32 $0x15100;
	s4 =	rddreg [dreg:$0x9]  }
0x491: {  	[hbm4b:s4+s14] =	stream.linear.scatter [tilespmem:s21], [sflag:$0x12], $0x80, $0x38;
	[tilespmem:$0x15280] =	vst v63  }
0x492: {  	_ =	swait.ge [sflag:s10], $0x4000  }
0x493: {  	[sflag:s10] =	ssyncset.done $0x0  }
0x494: {  	s9 =	simm.s32 $0x12;
	[sflag:s10] =	ssyncadd.s32 $0xFFFFC000  }
0x495: {  	_ =	swait.ge [sflag:s9], $0x80  }
0x496: {  	[sflag:s9] =	ssyncset.done $0x0  }
0x497: {  	s8 =	simm.s32 $0x380;
	[sflag:s9] =	ssyncadd.s32 $0xFFFFFF80  }
0x498: {  	[tilespmem:s5], [sflag:$0x3] =	stream.indirect.gather [hbm4b:s3+s28], $0x80, s8, s28, $0xb8;
	[tilespmem:$0x15280] =	vst v63  }
0x499: {  	_ = 	snop  }
0x49a: {  	[tilespmem:s21], [sflag:$0x8] =	stream.indirect.gather [hbm4b:s26+s28], $0x1, s8, s28, $0xb8;
	[tilespmem:$0x15280] =	vst v63  }
0x49b: {  	_ =	swait.ge [sflag:s1], $0x4000  }
0x49c: {  	[sflag:s1] =	ssyncset.done $0x0  }
0x49d: {  	[sflag:s1] =	ssyncadd.s32 $0xFFFFC000  }
0x49e: {  	_ =	swait.ge [sflag:s31], $0x80  }
0x49f: {  	[sflag:s31] =	ssyncset.done $0x0  }
0x4a0: {  	s5 =	simm.s32 $0xD000;
	s22 =	rddreg [dreg:$0xa];
	[sflag:s31] =	ssyncadd.s32 $0xFFFFFF80  }
0x4a1: {  	[hbm4b:s22+s14] =	stream.linear.scatter [tilespmem:s5], [sflag:$0xE], $0x4000, $0x38;
	[tilespmem:$0x15280] =	vst v63  }
0x4a2: {  	s21 =	simm.s32 $0x15180;
	s4 =	rddreg [dreg:$0xb]  }
0x4a3: {  	[hbm4b:s4+s14] =	stream.linear.scatter [tilespmem:s21], [sflag:$0x13], $0x80, $0x38;
	[tilespmem:$0x15280] =	vst v63  }
0x4a4: {  	_ =	swait.ge [sflag:s13], $0x4000  }
0x4a5: {  	[sflag:s13] =	ssyncset.done $0x0  }
0x4a6: {  	s8 =	simm.s32 $0x13;
	[sflag:s13] =	ssyncadd.s32 $0xFFFFC000  }
0x4a7: {  	_ =	swait.ge [sflag:s8], $0x80  }
0x4a8: {  	[sflag:s8] =	ssyncset.done $0x0  }
0x4a9: {  	s22 =	simm.s32 $0x400;
	[sflag:s8] =	ssyncadd.s32 $0xFFFFFF80  }
0x4aa: {  	[tilespmem:s5], [sflag:$0x4] =	stream.indirect.gather [hbm4b:s3+s28], $0x80, s22, s28, $0xb8;
	[tilespmem:$0x15280] =	vst v63  }
0x4ab: {  	_ = 	snop  }
0x4ac: {  	[tilespmem:s21], [sflag:$0x9] =	stream.indirect.gather [hbm4b:s26+s28], $0x1, s22, s28, $0xb8;
	[tilespmem:$0x15280] =	vst v63  }
0x4ad: {  	_ =	swait.ge [sflag:s30], $0x4000  }
0x4ae: {  	[sflag:s30] =	ssyncset.done $0x0  }
0x4af: {  	[sflag:s30] =	ssyncadd.s32 $0xFFFFC000  }
0x4b0: {  	_ =	swait.ge [sflag:s29], $0x80  }
0x4b1: {  	[sflag:s29] =	ssyncset.done $0x0  }
0x4b2: {  	s6 =	simm.s32 $0x11000;
	s4 =	rddreg [dreg:$0xc];
	[sflag:s29] =	ssyncadd.s32 $0xFFFFFF80  }
0x4b3: {  	[hbm4b:s4+s14] =	stream.linear.scatter [tilespmem:s6], [sflag:$0xF], $0x4000, $0x38;
	[tilespmem:$0x15280] =	vst v63  }
0x4b4: {  	s23 =	simm.s32 $0x15200;
	s5 =	rddreg [dreg:$0xd]  }
0x4b5: {  	[hbm4b:s5+s14] =	stream.linear.scatter [tilespmem:s23], [sflag:$0x14], $0x80, $0x38;
	[tilespmem:$0x15280] =	vst v63  }
0x4b6: {  	_ =	swait.ge [sflag:s12], $0x4000  }
0x4b7: {  	[sflag:s12] =	ssyncset.done $0x0  }
0x4b8: {  	[sflag:s12] =	ssyncadd.s32 $0xFFFFC000  }
0x4b9: {  	_ =	swait.ge [sflag:s25], $0x80  }
0x4ba: {  	[sflag:s25] =	ssyncset.done $0x0  }
0x4bb: {  	s4 =	simm.s32 $0x480;
	[sflag:s25] =	ssyncadd.s32 $0xFFFFFF80  }
0x4bc: {  	[tilespmem:s6], [sflag:$0x5] =	stream.indirect.gather [hbm4b:s3+s28], $0x80, s4, s28, $0xb8;
	[tilespmem:$0x15280] =	vst v63  }
0x4bd: {  	_ = 	snop  }
0x4be: {  	[tilespmem:s23], [sflag:$0xA] =	stream.indirect.gather [hbm4b:s26+s28], $0x1, s4, s28, $0xb8;
	[tilespmem:$0x15280] =	vst v63  }
0x4bf: {  	_ =	swait.ge [sflag:s17], $0x4000  }
0x4c0: {  	[sflag:s17] =	ssyncset.done $0x0  }
0x4c1: {  	[sflag:s17] =	ssyncadd.s32 $0xFFFFC000  }
0x4c2: {  	_ =	swait.ge [sflag:s16], $0x80  }
0x4c3: {  	[sflag:s16] =	ssyncset.done $0x0  }
0x4c4: {  	s5 =	rddreg [dreg:$0xe];
	[sflag:s16] =	ssyncadd.s32 $0xFFFFFF80  }
0x4c5: {  	[hbm4b:s5+s14] =	stream.linear.scatter [tilespmem:s24], [sflag:$0xB], $0x4000, $0x38;
	[tilespmem:$0x15280] =	vst v63  }
0x4c6: {  	s21 =	simm.s32 $0x15000;
	s6 =	rddreg [dreg:$0xf]  }
0x4c7: {  	[hbm4b:s6+s14] =	stream.linear.scatter [tilespmem:s21], [sflag:$0x10], $0x80, $0x38;
	[tilespmem:$0x15280] =	vst v63  }
0x4c8: {  	_ =	swait.ge [sflag:s11], $0x4000  }
0x4c9: {  	[sflag:s11] =	ssyncset.done $0x0  }
0x4ca: {  	[sflag:s11] =	ssyncadd.s32 $0xFFFFC000  }
0x4cb: {  	_ =	swait.ge [sflag:s7], $0x80  }
0x4cc: {  	[sflag:s7] =	ssyncset.done $0x0  }
0x4cd: {  	s23 =	simm.s32 $0x500;
	[sflag:s7] =	ssyncadd.s32 $0xFFFFFF80  }
0x4ce: {  	[tilespmem:s24], [sflag:$0x1] =	stream.indirect.gather [hbm4b:s3+s28], $0x80, s23, s28, $0xb8;
	[tilespmem:$0x15280] =	vst v63  }
0x4cf: {  	_ = 	snop  }
0x4d0: {  	[tilespmem:s21], [sflag:$0x6] =	stream.indirect.gather [hbm4b:s26+s28], $0x1, s23, s28, $0xb8;
	[tilespmem:$0x15280] =	vst v63  }
0x4d1: {  	_ =	swait.ge [sflag:s20], $0x4000  }
0x4d2: {  	[sflag:s20] =	ssyncset.done $0x0  }
0x4d3: {  	[sflag:s20] =	ssyncadd.s32 $0xFFFFC000  }
0x4d4: {  	_ =	swait.ge [sflag:s19], $0x80  }
0x4d5: {  	[sflag:s19] =	ssyncset.done $0x0  }
0x4d6: {  	s6 =	simm.s32 $0x5000;
	s4 =	rddreg [dreg:$0x10];
	[sflag:s19] =	ssyncadd.s32 $0xFFFFFF80  }
0x4d7: {  	[hbm4b:s4+s14] =	stream.linear.scatter [tilespmem:s6], [sflag:$0xC], $0x4000, $0x38;
	[tilespmem:$0x15280] =	vst v63  }
0x4d8: {  	s21 =	simm.s32 $0x15080;
	s5 =	rddreg [dreg:$0x11]  }
0x4d9: {  	[hbm4b:s5+s14] =	stream.linear.scatter [tilespmem:s21], [sflag:$0x11], $0x80, $0x38;
	[tilespmem:$0x15280] =	vst v63  }
0x4da: {  	_ =	swait.ge [sflag:s15], $0x4000  }
0x4db: {  	[sflag:s15] =	ssyncset.done $0x0  }
0x4dc: {  	[sflag:s15] =	ssyncadd.s32 $0xFFFFC000  }
0x4dd: {  	_ =	swait.ge [sflag:s2], $0x80  }
0x4de: {  	[sflag:s2] =	ssyncset.done $0x0  }
0x4df: {  	s22 =	simm.s32 $0x580;
	[sflag:s2] =	ssyncadd.s32 $0xFFFFFF80  }
0x4e0: {  	[tilespmem:s6], [sflag:$0x2] =	stream.indirect.gather [hbm4b:s3+s28], $0x80, s22, s28, $0xb8;
	[tilespmem:$0x15280] =	vst v63  }
0x4e1: {  	_ = 	snop  }
0x4e2: {  	[tilespmem:s21], [sflag:$0x7] =	stream.indirect.gather [hbm4b:s26+s28], $0x1, s22, s28, $0xb8;
	[tilespmem:$0x15280] =	vst v63  }
0x4e3: {  	_ =	swait.ge [sflag:s18], $0x4000  }
0x4e4: {  	[sflag:s18] =	ssyncset.done $0x0  }
0x4e5: {  	[sflag:s18] =	ssyncadd.s32 $0xFFFFC000  }
0x4e6: {  	_ =	swait.ge [sflag:s0], $0x80  }
0x4e7: {  	[sflag:s0] =	ssyncset.done $0x0  }
0x4e8: {  	s6 =	simm.s32 $0x9000;
	s4 =	rddreg [dreg:$0x12];
	[sflag:s0] =	ssyncadd.s32 $0xFFFFFF80  }
0x4e9: {  	[hbm4b:s4+s14] =	stream.linear.scatter [tilespmem:s6], [sflag:$0xD], $0x4000, $0x38;
	[tilespmem:$0x15280] =	vst v63  }
0x4ea: {  	s21 =	simm.s32 $0x15100;
	s5 =	rddreg [dreg:$0x13]  }
0x4eb: {  	[hbm4b:s5+s14] =	stream.linear.scatter [tilespmem:s21], [sflag:$0x12], $0x80, $0x38;
	[tilespmem:$0x15280] =	vst v63  }
0x4ec: {  	_ =	swait.ge [sflag:s10], $0x4000  }
0x4ed: {  	[sflag:s10] =	ssyncset.done $0x0  }
0x4ee: {  	[sflag:s10] =	ssyncadd.s32 $0xFFFFC000  }
0x4ef: {  	_ =	swait.ge [sflag:s9], $0x80  }
0x4f0: {  	[sflag:s9] =	ssyncset.done $0x0  }
0x4f1: {  	s22 =	simm.s32 $0x600;
	[sflag:s9] =	ssyncadd.s32 $0xFFFFFF80  }
0x4f2: {  	[tilespmem:s6], [sflag:$0x3] =	stream.indirect.gather [hbm4b:s3+s28], $0x80, s22, s28, $0xb8;
	[tilespmem:$0x15280] =	vst v63  }
0x4f3: {  	_ = 	snop  }
0x4f4: {  	[tilespmem:s21], [sflag:$0x8] =	stream.indirect.gather [hbm4b:s26+s28], $0x1, s22, s28, $0xb8;
	[tilespmem:$0x15280] =	vst v63  }
0x4f5: {  	_ =	swait.ge [sflag:s1], $0x4000  }
0x4f6: {  	[sflag:s1] =	ssyncset.done $0x0  }
0x4f7: {  	[sflag:s1] =	ssyncadd.s32 $0xFFFFC000  }
0x4f8: {  	_ =	swait.ge [sflag:s31], $0x80  }
0x4f9: {  	[sflag:s31] =	ssyncset.done $0x0  }
0x4fa: {  	s6 =	simm.s32 $0xD000;
	s4 =	rddreg [dreg:$0x14];
	[sflag:s31] =	ssyncadd.s32 $0xFFFFFF80  }
0x4fb: {  	[hbm4b:s4+s14] =	stream.linear.scatter [tilespmem:s6], [sflag:$0xE], $0x4000, $0x38;
	[tilespmem:$0x15280] =	vst v63  }
0x4fc: {  	s21 =	simm.s32 $0x15180;
	s5 =	rddreg [dreg:$0x15]  }
0x4fd: {  	[hbm4b:s5+s14] =	stream.linear.scatter [tilespmem:s21], [sflag:$0x13], $0x80, $0x38;
	[tilespmem:$0x15280] =	vst v63  }
0x4fe: {  	_ =	swait.ge [sflag:s13], $0x4000  }
0x4ff: {  	[sflag:s13] =	ssyncset.done $0x0  }
0x500: {  	[sflag:s13] =	ssyncadd.s32 $0xFFFFC000  }
0x501: {  	_ =	swait.ge [sflag:s8], $0x80  }
0x502: {  	[sflag:s8] =	ssyncset.done $0x0  }
0x503: {  	s22 =	simm.s32 $0x680;
	[sflag:s8] =	ssyncadd.s32 $0xFFFFFF80  }
0x504: {  	[tilespmem:s6], [sflag:$0x4] =	stream.indirect.gather [hbm4b:s3+s28], $0x80, s22, s28, $0xb8;
	[tilespmem:$0x15280] =	vst v63  }
0x505: {  	_ = 	snop  }
0x506: {  	[tilespmem:s21], [sflag:$0x9] =	stream.indirect.gather [hbm4b:s26+s28], $0x1, s22, s28, $0xb8;
	[tilespmem:$0x15280] =	vst v63  }
0x507: {  	_ =	swait.ge [sflag:s30], $0x4000  }
0x508: {  	[sflag:s30] =	ssyncset.done $0x0  }
0x509: {  	[sflag:s30] =	ssyncadd.s32 $0xFFFFC000  }
0x50a: {  	_ =	swait.ge [sflag:s29], $0x80  }
0x50b: {  	[sflag:s29] =	ssyncset.done $0x0  }
0x50c: {  	s4 =	simm.s32 $0x11000;
	s5 =	rddreg [dreg:$0x16];
	[sflag:s29] =	ssyncadd.s32 $0xFFFFFF80  }
0x50d: {  	[hbm4b:s5+s14] =	stream.linear.scatter [tilespmem:s4], [sflag:$0xF], $0x4000, $0x38;
	[tilespmem:$0x15280] =	vst v63  }
0x50e: {  	s21 =	simm.s32 $0x15200;
	s6 =	rddreg [dreg:$0x17]  }
0x50f: {  	[hbm4b:s6+s14] =	stream.linear.scatter [tilespmem:s21], [sflag:$0x14], $0x80, $0x38;
	[tilespmem:$0x15280] =	vst v63  }
0x510: {  	_ =	swait.ge [sflag:s12], $0x4000  }
0x511: {  	[sflag:s12] =	ssyncset.done $0x0  }
0x512: {  	[sflag:s12] =	ssyncadd.s32 $0xFFFFC000  }
0x513: {  	_ =	swait.ge [sflag:s25], $0x80  }
0x514: {  	[sflag:s25] =	ssyncset.done $0x0  }
0x515: {  	s6 =	simm.s32 $0x700;
	[sflag:s25] =	ssyncadd.s32 $0xFFFFFF80  }
0x516: {  	[tilespmem:s4], [sflag:$0x5] =	stream.indirect.gather [hbm4b:s3+s28], $0x80, s6, s28, $0xb8;
	[tilespmem:$0x15280] =	vst v63  }
0x517: {  	_ = 	snop  }
0x518: {  	[tilespmem:s21], [sflag:$0xA] =	stream.indirect.gather [hbm4b:s26+s28], $0x1, s6, s28, $0xb8;
	[tilespmem:$0x15280] =	vst v63  }
0x519: {  	_ =	swait.ge [sflag:s17], $0x4000  }
0x51a: {  	[sflag:s17] =	ssyncset.done $0x0  }
0x51b: {  	[sflag:s17] =	ssyncadd.s32 $0xFFFFC000  }
0x51c: {  	_ =	swait.ge [sflag:s16], $0x80  }
0x51d: {  	[sflag:s16] =	ssyncset.done $0x0  }
0x51e: {  	s22 =	rddreg [dreg:$0x18];
	[sflag:s16] =	ssyncadd.s32 $0xFFFFFF80  }
0x51f: {  	[hbm4b:s22+s14] =	stream.linear.scatter [tilespmem:s24], [sflag:$0xB], $0x4000, $0x38;
	[tilespmem:$0x15280] =	vst v63  }
0x520: {  	s23 =	simm.s32 $0x15000;
	s4 =	rddreg [dreg:$0x19]  }
0x521: {  	[hbm4b:s4+s14] =	stream.linear.scatter [tilespmem:s23], [sflag:$0x10], $0x80, $0x38;
	[tilespmem:$0x15280] =	vst v63  }
0x522: {  	_ =	swait.ge [sflag:s11], $0x4000  }
0x523: {  	[sflag:s11] =	ssyncset.done $0x0  }
0x524: {  	[sflag:s11] =	ssyncadd.s32 $0xFFFFC000  }
0x525: {  	_ =	swait.ge [sflag:s7], $0x80  }
0x526: {  	[sflag:s7] =	ssyncset.done $0x0  }
0x527: {  	s5 =	simm.s32 $0x780;
	[sflag:s7] =	ssyncadd.s32 $0xFFFFFF80  }
0x528: {  	[tilespmem:s24], [sflag:$0x1] =	stream.indirect.gather [hbm4b:s3+s28], $0x80, s5, s28, $0xb8;
	[tilespmem:$0x15280] =	vst v63  }
0x529: {  	_ = 	snop  }
0x52a: {  	[tilespmem:s23], [sflag:$0x6] =	stream.indirect.gather [hbm4b:s26+s28], $0x1, s5, s28, $0xb8;
	[tilespmem:$0x15280] =	vst v63  }
0x52b: {  	_ =	swait.ge [sflag:s20], $0x4000  }
0x52c: {  	[sflag:s20] =	ssyncset.done $0x0  }
0x52d: {  	[sflag:s20] =	ssyncadd.s32 $0xFFFFC000  }
0x52e: {  	_ =	swait.ge [sflag:s19], $0x80  }
0x52f: {  	[sflag:s19] =	ssyncset.done $0x0  }
0x530: {  	s4 =	simm.s32 $0x5000;
	s22 =	rddreg [dreg:$0x1a];
	[sflag:s19] =	ssyncadd.s32 $0xFFFFFF80  }
0x531: {  	[hbm4b:s22+s14] =	stream.linear.scatter [tilespmem:s4], [sflag:$0xC], $0x4000, $0x38;
	[tilespmem:$0x15280] =	vst v63  }
0x532: {  	s21 =	simm.s32 $0x15080;
	s23 =	rddreg [dreg:$0x1b]  }
0x533: {  	[hbm4b:s23+s14] =	stream.linear.scatter [tilespmem:s21], [sflag:$0x11], $0x80, $0x38;
	[tilespmem:$0x15280] =	vst v63  }
0x534: {  	_ =	swait.ge [sflag:s15], $0x4000  }
0x535: {  	[sflag:s15] =	ssyncset.done $0x0  }
0x536: {  	[sflag:s15] =	ssyncadd.s32 $0xFFFFC000  }
0x537: {  	_ =	swait.ge [sflag:s2], $0x80  }
0x538: {  	[sflag:s2] =	ssyncset.done $0x0  }
0x539: {  	s22 =	simm.s32 $0x800;
	[sflag:s2] =	ssyncadd.s32 $0xFFFFFF80  }
0x53a: {  	[tilespmem:s4], [sflag:$0x2] =	stream.indirect.gather [hbm4b:s3+s28], $0x80, s22, s28, $0xb8;
	[tilespmem:$0x15280] =	vst v63  }
0x53b: {  	_ = 	snop  }
0x53c: {  	[tilespmem:s21], [sflag:$0x7] =	stream.indirect.gather [hbm4b:s26+s28], $0x1, s22, s28, $0xb8;
	[tilespmem:$0x15280] =	vst v63  }
0x53d: {  	_ =	swait.ge [sflag:s18], $0x4000  }
0x53e: {  	[sflag:s18] =	ssyncset.done $0x0  }
0x53f: {  	[sflag:s18] =	ssyncadd.s32 $0xFFFFC000  }
0x540: {  	_ =	swait.ge [sflag:s0], $0x80  }
0x541: {  	[sflag:s0] =	ssyncset.done $0x0  }
0x542: {  	s5 =	simm.s32 $0x9000;
	s23 =	rddreg [dreg:$0x1c];
	[sflag:s0] =	ssyncadd.s32 $0xFFFFFF80  }
0x543: {  	[hbm4b:s23+s14] =	stream.linear.scatter [tilespmem:s5], [sflag:$0xD], $0x4000, $0x38;
	[tilespmem:$0x15280] =	vst v63  }
0x544: {  	s21 =	simm.s32 $0x15100;
	s4 =	rddreg [dreg:$0x1d]  }
0x545: {  	[hbm4b:s4+s14] =	stream.linear.scatter [tilespmem:s21], [sflag:$0x12], $0x80, $0x38;
	[tilespmem:$0x15280] =	vst v63  }
0x546: {  	_ =	swait.ge [sflag:s10], $0x4000  }
0x547: {  	[sflag:s10] =	ssyncset.done $0x0  }
0x548: {  	[sflag:s10] =	ssyncadd.s32 $0xFFFFC000  }
0x549: {  	_ =	swait.ge [sflag:s9], $0x80  }
0x54a: {  	[sflag:s9] =	ssyncset.done $0x0  }
0x54b: {  	s23 =	simm.s32 $0x880;
	[sflag:s9] =	ssyncadd.s32 $0xFFFFFF80  }
0x54c: {  	[tilespmem:s5], [sflag:$0x3] =	stream.indirect.gather [hbm4b:s3+s28], $0x80, s23, s28, $0xb8;
	[tilespmem:$0x15280] =	vst v63  }
0x54d: {  	_ = 	snop  }
0x54e: {  	[tilespmem:s21], [sflag:$0x8] =	stream.indirect.gather [hbm4b:s26+s28], $0x1, s23, s28, $0xb8;
	[tilespmem:$0x15280] =	vst v63  }
0x54f: {  	_ =	swait.ge [sflag:s1], $0x4000  }
0x550: {  	[sflag:s1] =	ssyncset.done $0x0  }
0x551: {  	[sflag:s1] =	ssyncadd.s32 $0xFFFFC000  }
0x552: {  	_ =	swait.ge [sflag:s31], $0x80  }
0x553: {  	[sflag:s31] =	ssyncset.done $0x0  }
0x554: {  	s4 =	simm.s32 $0xD000;
	s22 =	rddreg [dreg:$0x1e];
	[sflag:s31] =	ssyncadd.s32 $0xFFFFFF80  }
0x555: {  	[hbm4b:s22+s14] =	stream.linear.scatter [tilespmem:s4], [sflag:$0xE], $0x4000, $0x38;
	[tilespmem:$0x15280] =	vst v63  }
0x556: {  	s21 =	simm.s32 $0x15180;
	s23 =	rddreg [dreg:$0x1f]  }
0x557: {  	[hbm4b:s23+s14] =	stream.linear.scatter [tilespmem:s21], [sflag:$0x13], $0x80, $0x38;
	[tilespmem:$0x15280] =	vst v63  }
0x558: {  	_ =	swait.ge [sflag:s13], $0x4000  }
0x559: {  	[sflag:s13] =	ssyncset.done $0x0  }
0x55a: {  	[sflag:s13] =	ssyncadd.s32 $0xFFFFC000  }
0x55b: {  	_ =	swait.ge [sflag:s8], $0x80  }
0x55c: {  	[sflag:s8] =	ssyncset.done $0x0  }
0x55d: {  	s22 =	simm.s32 $0x900;
	[sflag:s8] =	ssyncadd.s32 $0xFFFFFF80  }
0x55e: {  	[tilespmem:s4], [sflag:$0x4] =	stream.indirect.gather [hbm4b:s3+s28], $0x80, s22, s28, $0xb8;
	[tilespmem:$0x15280] =	vst v63  }
0x55f: {  	_ = 	snop  }
0x560: {  	[tilespmem:s21], [sflag:$0x9] =	stream.indirect.gather [hbm4b:s26+s28], $0x1, s22, s28, $0xb8;
	[tilespmem:$0x15280] =	vst v63  }
0x561: {  	_ =	swait.ge [sflag:s30], $0x4000  }
0x562: {  	[sflag:s30] =	ssyncset.done $0x0  }
0x563: {  	[sflag:s30] =	ssyncadd.s32 $0xFFFFC000  }
0x564: {  	_ =	swait.ge [sflag:s29], $0x80  }
0x565: {  	s22 =	sld [smem:$0x7E6]  }
0x566: {  	[sflag:s29] =	ssyncset.done $0x0  }
0x567: {  	s4 =	simm.s32 $0x11000;
	s5 =	sld [smem:$0x7E7];
	[sflag:s29] =	ssyncadd.s32 $0xFFFFFF80  }
0x568: {  	[hbm4b:s22+s14] =	stream.linear.scatter [tilespmem:s4], [sflag:$0xF], $0x4000, $0x38;
	[tilespmem:$0x15280] =	vst v63  }
0x569: {  	s6 =	simm.s32 $0x15200  }
0x56a: {  	[hbm4b:s5+s14] =	stream.linear.scatter [tilespmem:s6], [sflag:$0x14], $0x80, $0x38;
	[tilespmem:$0x15280] =	vst v63  }
0x56b: {  	_ =	swait.ge [sflag:s12], $0x4000  }
0x56c: {  	[sflag:s12] =	ssyncset.done $0x0  }
0x56d: {  	[sflag:s12] =	ssyncadd.s32 $0xFFFFC000  }
0x56e: {  	_ =	swait.ge [sflag:s25], $0x80  }
0x56f: {  	[sflag:s25] =	ssyncset.done $0x0  }
0x570: {  	s5 =	simm.s32 $0x980;
	[sflag:s25] =	ssyncadd.s32 $0xFFFFFF80  }
0x571: {  	[tilespmem:s4], [sflag:$0x5] =	stream.indirect.gather [hbm4b:s3+s28], $0x80, s5, s28, $0xb8;
	[tilespmem:$0x15280] =	vst v63  }
0x572: {  	_ = 	snop  }
0x573: {  	[tilespmem:s6], [sflag:$0xA] =	stream.indirect.gather [hbm4b:s26+s28], $0x1, s5, s28, $0xb8;
	[tilespmem:$0x15280] =	vst v63  }
0x574: {  	_ =	swait.ge [sflag:s17], $0x4000  }
0x575: {  	[sflag:s17] =	ssyncset.done $0x0  }
0x576: {  	[sflag:s17] =	ssyncadd.s32 $0xFFFFC000  }
0x577: {  	_ =	swait.ge [sflag:s16], $0x80  }
0x578: {  	s22 =	sld [smem:$0x7E8]  }
0x579: {  	[sflag:s16] =	ssyncset.done $0x0  }
0x57a: {  	s4 =	sld [smem:$0x7E9];
	[sflag:s16] =	ssyncadd.s32 $0xFFFFFF80  }
0x57b: {  	[hbm4b:s22+s14] =	stream.linear.scatter [tilespmem:s24], [sflag:$0xB], $0x4000, $0x38;
	[tilespmem:$0x15280] =	vst v63  }
0x57c: {  	s5 =	simm.s32 $0x15000  }
0x57d: {  	[hbm4b:s4+s14] =	stream.linear.scatter [tilespmem:s5], [sflag:$0x10], $0x80, $0x38;
	[tilespmem:$0x15280] =	vst v63  }
0x57e: {  	_ =	swait.ge [sflag:s11], $0x4000  }
0x57f: {  	[sflag:s11] =	ssyncset.done $0x0  }
0x580: {  	[sflag:s11] =	ssyncadd.s32 $0xFFFFC000  }
0x581: {  	_ =	swait.ge [sflag:s7], $0x80  }
0x582: {  	[sflag:s7] =	ssyncset.done $0x0  }
0x583: {  	s6 =	simm.s32 $0xA00;
	[sflag:s7] =	ssyncadd.s32 $0xFFFFFF80  }
0x584: {  	[tilespmem:s24], [sflag:$0x1] =	stream.indirect.gather [hbm4b:s3+s28], $0x80, s6, s28, $0xb8;
	[tilespmem:$0x15280] =	vst v63  }
0x585: {  	_ = 	snop  }
0x586: {  	[tilespmem:s5], [sflag:$0x6] =	stream.indirect.gather [hbm4b:s26+s28], $0x1, s6, s28, $0xb8;
	[tilespmem:$0x15280] =	vst v63  }
0x587: {  	_ =	swait.ge [sflag:s20], $0x4000  }
0x588: {  	[sflag:s20] =	ssyncset.done $0x0  }
0x589: {  	[sflag:s20] =	ssyncadd.s32 $0xFFFFC000  }
0x58a: {  	_ =	swait.ge [sflag:s19], $0x80  }
0x58b: {  	s22 =	sld [smem:$0x7EA]  }
0x58c: {  	[sflag:s19] =	ssyncset.done $0x0  }
0x58d: {  	s4 =	simm.s32 $0x5000;
	s6 =	sld [smem:$0x7EB];
	[sflag:s19] =	ssyncadd.s32 $0xFFFFFF80  }
0x58e: {  	[hbm4b:s22+s14] =	stream.linear.scatter [tilespmem:s4], [sflag:$0xC], $0x4000, $0x38;
	[tilespmem:$0x15280] =	vst v63  }
0x58f: {  	s21 =	simm.s32 $0x15080  }
0x590: {  	[hbm4b:s6+s14] =	stream.linear.scatter [tilespmem:s21], [sflag:$0x11], $0x80, $0x38;
	[tilespmem:$0x15280] =	vst v63  }
0x591: {  	_ =	swait.ge [sflag:s15], $0x4000  }
0x592: {  	[sflag:s15] =	ssyncset.done $0x0  }
0x593: {  	[sflag:s15] =	ssyncadd.s32 $0xFFFFC000  }
0x594: {  	_ =	swait.ge [sflag:s2], $0x80  }
0x595: {  	[sflag:s2] =	ssyncset.done $0x0  }
0x596: {  	s22 =	simm.s32 $0xA80;
	[sflag:s2] =	ssyncadd.s32 $0xFFFFFF80  }
0x597: {  	[tilespmem:s4], [sflag:$0x2] =	stream.indirect.gather [hbm4b:s3+s28], $0x80, s22, s28, $0xb8;
	[tilespmem:$0x15280] =	vst v63  }
0x598: {  	_ = 	snop  }
0x599: {  	[tilespmem:s21], [sflag:$0x7] =	stream.indirect.gather [hbm4b:s26+s28], $0x1, s22, s28, $0xb8;
	[tilespmem:$0x15280] =	vst v63  }
0x59a: {  	_ =	swait.ge [sflag:s18], $0x4000  }
0x59b: {  	[sflag:s18] =	ssyncset.done $0x0  }
0x59c: {  	[sflag:s18] =	ssyncadd.s32 $0xFFFFC000  }
0x59d: {  	_ =	swait.ge [sflag:s0], $0x80  }
0x59e: {  	s22 =	sld [smem:$0x7EC]  }
0x59f: {  	[sflag:s0] =	ssyncset.done $0x0  }
0x5a0: {  	s6 =	simm.s32 $0x9000;
	s4 =	sld [smem:$0x7ED];
	[sflag:s0] =	ssyncadd.s32 $0xFFFFFF80  }
0x5a1: {  	[hbm4b:s22+s14] =	stream.linear.scatter [tilespmem:s6], [sflag:$0xD], $0x4000, $0x38;
	[tilespmem:$0x15280] =	vst v63  }
0x5a2: {  	s21 =	simm.s32 $0x15100  }
0x5a3: {  	[hbm4b:s4+s14] =	stream.linear.scatter [tilespmem:s21], [sflag:$0x12], $0x80, $0x38;
	[tilespmem:$0x15280] =	vst v63  }
0x5a4: {  	_ =	swait.ge [sflag:s10], $0x4000  }
0x5a5: {  	[sflag:s10] =	ssyncset.done $0x0  }
0x5a6: {  	[sflag:s10] =	ssyncadd.s32 $0xFFFFC000  }
0x5a7: {  	_ =	swait.ge [sflag:s9], $0x80  }
0x5a8: {  	[sflag:s9] =	ssyncset.done $0x0  }
0x5a9: {  	s22 =	simm.s32 $0xB00;
	[sflag:s9] =	ssyncadd.s32 $0xFFFFFF80  }
0x5aa: {  	[tilespmem:s6], [sflag:$0x3] =	stream.indirect.gather [hbm4b:s3+s28], $0x80, s22, s28, $0xb8;
	[tilespmem:$0x15280] =	vst v63  }
0x5ab: {  	_ = 	snop  }
0x5ac: {  	[tilespmem:s21], [sflag:$0x8] =	stream.indirect.gather [hbm4b:s26+s28], $0x1, s22, s28, $0xb8;
	[tilespmem:$0x15280] =	vst v63  }
0x5ad: {  	_ =	swait.ge [sflag:s1], $0x4000  }
0x5ae: {  	[sflag:s1] =	ssyncset.done $0x0  }
0x5af: {  	[sflag:s1] =	ssyncadd.s32 $0xFFFFC000  }
0x5b0: {  	_ =	swait.ge [sflag:s31], $0x80  }
0x5b1: {  	s4 =	sld [smem:$0x7EE]  }
0x5b2: {  	[sflag:s31] =	ssyncset.done $0x0  }
0x5b3: {  	s23 =	simm.s32 $0xD000;
	s6 =	sld [smem:$0x7EF];
	[sflag:s31] =	ssyncadd.s32 $0xFFFFFF80  }
0x5b4: {  	[hbm4b:s4+s14] =	stream.linear.scatter [tilespmem:s23], [sflag:$0xE], $0x4000, $0x38;
	[tilespmem:$0x15280] =	vst v63  }
0x5b5: {  	s21 =	simm.s32 $0x15180  }
0x5b6: {  	[hbm4b:s6+s14] =	stream.linear.scatter [tilespmem:s21], [sflag:$0x13], $0x80, $0x38;
	[tilespmem:$0x15280] =	vst v63  }
0x5b7: {  	_ =	swait.ge [sflag:s13], $0x4000  }
0x5b8: {  	[sflag:s13] =	ssyncset.done $0x0  }
0x5b9: {  	[sflag:s13] =	ssyncadd.s32 $0xFFFFC000  }
0x5ba: {  	_ =	swait.ge [sflag:s8], $0x80  }
0x5bb: {  	[sflag:s8] =	ssyncset.done $0x0  }
0x5bc: {  	s6 =	simm.s32 $0xB80;
	[sflag:s8] =	ssyncadd.s32 $0xFFFFFF80  }
0x5bd: {  	[tilespmem:s23], [sflag:$0x4] =	stream.indirect.gather [hbm4b:s3+s28], $0x80, s6, s28, $0xb8;
	[tilespmem:$0x15280] =	vst v63  }
0x5be: {  	_ = 	snop  }
0x5bf: {  	[tilespmem:s21], [sflag:$0x9] =	stream.indirect.gather [hbm4b:s26+s28], $0x1, s6, s28, $0xb8;
	[tilespmem:$0x15280] =	vst v63  }
0x5c0: {  	_ =	swait.ge [sflag:s30], $0x4000  }
0x5c1: {  	[sflag:s30] =	ssyncset.done $0x0  }
0x5c2: {  	[sflag:s30] =	ssyncadd.s32 $0xFFFFC000  }
0x5c3: {  	_ =	swait.ge [sflag:s29], $0x80  }
0x5c4: {  	s22 =	sld [smem:$0x7F0]  }
0x5c5: {  	[sflag:s29] =	ssyncset.done $0x0  }
0x5c6: {  	s4 =	simm.s32 $0x11000;
	s6 =	sld [smem:$0x7F1];
	[sflag:s29] =	ssyncadd.s32 $0xFFFFFF80  }
0x5c7: {  	[hbm4b:s22+s14] =	stream.linear.scatter [tilespmem:s4], [sflag:$0xF], $0x4000, $0x38;
	[tilespmem:$0x15280] =	vst v63  }
0x5c8: {  	s21 =	simm.s32 $0x15200  }
0x5c9: {  	[hbm4b:s6+s14] =	stream.linear.scatter [tilespmem:s21], [sflag:$0x14], $0x80, $0x38;
	[tilespmem:$0x15280] =	vst v63  }
0x5ca: {  	_ =	swait.ge [sflag:s12], $0x4000  }
0x5cb: {  	[sflag:s12] =	ssyncset.done $0x0  }
0x5cc: {  	[sflag:s12] =	ssyncadd.s32 $0xFFFFC000  }
0x5cd: {  	_ =	swait.ge [sflag:s25], $0x80  }
0x5ce: {  	[sflag:s25] =	ssyncset.done $0x0  }
0x5cf: {  	s22 =	simm.s32 $0xC00;
	[sflag:s25] =	ssyncadd.s32 $0xFFFFFF80  }
0x5d0: {  	[tilespmem:s4], [sflag:$0x5] =	stream.indirect.gather [hbm4b:s3+s28], $0x80, s22, s28, $0xb8;
	[tilespmem:$0x15280] =	vst v63  }
0x5d1: {  	_ = 	snop  }
0x5d2: {  	[tilespmem:s21], [sflag:$0xA] =	stream.indirect.gather [hbm4b:s26+s28], $0x1, s22, s28, $0xb8;
	[tilespmem:$0x15280] =	vst v63  }
0x5d3: {  	_ =	swait.ge [sflag:s17], $0x4000  }
0x5d4: {  	[sflag:s17] =	ssyncset.done $0x0  }
0x5d5: {  	[sflag:s17] =	ssyncadd.s32 $0xFFFFC000  }
0x5d6: {  	_ =	swait.ge [sflag:s16], $0x80  }
0x5d7: {  	s21 =	sld [smem:$0x7F2]  }
0x5d8: {  	[sflag:s16] =	ssyncset.done $0x0  }
0x5d9: {  	s22 =	sld [smem:$0x7F3];
	[sflag:s16] =	ssyncadd.s32 $0xFFFFFF80  }
0x5da: {  	[hbm4b:s21+s14] =	stream.linear.scatter [tilespmem:s24], [sflag:$0xB], $0x4000, $0x38;
	[tilespmem:$0x15280] =	vst v63  }
0x5db: {  	s5 =	simm.s32 $0x15000  }
0x5dc: {  	[hbm4b:s22+s14] =	stream.linear.scatter [tilespmem:s5], [sflag:$0x10], $0x80, $0x38;
	[tilespmem:$0x15280] =	vst v63  }
0x5dd: {  	_ =	swait.ge [sflag:s11], $0x4000  }
0x5de: {  	[sflag:s11] =	ssyncset.done $0x0  }
0x5df: {  	[sflag:s11] =	ssyncadd.s32 $0xFFFFC000  }
0x5e0: {  	_ =	swait.ge [sflag:s7], $0x80  }
0x5e1: {  	[sflag:s7] =	ssyncset.done $0x0  }
0x5e2: {  	s22 =	simm.s32 $0xC80;
	[sflag:s7] =	ssyncadd.s32 $0xFFFFFF80  }
0x5e3: {  	[tilespmem:s24], [sflag:$0x1] =	stream.indirect.gather [hbm4b:s3+s28], $0x80, s22, s28, $0xb8;
	[tilespmem:$0x15280] =	vst v63  }
0x5e4: {  	_ = 	snop  }
0x5e5: {  	[tilespmem:s5], [sflag:$0x6] =	stream.indirect.gather [hbm4b:s26+s28], $0x1, s22, s28, $0xb8;
	[tilespmem:$0x15280] =	vst v63  }
0x5e6: {  	_ =	swait.ge [sflag:s20], $0x4000  }
0x5e7: {  	[sflag:s20] =	ssyncset.done $0x0  }
0x5e8: {  	[sflag:s20] =	ssyncadd.s32 $0xFFFFC000  }
0x5e9: {  	_ =	swait.ge [sflag:s19], $0x80  }
0x5ea: {  	s26 =	sld [smem:$0x7F4]  }
0x5eb: {  	[sflag:s19] =	ssyncset.done $0x0  }
0x5ec: {  	s21 =	simm.s32 $0x5000;
	s28 =	sld [smem:$0x7F5];
	[sflag:s19] =	ssyncadd.s32 $0xFFFFFF80  }
0x5ed: {  	[hbm4b:s26+s14] =	stream.linear.scatter [tilespmem:s21], [sflag:$0xC], $0x4000, $0x38;
	[tilespmem:$0x15280] =	vst v63  }
0x5ee: {  	s22 =	simm.s32 $0x15080  }
0x5ef: {  	[hbm4b:s28+s14] =	stream.linear.scatter [tilespmem:s22], [sflag:$0x11], $0x80, $0x38;
	[tilespmem:$0x15280] =	vst v63  }
0x5f0: {  	_ =	swait.ge [sflag:s18], $0x4000  }
0x5f1: {  	[sflag:s18] =	ssyncset.done $0x0  }
0x5f2: {  	[sflag:s18] =	ssyncadd.s32 $0xFFFFC000  }
0x5f3: {  	_ =	swait.ge [sflag:s0], $0x80  }
0x5f4: {  	s26 =	sld [smem:$0x7F6]  }
0x5f5: {  	[sflag:s0] =	ssyncset.done $0x0  }
0x5f6: {  	s19 =	simm.s32 $0x9000;
	s28 =	sld [smem:$0x7F7];
	[sflag:s0] =	ssyncadd.s32 $0xFFFFFF80  }
0x5f7: {  	[hbm4b:s26+s14] =	stream.linear.scatter [tilespmem:s19], [sflag:$0xD], $0x4000, $0x38;
	[tilespmem:$0x15280] =	vst v63  }
0x5f8: {  	s20 =	simm.s32 $0x15100  }
0x5f9: {  	[hbm4b:s28+s14] =	stream.linear.scatter [tilespmem:s20], [sflag:$0x12], $0x80, $0x38;
	[tilespmem:$0x15280] =	vst v63  }
0x5fa: {  	_ =	swait.ge [sflag:s1], $0x4000  }
0x5fb: {  	[sflag:s1] =	ssyncset.done $0x0  }
0x5fc: {  	[sflag:s1] =	ssyncadd.s32 $0xFFFFC000  }
0x5fd: {  	_ =	swait.ge [sflag:s31], $0x80  }
0x5fe: {  	s21 =	sld [smem:$0x7F8]  }
0x5ff: {  	[sflag:s31] =	ssyncset.done $0x0  }
0x600: {  	s22 =	sld [smem:$0x7F9];
	[sflag:s31] =	ssyncadd.s32 $0xFFFFFF80  }
0x601: {  	[hbm4b:s21+s14] =	stream.linear.scatter [tilespmem:s23], [sflag:$0xE], $0x4000, $0x38;
	[tilespmem:$0x15280] =	vst v63  }
0x602: {  	s23 =	simm.s32 $0x15180  }
0x603: {  	[hbm4b:s22+s14] =	stream.linear.scatter [tilespmem:s23], [sflag:$0x13], $0x80, $0x38;
	[tilespmem:$0x15280] =	vst v63  }
0x604: {  	_ =	swait.ge [sflag:s30], $0x4000  }
0x605: {  	[sflag:s30] =	ssyncset.done $0x0  }
0x606: {  	[sflag:s30] =	ssyncadd.s32 $0xFFFFC000  }
0x607: {  	_ =	swait.ge [sflag:s29], $0x80  }
0x608: {  	s26 =	sld [smem:$0x7FA]  }
0x609: {  	[sflag:s29] =	ssyncset.done $0x0  }
0x60a: {  	s6 =	simm.s32 $0x11000;
	s28 =	sld [smem:$0x7FB];
	[sflag:s29] =	ssyncadd.s32 $0xFFFFFF80  }
0x60b: {  	[hbm4b:s26+s14] =	stream.linear.scatter [tilespmem:s6], [sflag:$0xF], $0x4000, $0x38;
	[tilespmem:$0x15280] =	vst v63  }
0x60c: {  	s4 =	simm.s32 $0x15200  }
0x60d: {  	[hbm4b:s28+s14] =	stream.linear.scatter [tilespmem:s4], [sflag:$0x14], $0x80, $0x38;
	[tilespmem:$0x15280] =	vst v63  }
0x60e: {  	_ =	swait.ge [sflag:s17], $0x4000  }
0x60f: {  	[sflag:s17] =	ssyncset.done $0x0  }
0x610: {  	[sflag:s17] =	ssyncadd.s32 $0xFFFFC000  }
0x611: {  	_ =	swait.ge [sflag:s16], $0x80  }
0x612: {  	s29 =	sld [smem:$0x7FC]  }
0x613: {  	[sflag:s16] =	ssyncset.done $0x0  }
0x614: {  	s30 =	sld [smem:$0x7FD];
	[sflag:s16] =	ssyncadd.s32 $0xFFFFFF80  }
0x615: {  	[hbm4b:s29+s14] =	stream.linear.scatter [tilespmem:s24], [sflag:$0xB], $0x4000, $0x38;
	[tilespmem:$0x15280] =	vst v63  }
0x616: {  	_ = 	snop  }
0x617: {  	[hbm4b:s30+s14] =	stream.linear.scatter [tilespmem:s5], [sflag:$0x10], $0x80, $0x38;
	[tilespmem:$0x15280] =	vst v63  }
0x618: {  	_ =	swait.ge [sflag:s11], $0x4000  }
0x619: {  	[sflag:s11] =	ssyncset.done $0x0  }
0x61a: {  	[sflag:s11] =	ssyncadd.s32 $0xFFFFC000  }
0x61b: {  	_ =	swait.ge [sflag:s7], $0x80  }
0x61c: {  	[sflag:s7] =	ssyncset.done $0x0  }
0x61d: {  	[sflag:s7] =	ssyncadd.s32 $0xFFFFFF80  }
0x61e: {  	_ =	swait.ge [sflag:s15], $0x4000  }
0x61f: {  	[sflag:s15] =	ssyncset.done $0x0  }
0x620: {  	[sflag:s15] =	ssyncadd.s32 $0xFFFFC000  }
0x621: {  	_ =	swait.ge [sflag:s2], $0x80  }
0x622: {  	[sflag:s2] =	ssyncset.done $0x0  }
0x623: {  	[sflag:s2] =	ssyncadd.s32 $0xFFFFFF80  }
0x624: {  	_ =	swait.ge [sflag:s10], $0x4000  }
0x625: {  	[sflag:s10] =	ssyncset.done $0x0  }
0x626: {  	[sflag:s10] =	ssyncadd.s32 $0xFFFFC000  }
0x627: {  	_ =	swait.ge [sflag:s9], $0x80  }
0x628: {  	[sflag:s9] =	ssyncset.done $0x0  }
0x629: {  	[sflag:s9] =	ssyncadd.s32 $0xFFFFFF80  }
0x62a: {  	_ =	swait.ge [sflag:s13], $0x4000  }
0x62b: {  	[sflag:s13] =	ssyncset.done $0x0  }
0x62c: {  	[sflag:s13] =	ssyncadd.s32 $0xFFFFC000  }
0x62d: {  	_ =	swait.ge [sflag:s8], $0x80  }
0x62e: {  	[sflag:s8] =	ssyncset.done $0x0  }
0x62f: {  	[sflag:s8] =	ssyncadd.s32 $0xFFFFFF80  }
0x630: {  	_ =	swait.ge [sflag:s12], $0x4000  }
0x631: {  	[sflag:s12] =	ssyncset.done $0x0  }
0x632: {  	[sflag:s12] =	ssyncadd.s32 $0xFFFFC000  }
0x633: {  	_ =	swait.ge [sflag:s25], $0x80  }
0x634: {  	[sflag:s25] =	ssyncset.done $0x0  }
0x635: {  	[sflag:s25] =	ssyncadd.s32 $0xFFFFFF80  }
0x636: {  	_ =	sfence.sel $0x180000  }
0x637: {  	[bflag:$0x0] =	sbarrier.arrive $0xFFFF  }
0x638: {  	_ =	strace $0x90000047  }
0x639: {  	s31 =	stileid.u32;
	[bflag:$0x2] =	sbarrier.arrive $0xFFFF  }
0x63a: {  	p0 =	sne.s32 s31, $0x0;
	s0 =	rddreg [dreg:$0x2]  }
0x63b: {  	s0 =	sadd.s32 @!p0 $0x100000, s0  }
0x63c: {  	[sflag:s0] =	ssyncadd.tile.s32 @!p0 $0x1;
	_ =	shalt  }
.LBB2_2:
.Ltmp3:
0x63d: {  	(pc) =	sbr.rel .LBB2_5-.Ltmp3, $3  }
0x63e: {  	_ =	sdelay $0x1  }
0x63f: {  	s21 =	simm.s32 $0x11000;
	s24 =	simm.s32 $0x15200;
	s4 =	simm.s32 $0xD000  }
0x640: {  	s5 =	simm.s32 $0x1000;
	s23 =	simm.s32 $0x15000;
	s6 =	simm.s32 $0x15180  }
.Lfunc_end2:
_tile_overlayer_lowered:
.L_overlay_start_2:
0x641: {  	(tag) =	ssettag $0x2  }
0x642: {  	s0 =	rddreg [dreg:$0x0];
	s2 =	stileid.u32  }
0x643: {  	s1 =	rddreg [dreg:$0x1];
	p0 =	sne.s32 s2, $0x0  }
0x644: {  	s3 =	rddreg [dreg:$0x2];
	[bflag:$0x3] =	sbarrier.arrive $0xFFFF;
	s2 =	simm.s32 @!p0 $0x1C15  }
0x645: {  	[timem:s3], [sflag:s2] =	dma.local @!p0 [hbm:s0], s1  }
0x646: {  	s0 =	simm.s32 @!p0 $0x15  }
0x647: {  	_ =	swait.ge @!p0 [sflag:s0], s1  }
0x648: {  	s1 =	ssub.s32 @!p0 $0x0, s1;
	[sflag:s0] =	ssyncset.done @!p0 $0x0  }
0x649: {  	[sflag:s0] =	ssyncadd.s32 @!p0 s1  }
0x64a: {  	[bflag:$0x3] =	sbarrier.arrive $0xFFFF  }
0x64b: {  	_ =	shalt  }

</sc_bundles>
